<compile_context>
chip_gen: v7x
topology: tpu7x:2x2x1
jax: 0.10.2.dev20260603
libtpu: 0.0.44.dev20260713+nightly
codegen_flags: <defaults>
</compile_context>

<pallas_src>
import functools

import jax
import jax.numpy as jnp
from jax import lax
from jax.experimental import pallas as pl
from jax.experimental.pallas import tpu as pltpu
from jax.experimental.pallas import tpu_sc as plsc

N_NODES = 10000
IN_DIM = 128
HID = 16
NCLS = 47
N_EDGES = 320000

NT = 32
CHUNK = 128
K_CH = 78
TAIL = 16
G = 6
NG = K_CH // G
EPT = 10000
ROWS_PT = 632
N_ACC = ROWS_PT * 16


def _mm_relu(x, wt):
    def body(x_ref, w_ref, o_ref):
        o_ref[...] = jnp.maximum(
            jax.lax.dot_general(x_ref[...], w_ref[...],
                                (((1,), (1,)), ((), ())),
                                preferred_element_type=jnp.float32),
            0.0)
    return pl.pallas_call(
        body,
        out_shape=jax.ShapeDtypeStruct((x.shape[0], wt.shape[0]), jnp.float32),
    )(x, wt)


def _sum_mm(p2d, w_bd):
    half = N_ACC // 8
    rows = N_NODES // 8
    def body(p_ref, w_ref, o_ref):
        hp = p_ref[:rows] + p_ref[half:half + rows]
        o_ref[...] = jnp.dot(hp, w_ref[...],
                             preferred_element_type=jnp.float32)
    return pl.pallas_call(
        body,
        out_shape=jax.ShapeDtypeStruct((rows, 8 * NCLS), jnp.float32),
    )(p2d, w_bd)


def _spmm_partial(h, ei, zeros, partials_in):
    mesh = plsc.VectorSubcoreMesh(core_axis_name="c", subcore_axis_name="s")
    n_h = N_ACC if partials_in else h.shape[0]
    rpt_h = n_h // 16

    @functools.partial(
        pl.kernel,
        out_type=jax.ShapeDtypeStruct((2 * N_ACC, HID), jnp.float32),
        mesh=mesh,
        scratch_types=[
            pltpu.VMEM_SHARED((n_h, HID), jnp.float32),
            pltpu.VMEM_SHARED((N_ACC, HID), jnp.float32),
            pltpu.VMEM((EPT,), jnp.int32),
            pltpu.VMEM((EPT,), jnp.int32),
            pltpu.VMEM((G * CHUNK, HID), jnp.float32),
            pltpu.VMEM((G * CHUNK, HID), jnp.float32),
            pltpu.VMEM((TAIL, HID), jnp.float32),
            pltpu.VMEM((ROWS_PT, HID), jnp.float32),
            pltpu.VMEM((ROWS_PT, HID), jnp.float32),
            pltpu.SemaphoreType.DMA,
            pltpu.SemaphoreType.DMA,
            pltpu.SemaphoreType.DMA,
            pltpu.SemaphoreType.DMA,
        ],
        compiler_params=pltpu.CompilerParams(use_tc_tiling_on_sc=False),
    )
    def spmm(h_hbm, ei_hbm, z_hbm, out_hbm, hsh, acc, sidx, didx,
             buf_a, buf_b, buf_t, vb0, vb1, gsem_a, gsem_b, ssem_a, ssem_b):
        c = lax.axis_index("c")
        s = lax.axis_index("s")
        w = s * 2 + c

        az = pltpu.async_copy(z_hbm.at[pl.ds(s * ROWS_PT, ROWS_PT)],
                              acc.at[pl.ds(s * ROWS_PT, ROWS_PT)], ssem_a)
        if partials_in:
            a0 = pltpu.async_copy(h_hbm.at[pl.ds(s * ROWS_PT, ROWS_PT)],
                                  vb0, gsem_a)
            a1 = pltpu.async_copy(
                h_hbm.at[pl.ds(N_ACC + s * ROWS_PT, ROWS_PT)], vb1, gsem_b)
            pltpu.sync_copy(ei_hbm.at[pl.ds(w * EPT, EPT)], sidx)
            pltpu.sync_copy(ei_hbm.at[pl.ds(N_EDGES + w * EPT, EPT)], didx)
            a0.wait()
            a1.wait()

            def addrow(i, carry):
                for u in range(4):
                    vb0[i * 4 + u] = vb0[i * 4 + u] + vb1[i * 4 + u]
                return carry
            lax.fori_loop(0, ROWS_PT // 4, addrow, 0)
            pltpu.sync_copy(vb0, hsh.at[pl.ds(s * ROWS_PT, ROWS_PT)])
        else:
            ah = pltpu.async_copy(h_hbm.at[pl.ds(s * rpt_h, rpt_h)],
                                  hsh.at[pl.ds(s * rpt_h, rpt_h)], gsem_a)
            pltpu.sync_copy(ei_hbm.at[pl.ds(w * EPT, EPT)], sidx)
            pltpu.sync_copy(ei_hbm.at[pl.ds(N_EDGES + w * EPT, EPT)], didx)
            ah.wait()
        az.wait()
        plsc.subcore_barrier()

        def issue_gathers(g, buf, sem):
            for i in range(G):
                pltpu.async_copy(hsh.at[sidx.at[pl.ds((g * G + i) * CHUNK,
                                                      CHUNK)]],
                                 buf.at[pl.ds(i * CHUNK, CHUNK)], sem)

        def issue_scatters(g, buf, sem):
            for i in range(G):
                pltpu.async_copy(buf.at[pl.ds(i * CHUNK, CHUNK)],
                                 acc.at[didx.at[pl.ds((g * G + i) * CHUNK,
                                                      CHUNK)]],
                                 sem, add=True)

        def drain(buf, sem):
            pltpu.make_async_copy(z_hbm.at[pl.ds(0, G * CHUNK)], buf,
                                  sem).wait()

        issue_gathers(0, buf_a, gsem_a)
        issue_gathers(1, buf_b, gsem_b)
        drain(buf_a, gsem_a)
        issue_scatters(0, buf_a, ssem_a)

        def body(gg, carry):
            h1 = 2 * gg + 1
            drain(buf_a, ssem_a)
            issue_gathers(h1 + 1, buf_a, gsem_a)
            drain(buf_b, gsem_b)
            issue_scatters(h1, buf_b, ssem_b)
            drain(buf_a, gsem_a)
            issue_scatters(h1 + 1, buf_a, ssem_a)
            drain(buf_b, ssem_b)
            issue_gathers(h1 + 2, buf_b, gsem_b)
            return carry
        lax.fori_loop(0, (NG - 3) // 2, body, 0)

        drain(buf_a, ssem_a)
        issue_gathers(NG - 1, buf_a, gsem_a)
        drain(buf_b, gsem_b)
        issue_scatters(NG - 2, buf_b, ssem_b)
        drain(buf_a, gsem_a)
        issue_scatters(NG - 1, buf_a, ssem_a)
        pltpu.async_copy(hsh.at[sidx.at[pl.ds(K_CH * CHUNK, TAIL)]],
                         buf_t, gsem_b).wait()
        pltpu.sync_copy(buf_t, acc.at[didx.at[pl.ds(K_CH * CHUNK, TAIL)]],
                        add=True)
        drain(buf_b, ssem_b)
        drain(buf_a, ssem_a)
        plsc.subcore_barrier()

        pltpu.sync_copy(
            acc.at[pl.ds(s * ROWS_PT, ROWS_PT)],
            out_hbm.at[pl.ds(c * N_ACC + s * ROWS_PT, ROWS_PT)])

    return spmm(h, ei, zeros)


def kernel(features, edge_index, W0, W1):
    ei = edge_index.astype(jnp.int32).reshape(-1)
    zeros = jnp.zeros((N_ACC, HID), jnp.float32)

    h = _mm_relu(features, W0.T)
    p1 = _spmm_partial(h, ei, zeros, partials_in=False)
    p2 = _spmm_partial(p1, ei, zeros, partials_in=True)
    w_bd = jnp.kron(jnp.eye(8, dtype=jnp.float32), W1)
    outp = _sum_mm(p2.reshape(2 * N_ACC // 8, 128), w_bd)
    return outp.reshape(N_NODES, NCLS)

# --- scband reference (transcript-rebuilt; emitter-appended) ---
"""Pipeline reference for scband-tensplit-gcnlarge-74182675136540 (READ-ONLY COPY).

The authoritative reference and input builder live on the scoring server;
editing this copy changes nothing except your own understanding.
"""

import jax, jax.numpy as jnp
import numpy as np

N_NODES = 10000
N_EDGES = 320000
IN_DIM = 128
HIDDEN_DIM = 16
NUM_CLASSES = 47
NLAYERS = 2


def _xavier(key, shape):
    fan_in, fan_out = shape
    a = float(np.sqrt(6.0 / (fan_in + fan_out)))
    return jax.random.uniform(key, shape, dtype=jnp.float32, minval=-a, maxval=a)


def setup_inputs(seed: int = 0) -> dict:
    key = jax.random.key(seed)
    k1, k2, k3, k4 = jax.random.split(key, 4)
    features = jax.random.normal(k1, (N_NODES, IN_DIM), dtype=jnp.float32)
    edge_index = jax.random.randint(k2, (2, N_EDGES), 0, N_NODES, dtype=jnp.int64)
    W0 = _xavier(k3, (IN_DIM, HIDDEN_DIM))
    W1 = _xavier(k4, (HIDDEN_DIM, NUM_CLASSES))
    return {"features": features, "edge_index": edge_index, "W0": W0, "W1": W1}


def _spmm(edge_index, x):
    # A @ x where A is the (binary) adjacency defined by edge_index.
    # Equivalent to the chunked spmm in DistChunkLayer (chunking collapses
    # to a single dense pass on one device).
    src = edge_index[0]
    dst = edge_index[1]
    gathered = jnp.take(x, src, axis=0)
    return jax.ops.segment_sum(gathered, dst, num_segments=N_NODES)


def reference(features, edge_index, W0, W1):
    # DistNNLayer stack: mm -> relu -> mm (no relu after last layer)
    h = features @ W0
    h = jax.nn.relu(h)
    h = h @ W1
    # DistChunkLayer applied once per layer (tag=0..nlayers-1); on a single
    # device split/gather are identity, each application is one spmm.
    for _ in range(NLAYERS):
        h = _spmm(edge_index, h)
    return h

if __name__ == "__main__":
    import jax
    _d = setup_inputs()
    print(jax.jit(kernel)(*tuple(_d.values())))

</pallas_src>

<mosaic_0001>
#map = affine_map<(d0, d1) -> (0, 0)>
#map1 = affine_map<(d0, d1) -> (0)>
module attributes {stable_mosaic.version = 14 : i64} {
  func.func @spmm(%arg0: i32, %arg1: i32, %arg2: memref<20224x16xf32, #tpu.memory_space<hbm>>, %arg3: memref<640000xi32, #tpu.memory_space<hbm>>, %arg4: memref<10112x16xf32, #tpu.memory_space<hbm>>, %arg5: memref<20224x16xf32, #tpu.memory_space<hbm>>, %arg6: memref<10112x16xf32, #tpu.memory_space<vmem_shared>>, %arg7: memref<10112x16xf32, #tpu.memory_space<vmem_shared>>, %arg8: memref<10000xi32, #tpu.memory_space<vmem>>, %arg9: memref<10000xi32, #tpu.memory_space<vmem>>, %arg10: memref<768x16xf32, #tpu.memory_space<vmem>>, %arg11: memref<768x16xf32, #tpu.memory_space<vmem>>, %arg12: memref<16x16xf32, #tpu.memory_space<vmem>>, %arg13: memref<632x16xf32, #tpu.memory_space<vmem>>, %arg14: memref<632x16xf32, #tpu.memory_space<vmem>>, %arg15: memref<!tpu.dma_semaphore, #tpu.memory_space<semaphore_mem>>, %arg16: memref<!tpu.dma_semaphore, #tpu.memory_space<semaphore_mem>>, %arg17: memref<!tpu.dma_semaphore, #tpu.memory_space<semaphore_mem>>, %arg18: memref<!tpu.dma_semaphore, #tpu.memory_space<semaphore_mem>>) attributes {dimension_semantics = [#tpu.dimension_semantics<core_parallel>, #tpu.dimension_semantics<subcore_parallel>], iteration_bounds = array<i64: 2, 16>, scalar_prefetch = 0 : i64, scratch_operands = 13 : i64, tpu.core_type = #tpu.core_type<sc_vector_subcore>, window_params = [{transform_indices = #map}, {transform_indices = #map1}, {transform_indices = #map}, {transform_indices = #map}]} {
    %mul3A = arith.constant 2 : i32
    %mul3A_0 = arith.muli %arg1, %mul3A : i32
    %add3A = arith.addi %mul3A_0, %arg0 : i32
    %mul3A_1 = arith.constant 632 : i32
    %mul3A_2 = arith.muli %arg1, %mul3A_1 : i32
    %mul3A_3 = arith.constant 632 : i32
    %mul3A_4 = arith.muli %arg1, %mul3A_3 : i32
    %dma_start3A = arith.constant 0 : i32
    %dma_start3A_5 = tpu.memref_slice %arg7[%mul3A_4, %dma_start3A] : memref<10112x16xf32, #tpu.memory_space<vmem_shared>> -> memref<632x16xf32, #tpu.memory_space<vmem_shared>>
    %dma_start3A_6 = arith.constant 0 : i32
    %dma_start3A_7 = tpu.memref_slice %arg4[%mul3A_2, %dma_start3A_6] : memref<10112x16xf32, #tpu.memory_space<hbm>> -> memref<632x16xf32, #tpu.memory_space<hbm>>
    tpu.enqueue_dma source(%dma_start3A_7 : memref<632x16xf32, #tpu.memory_space<hbm>>) target(%dma_start3A_5 : memref<632x16xf32, #tpu.memory_space<vmem_shared>>) target_semaphore(%arg17 : memref<!tpu.dma_semaphore, #tpu.memory_space<semaphore_mem>>)
    %mul3A_8 = arith.constant 632 : i32
    %mul3A_9 = arith.muli %arg1, %mul3A_8 : i32
    %dma_start3A_10 = arith.constant 0 : i32
    %dma_start3A_11 = tpu.memref_slice %arg2[%mul3A_9, %dma_start3A_10] : memref<20224x16xf32, #tpu.memory_space<hbm>> -> memref<632x16xf32, #tpu.memory_space<hbm>>
    %dma_start3A_12 = arith.constant 0 : i32
    %dma_start3A_13 = tpu.memref_slice %arg2[%mul3A_9, %dma_start3A_12] : memref<20224x16xf32, #tpu.memory_space<hbm>> -> memref<632x16xf32, #tpu.memory_space<hbm>>
    tpu.enqueue_dma source(%dma_start3A_13 : memref<632x16xf32, #tpu.memory_space<hbm>>) target(%arg13 : memref<632x16xf32, #tpu.memory_space<vmem>>) target_semaphore(%arg15 : memref<!tpu.dma_semaphore, #tpu.memory_space<semaphore_mem>>)
    %mul3A_14 = arith.constant 632 : i32
    %mul3A_15 = arith.muli %arg1, %mul3A_14 : i32
    %add3A_16 = arith.constant 10112 : i32
    %add3A_17 = arith.addi %add3A_16, %mul3A_15 : i32
    %dma_start3A_18 = arith.constant 0 : i32
    %dma_start3A_19 = tpu.memref_slice %arg2[%add3A_17, %dma_start3A_18] : memref<20224x16xf32, #tpu.memory_space<hbm>> -> memref<632x16xf32, #tpu.memory_space<hbm>>
    %dma_start3A_20 = arith.constant 0 : i32
    %dma_start3A_21 = tpu.memref_slice %arg2[%add3A_17, %dma_start3A_20] : memref<20224x16xf32, #tpu.memory_space<hbm>> -> memref<632x16xf32, #tpu.memory_space<hbm>>
    tpu.enqueue_dma source(%dma_start3A_21 : memref<632x16xf32, #tpu.memory_space<hbm>>) target(%arg14 : memref<632x16xf32, #tpu.memory_space<vmem>>) target_semaphore(%arg16 : memref<!tpu.dma_semaphore, #tpu.memory_space<semaphore_mem>>)
    %mul3A_22 = arith.constant 10000 : i32
    %mul3A_23 = arith.muli %add3A, %mul3A_22 : i32
    "tpu.region"() ({
      %run_scoped3A = tpu.sem_alloc : memref<!tpu.dma_semaphore, #tpu.memory_space<semaphore_mem>>
      %dma_start3A_394 = tpu.memref_slice %arg3[%mul3A_23] : memref<640000xi32, #tpu.memory_space<hbm>> -> memref<10000xi32, #tpu.memory_space<hbm>>
      %dma_start3A_395 = tpu.memref_slice %arg3[%mul3A_23] : memref<640000xi32, #tpu.memory_space<hbm>> -> memref<10000xi32, #tpu.memory_space<hbm>>
      tpu.enqueue_dma source(%dma_start3A_395 : memref<10000xi32, #tpu.memory_space<hbm>>) target(%arg8 : memref<10000xi32, #tpu.memory_space<vmem>>) target_semaphore(%run_scoped3A : memref<!tpu.dma_semaphore, #tpu.memory_space<semaphore_mem>>)
      %dma_wait3A_396 = tpu.memref_slice %arg3[%mul3A_23] : memref<640000xi32, #tpu.memory_space<hbm>> -> memref<10000xi32, #tpu.memory_space<hbm>>
      %dma_wait3A_397 = tpu.memref_slice %arg3[%mul3A_23] : memref<640000xi32, #tpu.memory_space<hbm>> -> memref<10000xi32, #tpu.memory_space<hbm>>
      tpu.wait_dma2 semaphore(%run_scoped3A : memref<!tpu.dma_semaphore, #tpu.memory_space<semaphore_mem>>) src(%dma_wait3A_397 : memref<10000xi32, #tpu.memory_space<hbm>>) dst(%arg8 : memref<10000xi32, #tpu.memory_space<vmem>>)
      tpu.yield
    }) : () -> ()
    %mul3A_24 = arith.constant 10000 : i32
    %mul3A_25 = arith.muli %add3A, %mul3A_24 : i32
    %add3A_26 = arith.constant 320000 : i32
    %add3A_27 = arith.addi %add3A_26, %mul3A_25 : i32
    "tpu.region"() ({
      %run_scoped3A = tpu.sem_alloc : memref<!tpu.dma_semaphore, #tpu.memory_space<semaphore_mem>>
      %dma_start3A_394 = tpu.memref_slice %arg3[%add3A_27] : memref<640000xi32, #tpu.memory_space<hbm>> -> memref<10000xi32, #tpu.memory_space<hbm>>
      %dma_start3A_395 = tpu.memref_slice %arg3[%add3A_27] : memref<640000xi32, #tpu.memory_space<hbm>> -> memref<10000xi32, #tpu.memory_space<hbm>>
      tpu.enqueue_dma source(%dma_start3A_395 : memref<10000xi32, #tpu.memory_space<hbm>>) target(%arg9 : memref<10000xi32, #tpu.memory_space<vmem>>) target_semaphore(%run_scoped3A : memref<!tpu.dma_semaphore, #tpu.memory_space<semaphore_mem>>)
      %dma_wait3A_396 = tpu.memref_slice %arg3[%add3A_27] : memref<640000xi32, #tpu.memory_space<hbm>> -> memref<10000xi32, #tpu.memory_space<hbm>>
      %dma_wait3A_397 = tpu.memref_slice %arg3[%add3A_27] : memref<640000xi32, #tpu.memory_space<hbm>> -> memref<10000xi32, #tpu.memory_space<hbm>>
      tpu.wait_dma2 semaphore(%run_scoped3A : memref<!tpu.dma_semaphore, #tpu.memory_space<semaphore_mem>>) src(%dma_wait3A_397 : memref<10000xi32, #tpu.memory_space<hbm>>) dst(%arg9 : memref<10000xi32, #tpu.memory_space<vmem>>)
      tpu.yield
    }) : () -> ()
    %dma_wait3A = arith.constant 0 : i32
    %dma_wait3A_28 = tpu.memref_slice %arg2[%mul3A_9, %dma_wait3A] : memref<20224x16xf32, #tpu.memory_space<hbm>> -> memref<632x16xf32, #tpu.memory_space<hbm>>
    %dma_wait3A_29 = arith.constant 0 : i32
    %dma_wait3A_30 = tpu.memref_slice %arg2[%mul3A_9, %dma_wait3A_29] : memref<20224x16xf32, #tpu.memory_space<hbm>> -> memref<632x16xf32, #tpu.memory_space<hbm>>
    tpu.wait_dma2 semaphore(%arg15 : memref<!tpu.dma_semaphore, #tpu.memory_space<semaphore_mem>>) src(%dma_wait3A_30 : memref<632x16xf32, #tpu.memory_space<hbm>>) dst(%arg13 : memref<632x16xf32, #tpu.memory_space<vmem>>)
    %dma_wait3A_31 = arith.constant 0 : i32
    %dma_wait3A_32 = tpu.memref_slice %arg2[%add3A_17, %dma_wait3A_31] : memref<20224x16xf32, #tpu.memory_space<hbm>> -> memref<632x16xf32, #tpu.memory_space<hbm>>
    %dma_wait3A_33 = arith.constant 0 : i32
    %dma_wait3A_34 = tpu.memref_slice %arg2[%add3A_17, %dma_wait3A_33] : memref<20224x16xf32, #tpu.memory_space<hbm>> -> memref<632x16xf32, #tpu.memory_space<hbm>>
    tpu.wait_dma2 semaphore(%arg16 : memref<!tpu.dma_semaphore, #tpu.memory_space<semaphore_mem>>) src(%dma_wait3A_34 : memref<632x16xf32, #tpu.memory_space<hbm>>) dst(%arg14 : memref<632x16xf32, #tpu.memory_space<vmem>>)
    %scan3A = arith.constant 0 : i32
    %scan3A_35 = arith.constant 0 : i32
    %scan3A_36 = arith.constant 158 : i32
    %scan3A_37 = arith.addi %scan3A_35, %scan3A_36 : i32
    %scan3A_38 = arith.constant 1 : i32
    scf.for %scan3A_394 = %scan3A_35 to %scan3A_37 step %scan3A_38  : i32 {
      %mul3A_395 = arith.constant 4 : i32
      %mul3A_396 = arith.muli %scan3A_394, %mul3A_395 : i32
      %add3A_397 = arith.constant 0 : i32
      %add3A_398 = arith.addi %mul3A_396, %add3A_397 : i32
      %get3A = arith.index_cast %add3A_398 : i32 to index
      %get3A_399 = arith.constant 0 : index
      %get3A_400 = tpu.vector_load %arg13[%get3A, %get3A_399] {strides = array<i32>} : memref<632x16xf32, #tpu.memory_space<vmem>>, vector<1x16xf32>,
      %get3A_401 = vector.shape_cast %get3A_400 : vector<1x16xf32> to vector<16xf32>
      %mul3A_402 = arith.constant 4 : i32
      %mul3A_403 = arith.muli %scan3A_394, %mul3A_402 : i32
      %add3A_404 = arith.constant 0 : i32
      %add3A_405 = arith.addi %mul3A_403, %add3A_404 : i32
      %get3A_406 = arith.index_cast %add3A_405 : i32 to index
      %get3A_407 = arith.constant 0 : index
      %get3A_408 = tpu.vector_load %arg14[%get3A_406, %get3A_407] {strides = array<i32>} : memref<632x16xf32, #tpu.memory_space<vmem>>, vector<1x16xf32>,
      %get3A_409 = vector.shape_cast %get3A_408 : vector<1x16xf32> to vector<16xf32>
      %add3A_410 = arith.addf %get3A_401, %get3A_409 : vector<16xf32>
      %mul3A_411 = arith.constant 4 : i32
      %mul3A_412 = arith.muli %scan3A_394, %mul3A_411 : i32
      %add3A_413 = arith.constant 0 : i32
      %add3A_414 = arith.addi %mul3A_412, %add3A_413 : i32
      %swap3A = arith.index_cast %add3A_414 : i32 to index
      %swap3A_415 = arith.constant 0 : index
      %swap3A_416 = tpu.vector_load %arg13[%swap3A, %swap3A_415] {strides = array<i32>} : memref<632x16xf32, #tpu.memory_space<vmem>>, vector<1x16xf32>,
      %swap3A_417 = vector.shape_cast %swap3A_416 : vector<1x16xf32> to vector<16xf32>
      %swap3A_418 = vector.shape_cast %add3A_410 : vector<16xf32> to vector<1x16xf32>
      tpu.vector_store %arg13[%swap3A, %swap3A_415], %swap3A_418 {strides = array<i32>} : memref<632x16xf32, #tpu.memory_space<vmem>>, vector<1x16xf32>,
      %mul3A_419 = arith.constant 4 : i32
      %mul3A_420 = arith.muli %scan3A_394, %mul3A_419 : i32
      %add3A_421 = arith.constant 1 : i32
      %add3A_422 = arith.addi %mul3A_420, %add3A_421 : i32
      %get3A_423 = arith.index_cast %add3A_422 : i32 to index
      %get3A_424 = arith.constant 0 : index
      %get3A_425 = tpu.vector_load %arg13[%get3A_423, %get3A_424] {strides = array<i32>} : memref<632x16xf32, #tpu.memory_space<vmem>>, vector<1x16xf32>,
      %get3A_426 = vector.shape_cast %get3A_425 : vector<1x16xf32> to vector<16xf32>
      %mul3A_427 = arith.constant 4 : i32
      %mul3A_428 = arith.muli %scan3A_394, %mul3A_427 : i32
      %add3A_429 = arith.constant 1 : i32
      %add3A_430 = arith.addi %mul3A_428, %add3A_429 : i32
      %get3A_431 = arith.index_cast %add3A_430 : i32 to index
      %get3A_432 = arith.constant 0 : index
      %get3A_433 = tpu.vector_load %arg14[%get3A_431, %get3A_432] {strides = array<i32>} : memref<632x16xf32, #tpu.memory_space<vmem>>, vector<1x16xf32>,
      %get3A_434 = vector.shape_cast %get3A_433 : vector<1x16xf32> to vector<16xf32>
      %add3A_435 = arith.addf %get3A_426, %get3A_434 : vector<16xf32>
      %mul3A_436 = arith.constant 4 : i32
      %mul3A_437 = arith.muli %scan3A_394, %mul3A_436 : i32
      %add3A_438 = arith.constant 1 : i32
      %add3A_439 = arith.addi %mul3A_437, %add3A_438 : i32
      %swap3A_440 = arith.index_cast %add3A_439 : i32 to index
      %swap3A_441 = arith.constant 0 : index
      %swap3A_442 = tpu.vector_load %arg13[%swap3A_440, %swap3A_441] {strides = array<i32>} : memref<632x16xf32, #tpu.memory_space<vmem>>, vector<1x16xf32>,
      %swap3A_443 = vector.shape_cast %swap3A_442 : vector<1x16xf32> to vector<16xf32>
      %swap3A_444 = vector.shape_cast %add3A_435 : vector<16xf32> to vector<1x16xf32>
      tpu.vector_store %arg13[%swap3A_440, %swap3A_441], %swap3A_444 {strides = array<i32>} : memref<632x16xf32, #tpu.memory_space<vmem>>, vector<1x16xf32>,
      %mul3A_445 = arith.constant 4 : i32
      %mul3A_446 = arith.muli %scan3A_394, %mul3A_445 : i32
      %add3A_447 = arith.constant 2 : i32
      %add3A_448 = arith.addi %mul3A_446, %add3A_447 : i32
      %get3A_449 = arith.index_cast %add3A_448 : i32 to index
      %get3A_450 = arith.constant 0 : index
      %get3A_451 = tpu.vector_load %arg13[%get3A_449, %get3A_450] {strides = array<i32>} : memref<632x16xf32, #tpu.memory_space<vmem>>, vector<1x16xf32>,
      %get3A_452 = vector.shape_cast %get3A_451 : vector<1x16xf32> to vector<16xf32>
      %mul3A_453 = arith.constant 4 : i32
      %mul3A_454 = arith.muli %scan3A_394, %mul3A_453 : i32
      %add3A_455 = arith.constant 2 : i32
      %add3A_456 = arith.addi %mul3A_454, %add3A_455 : i32
      %get3A_457 = arith.index_cast %add3A_456 : i32 to index
      %get3A_458 = arith.constant 0 : index
      %get3A_459 = tpu.vector_load %arg14[%get3A_457, %get3A_458] {strides = array<i32>} : memref<632x16xf32, #tpu.memory_space<vmem>>, vector<1x16xf32>,
      %get3A_460 = vector.shape_cast %get3A_459 : vector<1x16xf32> to vector<16xf32>
      %add3A_461 = arith.addf %get3A_452, %get3A_460 : vector<16xf32>
      %mul3A_462 = arith.constant 4 : i32
      %mul3A_463 = arith.muli %scan3A_394, %mul3A_462 : i32
      %add3A_464 = arith.constant 2 : i32
      %add3A_465 = arith.addi %mul3A_463, %add3A_464 : i32
      %swap3A_466 = arith.index_cast %add3A_465 : i32 to index
      %swap3A_467 = arith.constant 0 : index
      %swap3A_468 = tpu.vector_load %arg13[%swap3A_466, %swap3A_467] {strides = array<i32>} : memref<632x16xf32, #tpu.memory_space<vmem>>, vector<1x16xf32>,
      %swap3A_469 = vector.shape_cast %swap3A_468 : vector<1x16xf32> to vector<16xf32>
      %swap3A_470 = vector.shape_cast %add3A_461 : vector<16xf32> to vector<1x16xf32>
      tpu.vector_store %arg13[%swap3A_466, %swap3A_467], %swap3A_470 {strides = array<i32>} : memref<632x16xf32, #tpu.memory_space<vmem>>, vector<1x16xf32>,
      %mul3A_471 = arith.constant 4 : i32
      %mul3A_472 = arith.muli %scan3A_394, %mul3A_471 : i32
      %add3A_473 = arith.constant 3 : i32
      %add3A_474 = arith.addi %mul3A_472, %add3A_473 : i32
      %get3A_475 = arith.index_cast %add3A_474 : i32 to index
      %get3A_476 = arith.constant 0 : index
      %get3A_477 = tpu.vector_load %arg13[%get3A_475, %get3A_476] {strides = array<i32>} : memref<632x16xf32, #tpu.memory_space<vmem>>, vector<1x16xf32>,
      %get3A_478 = vector.shape_cast %get3A_477 : vector<1x16xf32> to vector<16xf32>
      %mul3A_479 = arith.constant 4 : i32
      %mul3A_480 = arith.muli %scan3A_394, %mul3A_479 : i32
      %add3A_481 = arith.constant 3 : i32
      %add3A_482 = arith.addi %mul3A_480, %add3A_481 : i32
      %get3A_483 = arith.index_cast %add3A_482 : i32 to index
      %get3A_484 = arith.constant 0 : index
      %get3A_485 = tpu.vector_load %arg14[%get3A_483, %get3A_484] {strides = array<i32>} : memref<632x16xf32, #tpu.memory_space<vmem>>, vector<1x16xf32>,
      %get3A_486 = vector.shape_cast %get3A_485 : vector<1x16xf32> to vector<16xf32>
      %add3A_487 = arith.addf %get3A_478, %get3A_486 : vector<16xf32>
      %mul3A_488 = arith.constant 4 : i32
      %mul3A_489 = arith.muli %scan3A_394, %mul3A_488 : i32
      %add3A_490 = arith.constant 3 : i32
      %add3A_491 = arith.addi %mul3A_489, %add3A_490 : i32
      %swap3A_492 = arith.index_cast %add3A_491 : i32 to index
      %swap3A_493 = arith.constant 0 : index
      %swap3A_494 = tpu.vector_load %arg13[%swap3A_492, %swap3A_493] {strides = array<i32>} : memref<632x16xf32, #tpu.memory_space<vmem>>, vector<1x16xf32>,
      %swap3A_495 = vector.shape_cast %swap3A_494 : vector<1x16xf32> to vector<16xf32>
      %swap3A_496 = vector.shape_cast %add3A_487 : vector<16xf32> to vector<1x16xf32>
      tpu.vector_store %arg13[%swap3A_492, %swap3A_493], %swap3A_496 {strides = array<i32>} : memref<632x16xf32, #tpu.memory_space<vmem>>, vector<1x16xf32>,
    }
    %scan3A_39 = arith.constant 158 : i32
    %mul3A_40 = arith.constant 632 : i32
    %mul3A_41 = arith.muli %arg1, %mul3A_40 : i32
    "tpu.region"() ({
      %run_scoped3A = tpu.sem_alloc : memref<!tpu.dma_semaphore, #tpu.memory_space<semaphore_mem>>
      %dma_start3A_394 = arith.constant 0 : i32
      %dma_start3A_395 = tpu.memref_slice %arg6[%mul3A_41, %dma_start3A_394] : memref<10112x16xf32, #tpu.memory_space<vmem_shared>> -> memref<632x16xf32, #tpu.memory_space<vmem_shared>>
      %dma_start3A_396 = arith.constant 0 : i32
      %dma_start3A_397 = tpu.memref_slice %arg6[%mul3A_41, %dma_start3A_396] : memref<10112x16xf32, #tpu.memory_space<vmem_shared>> -> memref<632x16xf32, #tpu.memory_space<vmem_shared>>
      tpu.enqueue_dma source(%arg13 : memref<632x16xf32, #tpu.memory_space<vmem>>) target(%dma_start3A_397 : memref<632x16xf32, #tpu.memory_space<vmem_shared>>) target_semaphore(%run_scoped3A : memref<!tpu.dma_semaphore, #tpu.memory_space<semaphore_mem>>)
      %dma_wait3A_398 = arith.constant 0 : i32
      %dma_wait3A_399 = tpu.memref_slice %arg6[%mul3A_41, %dma_wait3A_398] : memref<10112x16xf32, #tpu.memory_space<vmem_shared>> -> memref<632x16xf32, #tpu.memory_space<vmem_shared>>
      %dma_wait3A_400 = arith.constant 0 : i32
      %dma_wait3A_401 = tpu.memref_slice %arg6[%mul3A_41, %dma_wait3A_400] : memref<10112x16xf32, #tpu.memory_space<vmem_shared>> -> memref<632x16xf32, #tpu.memory_space<vmem_shared>>
      tpu.wait_dma2 semaphore(%run_scoped3A : memref<!tpu.dma_semaphore, #tpu.memory_space<semaphore_mem>>) src(%arg13 : memref<632x16xf32, #tpu.memory_space<vmem>>) dst(%dma_wait3A_401 : memref<632x16xf32, #tpu.memory_space<vmem_shared>>)
      tpu.yield
    }) : () -> ()
    %dma_wait3A_42 = arith.constant 0 : i32
    %dma_wait3A_43 = tpu.memref_slice %arg7[%mul3A_4, %dma_wait3A_42] : memref<10112x16xf32, #tpu.memory_space<vmem_shared>> -> memref<632x16xf32, #tpu.memory_space<vmem_shared>>
    %dma_wait3A_44 = arith.constant 0 : i32
    %dma_wait3A_45 = tpu.memref_slice %arg4[%mul3A_2, %dma_wait3A_44] : memref<10112x16xf32, #tpu.memory_space<hbm>> -> memref<632x16xf32, #tpu.memory_space<hbm>>
    tpu.wait_dma2 semaphore(%arg17 : memref<!tpu.dma_semaphore, #tpu.memory_space<semaphore_mem>>) src(%dma_wait3A_45 : memref<632x16xf32, #tpu.memory_space<hbm>>) dst(%dma_wait3A_43 : memref<632x16xf32, #tpu.memory_space<vmem_shared>>)
    %barrier3A = arith.constant 0 : index
    tpu.barrier barrier_id(%barrier3A)
    %dma_start3A_46 = arith.constant 0 : i32
    %dma_start3A_47 = arith.constant 0 : i32
    %dma_start3A_48 = tpu.memref_slice %arg10[%dma_start3A_46, %dma_start3A_47] : memref<768x16xf32, #tpu.memory_space<vmem>> -> memref<128x16xf32, #tpu.memory_space<vmem>>
    %dma_start3A_49 = arith.constant 0 : i32
    %dma_start3A_50 = tpu.memref_slice %arg8[%dma_start3A_49] : memref<10000xi32, #tpu.memory_space<vmem>> -> memref<128xi32, #tpu.memory_space<vmem>>
    %dma_start3A_51 = arith.constant 0 : i32
    %dma_start3A_52 = arith.constant 0 : i32
    %dma_start3A_53 = tpu.memref_slice %arg6[%dma_start3A_51, %dma_start3A_52] : memref<10112x16xf32, #tpu.memory_space<vmem_shared>> -> memref<10112x16xf32, #tpu.memory_space<vmem_shared>>
    tpu.enqueue_indirect_dma source(%dma_start3A_53 : memref<10112x16xf32, #tpu.memory_space<vmem_shared>>) target(%dma_start3A_48 : memref<128x16xf32, #tpu.memory_space<vmem>>) offsets(%dma_start3A_50 : memref<128xi32, #tpu.memory_space<vmem>>) semaphore(%arg15 : memref<!tpu.dma_semaphore, #tpu.memory_space<semaphore_mem>>)
    %dma_start3A_54 = arith.constant 128 : i32
    %dma_start3A_55 = arith.constant 0 : i32
    %dma_start3A_56 = tpu.memref_slice %arg10[%dma_start3A_54, %dma_start3A_55] : memref<768x16xf32, #tpu.memory_space<vmem>> -> memref<128x16xf32, #tpu.memory_space<vmem>>
    %dma_start3A_57 = arith.constant 128 : i32
    %dma_start3A_58 = tpu.memref_slice %arg8[%dma_start3A_57] : memref<10000xi32, #tpu.memory_space<vmem>> -> memref<128xi32, #tpu.memory_space<vmem>>
    %dma_start3A_59 = arith.constant 0 : i32
    %dma_start3A_60 = arith.constant 0 : i32
    %dma_start3A_61 = tpu.memref_slice %arg6[%dma_start3A_59, %dma_start3A_60] : memref<10112x16xf32, #tpu.memory_space<vmem_shared>> -> memref<10112x16xf32, #tpu.memory_space<vmem_shared>>
    tpu.enqueue_indirect_dma source(%dma_start3A_61 : memref<10112x16xf32, #tpu.memory_space<vmem_shared>>) target(%dma_start3A_56 : memref<128x16xf32, #tpu.memory_space<vmem>>) offsets(%dma_start3A_58 : memref<128xi32, #tpu.memory_space<vmem>>) semaphore(%arg15 : memref<!tpu.dma_semaphore, #tpu.memory_space<semaphore_mem>>)
    %dma_start3A_62 = arith.constant 256 : i32
    %dma_start3A_63 = arith.constant 0 : i32
    %dma_start3A_64 = tpu.memref_slice %arg10[%dma_start3A_62, %dma_start3A_63] : memref<768x16xf32, #tpu.memory_space<vmem>> -> memref<128x16xf32, #tpu.memory_space<vmem>>
    %dma_start3A_65 = arith.constant 256 : i32
    %dma_start3A_66 = tpu.memref_slice %arg8[%dma_start3A_65] : memref<10000xi32, #tpu.memory_space<vmem>> -> memref<128xi32, #tpu.memory_space<vmem>>
    %dma_start3A_67 = arith.constant 0 : i32
    %dma_start3A_68 = arith.constant 0 : i32
    %dma_start3A_69 = tpu.memref_slice %arg6[%dma_start3A_67, %dma_start3A_68] : memref<10112x16xf32, #tpu.memory_space<vmem_shared>> -> memref<10112x16xf32, #tpu.memory_space<vmem_shared>>
    tpu.enqueue_indirect_dma source(%dma_start3A_69 : memref<10112x16xf32, #tpu.memory_space<vmem_shared>>) target(%dma_start3A_64 : memref<128x16xf32, #tpu.memory_space<vmem>>) offsets(%dma_start3A_66 : memref<128xi32, #tpu.memory_space<vmem>>) semaphore(%arg15 : memref<!tpu.dma_semaphore, #tpu.memory_space<semaphore_mem>>)
    %dma_start3A_70 = arith.constant 384 : i32
    %dma_start3A_71 = arith.constant 0 : i32
    %dma_start3A_72 = tpu.memref_slice %arg10[%dma_start3A_70, %dma_start3A_71] : memref<768x16xf32, #tpu.memory_space<vmem>> -> memref<128x16xf32, #tpu.memory_space<vmem>>
    %dma_start3A_73 = arith.constant 384 : i32
    %dma_start3A_74 = tpu.memref_slice %arg8[%dma_start3A_73] : memref<10000xi32, #tpu.memory_space<vmem>> -> memref<128xi32, #tpu.memory_space<vmem>>
    %dma_start3A_75 = arith.constant 0 : i32
    %dma_start3A_76 = arith.constant 0 : i32
    %dma_start3A_77 = tpu.memref_slice %arg6[%dma_start3A_75, %dma_start3A_76] : memref<10112x16xf32, #tpu.memory_space<vmem_shared>> -> memref<10112x16xf32, #tpu.memory_space<vmem_shared>>
    tpu.enqueue_indirect_dma source(%dma_start3A_77 : memref<10112x16xf32, #tpu.memory_space<vmem_shared>>) target(%dma_start3A_72 : memref<128x16xf32, #tpu.memory_space<vmem>>) offsets(%dma_start3A_74 : memref<128xi32, #tpu.memory_space<vmem>>) semaphore(%arg15 : memref<!tpu.dma_semaphore, #tpu.memory_space<semaphore_mem>>)
    %dma_start3A_78 = arith.constant 512 : i32
    %dma_start3A_79 = arith.constant 0 : i32
    %dma_start3A_80 = tpu.memref_slice %arg10[%dma_start3A_78, %dma_start3A_79] : memref<768x16xf32, #tpu.memory_space<vmem>> -> memref<128x16xf32, #tpu.memory_space<vmem>>
    %dma_start3A_81 = arith.constant 512 : i32
    %dma_start3A_82 = tpu.memref_slice %arg8[%dma_start3A_81] : memref<10000xi32, #tpu.memory_space<vmem>> -> memref<128xi32, #tpu.memory_space<vmem>>
    %dma_start3A_83 = arith.constant 0 : i32
    %dma_start3A_84 = arith.constant 0 : i32
    %dma_start3A_85 = tpu.memref_slice %arg6[%dma_start3A_83, %dma_start3A_84] : memref<10112x16xf32, #tpu.memory_space<vmem_shared>> -> memref<10112x16xf32, #tpu.memory_space<vmem_shared>>
    tpu.enqueue_indirect_dma source(%dma_start3A_85 : memref<10112x16xf32, #tpu.memory_space<vmem_shared>>) target(%dma_start3A_80 : memref<128x16xf32, #tpu.memory_space<vmem>>) offsets(%dma_start3A_82 : memref<128xi32, #tpu.memory_space<vmem>>) semaphore(%arg15 : memref<!tpu.dma_semaphore, #tpu.memory_space<semaphore_mem>>)
    %dma_start3A_86 = arith.constant 640 : i32
    %dma_start3A_87 = arith.constant 0 : i32
    %dma_start3A_88 = tpu.memref_slice %arg10[%dma_start3A_86, %dma_start3A_87] : memref<768x16xf32, #tpu.memory_space<vmem>> -> memref<128x16xf32, #tpu.memory_space<vmem>>
    %dma_start3A_89 = arith.constant 640 : i32
    %dma_start3A_90 = tpu.memref_slice %arg8[%dma_start3A_89] : memref<10000xi32, #tpu.memory_space<vmem>> -> memref<128xi32, #tpu.memory_space<vmem>>
    %dma_start3A_91 = arith.constant 0 : i32
    %dma_start3A_92 = arith.constant 0 : i32
    %dma_start3A_93 = tpu.memref_slice %arg6[%dma_start3A_91, %dma_start3A_92] : memref<10112x16xf32, #tpu.memory_space<vmem_shared>> -> memref<10112x16xf32, #tpu.memory_space<vmem_shared>>
    tpu.enqueue_indirect_dma source(%dma_start3A_93 : memref<10112x16xf32, #tpu.memory_space<vmem_shared>>) target(%dma_start3A_88 : memref<128x16xf32, #tpu.memory_space<vmem>>) offsets(%dma_start3A_90 : memref<128xi32, #tpu.memory_space<vmem>>) semaphore(%arg15 : memref<!tpu.dma_semaphore, #tpu.memory_space<semaphore_mem>>)
    %dma_start3A_94 = arith.constant 0 : i32
    %dma_start3A_95 = arith.constant 0 : i32
    %dma_start3A_96 = tpu.memref_slice %arg11[%dma_start3A_94, %dma_start3A_95] : memref<768x16xf32, #tpu.memory_space<vmem>> -> memref<128x16xf32, #tpu.memory_space<vmem>>
    %dma_start3A_97 = arith.constant 768 : i32
    %dma_start3A_98 = tpu.memref_slice %arg8[%dma_start3A_97] : memref<10000xi32, #tpu.memory_space<vmem>> -> memref<128xi32, #tpu.memory_space<vmem>>
    %dma_start3A_99 = arith.constant 0 : i32
    %dma_start3A_100 = arith.constant 0 : i32
    %dma_start3A_101 = tpu.memref_slice %arg6[%dma_start3A_99, %dma_start3A_100] : memref<10112x16xf32, #tpu.memory_space<vmem_shared>> -> memref<10112x16xf32, #tpu.memory_space<vmem_shared>>
    tpu.enqueue_indirect_dma source(%dma_start3A_101 : memref<10112x16xf32, #tpu.memory_space<vmem_shared>>) target(%dma_start3A_96 : memref<128x16xf32, #tpu.memory_space<vmem>>) offsets(%dma_start3A_98 : memref<128xi32, #tpu.memory_space<vmem>>) semaphore(%arg16 : memref<!tpu.dma_semaphore, #tpu.memory_space<semaphore_mem>>)
    %dma_start3A_102 = arith.constant 128 : i32
    %dma_start3A_103 = arith.constant 0 : i32
    %dma_start3A_104 = tpu.memref_slice %arg11[%dma_start3A_102, %dma_start3A_103] : memref<768x16xf32, #tpu.memory_space<vmem>> -> memref<128x16xf32, #tpu.memory_space<vmem>>
    %dma_start3A_105 = arith.constant 896 : i32
    %dma_start3A_106 = tpu.memref_slice %arg8[%dma_start3A_105] : memref<10000xi32, #tpu.memory_space<vmem>> -> memref<128xi32, #tpu.memory_space<vmem>>
    %dma_start3A_107 = arith.constant 0 : i32
    %dma_start3A_108 = arith.constant 0 : i32
    %dma_start3A_109 = tpu.memref_slice %arg6[%dma_start3A_107, %dma_start3A_108] : memref<10112x16xf32, #tpu.memory_space<vmem_shared>> -> memref<10112x16xf32, #tpu.memory_space<vmem_shared>>
    tpu.enqueue_indirect_dma source(%dma_start3A_109 : memref<10112x16xf32, #tpu.memory_space<vmem_shared>>) target(%dma_start3A_104 : memref<128x16xf32, #tpu.memory_space<vmem>>) offsets(%dma_start3A_106 : memref<128xi32, #tpu.memory_space<vmem>>) semaphore(%arg16 : memref<!tpu.dma_semaphore, #tpu.memory_space<semaphore_mem>>)
    %dma_start3A_110 = arith.constant 256 : i32
    %dma_start3A_111 = arith.constant 0 : i32
    %dma_start3A_112 = tpu.memref_slice %arg11[%dma_start3A_110, %dma_start3A_111] : memref<768x16xf32, #tpu.memory_space<vmem>> -> memref<128x16xf32, #tpu.memory_space<vmem>>
    %dma_start3A_113 = arith.constant 1024 : i32
    %dma_start3A_114 = tpu.memref_slice %arg8[%dma_start3A_113] : memref<10000xi32, #tpu.memory_space<vmem>> -> memref<128xi32, #tpu.memory_space<vmem>>
    %dma_start3A_115 = arith.constant 0 : i32
    %dma_start3A_116 = arith.constant 0 : i32
    %dma_start3A_117 = tpu.memref_slice %arg6[%dma_start3A_115, %dma_start3A_116] : memref<10112x16xf32, #tpu.memory_space<vmem_shared>> -> memref<10112x16xf32, #tpu.memory_space<vmem_shared>>
    tpu.enqueue_indirect_dma source(%dma_start3A_117 : memref<10112x16xf32, #tpu.memory_space<vmem_shared>>) target(%dma_start3A_112 : memref<128x16xf32, #tpu.memory_space<vmem>>) offsets(%dma_start3A_114 : memref<128xi32, #tpu.memory_space<vmem>>) semaphore(%arg16 : memref<!tpu.dma_semaphore, #tpu.memory_space<semaphore_mem>>)
    %dma_start3A_118 = arith.constant 384 : i32
    %dma_start3A_119 = arith.constant 0 : i32
    %dma_start3A_120 = tpu.memref_slice %arg11[%dma_start3A_118, %dma_start3A_119] : memref<768x16xf32, #tpu.memory_space<vmem>> -> memref<128x16xf32, #tpu.memory_space<vmem>>
    %dma_start3A_121 = arith.constant 1152 : i32
    %dma_start3A_122 = tpu.memref_slice %arg8[%dma_start3A_121] : memref<10000xi32, #tpu.memory_space<vmem>> -> memref<128xi32, #tpu.memory_space<vmem>>
    %dma_start3A_123 = arith.constant 0 : i32
    %dma_start3A_124 = arith.constant 0 : i32
    %dma_start3A_125 = tpu.memref_slice %arg6[%dma_start3A_123, %dma_start3A_124] : memref<10112x16xf32, #tpu.memory_space<vmem_shared>> -> memref<10112x16xf32, #tpu.memory_space<vmem_shared>>
    tpu.enqueue_indirect_dma source(%dma_start3A_125 : memref<10112x16xf32, #tpu.memory_space<vmem_shared>>) target(%dma_start3A_120 : memref<128x16xf32, #tpu.memory_space<vmem>>) offsets(%dma_start3A_122 : memref<128xi32, #tpu.memory_space<vmem>>) semaphore(%arg16 : memref<!tpu.dma_semaphore, #tpu.memory_space<semaphore_mem>>)
    %dma_start3A_126 = arith.constant 512 : i32
    %dma_start3A_127 = arith.constant 0 : i32
    %dma_start3A_128 = tpu.memref_slice %arg11[%dma_start3A_126, %dma_start3A_127] : memref<768x16xf32, #tpu.memory_space<vmem>> -> memref<128x16xf32, #tpu.memory_space<vmem>>
    %dma_start3A_129 = arith.constant 1280 : i32
    %dma_start3A_130 = tpu.memref_slice %arg8[%dma_start3A_129] : memref<10000xi32, #tpu.memory_space<vmem>> -> memref<128xi32, #tpu.memory_space<vmem>>
    %dma_start3A_131 = arith.constant 0 : i32
    %dma_start3A_132 = arith.constant 0 : i32
    %dma_start3A_133 = tpu.memref_slice %arg6[%dma_start3A_131, %dma_start3A_132] : memref<10112x16xf32, #tpu.memory_space<vmem_shared>> -> memref<10112x16xf32, #tpu.memory_space<vmem_shared>>
    tpu.enqueue_indirect_dma source(%dma_start3A_133 : memref<10112x16xf32, #tpu.memory_space<vmem_shared>>) target(%dma_start3A_128 : memref<128x16xf32, #tpu.memory_space<vmem>>) offsets(%dma_start3A_130 : memref<128xi32, #tpu.memory_space<vmem>>) semaphore(%arg16 : memref<!tpu.dma_semaphore, #tpu.memory_space<semaphore_mem>>)
    %dma_start3A_134 = arith.constant 640 : i32
    %dma_start3A_135 = arith.constant 0 : i32
    %dma_start3A_136 = tpu.memref_slice %arg11[%dma_start3A_134, %dma_start3A_135] : memref<768x16xf32, #tpu.memory_space<vmem>> -> memref<128x16xf32, #tpu.memory_space<vmem>>
    %dma_start3A_137 = arith.constant 1408 : i32
    %dma_start3A_138 = tpu.memref_slice %arg8[%dma_start3A_137] : memref<10000xi32, #tpu.memory_space<vmem>> -> memref<128xi32, #tpu.memory_space<vmem>>
    %dma_start3A_139 = arith.constant 0 : i32
    %dma_start3A_140 = arith.constant 0 : i32
    %dma_start3A_141 = tpu.memref_slice %arg6[%dma_start3A_139, %dma_start3A_140] : memref<10112x16xf32, #tpu.memory_space<vmem_shared>> -> memref<10112x16xf32, #tpu.memory_space<vmem_shared>>
    tpu.enqueue_indirect_dma source(%dma_start3A_141 : memref<10112x16xf32, #tpu.memory_space<vmem_shared>>) target(%dma_start3A_136 : memref<128x16xf32, #tpu.memory_space<vmem>>) offsets(%dma_start3A_138 : memref<128xi32, #tpu.memory_space<vmem>>) semaphore(%arg16 : memref<!tpu.dma_semaphore, #tpu.memory_space<semaphore_mem>>)
    %dma_wait3A_142 = arith.constant 0 : i32
    %dma_wait3A_143 = arith.constant 0 : i32
    %dma_wait3A_144 = tpu.memref_slice %arg4[%dma_wait3A_142, %dma_wait3A_143] : memref<10112x16xf32, #tpu.memory_space<hbm>> -> memref<768x16xf32, #tpu.memory_space<hbm>>
    %dma_wait3A_145 = arith.constant 0 : i32
    %dma_wait3A_146 = arith.constant 0 : i32
    %dma_wait3A_147 = tpu.memref_slice %arg4[%dma_wait3A_145, %dma_wait3A_146] : memref<10112x16xf32, #tpu.memory_space<hbm>> -> memref<768x16xf32, #tpu.memory_space<hbm>>
    tpu.wait_dma2 semaphore(%arg15 : memref<!tpu.dma_semaphore, #tpu.memory_space<semaphore_mem>>) src(%dma_wait3A_147 : memref<768x16xf32, #tpu.memory_space<hbm>>) dst(%arg10 : memref<768x16xf32, #tpu.memory_space<vmem>>)
    %dma_start3A_148 = arith.constant 0 : i32
    %dma_start3A_149 = arith.constant 0 : i32
    %dma_start3A_150 = tpu.memref_slice %arg10[%dma_start3A_148, %dma_start3A_149] : memref<768x16xf32, #tpu.memory_space<vmem>> -> memref<128x16xf32, #tpu.memory_space<vmem>>
    %dma_start3A_151 = arith.constant 0 : i32
    %dma_start3A_152 = tpu.memref_slice %arg9[%dma_start3A_151] : memref<10000xi32, #tpu.memory_space<vmem>> -> memref<128xi32, #tpu.memory_space<vmem>>
    %dma_start3A_153 = arith.constant 0 : i32
    %dma_start3A_154 = arith.constant 0 : i32
    %dma_start3A_155 = tpu.memref_slice %arg7[%dma_start3A_153, %dma_start3A_154] : memref<10112x16xf32, #tpu.memory_space<vmem_shared>> -> memref<10112x16xf32, #tpu.memory_space<vmem_shared>>
    tpu.enqueue_indirect_dma source(%dma_start3A_150 : memref<128x16xf32, #tpu.memory_space<vmem>>) target(%dma_start3A_155 : memref<10112x16xf32, #tpu.memory_space<vmem_shared>>) offsets(%dma_start3A_152 : memref<128xi32, #tpu.memory_space<vmem>>) semaphore(%arg17 : memref<!tpu.dma_semaphore, #tpu.memory_space<semaphore_mem>>) {add = true}
    %dma_start3A_156 = arith.constant 128 : i32
    %dma_start3A_157 = arith.constant 0 : i32
    %dma_start3A_158 = tpu.memref_slice %arg10[%dma_start3A_156, %dma_start3A_157] : memref<768x16xf32, #tpu.memory_space<vmem>> -> memref<128x16xf32, #tpu.memory_space<vmem>>
    %dma_start3A_159 = arith.constant 128 : i32
    %dma_start3A_160 = tpu.memref_slice %arg9[%dma_start3A_159] : memref<10000xi32, #tpu.memory_space<vmem>> -> memref<128xi32, #tpu.memory_space<vmem>>
    %dma_start3A_161 = arith.constant 0 : i32
    %dma_start3A_162 = arith.constant 0 : i32
    %dma_start3A_163 = tpu.memref_slice %arg7[%dma_start3A_161, %dma_start3A_162] : memref<10112x16xf32, #tpu.memory_space<vmem_shared>> -> memref<10112x16xf32, #tpu.memory_space<vmem_shared>>
    tpu.enqueue_indirect_dma source(%dma_start3A_158 : memref<128x16xf32, #tpu.memory_space<vmem>>) target(%dma_start3A_163 : memref<10112x16xf32, #tpu.memory_space<vmem_shared>>) offsets(%dma_start3A_160 : memref<128xi32, #tpu.memory_space<vmem>>) semaphore(%arg17 : memref<!tpu.dma_semaphore, #tpu.memory_space<semaphore_mem>>) {add = true}
    %dma_start3A_164 = arith.constant 256 : i32
    %dma_start3A_165 = arith.constant 0 : i32
    %dma_start3A_166 = tpu.memref_slice %arg10[%dma_start3A_164, %dma_start3A_165] : memref<768x16xf32, #tpu.memory_space<vmem>> -> memref<128x16xf32, #tpu.memory_space<vmem>>
    %dma_start3A_167 = arith.constant 256 : i32
    %dma_start3A_168 = tpu.memref_slice %arg9[%dma_start3A_167] : memref<10000xi32, #tpu.memory_space<vmem>> -> memref<128xi32, #tpu.memory_space<vmem>>
    %dma_start3A_169 = arith.constant 0 : i32
    %dma_start3A_170 = arith.constant 0 : i32
    %dma_start3A_171 = tpu.memref_slice %arg7[%dma_start3A_169, %dma_start3A_170] : memref<10112x16xf32, #tpu.memory_space<vmem_shared>> -> memref<10112x16xf32, #tpu.memory_space<vmem_shared>>
    tpu.enqueue_indirect_dma source(%dma_start3A_166 : memref<128x16xf32, #tpu.memory_space<vmem>>) target(%dma_start3A_171 : memref<10112x16xf32, #tpu.memory_space<vmem_shared>>) offsets(%dma_start3A_168 : memref<128xi32, #tpu.memory_space<vmem>>) semaphore(%arg17 : memref<!tpu.dma_semaphore, #tpu.memory_space<semaphore_mem>>) {add = true}
    %dma_start3A_172 = arith.constant 384 : i32
    %dma_start3A_173 = arith.constant 0 : i32
    %dma_start3A_174 = tpu.memref_slice %arg10[%dma_start3A_172, %dma_start3A_173] : memref<768x16xf32, #tpu.memory_space<vmem>> -> memref<128x16xf32, #tpu.memory_space<vmem>>
    %dma_start3A_175 = arith.constant 384 : i32
    %dma_start3A_176 = tpu.memref_slice %arg9[%dma_start3A_175] : memref<10000xi32, #tpu.memory_space<vmem>> -> memref<128xi32, #tpu.memory_space<vmem>>
    %dma_start3A_177 = arith.constant 0 : i32
    %dma_start3A_178 = arith.constant 0 : i32
    %dma_start3A_179 = tpu.memref_slice %arg7[%dma_start3A_177, %dma_start3A_178] : memref<10112x16xf32, #tpu.memory_space<vmem_shared>> -> memref<10112x16xf32, #tpu.memory_space<vmem_shared>>
    tpu.enqueue_indirect_dma source(%dma_start3A_174 : memref<128x16xf32, #tpu.memory_space<vmem>>) target(%dma_start3A_179 : memref<10112x16xf32, #tpu.memory_space<vmem_shared>>) offsets(%dma_start3A_176 : memref<128xi32, #tpu.memory_space<vmem>>) semaphore(%arg17 : memref<!tpu.dma_semaphore, #tpu.memory_space<semaphore_mem>>) {add = true}
    %dma_start3A_180 = arith.constant 512 : i32
    %dma_start3A_181 = arith.constant 0 : i32
    %dma_start3A_182 = tpu.memref_slice %arg10[%dma_start3A_180, %dma_start3A_181] : memref<768x16xf32, #tpu.memory_space<vmem>> -> memref<128x16xf32, #tpu.memory_space<vmem>>
    %dma_start3A_183 = arith.constant 512 : i32
    %dma_start3A_184 = tpu.memref_slice %arg9[%dma_start3A_183] : memref<10000xi32, #tpu.memory_space<vmem>> -> memref<128xi32, #tpu.memory_space<vmem>>
    %dma_start3A_185 = arith.constant 0 : i32
    %dma_start3A_186 = arith.constant 0 : i32
    %dma_start3A_187 = tpu.memref_slice %arg7[%dma_start3A_185, %dma_start3A_186] : memref<10112x16xf32, #tpu.memory_space<vmem_shared>> -> memref<10112x16xf32, #tpu.memory_space<vmem_shared>>
    tpu.enqueue_indirect_dma source(%dma_start3A_182 : memref<128x16xf32, #tpu.memory_space<vmem>>) target(%dma_start3A_187 : memref<10112x16xf32, #tpu.memory_space<vmem_shared>>) offsets(%dma_start3A_184 : memref<128xi32, #tpu.memory_space<vmem>>) semaphore(%arg17 : memref<!tpu.dma_semaphore, #tpu.memory_space<semaphore_mem>>) {add = true}
    %dma_start3A_188 = arith.constant 640 : i32
    %dma_start3A_189 = arith.constant 0 : i32
    %dma_start3A_190 = tpu.memref_slice %arg10[%dma_start3A_188, %dma_start3A_189] : memref<768x16xf32, #tpu.memory_space<vmem>> -> memref<128x16xf32, #tpu.memory_space<vmem>>
    %dma_start3A_191 = arith.constant 640 : i32
    %dma_start3A_192 = tpu.memref_slice %arg9[%dma_start3A_191] : memref<10000xi32, #tpu.memory_space<vmem>> -> memref<128xi32, #tpu.memory_space<vmem>>
    %dma_start3A_193 = arith.constant 0 : i32
    %dma_start3A_194 = arith.constant 0 : i32
    %dma_start3A_195 = tpu.memref_slice %arg7[%dma_start3A_193, %dma_start3A_194] : memref<10112x16xf32, #tpu.memory_space<vmem_shared>> -> memref<10112x16xf32, #tpu.memory_space<vmem_shared>>
    tpu.enqueue_indirect_dma source(%dma_start3A_190 : memref<128x16xf32, #tpu.memory_space<vmem>>) target(%dma_start3A_195 : memref<10112x16xf32, #tpu.memory_space<vmem_shared>>) offsets(%dma_start3A_192 : memref<128xi32, #tpu.memory_space<vmem>>) semaphore(%arg17 : memref<!tpu.dma_semaphore, #tpu.memory_space<semaphore_mem>>) {add = true}
    %scan3A_196 = arith.constant 0 : i32
    %scan3A_197 = arith.constant 0 : i32
    %scan3A_198 = arith.constant 5 : i32
    %scan3A_199 = arith.addi %scan3A_197, %scan3A_198 : i32
    %scan3A_200 = arith.constant 1 : i32
    scf.for %scan3A_394 = %scan3A_197 to %scan3A_199 step %scan3A_200  : i32 {
      %mul3A_395 = arith.constant 2 : i32
      %mul3A_396 = arith.muli %mul3A_395, %scan3A_394 : i32
      %add3A_397 = arith.constant 1 : i32
      %add3A_398 = arith.addi %mul3A_396, %add3A_397 : i32
      %dma_wait3A_399 = arith.constant 0 : i32
      %dma_wait3A_400 = arith.constant 0 : i32
      %dma_wait3A_401 = tpu.memref_slice %arg4[%dma_wait3A_399, %dma_wait3A_400] : memref<10112x16xf32, #tpu.memory_space<hbm>> -> memref<768x16xf32, #tpu.memory_space<hbm>>
      %dma_wait3A_402 = arith.constant 0 : i32
      %dma_wait3A_403 = arith.constant 0 : i32
      %dma_wait3A_404 = tpu.memref_slice %arg4[%dma_wait3A_402, %dma_wait3A_403] : memref<10112x16xf32, #tpu.memory_space<hbm>> -> memref<768x16xf32, #tpu.memory_space<hbm>>
      tpu.wait_dma2 semaphore(%arg17 : memref<!tpu.dma_semaphore, #tpu.memory_space<semaphore_mem>>) src(%dma_wait3A_404 : memref<768x16xf32, #tpu.memory_space<hbm>>) dst(%arg10 : memref<768x16xf32, #tpu.memory_space<vmem>>)
      %add3A_405 = arith.constant 1 : i32
      %add3A_406 = arith.addi %add3A_398, %add3A_405 : i32
      %mul3A_407 = arith.constant 6 : i32
      %mul3A_408 = arith.muli %add3A_406, %mul3A_407 : i32
      %add3A_409 = arith.constant 0 : i32
      %add3A_410 = arith.addi %mul3A_408, %add3A_409 : i32
      %mul3A_411 = arith.constant 128 : i32
      %mul3A_412 = arith.muli %add3A_410, %mul3A_411 : i32
      %dma_start3A_413 = arith.constant 0 : i32
      %dma_start3A_414 = arith.constant 0 : i32
      %dma_start3A_415 = tpu.memref_slice %arg10[%dma_start3A_413, %dma_start3A_414] : memref<768x16xf32, #tpu.memory_space<vmem>> -> memref<128x16xf32, #tpu.memory_space<vmem>>
      %dma_start3A_416 = tpu.memref_slice %arg8[%mul3A_412] : memref<10000xi32, #tpu.memory_space<vmem>> -> memref<128xi32, #tpu.memory_space<vmem>>
      %dma_start3A_417 = arith.constant 0 : i32
      %dma_start3A_418 = arith.constant 0 : i32
      %dma_start3A_419 = tpu.memref_slice %arg6[%dma_start3A_417, %dma_start3A_418] : memref<10112x16xf32, #tpu.memory_space<vmem_shared>> -> memref<10112x16xf32, #tpu.memory_space<vmem_shared>>
      tpu.enqueue_indirect_dma source(%dma_start3A_419 : memref<10112x16xf32, #tpu.memory_space<vmem_shared>>) target(%dma_start3A_415 : memref<128x16xf32, #tpu.memory_space<vmem>>) offsets(%dma_start3A_416 : memref<128xi32, #tpu.memory_space<vmem>>) semaphore(%arg15 : memref<!tpu.dma_semaphore, #tpu.memory_space<semaphore_mem>>)
      %mul3A_420 = arith.constant 6 : i32
      %mul3A_421 = arith.muli %add3A_406, %mul3A_420 : i32
      %add3A_422 = arith.constant 1 : i32
      %add3A_423 = arith.addi %mul3A_421, %add3A_422 : i32
      %mul3A_424 = arith.constant 128 : i32
      %mul3A_425 = arith.muli %add3A_423, %mul3A_424 : i32
      %dma_start3A_426 = arith.constant 128 : i32
      %dma_start3A_427 = arith.constant 0 : i32
      %dma_start3A_428 = tpu.memref_slice %arg10[%dma_start3A_426, %dma_start3A_427] : memref<768x16xf32, #tpu.memory_space<vmem>> -> memref<128x16xf32, #tpu.memory_space<vmem>>
      %dma_start3A_429 = tpu.memref_slice %arg8[%mul3A_425] : memref<10000xi32, #tpu.memory_space<vmem>> -> memref<128xi32, #tpu.memory_space<vmem>>
      %dma_start3A_430 = arith.constant 0 : i32
      %dma_start3A_431 = arith.constant 0 : i32
      %dma_start3A_432 = tpu.memref_slice %arg6[%dma_start3A_430, %dma_start3A_431] : memref<10112x16xf32, #tpu.memory_space<vmem_shared>> -> memref<10112x16xf32, #tpu.memory_space<vmem_shared>>
      tpu.enqueue_indirect_dma source(%dma_start3A_432 : memref<10112x16xf32, #tpu.memory_space<vmem_shared>>) target(%dma_start3A_428 : memref<128x16xf32, #tpu.memory_space<vmem>>) offsets(%dma_start3A_429 : memref<128xi32, #tpu.memory_space<vmem>>) semaphore(%arg15 : memref<!tpu.dma_semaphore, #tpu.memory_space<semaphore_mem>>)
      %mul3A_433 = arith.constant 6 : i32
      %mul3A_434 = arith.muli %add3A_406, %mul3A_433 : i32
      %add3A_435 = arith.constant 2 : i32
      %add3A_436 = arith.addi %mul3A_434, %add3A_435 : i32
      %mul3A_437 = arith.constant 128 : i32
      %mul3A_438 = arith.muli %add3A_436, %mul3A_437 : i32
      %dma_start3A_439 = arith.constant 256 : i32
      %dma_start3A_440 = arith.constant 0 : i32
      %dma_start3A_441 = tpu.memref_slice %arg10[%dma_start3A_439, %dma_start3A_440] : memref<768x16xf32, #tpu.memory_space<vmem>> -> memref<128x16xf32, #tpu.memory_space<vmem>>
      %dma_start3A_442 = tpu.memref_slice %arg8[%mul3A_438] : memref<10000xi32, #tpu.memory_space<vmem>> -> memref<128xi32, #tpu.memory_space<vmem>>
      %dma_start3A_443 = arith.constant 0 : i32
      %dma_start3A_444 = arith.constant 0 : i32
      %dma_start3A_445 = tpu.memref_slice %arg6[%dma_start3A_443, %dma_start3A_444] : memref<10112x16xf32, #tpu.memory_space<vmem_shared>> -> memref<10112x16xf32, #tpu.memory_space<vmem_shared>>
      tpu.enqueue_indirect_dma source(%dma_start3A_445 : memref<10112x16xf32, #tpu.memory_space<vmem_shared>>) target(%dma_start3A_441 : memref<128x16xf32, #tpu.memory_space<vmem>>) offsets(%dma_start3A_442 : memref<128xi32, #tpu.memory_space<vmem>>) semaphore(%arg15 : memref<!tpu.dma_semaphore, #tpu.memory_space<semaphore_mem>>)
      %mul3A_446 = arith.constant 6 : i32
      %mul3A_447 = arith.muli %add3A_406, %mul3A_446 : i32
      %add3A_448 = arith.constant 3 : i32
      %add3A_449 = arith.addi %mul3A_447, %add3A_448 : i32
      %mul3A_450 = arith.constant 128 : i32
      %mul3A_451 = arith.muli %add3A_449, %mul3A_450 : i32
      %dma_start3A_452 = arith.constant 384 : i32
      %dma_start3A_453 = arith.constant 0 : i32
      %dma_start3A_454 = tpu.memref_slice %arg10[%dma_start3A_452, %dma_start3A_453] : memref<768x16xf32, #tpu.memory_space<vmem>> -> memref<128x16xf32, #tpu.memory_space<vmem>>
      %dma_start3A_455 = tpu.memref_slice %arg8[%mul3A_451] : memref<10000xi32, #tpu.memory_space<vmem>> -> memref<128xi32, #tpu.memory_space<vmem>>
      %dma_start3A_456 = arith.constant 0 : i32
      %dma_start3A_457 = arith.constant 0 : i32
      %dma_start3A_458 = tpu.memref_slice %arg6[%dma_start3A_456, %dma_start3A_457] : memref<10112x16xf32, #tpu.memory_space<vmem_shared>> -> memref<10112x16xf32, #tpu.memory_space<vmem_shared>>
      tpu.enqueue_indirect_dma source(%dma_start3A_458 : memref<10112x16xf32, #tpu.memory_space<vmem_shared>>) target(%dma_start3A_454 : memref<128x16xf32, #tpu.memory_space<vmem>>) offsets(%dma_start3A_455 : memref<128xi32, #tpu.memory_space<vmem>>) semaphore(%arg15 : memref<!tpu.dma_semaphore, #tpu.memory_space<semaphore_mem>>)
      %mul3A_459 = arith.constant 6 : i32
      %mul3A_460 = arith.muli %add3A_406, %mul3A_459 : i32
      %add3A_461 = arith.constant 4 : i32
      %add3A_462 = arith.addi %mul3A_460, %add3A_461 : i32
      %mul3A_463 = arith.constant 128 : i32
      %mul3A_464 = arith.muli %add3A_462, %mul3A_463 : i32
      %dma_start3A_465 = arith.constant 512 : i32
      %dma_start3A_466 = arith.constant 0 : i32
      %dma_start3A_467 = tpu.memref_slice %arg10[%dma_start3A_465, %dma_start3A_466] : memref<768x16xf32, #tpu.memory_space<vmem>> -> memref<128x16xf32, #tpu.memory_space<vmem>>
      %dma_start3A_468 = tpu.memref_slice %arg8[%mul3A_464] : memref<10000xi32, #tpu.memory_space<vmem>> -> memref<128xi32, #tpu.memory_space<vmem>>
      %dma_start3A_469 = arith.constant 0 : i32
      %dma_start3A_470 = arith.constant 0 : i32
      %dma_start3A_471 = tpu.memref_slice %arg6[%dma_start3A_469, %dma_start3A_470] : memref<10112x16xf32, #tpu.memory_space<vmem_shared>> -> memref<10112x16xf32, #tpu.memory_space<vmem_shared>>
      tpu.enqueue_indirect_dma source(%dma_start3A_471 : memref<10112x16xf32, #tpu.memory_space<vmem_shared>>) target(%dma_start3A_467 : memref<128x16xf32, #tpu.memory_space<vmem>>) offsets(%dma_start3A_468 : memref<128xi32, #tpu.memory_space<vmem>>) semaphore(%arg15 : memref<!tpu.dma_semaphore, #tpu.memory_space<semaphore_mem>>)
      %mul3A_472 = arith.constant 6 : i32
      %mul3A_473 = arith.muli %add3A_406, %mul3A_472 : i32
      %add3A_474 = arith.constant 5 : i32
      %add3A_475 = arith.addi %mul3A_473, %add3A_474 : i32
      %mul3A_476 = arith.constant 128 : i32
      %mul3A_477 = arith.muli %add3A_475, %mul3A_476 : i32
      %dma_start3A_478 = arith.constant 640 : i32
      %dma_start3A_479 = arith.constant 0 : i32
      %dma_start3A_480 = tpu.memref_slice %arg10[%dma_start3A_478, %dma_start3A_479] : memref<768x16xf32, #tpu.memory_space<vmem>> -> memref<128x16xf32, #tpu.memory_space<vmem>>
      %dma_start3A_481 = tpu.memref_slice %arg8[%mul3A_477] : memref<10000xi32, #tpu.memory_space<vmem>> -> memref<128xi32, #tpu.memory_space<vmem>>
      %dma_start3A_482 = arith.constant 0 : i32
      %dma_start3A_483 = arith.constant 0 : i32
      %dma_start3A_484 = tpu.memref_slice %arg6[%dma_start3A_482, %dma_start3A_483] : memref<10112x16xf32, #tpu.memory_space<vmem_shared>> -> memref<10112x16xf32, #tpu.memory_space<vmem_shared>>
      tpu.enqueue_indirect_dma source(%dma_start3A_484 : memref<10112x16xf32, #tpu.memory_space<vmem_shared>>) target(%dma_start3A_480 : memref<128x16xf32, #tpu.memory_space<vmem>>) offsets(%dma_start3A_481 : memref<128xi32, #tpu.memory_space<vmem>>) semaphore(%arg15 : memref<!tpu.dma_semaphore, #tpu.memory_space<semaphore_mem>>)
      %dma_wait3A_485 = arith.constant 0 : i32
      %dma_wait3A_486 = arith.constant 0 : i32
      %dma_wait3A_487 = tpu.memref_slice %arg4[%dma_wait3A_485, %dma_wait3A_486] : memref<10112x16xf32, #tpu.memory_space<hbm>> -> memref<768x16xf32, #tpu.memory_space<hbm>>
      %dma_wait3A_488 = arith.constant 0 : i32
      %dma_wait3A_489 = arith.constant 0 : i32
      %dma_wait3A_490 = tpu.memref_slice %arg4[%dma_wait3A_488, %dma_wait3A_489] : memref<10112x16xf32, #tpu.memory_space<hbm>> -> memref<768x16xf32, #tpu.memory_space<hbm>>
      tpu.wait_dma2 semaphore(%arg16 : memref<!tpu.dma_semaphore, #tpu.memory_space<semaphore_mem>>) src(%dma_wait3A_490 : memref<768x16xf32, #tpu.memory_space<hbm>>) dst(%arg11 : memref<768x16xf32, #tpu.memory_space<vmem>>)
      %mul3A_491 = arith.constant 6 : i32
      %mul3A_492 = arith.muli %add3A_398, %mul3A_491 : i32
      %add3A_493 = arith.constant 0 : i32
      %add3A_494 = arith.addi %mul3A_492, %add3A_493 : i32
      %mul3A_495 = arith.constant 128 : i32
      %mul3A_496 = arith.muli %add3A_494, %mul3A_495 : i32
      %dma_start3A_497 = arith.constant 0 : i32
      %dma_start3A_498 = arith.constant 0 : i32
      %dma_start3A_499 = tpu.memref_slice %arg11[%dma_start3A_497, %dma_start3A_498] : memref<768x16xf32, #tpu.memory_space<vmem>> -> memref<128x16xf32, #tpu.memory_space<vmem>>
      %dma_start3A_500 = tpu.memref_slice %arg9[%mul3A_496] : memref<10000xi32, #tpu.memory_space<vmem>> -> memref<128xi32, #tpu.memory_space<vmem>>
      %dma_start3A_501 = arith.constant 0 : i32
      %dma_start3A_502 = arith.constant 0 : i32
      %dma_start3A_503 = tpu.memref_slice %arg7[%dma_start3A_501, %dma_start3A_502] : memref<10112x16xf32, #tpu.memory_space<vmem_shared>> -> memref<10112x16xf32, #tpu.memory_space<vmem_shared>>
      tpu.enqueue_indirect_dma source(%dma_start3A_499 : memref<128x16xf32, #tpu.memory_space<vmem>>) target(%dma_start3A_503 : memref<10112x16xf32, #tpu.memory_space<vmem_shared>>) offsets(%dma_start3A_500 : memref<128xi32, #tpu.memory_space<vmem>>) semaphore(%arg18 : memref<!tpu.dma_semaphore, #tpu.memory_space<semaphore_mem>>) {add = true}
      %mul3A_504 = arith.constant 6 : i32
      %mul3A_505 = arith.muli %add3A_398, %mul3A_504 : i32
      %add3A_506 = arith.constant 1 : i32
      %add3A_507 = arith.addi %mul3A_505, %add3A_506 : i32
      %mul3A_508 = arith.constant 128 : i32
      %mul3A_509 = arith.muli %add3A_507, %mul3A_508 : i32
      %dma_start3A_510 = arith.constant 128 : i32
      %dma_start3A_511 = arith.constant 0 : i32
      %dma_start3A_512 = tpu.memref_slice %arg11[%dma_start3A_510, %dma_start3A_511] : memref<768x16xf32, #tpu.memory_space<vmem>> -> memref<128x16xf32, #tpu.memory_space<vmem>>
      %dma_start3A_513 = tpu.memref_slice %arg9[%mul3A_509] : memref<10000xi32, #tpu.memory_space<vmem>> -> memref<128xi32, #tpu.memory_space<vmem>>
      %dma_start3A_514 = arith.constant 0 : i32
      %dma_start3A_515 = arith.constant 0 : i32
      %dma_start3A_516 = tpu.memref_slice %arg7[%dma_start3A_514, %dma_start3A_515] : memref<10112x16xf32, #tpu.memory_space<vmem_shared>> -> memref<10112x16xf32, #tpu.memory_space<vmem_shared>>
      tpu.enqueue_indirect_dma source(%dma_start3A_512 : memref<128x16xf32, #tpu.memory_space<vmem>>) target(%dma_start3A_516 : memref<10112x16xf32, #tpu.memory_space<vmem_shared>>) offsets(%dma_start3A_513 : memref<128xi32, #tpu.memory_space<vmem>>) semaphore(%arg18 : memref<!tpu.dma_semaphore, #tpu.memory_space<semaphore_mem>>) {add = true}
      %mul3A_517 = arith.constant 6 : i32
      %mul3A_518 = arith.muli %add3A_398, %mul3A_517 : i32
      %add3A_519 = arith.constant 2 : i32
      %add3A_520 = arith.addi %mul3A_518, %add3A_519 : i32
      %mul3A_521 = arith.constant 128 : i32
      %mul3A_522 = arith.muli %add3A_520, %mul3A_521 : i32
      %dma_start3A_523 = arith.constant 256 : i32
      %dma_start3A_524 = arith.constant 0 : i32
      %dma_start3A_525 = tpu.memref_slice %arg11[%dma_start3A_523, %dma_start3A_524] : memref<768x16xf32, #tpu.memory_space<vmem>> -> memref<128x16xf32, #tpu.memory_space<vmem>>
      %dma_start3A_526 = tpu.memref_slice %arg9[%mul3A_522] : memref<10000xi32, #tpu.memory_space<vmem>> -> memref<128xi32, #tpu.memory_space<vmem>>
      %dma_start3A_527 = arith.constant 0 : i32
      %dma_start3A_528 = arith.constant 0 : i32
      %dma_start3A_529 = tpu.memref_slice %arg7[%dma_start3A_527, %dma_start3A_528] : memref<10112x16xf32, #tpu.memory_space<vmem_shared>> -> memref<10112x16xf32, #tpu.memory_space<vmem_shared>>
      tpu.enqueue_indirect_dma source(%dma_start3A_525 : memref<128x16xf32, #tpu.memory_space<vmem>>) target(%dma_start3A_529 : memref<10112x16xf32, #tpu.memory_space<vmem_shared>>) offsets(%dma_start3A_526 : memref<128xi32, #tpu.memory_space<vmem>>) semaphore(%arg18 : memref<!tpu.dma_semaphore, #tpu.memory_space<semaphore_mem>>) {add = true}
      %mul3A_530 = arith.constant 6 : i32
      %mul3A_531 = arith.muli %add3A_398, %mul3A_530 : i32
      %add3A_532 = arith.constant 3 : i32
      %add3A_533 = arith.addi %mul3A_531, %add3A_532 : i32
      %mul3A_534 = arith.constant 128 : i32
      %mul3A_535 = arith.muli %add3A_533, %mul3A_534 : i32
      %dma_start3A_536 = arith.constant 384 : i32
      %dma_start3A_537 = arith.constant 0 : i32
      %dma_start3A_538 = tpu.memref_slice %arg11[%dma_start3A_536, %dma_start3A_537] : memref<768x16xf32, #tpu.memory_space<vmem>> -> memref<128x16xf32, #tpu.memory_space<vmem>>
      %dma_start3A_539 = tpu.memref_slice %arg9[%mul3A_535] : memref<10000xi32, #tpu.memory_space<vmem>> -> memref<128xi32, #tpu.memory_space<vmem>>
      %dma_start3A_540 = arith.constant 0 : i32
      %dma_start3A_541 = arith.constant 0 : i32
      %dma_start3A_542 = tpu.memref_slice %arg7[%dma_start3A_540, %dma_start3A_541] : memref<10112x16xf32, #tpu.memory_space<vmem_shared>> -> memref<10112x16xf32, #tpu.memory_space<vmem_shared>>
      tpu.enqueue_indirect_dma source(%dma_start3A_538 : memref<128x16xf32, #tpu.memory_space<vmem>>) target(%dma_start3A_542 : memref<10112x16xf32, #tpu.memory_space<vmem_shared>>) offsets(%dma_start3A_539 : memref<128xi32, #tpu.memory_space<vmem>>) semaphore(%arg18 : memref<!tpu.dma_semaphore, #tpu.memory_space<semaphore_mem>>) {add = true}
      %mul3A_543 = arith.constant 6 : i32
      %mul3A_544 = arith.muli %add3A_398, %mul3A_543 : i32
      %add3A_545 = arith.constant 4 : i32
      %add3A_546 = arith.addi %mul3A_544, %add3A_545 : i32
      %mul3A_547 = arith.constant 128 : i32
      %mul3A_548 = arith.muli %add3A_546, %mul3A_547 : i32
      %dma_start3A_549 = arith.constant 512 : i32
      %dma_start3A_550 = arith.constant 0 : i32
      %dma_start3A_551 = tpu.memref_slice %arg11[%dma_start3A_549, %dma_start3A_550] : memref<768x16xf32, #tpu.memory_space<vmem>> -> memref<128x16xf32, #tpu.memory_space<vmem>>
      %dma_start3A_552 = tpu.memref_slice %arg9[%mul3A_548] : memref<10000xi32, #tpu.memory_space<vmem>> -> memref<128xi32, #tpu.memory_space<vmem>>
      %dma_start3A_553 = arith.constant 0 : i32
      %dma_start3A_554 = arith.constant 0 : i32
      %dma_start3A_555 = tpu.memref_slice %arg7[%dma_start3A_553, %dma_start3A_554] : memref<10112x16xf32, #tpu.memory_space<vmem_shared>> -> memref<10112x16xf32, #tpu.memory_space<vmem_shared>>
      tpu.enqueue_indirect_dma source(%dma_start3A_551 : memref<128x16xf32, #tpu.memory_space<vmem>>) target(%dma_start3A_555 : memref<10112x16xf32, #tpu.memory_space<vmem_shared>>) offsets(%dma_start3A_552 : memref<128xi32, #tpu.memory_space<vmem>>) semaphore(%arg18 : memref<!tpu.dma_semaphore, #tpu.memory_space<semaphore_mem>>) {add = true}
      %mul3A_556 = arith.constant 6 : i32
      %mul3A_557 = arith.muli %add3A_398, %mul3A_556 : i32
      %add3A_558 = arith.constant 5 : i32
      %add3A_559 = arith.addi %mul3A_557, %add3A_558 : i32
      %mul3A_560 = arith.constant 128 : i32
      %mul3A_561 = arith.muli %add3A_559, %mul3A_560 : i32
      %dma_start3A_562 = arith.constant 640 : i32
      %dma_start3A_563 = arith.constant 0 : i32
      %dma_start3A_564 = tpu.memref_slice %arg11[%dma_start3A_562, %dma_start3A_563] : memref<768x16xf32, #tpu.memory_space<vmem>> -> memref<128x16xf32, #tpu.memory_space<vmem>>
      %dma_start3A_565 = tpu.memref_slice %arg9[%mul3A_561] : memref<10000xi32, #tpu.memory_space<vmem>> -> memref<128xi32, #tpu.memory_space<vmem>>
      %dma_start3A_566 = arith.constant 0 : i32
      %dma_start3A_567 = arith.constant 0 : i32
      %dma_start3A_568 = tpu.memref_slice %arg7[%dma_start3A_566, %dma_start3A_567] : memref<10112x16xf32, #tpu.memory_space<vmem_shared>> -> memref<10112x16xf32, #tpu.memory_space<vmem_shared>>
      tpu.enqueue_indirect_dma source(%dma_start3A_564 : memref<128x16xf32, #tpu.memory_space<vmem>>) target(%dma_start3A_568 : memref<10112x16xf32, #tpu.memory_space<vmem_shared>>) offsets(%dma_start3A_565 : memref<128xi32, #tpu.memory_space<vmem>>) semaphore(%arg18 : memref<!tpu.dma_semaphore, #tpu.memory_space<semaphore_mem>>) {add = true}
      %dma_wait3A_569 = arith.constant 0 : i32
      %dma_wait3A_570 = arith.constant 0 : i32
      %dma_wait3A_571 = tpu.memref_slice %arg4[%dma_wait3A_569, %dma_wait3A_570] : memref<10112x16xf32, #tpu.memory_space<hbm>> -> memref<768x16xf32, #tpu.memory_space<hbm>>
      %dma_wait3A_572 = arith.constant 0 : i32
      %dma_wait3A_573 = arith.constant 0 : i32
      %dma_wait3A_574 = tpu.memref_slice %arg4[%dma_wait3A_572, %dma_wait3A_573] : memref<10112x16xf32, #tpu.memory_space<hbm>> -> memref<768x16xf32, #tpu.memory_space<hbm>>
      tpu.wait_dma2 semaphore(%arg15 : memref<!tpu.dma_semaphore, #tpu.memory_space<semaphore_mem>>) src(%dma_wait3A_574 : memref<768x16xf32, #tpu.memory_space<hbm>>) dst(%arg10 : memref<768x16xf32, #tpu.memory_space<vmem>>)
      %add3A_575 = arith.constant 1 : i32
      %add3A_576 = arith.addi %add3A_398, %add3A_575 : i32
      %mul3A_577 = arith.constant 6 : i32
      %mul3A_578 = arith.muli %add3A_576, %mul3A_577 : i32
      %add3A_579 = arith.constant 0 : i32
      %add3A_580 = arith.addi %mul3A_578, %add3A_579 : i32
      %mul3A_581 = arith.constant 128 : i32
      %mul3A_582 = arith.muli %add3A_580, %mul3A_581 : i32
      %dma_start3A_583 = arith.constant 0 : i32
      %dma_start3A_584 = arith.constant 0 : i32
      %dma_start3A_585 = tpu.memref_slice %arg10[%dma_start3A_583, %dma_start3A_584] : memref<768x16xf32, #tpu.memory_space<vmem>> -> memref<128x16xf32, #tpu.memory_space<vmem>>
      %dma_start3A_586 = tpu.memref_slice %arg9[%mul3A_582] : memref<10000xi32, #tpu.memory_space<vmem>> -> memref<128xi32, #tpu.memory_space<vmem>>
      %dma_start3A_587 = arith.constant 0 : i32
      %dma_start3A_588 = arith.constant 0 : i32
      %dma_start3A_589 = tpu.memref_slice %arg7[%dma_start3A_587, %dma_start3A_588] : memref<10112x16xf32, #tpu.memory_space<vmem_shared>> -> memref<10112x16xf32, #tpu.memory_space<vmem_shared>>
      tpu.enqueue_indirect_dma source(%dma_start3A_585 : memref<128x16xf32, #tpu.memory_space<vmem>>) target(%dma_start3A_589 : memref<10112x16xf32, #tpu.memory_space<vmem_shared>>) offsets(%dma_start3A_586 : memref<128xi32, #tpu.memory_space<vmem>>) semaphore(%arg17 : memref<!tpu.dma_semaphore, #tpu.memory_space<semaphore_mem>>) {add = true}
      %mul3A_590 = arith.constant 6 : i32
      %mul3A_591 = arith.muli %add3A_576, %mul3A_590 : i32
      %add3A_592 = arith.constant 1 : i32
      %add3A_593 = arith.addi %mul3A_591, %add3A_592 : i32
      %mul3A_594 = arith.constant 128 : i32
      %mul3A_595 = arith.muli %add3A_593, %mul3A_594 : i32
      %dma_start3A_596 = arith.constant 128 : i32
      %dma_start3A_597 = arith.constant 0 : i32
      %dma_start3A_598 = tpu.memref_slice %arg10[%dma_start3A_596, %dma_start3A_597] : memref<768x16xf32, #tpu.memory_space<vmem>> -> memref<128x16xf32, #tpu.memory_space<vmem>>
      %dma_start3A_599 = tpu.memref_slice %arg9[%mul3A_595] : memref<10000xi32, #tpu.memory_space<vmem>> -> memref<128xi32, #tpu.memory_space<vmem>>
      %dma_start3A_600 = arith.constant 0 : i32
      %dma_start3A_601 = arith.constant 0 : i32
      %dma_start3A_602 = tpu.memref_slice %arg7[%dma_start3A_600, %dma_start3A_601] : memref<10112x16xf32, #tpu.memory_space<vmem_shared>> -> memref<10112x16xf32, #tpu.memory_space<vmem_shared>>
      tpu.enqueue_indirect_dma source(%dma_start3A_598 : memref<128x16xf32, #tpu.memory_space<vmem>>) target(%dma_start3A_602 : memref<10112x16xf32, #tpu.memory_space<vmem_shared>>) offsets(%dma_start3A_599 : memref<128xi32, #tpu.memory_space<vmem>>) semaphore(%arg17 : memref<!tpu.dma_semaphore, #tpu.memory_space<semaphore_mem>>) {add = true}
      %mul3A_603 = arith.constant 6 : i32
      %mul3A_604 = arith.muli %add3A_576, %mul3A_603 : i32
      %add3A_605 = arith.constant 2 : i32
      %add3A_606 = arith.addi %mul3A_604, %add3A_605 : i32
      %mul3A_607 = arith.constant 128 : i32
      %mul3A_608 = arith.muli %add3A_606, %mul3A_607 : i32
      %dma_start3A_609 = arith.constant 256 : i32
      %dma_start3A_610 = arith.constant 0 : i32
      %dma_start3A_611 = tpu.memref_slice %arg10[%dma_start3A_609, %dma_start3A_610] : memref<768x16xf32, #tpu.memory_space<vmem>> -> memref<128x16xf32, #tpu.memory_space<vmem>>
      %dma_start3A_612 = tpu.memref_slice %arg9[%mul3A_608] : memref<10000xi32, #tpu.memory_space<vmem>> -> memref<128xi32, #tpu.memory_space<vmem>>
      %dma_start3A_613 = arith.constant 0 : i32
      %dma_start3A_614 = arith.constant 0 : i32
      %dma_start3A_615 = tpu.memref_slice %arg7[%dma_start3A_613, %dma_start3A_614] : memref<10112x16xf32, #tpu.memory_space<vmem_shared>> -> memref<10112x16xf32, #tpu.memory_space<vmem_shared>>
      tpu.enqueue_indirect_dma source(%dma_start3A_611 : memref<128x16xf32, #tpu.memory_space<vmem>>) target(%dma_start3A_615 : memref<10112x16xf32, #tpu.memory_space<vmem_shared>>) offsets(%dma_start3A_612 : memref<128xi32, #tpu.memory_space<vmem>>) semaphore(%arg17 : memref<!tpu.dma_semaphore, #tpu.memory_space<semaphore_mem>>) {add = true}
      %mul3A_616 = arith.constant 6 : i32
      %mul3A_617 = arith.muli %add3A_576, %mul3A_616 : i32
      %add3A_618 = arith.constant 3 : i32
      %add3A_619 = arith.addi %mul3A_617, %add3A_618 : i32
      %mul3A_620 = arith.constant 128 : i32
      %mul3A_621 = arith.muli %add3A_619, %mul3A_620 : i32
      %dma_start3A_622 = arith.constant 384 : i32
      %dma_start3A_623 = arith.constant 0 : i32
      %dma_start3A_624 = tpu.memref_slice %arg10[%dma_start3A_622, %dma_start3A_623] : memref<768x16xf32, #tpu.memory_space<vmem>> -> memref<128x16xf32, #tpu.memory_space<vmem>>
      %dma_start3A_625 = tpu.memref_slice %arg9[%mul3A_621] : memref<10000xi32, #tpu.memory_space<vmem>> -> memref<128xi32, #tpu.memory_space<vmem>>
      %dma_start3A_626 = arith.constant 0 : i32
      %dma_start3A_627 = arith.constant 0 : i32
      %dma_start3A_628 = tpu.memref_slice %arg7[%dma_start3A_626, %dma_start3A_627] : memref<10112x16xf32, #tpu.memory_space<vmem_shared>> -> memref<10112x16xf32, #tpu.memory_space<vmem_shared>>
      tpu.enqueue_indirect_dma source(%dma_start3A_624 : memref<128x16xf32, #tpu.memory_space<vmem>>) target(%dma_start3A_628 : memref<10112x16xf32, #tpu.memory_space<vmem_shared>>) offsets(%dma_start3A_625 : memref<128xi32, #tpu.memory_space<vmem>>) semaphore(%arg17 : memref<!tpu.dma_semaphore, #tpu.memory_space<semaphore_mem>>) {add = true}
      %mul3A_629 = arith.constant 6 : i32
      %mul3A_630 = arith.muli %add3A_576, %mul3A_629 : i32
      %add3A_631 = arith.constant 4 : i32
      %add3A_632 = arith.addi %mul3A_630, %add3A_631 : i32
      %mul3A_633 = arith.constant 128 : i32
      %mul3A_634 = arith.muli %add3A_632, %mul3A_633 : i32
      %dma_start3A_635 = arith.constant 512 : i32
      %dma_start3A_636 = arith.constant 0 : i32
      %dma_start3A_637 = tpu.memref_slice %arg10[%dma_start3A_635, %dma_start3A_636] : memref<768x16xf32, #tpu.memory_space<vmem>> -> memref<128x16xf32, #tpu.memory_space<vmem>>
      %dma_start3A_638 = tpu.memref_slice %arg9[%mul3A_634] : memref<10000xi32, #tpu.memory_space<vmem>> -> memref<128xi32, #tpu.memory_space<vmem>>
      %dma_start3A_639 = arith.constant 0 : i32
      %dma_start3A_640 = arith.constant 0 : i32
      %dma_start3A_641 = tpu.memref_slice %arg7[%dma_start3A_639, %dma_start3A_640] : memref<10112x16xf32, #tpu.memory_space<vmem_shared>> -> memref<10112x16xf32, #tpu.memory_space<vmem_shared>>
      tpu.enqueue_indirect_dma source(%dma_start3A_637 : memref<128x16xf32, #tpu.memory_space<vmem>>) target(%dma_start3A_641 : memref<10112x16xf32, #tpu.memory_space<vmem_shared>>) offsets(%dma_start3A_638 : memref<128xi32, #tpu.memory_space<vmem>>) semaphore(%arg17 : memref<!tpu.dma_semaphore, #tpu.memory_space<semaphore_mem>>) {add = true}
      %mul3A_642 = arith.constant 6 : i32
      %mul3A_643 = arith.muli %add3A_576, %mul3A_642 : i32
      %add3A_644 = arith.constant 5 : i32
      %add3A_645 = arith.addi %mul3A_643, %add3A_644 : i32
      %mul3A_646 = arith.constant 128 : i32
      %mul3A_647 = arith.muli %add3A_645, %mul3A_646 : i32
      %dma_start3A_648 = arith.constant 640 : i32
      %dma_start3A_649 = arith.constant 0 : i32
      %dma_start3A_650 = tpu.memref_slice %arg10[%dma_start3A_648, %dma_start3A_649] : memref<768x16xf32, #tpu.memory_space<vmem>> -> memref<128x16xf32, #tpu.memory_space<vmem>>
      %dma_start3A_651 = tpu.memref_slice %arg9[%mul3A_647] : memref<10000xi32, #tpu.memory_space<vmem>> -> memref<128xi32, #tpu.memory_space<vmem>>
      %dma_start3A_652 = arith.constant 0 : i32
      %dma_start3A_653 = arith.constant 0 : i32
      %dma_start3A_654 = tpu.memref_slice %arg7[%dma_start3A_652, %dma_start3A_653] : memref<10112x16xf32, #tpu.memory_space<vmem_shared>> -> memref<10112x16xf32, #tpu.memory_space<vmem_shared>>
      tpu.enqueue_indirect_dma source(%dma_start3A_650 : memref<128x16xf32, #tpu.memory_space<vmem>>) target(%dma_start3A_654 : memref<10112x16xf32, #tpu.memory_space<vmem_shared>>) offsets(%dma_start3A_651 : memref<128xi32, #tpu.memory_space<vmem>>) semaphore(%arg17 : memref<!tpu.dma_semaphore, #tpu.memory_space<semaphore_mem>>) {add = true}
      %dma_wait3A_655 = arith.constant 0 : i32
      %dma_wait3A_656 = arith.constant 0 : i32
      %dma_wait3A_657 = tpu.memref_slice %arg4[%dma_wait3A_655, %dma_wait3A_656] : memref<10112x16xf32, #tpu.memory_space<hbm>> -> memref<768x16xf32, #tpu.memory_space<hbm>>
      %dma_wait3A_658 = arith.constant 0 : i32
      %dma_wait3A_659 = arith.constant 0 : i32
      %dma_wait3A_660 = tpu.memref_slice %arg4[%dma_wait3A_658, %dma_wait3A_659] : memref<10112x16xf32, #tpu.memory_space<hbm>> -> memref<768x16xf32, #tpu.memory_space<hbm>>
      tpu.wait_dma2 semaphore(%arg18 : memref<!tpu.dma_semaphore, #tpu.memory_space<semaphore_mem>>) src(%dma_wait3A_660 : memref<768x16xf32, #tpu.memory_space<hbm>>) dst(%arg11 : memref<768x16xf32, #tpu.memory_space<vmem>>)
      %add3A_661 = arith.constant 2 : i32
      %add3A_662 = arith.addi %add3A_398, %add3A_661 : i32
      %mul3A_663 = arith.constant 6 : i32
      %mul3A_664 = arith.muli %add3A_662, %mul3A_663 : i32
      %add3A_665 = arith.constant 0 : i32
      %add3A_666 = arith.addi %mul3A_664, %add3A_665 : i32
      %mul3A_667 = arith.constant 128 : i32
      %mul3A_668 = arith.muli %add3A_666, %mul3A_667 : i32
      %dma_start3A_669 = arith.constant 0 : i32
      %dma_start3A_670 = arith.constant 0 : i32
      %dma_start3A_671 = tpu.memref_slice %arg11[%dma_start3A_669, %dma_start3A_670] : memref<768x16xf32, #tpu.memory_space<vmem>> -> memref<128x16xf32, #tpu.memory_space<vmem>>
      %dma_start3A_672 = tpu.memref_slice %arg8[%mul3A_668] : memref<10000xi32, #tpu.memory_space<vmem>> -> memref<128xi32, #tpu.memory_space<vmem>>
      %dma_start3A_673 = arith.constant 0 : i32
      %dma_start3A_674 = arith.constant 0 : i32
      %dma_start3A_675 = tpu.memref_slice %arg6[%dma_start3A_673, %dma_start3A_674] : memref<10112x16xf32, #tpu.memory_space<vmem_shared>> -> memref<10112x16xf32, #tpu.memory_space<vmem_shared>>
      tpu.enqueue_indirect_dma source(%dma_start3A_675 : memref<10112x16xf32, #tpu.memory_space<vmem_shared>>) target(%dma_start3A_671 : memref<128x16xf32, #tpu.memory_space<vmem>>) offsets(%dma_start3A_672 : memref<128xi32, #tpu.memory_space<vmem>>) semaphore(%arg16 : memref<!tpu.dma_semaphore, #tpu.memory_space<semaphore_mem>>)
      %mul3A_676 = arith.constant 6 : i32
      %mul3A_677 = arith.muli %add3A_662, %mul3A_676 : i32
      %add3A_678 = arith.constant 1 : i32
      %add3A_679 = arith.addi %mul3A_677, %add3A_678 : i32
      %mul3A_680 = arith.constant 128 : i32
      %mul3A_681 = arith.muli %add3A_679, %mul3A_680 : i32
      %dma_start3A_682 = arith.constant 128 : i32
      %dma_start3A_683 = arith.constant 0 : i32
      %dma_start3A_684 = tpu.memref_slice %arg11[%dma_start3A_682, %dma_start3A_683] : memref<768x16xf32, #tpu.memory_space<vmem>> -> memref<128x16xf32, #tpu.memory_space<vmem>>
      %dma_start3A_685 = tpu.memref_slice %arg8[%mul3A_681] : memref<10000xi32, #tpu.memory_space<vmem>> -> memref<128xi32, #tpu.memory_space<vmem>>
      %dma_start3A_686 = arith.constant 0 : i32
      %dma_start3A_687 = arith.constant 0 : i32
      %dma_start3A_688 = tpu.memref_slice %arg6[%dma_start3A_686, %dma_start3A_687] : memref<10112x16xf32, #tpu.memory_space<vmem_shared>> -> memref<10112x16xf32, #tpu.memory_space<vmem_shared>>
      tpu.enqueue_indirect_dma source(%dma_start3A_688 : memref<10112x16xf32, #tpu.memory_space<vmem_shared>>) target(%dma_start3A_684 : memref<128x16xf32, #tpu.memory_space<vmem>>) offsets(%dma_start3A_685 : memref<128xi32, #tpu.memory_space<vmem>>) semaphore(%arg16 : memref<!tpu.dma_semaphore, #tpu.memory_space<semaphore_mem>>)
      %mul3A_689 = arith.constant 6 : i32
      %mul3A_690 = arith.muli %add3A_662, %mul3A_689 : i32
      %add3A_691 = arith.constant 2 : i32
      %add3A_692 = arith.addi %mul3A_690, %add3A_691 : i32
      %mul3A_693 = arith.constant 128 : i32
      %mul3A_694 = arith.muli %add3A_692, %mul3A_693 : i32
      %dma_start3A_695 = arith.constant 256 : i32
      %dma_start3A_696 = arith.constant 0 : i32
      %dma_start3A_697 = tpu.memref_slice %arg11[%dma_start3A_695, %dma_start3A_696] : memref<768x16xf32, #tpu.memory_space<vmem>> -> memref<128x16xf32, #tpu.memory_space<vmem>>
      %dma_start3A_698 = tpu.memref_slice %arg8[%mul3A_694] : memref<10000xi32, #tpu.memory_space<vmem>> -> memref<128xi32, #tpu.memory_space<vmem>>
      %dma_start3A_699 = arith.constant 0 : i32
      %dma_start3A_700 = arith.constant 0 : i32
      %dma_start3A_701 = tpu.memref_slice %arg6[%dma_start3A_699, %dma_start3A_700] : memref<10112x16xf32, #tpu.memory_space<vmem_shared>> -> memref<10112x16xf32, #tpu.memory_space<vmem_shared>>
      tpu.enqueue_indirect_dma source(%dma_start3A_701 : memref<10112x16xf32, #tpu.memory_space<vmem_shared>>) target(%dma_start3A_697 : memref<128x16xf32, #tpu.memory_space<vmem>>) offsets(%dma_start3A_698 : memref<128xi32, #tpu.memory_space<vmem>>) semaphore(%arg16 : memref<!tpu.dma_semaphore, #tpu.memory_space<semaphore_mem>>)
      %mul3A_702 = arith.constant 6 : i32
      %mul3A_703 = arith.muli %add3A_662, %mul3A_702 : i32
      %add3A_704 = arith.constant 3 : i32
      %add3A_705 = arith.addi %mul3A_703, %add3A_704 : i32
      %mul3A_706 = arith.constant 128 : i32
      %mul3A_707 = arith.muli %add3A_705, %mul3A_706 : i32
      %dma_start3A_708 = arith.constant 384 : i32
      %dma_start3A_709 = arith.constant 0 : i32
      %dma_start3A_710 = tpu.memref_slice %arg11[%dma_start3A_708, %dma_start3A_709] : memref<768x16xf32, #tpu.memory_space<vmem>> -> memref<128x16xf32, #tpu.memory_space<vmem>>
      %dma_start3A_711 = tpu.memref_slice %arg8[%mul3A_707] : memref<10000xi32, #tpu.memory_space<vmem>> -> memref<128xi32, #tpu.memory_space<vmem>>
      %dma_start3A_712 = arith.constant 0 : i32
      %dma_start3A_713 = arith.constant 0 : i32
      %dma_start3A_714 = tpu.memref_slice %arg6[%dma_start3A_712, %dma_start3A_713] : memref<10112x16xf32, #tpu.memory_space<vmem_shared>> -> memref<10112x16xf32, #tpu.memory_space<vmem_shared>>
      tpu.enqueue_indirect_dma source(%dma_start3A_714 : memref<10112x16xf32, #tpu.memory_space<vmem_shared>>) target(%dma_start3A_710 : memref<128x16xf32, #tpu.memory_space<vmem>>) offsets(%dma_start3A_711 : memref<128xi32, #tpu.memory_space<vmem>>) semaphore(%arg16 : memref<!tpu.dma_semaphore, #tpu.memory_space<semaphore_mem>>)
      %mul3A_715 = arith.constant 6 : i32
      %mul3A_716 = arith.muli %add3A_662, %mul3A_715 : i32
      %add3A_717 = arith.constant 4 : i32
      %add3A_718 = arith.addi %mul3A_716, %add3A_717 : i32
      %mul3A_719 = arith.constant 128 : i32
      %mul3A_720 = arith.muli %add3A_718, %mul3A_719 : i32
      %dma_start3A_721 = arith.constant 512 : i32
      %dma_start3A_722 = arith.constant 0 : i32
      %dma_start3A_723 = tpu.memref_slice %arg11[%dma_start3A_721, %dma_start3A_722] : memref<768x16xf32, #tpu.memory_space<vmem>> -> memref<128x16xf32, #tpu.memory_space<vmem>>
      %dma_start3A_724 = tpu.memref_slice %arg8[%mul3A_720] : memref<10000xi32, #tpu.memory_space<vmem>> -> memref<128xi32, #tpu.memory_space<vmem>>
      %dma_start3A_725 = arith.constant 0 : i32
      %dma_start3A_726 = arith.constant 0 : i32
      %dma_start3A_727 = tpu.memref_slice %arg6[%dma_start3A_725, %dma_start3A_726] : memref<10112x16xf32, #tpu.memory_space<vmem_shared>> -> memref<10112x16xf32, #tpu.memory_space<vmem_shared>>
      tpu.enqueue_indirect_dma source(%dma_start3A_727 : memref<10112x16xf32, #tpu.memory_space<vmem_shared>>) target(%dma_start3A_723 : memref<128x16xf32, #tpu.memory_space<vmem>>) offsets(%dma_start3A_724 : memref<128xi32, #tpu.memory_space<vmem>>) semaphore(%arg16 : memref<!tpu.dma_semaphore, #tpu.memory_space<semaphore_mem>>)
      %mul3A_728 = arith.constant 6 : i32
      %mul3A_729 = arith.muli %add3A_662, %mul3A_728 : i32
      %add3A_730 = arith.constant 5 : i32
      %add3A_731 = arith.addi %mul3A_729, %add3A_730 : i32
      %mul3A_732 = arith.constant 128 : i32
      %mul3A_733 = arith.muli %add3A_731, %mul3A_732 : i32
      %dma_start3A_734 = arith.constant 640 : i32
      %dma_start3A_735 = arith.constant 0 : i32
      %dma_start3A_736 = tpu.memref_slice %arg11[%dma_start3A_734, %dma_start3A_735] : memref<768x16xf32, #tpu.memory_space<vmem>> -> memref<128x16xf32, #tpu.memory_space<vmem>>
      %dma_start3A_737 = tpu.memref_slice %arg8[%mul3A_733] : memref<10000xi32, #tpu.memory_space<vmem>> -> memref<128xi32, #tpu.memory_space<vmem>>
      %dma_start3A_738 = arith.constant 0 : i32
      %dma_start3A_739 = arith.constant 0 : i32
      %dma_start3A_740 = tpu.memref_slice %arg6[%dma_start3A_738, %dma_start3A_739] : memref<10112x16xf32, #tpu.memory_space<vmem_shared>> -> memref<10112x16xf32, #tpu.memory_space<vmem_shared>>
      tpu.enqueue_indirect_dma source(%dma_start3A_740 : memref<10112x16xf32, #tpu.memory_space<vmem_shared>>) target(%dma_start3A_736 : memref<128x16xf32, #tpu.memory_space<vmem>>) offsets(%dma_start3A_737 : memref<128xi32, #tpu.memory_space<vmem>>) semaphore(%arg16 : memref<!tpu.dma_semaphore, #tpu.memory_space<semaphore_mem>>)
    }
    %scan3A_201 = arith.constant 5 : i32
    %dma_wait3A_202 = arith.constant 0 : i32
    %dma_wait3A_203 = arith.constant 0 : i32
    %dma_wait3A_204 = tpu.memref_slice %arg4[%dma_wait3A_202, %dma_wait3A_203] : memref<10112x16xf32, #tpu.memory_space<hbm>> -> memref<768x16xf32, #tpu.memory_space<hbm>>
    %dma_wait3A_205 = arith.constant 0 : i32
    %dma_wait3A_206 = arith.constant 0 : i32
    %dma_wait3A_207 = tpu.memref_slice %arg4[%dma_wait3A_205, %dma_wait3A_206] : memref<10112x16xf32, #tpu.memory_space<hbm>> -> memref<768x16xf32, #tpu.memory_space<hbm>>
    tpu.wait_dma2 semaphore(%arg17 : memref<!tpu.dma_semaphore, #tpu.memory_space<semaphore_mem>>) src(%dma_wait3A_207 : memref<768x16xf32, #tpu.memory_space<hbm>>) dst(%arg10 : memref<768x16xf32, #tpu.memory_space<vmem>>)
    %dma_start3A_208 = arith.constant 0 : i32
    %dma_start3A_209 = arith.constant 0 : i32
    %dma_start3A_210 = tpu.memref_slice %arg10[%dma_start3A_208, %dma_start3A_209] : memref<768x16xf32, #tpu.memory_space<vmem>> -> memref<128x16xf32, #tpu.memory_space<vmem>>
    %dma_start3A_211 = arith.constant 9216 : i32
    %dma_start3A_212 = tpu.memref_slice %arg8[%dma_start3A_211] : memref<10000xi32, #tpu.memory_space<vmem>> -> memref<128xi32, #tpu.memory_space<vmem>>
    %dma_start3A_213 = arith.constant 0 : i32
    %dma_start3A_214 = arith.constant 0 : i32
    %dma_start3A_215 = tpu.memref_slice %arg6[%dma_start3A_213, %dma_start3A_214] : memref<10112x16xf32, #tpu.memory_space<vmem_shared>> -> memref<10112x16xf32, #tpu.memory_space<vmem_shared>>
    tpu.enqueue_indirect_dma source(%dma_start3A_215 : memref<10112x16xf32, #tpu.memory_space<vmem_shared>>) target(%dma_start3A_210 : memref<128x16xf32, #tpu.memory_space<vmem>>) offsets(%dma_start3A_212 : memref<128xi32, #tpu.memory_space<vmem>>) semaphore(%arg15 : memref<!tpu.dma_semaphore, #tpu.memory_space<semaphore_mem>>)
    %dma_start3A_216 = arith.constant 128 : i32
    %dma_start3A_217 = arith.constant 0 : i32
    %dma_start3A_218 = tpu.memref_slice %arg10[%dma_start3A_216, %dma_start3A_217] : memref<768x16xf32, #tpu.memory_space<vmem>> -> memref<128x16xf32, #tpu.memory_space<vmem>>
    %dma_start3A_219 = arith.constant 9344 : i32
    %dma_start3A_220 = tpu.memref_slice %arg8[%dma_start3A_219] : memref<10000xi32, #tpu.memory_space<vmem>> -> memref<128xi32, #tpu.memory_space<vmem>>
    %dma_start3A_221 = arith.constant 0 : i32
    %dma_start3A_222 = arith.constant 0 : i32
    %dma_start3A_223 = tpu.memref_slice %arg6[%dma_start3A_221, %dma_start3A_222] : memref<10112x16xf32, #tpu.memory_space<vmem_shared>> -> memref<10112x16xf32, #tpu.memory_space<vmem_shared>>
    tpu.enqueue_indirect_dma source(%dma_start3A_223 : memref<10112x16xf32, #tpu.memory_space<vmem_shared>>) target(%dma_start3A_218 : memref<128x16xf32, #tpu.memory_space<vmem>>) offsets(%dma_start3A_220 : memref<128xi32, #tpu.memory_space<vmem>>) semaphore(%arg15 : memref<!tpu.dma_semaphore, #tpu.memory_space<semaphore_mem>>)
    %dma_start3A_224 = arith.constant 256 : i32
    %dma_start3A_225 = arith.constant 0 : i32
    %dma_start3A_226 = tpu.memref_slice %arg10[%dma_start3A_224, %dma_start3A_225] : memref<768x16xf32, #tpu.memory_space<vmem>> -> memref<128x16xf32, #tpu.memory_space<vmem>>
    %dma_start3A_227 = arith.constant 9472 : i32
    %dma_start3A_228 = tpu.memref_slice %arg8[%dma_start3A_227] : memref<10000xi32, #tpu.memory_space<vmem>> -> memref<128xi32, #tpu.memory_space<vmem>>
    %dma_start3A_229 = arith.constant 0 : i32
    %dma_start3A_230 = arith.constant 0 : i32
    %dma_start3A_231 = tpu.memref_slice %arg6[%dma_start3A_229, %dma_start3A_230] : memref<10112x16xf32, #tpu.memory_space<vmem_shared>> -> memref<10112x16xf32, #tpu.memory_space<vmem_shared>>
    tpu.enqueue_indirect_dma source(%dma_start3A_231 : memref<10112x16xf32, #tpu.memory_space<vmem_shared>>) target(%dma_start3A_226 : memref<128x16xf32, #tpu.memory_space<vmem>>) offsets(%dma_start3A_228 : memref<128xi32, #tpu.memory_space<vmem>>) semaphore(%arg15 : memref<!tpu.dma_semaphore, #tpu.memory_space<semaphore_mem>>)
    %dma_start3A_232 = arith.constant 384 : i32
    %dma_start3A_233 = arith.constant 0 : i32
    %dma_start3A_234 = tpu.memref_slice %arg10[%dma_start3A_232, %dma_start3A_233] : memref<768x16xf32, #tpu.memory_space<vmem>> -> memref<128x16xf32, #tpu.memory_space<vmem>>
    %dma_start3A_235 = arith.constant 9600 : i32
    %dma_start3A_236 = tpu.memref_slice %arg8[%dma_start3A_235] : memref<10000xi32, #tpu.memory_space<vmem>> -> memref<128xi32, #tpu.memory_space<vmem>>
    %dma_start3A_237 = arith.constant 0 : i32
    %dma_start3A_238 = arith.constant 0 : i32
    %dma_start3A_239 = tpu.memref_slice %arg6[%dma_start3A_237, %dma_start3A_238] : memref<10112x16xf32, #tpu.memory_space<vmem_shared>> -> memref<10112x16xf32, #tpu.memory_space<vmem_shared>>
    tpu.enqueue_indirect_dma source(%dma_start3A_239 : memref<10112x16xf32, #tpu.memory_space<vmem_shared>>) target(%dma_start3A_234 : memref<128x16xf32, #tpu.memory_space<vmem>>) offsets(%dma_start3A_236 : memref<128xi32, #tpu.memory_space<vmem>>) semaphore(%arg15 : memref<!tpu.dma_semaphore, #tpu.memory_space<semaphore_mem>>)
    %dma_start3A_240 = arith.constant 512 : i32
    %dma_start3A_241 = arith.constant 0 : i32
    %dma_start3A_242 = tpu.memref_slice %arg10[%dma_start3A_240, %dma_start3A_241] : memref<768x16xf32, #tpu.memory_space<vmem>> -> memref<128x16xf32, #tpu.memory_space<vmem>>
    %dma_start3A_243 = arith.constant 9728 : i32
    %dma_start3A_244 = tpu.memref_slice %arg8[%dma_start3A_243] : memref<10000xi32, #tpu.memory_space<vmem>> -> memref<128xi32, #tpu.memory_space<vmem>>
    %dma_start3A_245 = arith.constant 0 : i32
    %dma_start3A_246 = arith.constant 0 : i32
    %dma_start3A_247 = tpu.memref_slice %arg6[%dma_start3A_245, %dma_start3A_246] : memref<10112x16xf32, #tpu.memory_space<vmem_shared>> -> memref<10112x16xf32, #tpu.memory_space<vmem_shared>>
    tpu.enqueue_indirect_dma source(%dma_start3A_247 : memref<10112x16xf32, #tpu.memory_space<vmem_shared>>) target(%dma_start3A_242 : memref<128x16xf32, #tpu.memory_space<vmem>>) offsets(%dma_start3A_244 : memref<128xi32, #tpu.memory_space<vmem>>) semaphore(%arg15 : memref<!tpu.dma_semaphore, #tpu.memory_space<semaphore_mem>>)
    %dma_start3A_248 = arith.constant 640 : i32
    %dma_start3A_249 = arith.constant 0 : i32
    %dma_start3A_250 = tpu.memref_slice %arg10[%dma_start3A_248, %dma_start3A_249] : memref<768x16xf32, #tpu.memory_space<vmem>> -> memref<128x16xf32, #tpu.memory_space<vmem>>
    %dma_start3A_251 = arith.constant 9856 : i32
    %dma_start3A_252 = tpu.memref_slice %arg8[%dma_start3A_251] : memref<10000xi32, #tpu.memory_space<vmem>> -> memref<128xi32, #tpu.memory_space<vmem>>
    %dma_start3A_253 = arith.constant 0 : i32
    %dma_start3A_254 = arith.constant 0 : i32
    %dma_start3A_255 = tpu.memref_slice %arg6[%dma_start3A_253, %dma_start3A_254] : memref<10112x16xf32, #tpu.memory_space<vmem_shared>> -> memref<10112x16xf32, #tpu.memory_space<vmem_shared>>
    tpu.enqueue_indirect_dma source(%dma_start3A_255 : memref<10112x16xf32, #tpu.memory_space<vmem_shared>>) target(%dma_start3A_250 : memref<128x16xf32, #tpu.memory_space<vmem>>) offsets(%dma_start3A_252 : memref<128xi32, #tpu.memory_space<vmem>>) semaphore(%arg15 : memref<!tpu.dma_semaphore, #tpu.memory_space<semaphore_mem>>)
    %dma_wait3A_256 = arith.constant 0 : i32
    %dma_wait3A_257 = arith.constant 0 : i32
    %dma_wait3A_258 = tpu.memref_slice %arg4[%dma_wait3A_256, %dma_wait3A_257] : memref<10112x16xf32, #tpu.memory_space<hbm>> -> memref<768x16xf32, #tpu.memory_space<hbm>>
    %dma_wait3A_259 = arith.constant 0 : i32
    %dma_wait3A_260 = arith.constant 0 : i32
    %dma_wait3A_261 = tpu.memref_slice %arg4[%dma_wait3A_259, %dma_wait3A_260] : memref<10112x16xf32, #tpu.memory_space<hbm>> -> memref<768x16xf32, #tpu.memory_space<hbm>>
    tpu.wait_dma2 semaphore(%arg16 : memref<!tpu.dma_semaphore, #tpu.memory_space<semaphore_mem>>) src(%dma_wait3A_261 : memref<768x16xf32, #tpu.memory_space<hbm>>) dst(%arg11 : memref<768x16xf32, #tpu.memory_space<vmem>>)
    %dma_start3A_262 = arith.constant 0 : i32
    %dma_start3A_263 = arith.constant 0 : i32
    %dma_start3A_264 = tpu.memref_slice %arg11[%dma_start3A_262, %dma_start3A_263] : memref<768x16xf32, #tpu.memory_space<vmem>> -> memref<128x16xf32, #tpu.memory_space<vmem>>
    %dma_start3A_265 = arith.constant 8448 : i32
    %dma_start3A_266 = tpu.memref_slice %arg9[%dma_start3A_265] : memref<10000xi32, #tpu.memory_space<vmem>> -> memref<128xi32, #tpu.memory_space<vmem>>
    %dma_start3A_267 = arith.constant 0 : i32
    %dma_start3A_268 = arith.constant 0 : i32
    %dma_start3A_269 = tpu.memref_slice %arg7[%dma_start3A_267, %dma_start3A_268] : memref<10112x16xf32, #tpu.memory_space<vmem_shared>> -> memref<10112x16xf32, #tpu.memory_space<vmem_shared>>
    tpu.enqueue_indirect_dma source(%dma_start3A_264 : memref<128x16xf32, #tpu.memory_space<vmem>>) target(%dma_start3A_269 : memref<10112x16xf32, #tpu.memory_space<vmem_shared>>) offsets(%dma_start3A_266 : memref<128xi32, #tpu.memory_space<vmem>>) semaphore(%arg18 : memref<!tpu.dma_semaphore, #tpu.memory_space<semaphore_mem>>) {add = true}
    %dma_start3A_270 = arith.constant 128 : i32
    %dma_start3A_271 = arith.constant 0 : i32
    %dma_start3A_272 = tpu.memref_slice %arg11[%dma_start3A_270, %dma_start3A_271] : memref<768x16xf32, #tpu.memory_space<vmem>> -> memref<128x16xf32, #tpu.memory_space<vmem>>
    %dma_start3A_273 = arith.constant 8576 : i32
    %dma_start3A_274 = tpu.memref_slice %arg9[%dma_start3A_273] : memref<10000xi32, #tpu.memory_space<vmem>> -> memref<128xi32, #tpu.memory_space<vmem>>
    %dma_start3A_275 = arith.constant 0 : i32
    %dma_start3A_276 = arith.constant 0 : i32
    %dma_start3A_277 = tpu.memref_slice %arg7[%dma_start3A_275, %dma_start3A_276] : memref<10112x16xf32, #tpu.memory_space<vmem_shared>> -> memref<10112x16xf32, #tpu.memory_space<vmem_shared>>
    tpu.enqueue_indirect_dma source(%dma_start3A_272 : memref<128x16xf32, #tpu.memory_space<vmem>>) target(%dma_start3A_277 : memref<10112x16xf32, #tpu.memory_space<vmem_shared>>) offsets(%dma_start3A_274 : memref<128xi32, #tpu.memory_space<vmem>>) semaphore(%arg18 : memref<!tpu.dma_semaphore, #tpu.memory_space<semaphore_mem>>) {add = true}
    %dma_start3A_278 = arith.constant 256 : i32
    %dma_start3A_279 = arith.constant 0 : i32
    %dma_start3A_280 = tpu.memref_slice %arg11[%dma_start3A_278, %dma_start3A_279] : memref<768x16xf32, #tpu.memory_space<vmem>> -> memref<128x16xf32, #tpu.memory_space<vmem>>
    %dma_start3A_281 = arith.constant 8704 : i32
    %dma_start3A_282 = tpu.memref_slice %arg9[%dma_start3A_281] : memref<10000xi32, #tpu.memory_space<vmem>> -> memref<128xi32, #tpu.memory_space<vmem>>
    %dma_start3A_283 = arith.constant 0 : i32
    %dma_start3A_284 = arith.constant 0 : i32
    %dma_start3A_285 = tpu.memref_slice %arg7[%dma_start3A_283, %dma_start3A_284] : memref<10112x16xf32, #tpu.memory_space<vmem_shared>> -> memref<10112x16xf32, #tpu.memory_space<vmem_shared>>
    tpu.enqueue_indirect_dma source(%dma_start3A_280 : memref<128x16xf32, #tpu.memory_space<vmem>>) target(%dma_start3A_285 : memref<10112x16xf32, #tpu.memory_space<vmem_shared>>) offsets(%dma_start3A_282 : memref<128xi32, #tpu.memory_space<vmem>>) semaphore(%arg18 : memref<!tpu.dma_semaphore, #tpu.memory_space<semaphore_mem>>) {add = true}
    %dma_start3A_286 = arith.constant 384 : i32
    %dma_start3A_287 = arith.constant 0 : i32
    %dma_start3A_288 = tpu.memref_slice %arg11[%dma_start3A_286, %dma_start3A_287] : memref<768x16xf32, #tpu.memory_space<vmem>> -> memref<128x16xf32, #tpu.memory_space<vmem>>
    %dma_start3A_289 = arith.constant 8832 : i32
    %dma_start3A_290 = tpu.memref_slice %arg9[%dma_start3A_289] : memref<10000xi32, #tpu.memory_space<vmem>> -> memref<128xi32, #tpu.memory_space<vmem>>
    %dma_start3A_291 = arith.constant 0 : i32
    %dma_start3A_292 = arith.constant 0 : i32
    %dma_start3A_293 = tpu.memref_slice %arg7[%dma_start3A_291, %dma_start3A_292] : memref<10112x16xf32, #tpu.memory_space<vmem_shared>> -> memref<10112x16xf32, #tpu.memory_space<vmem_shared>>
    tpu.enqueue_indirect_dma source(%dma_start3A_288 : memref<128x16xf32, #tpu.memory_space<vmem>>) target(%dma_start3A_293 : memref<10112x16xf32, #tpu.memory_space<vmem_shared>>) offsets(%dma_start3A_290 : memref<128xi32, #tpu.memory_space<vmem>>) semaphore(%arg18 : memref<!tpu.dma_semaphore, #tpu.memory_space<semaphore_mem>>) {add = true}
    %dma_start3A_294 = arith.constant 512 : i32
    %dma_start3A_295 = arith.constant 0 : i32
    %dma_start3A_296 = tpu.memref_slice %arg11[%dma_start3A_294, %dma_start3A_295] : memref<768x16xf32, #tpu.memory_space<vmem>> -> memref<128x16xf32, #tpu.memory_space<vmem>>
    %dma_start3A_297 = arith.constant 8960 : i32
    %dma_start3A_298 = tpu.memref_slice %arg9[%dma_start3A_297] : memref<10000xi32, #tpu.memory_space<vmem>> -> memref<128xi32, #tpu.memory_space<vmem>>
    %dma_start3A_299 = arith.constant 0 : i32
    %dma_start3A_300 = arith.constant 0 : i32
    %dma_start3A_301 = tpu.memref_slice %arg7[%dma_start3A_299, %dma_start3A_300] : memref<10112x16xf32, #tpu.memory_space<vmem_shared>> -> memref<10112x16xf32, #tpu.memory_space<vmem_shared>>
    tpu.enqueue_indirect_dma source(%dma_start3A_296 : memref<128x16xf32, #tpu.memory_space<vmem>>) target(%dma_start3A_301 : memref<10112x16xf32, #tpu.memory_space<vmem_shared>>) offsets(%dma_start3A_298 : memref<128xi32, #tpu.memory_space<vmem>>) semaphore(%arg18 : memref<!tpu.dma_semaphore, #tpu.memory_space<semaphore_mem>>) {add = true}
    %dma_start3A_302 = arith.constant 640 : i32
    %dma_start3A_303 = arith.constant 0 : i32
    %dma_start3A_304 = tpu.memref_slice %arg11[%dma_start3A_302, %dma_start3A_303] : memref<768x16xf32, #tpu.memory_space<vmem>> -> memref<128x16xf32, #tpu.memory_space<vmem>>
    %dma_start3A_305 = arith.constant 9088 : i32
    %dma_start3A_306 = tpu.memref_slice %arg9[%dma_start3A_305] : memref<10000xi32, #tpu.memory_space<vmem>> -> memref<128xi32, #tpu.memory_space<vmem>>
    %dma_start3A_307 = arith.constant 0 : i32
    %dma_start3A_308 = arith.constant 0 : i32
    %dma_start3A_309 = tpu.memref_slice %arg7[%dma_start3A_307, %dma_start3A_308] : memref<10112x16xf32, #tpu.memory_space<vmem_shared>> -> memref<10112x16xf32, #tpu.memory_space<vmem_shared>>
    tpu.enqueue_indirect_dma source(%dma_start3A_304 : memref<128x16xf32, #tpu.memory_space<vmem>>) target(%dma_start3A_309 : memref<10112x16xf32, #tpu.memory_space<vmem_shared>>) offsets(%dma_start3A_306 : memref<128xi32, #tpu.memory_space<vmem>>) semaphore(%arg18 : memref<!tpu.dma_semaphore, #tpu.memory_space<semaphore_mem>>) {add = true}
    %dma_wait3A_310 = arith.constant 0 : i32
    %dma_wait3A_311 = arith.constant 0 : i32
    %dma_wait3A_312 = tpu.memref_slice %arg4[%dma_wait3A_310, %dma_wait3A_311] : memref<10112x16xf32, #tpu.memory_space<hbm>> -> memref<768x16xf32, #tpu.memory_space<hbm>>
    %dma_wait3A_313 = arith.constant 0 : i32
    %dma_wait3A_314 = arith.constant 0 : i32
    %dma_wait3A_315 = tpu.memref_slice %arg4[%dma_wait3A_313, %dma_wait3A_314] : memref<10112x16xf32, #tpu.memory_space<hbm>> -> memref<768x16xf32, #tpu.memory_space<hbm>>
    tpu.wait_dma2 semaphore(%arg15 : memref<!tpu.dma_semaphore, #tpu.memory_space<semaphore_mem>>) src(%dma_wait3A_315 : memref<768x16xf32, #tpu.memory_space<hbm>>) dst(%arg10 : memref<768x16xf32, #tpu.memory_space<vmem>>)
    %dma_start3A_316 = arith.constant 0 : i32
    %dma_start3A_317 = arith.constant 0 : i32
    %dma_start3A_318 = tpu.memref_slice %arg10[%dma_start3A_316, %dma_start3A_317] : memref<768x16xf32, #tpu.memory_space<vmem>> -> memref<128x16xf32, #tpu.memory_space<vmem>>
    %dma_start3A_319 = arith.constant 9216 : i32
    %dma_start3A_320 = tpu.memref_slice %arg9[%dma_start3A_319] : memref<10000xi32, #tpu.memory_space<vmem>> -> memref<128xi32, #tpu.memory_space<vmem>>
    %dma_start3A_321 = arith.constant 0 : i32
    %dma_start3A_322 = arith.constant 0 : i32
    %dma_start3A_323 = tpu.memref_slice %arg7[%dma_start3A_321, %dma_start3A_322] : memref<10112x16xf32, #tpu.memory_space<vmem_shared>> -> memref<10112x16xf32, #tpu.memory_space<vmem_shared>>
    tpu.enqueue_indirect_dma source(%dma_start3A_318 : memref<128x16xf32, #tpu.memory_space<vmem>>) target(%dma_start3A_323 : memref<10112x16xf32, #tpu.memory_space<vmem_shared>>) offsets(%dma_start3A_320 : memref<128xi32, #tpu.memory_space<vmem>>) semaphore(%arg17 : memref<!tpu.dma_semaphore, #tpu.memory_space<semaphore_mem>>) {add = true}
    %dma_start3A_324 = arith.constant 128 : i32
    %dma_start3A_325 = arith.constant 0 : i32
    %dma_start3A_326 = tpu.memref_slice %arg10[%dma_start3A_324, %dma_start3A_325] : memref<768x16xf32, #tpu.memory_space<vmem>> -> memref<128x16xf32, #tpu.memory_space<vmem>>
    %dma_start3A_327 = arith.constant 9344 : i32
    %dma_start3A_328 = tpu.memref_slice %arg9[%dma_start3A_327] : memref<10000xi32, #tpu.memory_space<vmem>> -> memref<128xi32, #tpu.memory_space<vmem>>
    %dma_start3A_329 = arith.constant 0 : i32
    %dma_start3A_330 = arith.constant 0 : i32
    %dma_start3A_331 = tpu.memref_slice %arg7[%dma_start3A_329, %dma_start3A_330] : memref<10112x16xf32, #tpu.memory_space<vmem_shared>> -> memref<10112x16xf32, #tpu.memory_space<vmem_shared>>
    tpu.enqueue_indirect_dma source(%dma_start3A_326 : memref<128x16xf32, #tpu.memory_space<vmem>>) target(%dma_start3A_331 : memref<10112x16xf32, #tpu.memory_space<vmem_shared>>) offsets(%dma_start3A_328 : memref<128xi32, #tpu.memory_space<vmem>>) semaphore(%arg17 : memref<!tpu.dma_semaphore, #tpu.memory_space<semaphore_mem>>) {add = true}
    %dma_start3A_332 = arith.constant 256 : i32
    %dma_start3A_333 = arith.constant 0 : i32
    %dma_start3A_334 = tpu.memref_slice %arg10[%dma_start3A_332, %dma_start3A_333] : memref<768x16xf32, #tpu.memory_space<vmem>> -> memref<128x16xf32, #tpu.memory_space<vmem>>
    %dma_start3A_335 = arith.constant 9472 : i32
    %dma_start3A_336 = tpu.memref_slice %arg9[%dma_start3A_335] : memref<10000xi32, #tpu.memory_space<vmem>> -> memref<128xi32, #tpu.memory_space<vmem>>
    %dma_start3A_337 = arith.constant 0 : i32
    %dma_start3A_338 = arith.constant 0 : i32
    %dma_start3A_339 = tpu.memref_slice %arg7[%dma_start3A_337, %dma_start3A_338] : memref<10112x16xf32, #tpu.memory_space<vmem_shared>> -> memref<10112x16xf32, #tpu.memory_space<vmem_shared>>
    tpu.enqueue_indirect_dma source(%dma_start3A_334 : memref<128x16xf32, #tpu.memory_space<vmem>>) target(%dma_start3A_339 : memref<10112x16xf32, #tpu.memory_space<vmem_shared>>) offsets(%dma_start3A_336 : memref<128xi32, #tpu.memory_space<vmem>>) semaphore(%arg17 : memref<!tpu.dma_semaphore, #tpu.memory_space<semaphore_mem>>) {add = true}
    %dma_start3A_340 = arith.constant 384 : i32
    %dma_start3A_341 = arith.constant 0 : i32
    %dma_start3A_342 = tpu.memref_slice %arg10[%dma_start3A_340, %dma_start3A_341] : memref<768x16xf32, #tpu.memory_space<vmem>> -> memref<128x16xf32, #tpu.memory_space<vmem>>
    %dma_start3A_343 = arith.constant 9600 : i32
    %dma_start3A_344 = tpu.memref_slice %arg9[%dma_start3A_343] : memref<10000xi32, #tpu.memory_space<vmem>> -> memref<128xi32, #tpu.memory_space<vmem>>
    %dma_start3A_345 = arith.constant 0 : i32
    %dma_start3A_346 = arith.constant 0 : i32
    %dma_start3A_347 = tpu.memref_slice %arg7[%dma_start3A_345, %dma_start3A_346] : memref<10112x16xf32, #tpu.memory_space<vmem_shared>> -> memref<10112x16xf32, #tpu.memory_space<vmem_shared>>
    tpu.enqueue_indirect_dma source(%dma_start3A_342 : memref<128x16xf32, #tpu.memory_space<vmem>>) target(%dma_start3A_347 : memref<10112x16xf32, #tpu.memory_space<vmem_shared>>) offsets(%dma_start3A_344 : memref<128xi32, #tpu.memory_space<vmem>>) semaphore(%arg17 : memref<!tpu.dma_semaphore, #tpu.memory_space<semaphore_mem>>) {add = true}
    %dma_start3A_348 = arith.constant 512 : i32
    %dma_start3A_349 = arith.constant 0 : i32
    %dma_start3A_350 = tpu.memref_slice %arg10[%dma_start3A_348, %dma_start3A_349] : memref<768x16xf32, #tpu.memory_space<vmem>> -> memref<128x16xf32, #tpu.memory_space<vmem>>
    %dma_start3A_351 = arith.constant 9728 : i32
    %dma_start3A_352 = tpu.memref_slice %arg9[%dma_start3A_351] : memref<10000xi32, #tpu.memory_space<vmem>> -> memref<128xi32, #tpu.memory_space<vmem>>
    %dma_start3A_353 = arith.constant 0 : i32
    %dma_start3A_354 = arith.constant 0 : i32
    %dma_start3A_355 = tpu.memref_slice %arg7[%dma_start3A_353, %dma_start3A_354] : memref<10112x16xf32, #tpu.memory_space<vmem_shared>> -> memref<10112x16xf32, #tpu.memory_space<vmem_shared>>
    tpu.enqueue_indirect_dma source(%dma_start3A_350 : memref<128x16xf32, #tpu.memory_space<vmem>>) target(%dma_start3A_355 : memref<10112x16xf32, #tpu.memory_space<vmem_shared>>) offsets(%dma_start3A_352 : memref<128xi32, #tpu.memory_space<vmem>>) semaphore(%arg17 : memref<!tpu.dma_semaphore, #tpu.memory_space<semaphore_mem>>) {add = true}
    %dma_start3A_356 = arith.constant 640 : i32
    %dma_start3A_357 = arith.constant 0 : i32
    %dma_start3A_358 = tpu.memref_slice %arg10[%dma_start3A_356, %dma_start3A_357] : memref<768x16xf32, #tpu.memory_space<vmem>> -> memref<128x16xf32, #tpu.memory_space<vmem>>
    %dma_start3A_359 = arith.constant 9856 : i32
    %dma_start3A_360 = tpu.memref_slice %arg9[%dma_start3A_359] : memref<10000xi32, #tpu.memory_space<vmem>> -> memref<128xi32, #tpu.memory_space<vmem>>
    %dma_start3A_361 = arith.constant 0 : i32
    %dma_start3A_362 = arith.constant 0 : i32
    %dma_start3A_363 = tpu.memref_slice %arg7[%dma_start3A_361, %dma_start3A_362] : memref<10112x16xf32, #tpu.memory_space<vmem_shared>> -> memref<10112x16xf32, #tpu.memory_space<vmem_shared>>
    tpu.enqueue_indirect_dma source(%dma_start3A_358 : memref<128x16xf32, #tpu.memory_space<vmem>>) target(%dma_start3A_363 : memref<10112x16xf32, #tpu.memory_space<vmem_shared>>) offsets(%dma_start3A_360 : memref<128xi32, #tpu.memory_space<vmem>>) semaphore(%arg17 : memref<!tpu.dma_semaphore, #tpu.memory_space<semaphore_mem>>) {add = true}
    %dma_start3A_364 = arith.constant 9984 : i32
    %dma_start3A_365 = tpu.memref_slice %arg8[%dma_start3A_364] : memref<10000xi32, #tpu.memory_space<vmem>> -> memref<16xi32, #tpu.memory_space<vmem>>
    %dma_start3A_366 = arith.constant 0 : i32
    %dma_start3A_367 = arith.constant 0 : i32
    %dma_start3A_368 = tpu.memref_slice %arg6[%dma_start3A_366, %dma_start3A_367] : memref<10112x16xf32, #tpu.memory_space<vmem_shared>> -> memref<10112x16xf32, #tpu.memory_space<vmem_shared>>
    tpu.enqueue_indirect_dma source(%dma_start3A_368 : memref<10112x16xf32, #tpu.memory_space<vmem_shared>>) target(%arg12 : memref<16x16xf32, #tpu.memory_space<vmem>>) offsets(%dma_start3A_365 : memref<16xi32, #tpu.memory_space<vmem>>) semaphore(%arg16 : memref<!tpu.dma_semaphore, #tpu.memory_space<semaphore_mem>>)
    %dma_wait3A_369 = arith.constant 9984 : i32
    %dma_wait3A_370 = tpu.memref_slice %arg8[%dma_wait3A_369] : memref<10000xi32, #tpu.memory_space<vmem>> -> memref<16xi32, #tpu.memory_space<vmem>>
    %dma_wait3A_371 = arith.constant 0 : i32
    %dma_wait3A_372 = arith.constant 0 : i32
    %dma_wait3A_373 = tpu.memref_slice %arg6[%dma_wait3A_371, %dma_wait3A_372] : memref<10112x16xf32, #tpu.memory_space<vmem_shared>> -> memref<10112x16xf32, #tpu.memory_space<vmem_shared>>
    tpu.wait_indirect_dma semaphore(%arg16 : memref<!tpu.dma_semaphore, #tpu.memory_space<semaphore_mem>>) src(%dma_wait3A_373 : memref<10112x16xf32, #tpu.memory_space<vmem_shared>>) dst(%arg12 : memref<16x16xf32, #tpu.memory_space<vmem>>)
    "tpu.region"() ({
      %run_scoped3A = tpu.sem_alloc : memref<!tpu.dma_semaphore, #tpu.memory_space<semaphore_mem>>
      %dma_start3A_394 = arith.constant 9984 : i32
      %dma_start3A_395 = tpu.memref_slice %arg9[%dma_start3A_394] : memref<10000xi32, #tpu.memory_space<vmem>> -> memref<16xi32, #tpu.memory_space<vmem>>
      %dma_start3A_396 = arith.constant 0 : i32
      %dma_start3A_397 = arith.constant 0 : i32
      %dma_start3A_398 = tpu.memref_slice %arg7[%dma_start3A_396, %dma_start3A_397] : memref<10112x16xf32, #tpu.memory_space<vmem_shared>> -> memref<10112x16xf32, #tpu.memory_space<vmem_shared>>
      tpu.enqueue_indirect_dma source(%arg12 : memref<16x16xf32, #tpu.memory_space<vmem>>) target(%dma_start3A_398 : memref<10112x16xf32, #tpu.memory_space<vmem_shared>>) offsets(%dma_start3A_395 : memref<16xi32, #tpu.memory_space<vmem>>) semaphore(%run_scoped3A : memref<!tpu.dma_semaphore, #tpu.memory_space<semaphore_mem>>) {add = true}
      %dma_wait3A_399 = arith.constant 9984 : i32
      %dma_wait3A_400 = tpu.memref_slice %arg9[%dma_wait3A_399] : memref<10000xi32, #tpu.memory_space<vmem>> -> memref<16xi32, #tpu.memory_space<vmem>>
      %dma_wait3A_401 = arith.constant 0 : i32
      %dma_wait3A_402 = arith.constant 0 : i32
      %dma_wait3A_403 = tpu.memref_slice %arg7[%dma_wait3A_401, %dma_wait3A_402] : memref<10112x16xf32, #tpu.memory_space<vmem_shared>> -> memref<10112x16xf32, #tpu.memory_space<vmem_shared>>
      tpu.wait_indirect_dma semaphore(%run_scoped3A : memref<!tpu.dma_semaphore, #tpu.memory_space<semaphore_mem>>) src(%arg12 : memref<16x16xf32, #tpu.memory_space<vmem>>) dst(%dma_wait3A_403 : memref<10112x16xf32, #tpu.memory_space<vmem_shared>>)
      tpu.yield
    }) : () -> ()
    %dma_wait3A_374 = arith.constant 0 : i32
    %dma_wait3A_375 = arith.constant 0 : i32
    %dma_wait3A_376 = tpu.memref_slice %arg4[%dma_wait3A_374, %dma_wait3A_375] : memref<10112x16xf32, #tpu.memory_space<hbm>> -> memref<768x16xf32, #tpu.memory_space<hbm>>
    %dma_wait3A_377 = arith.constant 0 : i32
    %dma_wait3A_378 = arith.constant 0 : i32
    %dma_wait3A_379 = tpu.memref_slice %arg4[%dma_wait3A_377, %dma_wait3A_378] : memref<10112x16xf32, #tpu.memory_space<hbm>> -> memref<768x16xf32, #tpu.memory_space<hbm>>
    tpu.wait_dma2 semaphore(%arg18 : memref<!tpu.dma_semaphore, #tpu.memory_space<semaphore_mem>>) src(%dma_wait3A_379 : memref<768x16xf32, #tpu.memory_space<hbm>>) dst(%arg11 : memref<768x16xf32, #tpu.memory_space<vmem>>)
    %dma_wait3A_380 = arith.constant 0 : i32
    %dma_wait3A_381 = arith.constant 0 : i32
    %dma_wait3A_382 = tpu.memref_slice %arg4[%dma_wait3A_380, %dma_wait3A_381] : memref<10112x16xf32, #tpu.memory_space<hbm>> -> memref<768x16xf32, #tpu.memory_space<hbm>>
    %dma_wait3A_383 = arith.constant 0 : i32
    %dma_wait3A_384 = arith.constant 0 : i32
    %dma_wait3A_385 = tpu.memref_slice %arg4[%dma_wait3A_383, %dma_wait3A_384] : memref<10112x16xf32, #tpu.memory_space<hbm>> -> memref<768x16xf32, #tpu.memory_space<hbm>>
    tpu.wait_dma2 semaphore(%arg17 : memref<!tpu.dma_semaphore, #tpu.memory_space<semaphore_mem>>) src(%dma_wait3A_385 : memref<768x16xf32, #tpu.memory_space<hbm>>) dst(%arg10 : memref<768x16xf32, #tpu.memory_space<vmem>>)
    %barrier3A_386 = arith.constant 0 : index
    tpu.barrier barrier_id(%barrier3A_386)
    %mul3A_387 = arith.constant 632 : i32
    %mul3A_388 = arith.muli %arg1, %mul3A_387 : i32
    %mul3A_389 = arith.constant 10112 : i32
    %mul3A_390 = arith.muli %arg0, %mul3A_389 : i32
    %mul3A_391 = arith.constant 632 : i32
    %mul3A_392 = arith.muli %arg1, %mul3A_391 : i32
    %add3A_393 = arith.addi %mul3A_390, %mul3A_392 : i32
    "tpu.region"() ({
      %run_scoped3A = tpu.sem_alloc : memref<!tpu.dma_semaphore, #tpu.memory_space<semaphore_mem>>
      %dma_start3A_394 = arith.constant 0 : i32
      %dma_start3A_395 = tpu.memref_slice %arg5[%add3A_393, %dma_start3A_394] : memref<20224x16xf32, #tpu.memory_space<hbm>> -> memref<632x16xf32, #tpu.memory_space<hbm>>
      %dma_start3A_396 = arith.constant 0 : i32
      %dma_start3A_397 = tpu.memref_slice %arg7[%mul3A_388, %dma_start3A_396] : memref<10112x16xf32, #tpu.memory_space<vmem_shared>> -> memref<632x16xf32, #tpu.memory_space<vmem_shared>>
      tpu.enqueue_dma source(%dma_start3A_397 : memref<632x16xf32, #tpu.memory_space<vmem_shared>>) target(%dma_start3A_395 : memref<632x16xf32, #tpu.memory_space<hbm>>) target_semaphore(%run_scoped3A : memref<!tpu.dma_semaphore, #tpu.memory_space<semaphore_mem>>)
      %dma_wait3A_398 = arith.constant 0 : i32
      %dma_wait3A_399 = tpu.memref_slice %arg5[%add3A_393, %dma_wait3A_398] : memref<20224x16xf32, #tpu.memory_space<hbm>> -> memref<632x16xf32, #tpu.memory_space<hbm>>
      %dma_wait3A_400 = arith.constant 0 : i32
      %dma_wait3A_401 = tpu.memref_slice %arg7[%mul3A_388, %dma_wait3A_400] : memref<10112x16xf32, #tpu.memory_space<vmem_shared>> -> memref<632x16xf32, #tpu.memory_space<vmem_shared>>
      tpu.wait_dma2 semaphore(%run_scoped3A : memref<!tpu.dma_semaphore, #tpu.memory_space<semaphore_mem>>) src(%dma_wait3A_401 : memref<632x16xf32, #tpu.memory_space<vmem_shared>>) dst(%dma_wait3A_399 : memref<632x16xf32, #tpu.memory_space<hbm>>)
      tpu.yield
    }) : () -> ()
    return
  }
}

#map = affine_map<(d0, d1) -> (0, 0)>
#map1 = affine_map<(d0, d1) -> (0)>
module attributes {stable_mosaic.version = 14 : i64} {
  func.func @spmm(%arg0: i32, %arg1: i32, %arg2: memref<10000x16xf32, #tpu.memory_space<hbm>>, %arg3: memref<640000xi32, #tpu.memory_space<hbm>>, %arg4: memref<10112x16xf32, #tpu.memory_space<hbm>>, %arg5: memref<20224x16xf32, #tpu.memory_space<hbm>>, %arg6: memref<10000x16xf32, #tpu.memory_space<vmem_shared>>, %arg7: memref<10112x16xf32, #tpu.memory_space<vmem_shared>>, %arg8: memref<10000xi32, #tpu.memory_space<vmem>>, %arg9: memref<10000xi32, #tpu.memory_space<vmem>>, %arg10: memref<768x16xf32, #tpu.memory_space<vmem>>, %arg11: memref<768x16xf32, #tpu.memory_space<vmem>>, %arg12: memref<16x16xf32, #tpu.memory_space<vmem>>, %arg13: memref<632x16xf32, #tpu.memory_space<vmem>>, %arg14: memref<632x16xf32, #tpu.memory_space<vmem>>, %arg15: memref<!tpu.dma_semaphore, #tpu.memory_space<semaphore_mem>>, %arg16: memref<!tpu.dma_semaphore, #tpu.memory_space<semaphore_mem>>, %arg17: memref<!tpu.dma_semaphore, #tpu.memory_space<semaphore_mem>>, %arg18: memref<!tpu.dma_semaphore, #tpu.memory_space<semaphore_mem>>) attributes {dimension_semantics = [#tpu.dimension_semantics<core_parallel>, #tpu.dimension_semantics<subcore_parallel>], iteration_bounds = array<i64: 2, 16>, scalar_prefetch = 0 : i64, scratch_operands = 13 : i64, tpu.core_type = #tpu.core_type<sc_vector_subcore>, window_params = [{transform_indices = #map}, {transform_indices = #map1}, {transform_indices = #map}, {transform_indices = #map}]} {
    %mul3A = arith.constant 2 : i32
    %mul3A_0 = arith.muli %arg1, %mul3A : i32
    %add3A = arith.addi %mul3A_0, %arg0 : i32
    %mul3A_1 = arith.constant 632 : i32
    %mul3A_2 = arith.muli %arg1, %mul3A_1 : i32
    %mul3A_3 = arith.constant 632 : i32
    %mul3A_4 = arith.muli %arg1, %mul3A_3 : i32
    %dma_start3A = arith.constant 0 : i32
    %dma_start3A_5 = tpu.memref_slice %arg7[%mul3A_4, %dma_start3A] : memref<10112x16xf32, #tpu.memory_space<vmem_shared>> -> memref<632x16xf32, #tpu.memory_space<vmem_shared>>
    %dma_start3A_6 = arith.constant 0 : i32
    %dma_start3A_7 = tpu.memref_slice %arg4[%mul3A_2, %dma_start3A_6] : memref<10112x16xf32, #tpu.memory_space<hbm>> -> memref<632x16xf32, #tpu.memory_space<hbm>>
    tpu.enqueue_dma source(%dma_start3A_7 : memref<632x16xf32, #tpu.memory_space<hbm>>) target(%dma_start3A_5 : memref<632x16xf32, #tpu.memory_space<vmem_shared>>) target_semaphore(%arg17 : memref<!tpu.dma_semaphore, #tpu.memory_space<semaphore_mem>>)
    %mul3A_8 = arith.constant 625 : i32
    %mul3A_9 = arith.muli %arg1, %mul3A_8 : i32
    %mul3A_10 = arith.constant 625 : i32
    %mul3A_11 = arith.muli %arg1, %mul3A_10 : i32
    %dma_start3A_12 = arith.constant 0 : i32
    %dma_start3A_13 = tpu.memref_slice %arg6[%mul3A_11, %dma_start3A_12] : memref<10000x16xf32, #tpu.memory_space<vmem_shared>> -> memref<625x16xf32, #tpu.memory_space<vmem_shared>>
    %dma_start3A_14 = arith.constant 0 : i32
    %dma_start3A_15 = tpu.memref_slice %arg2[%mul3A_9, %dma_start3A_14] : memref<10000x16xf32, #tpu.memory_space<hbm>> -> memref<625x16xf32, #tpu.memory_space<hbm>>
    tpu.enqueue_dma source(%dma_start3A_15 : memref<625x16xf32, #tpu.memory_space<hbm>>) target(%dma_start3A_13 : memref<625x16xf32, #tpu.memory_space<vmem_shared>>) target_semaphore(%arg15 : memref<!tpu.dma_semaphore, #tpu.memory_space<semaphore_mem>>)
    %mul3A_16 = arith.constant 10000 : i32
    %mul3A_17 = arith.muli %add3A, %mul3A_16 : i32
    "tpu.region"() ({
      %run_scoped3A = tpu.sem_alloc : memref<!tpu.dma_semaphore, #tpu.memory_space<semaphore_mem>>
      %dma_start3A_376 = tpu.memref_slice %arg3[%mul3A_17] : memref<640000xi32, #tpu.memory_space<hbm>> -> memref<10000xi32, #tpu.memory_space<hbm>>
      %dma_start3A_377 = tpu.memref_slice %arg3[%mul3A_17] : memref<640000xi32, #tpu.memory_space<hbm>> -> memref<10000xi32, #tpu.memory_space<hbm>>
      tpu.enqueue_dma source(%dma_start3A_377 : memref<10000xi32, #tpu.memory_space<hbm>>) target(%arg8 : memref<10000xi32, #tpu.memory_space<vmem>>) target_semaphore(%run_scoped3A : memref<!tpu.dma_semaphore, #tpu.memory_space<semaphore_mem>>)
      %dma_wait3A_378 = tpu.memref_slice %arg3[%mul3A_17] : memref<640000xi32, #tpu.memory_space<hbm>> -> memref<10000xi32, #tpu.memory_space<hbm>>
      %dma_wait3A_379 = tpu.memref_slice %arg3[%mul3A_17] : memref<640000xi32, #tpu.memory_space<hbm>> -> memref<10000xi32, #tpu.memory_space<hbm>>
      tpu.wait_dma2 semaphore(%run_scoped3A : memref<!tpu.dma_semaphore, #tpu.memory_space<semaphore_mem>>) src(%dma_wait3A_379 : memref<10000xi32, #tpu.memory_space<hbm>>) dst(%arg8 : memref<10000xi32, #tpu.memory_space<vmem>>)
      tpu.yield
    }) : () -> ()
    %mul3A_18 = arith.constant 10000 : i32
    %mul3A_19 = arith.muli %add3A, %mul3A_18 : i32
    %add3A_20 = arith.constant 320000 : i32
    %add3A_21 = arith.addi %add3A_20, %mul3A_19 : i32
    "tpu.region"() ({
      %run_scoped3A = tpu.sem_alloc : memref<!tpu.dma_semaphore, #tpu.memory_space<semaphore_mem>>
      %dma_start3A_376 = tpu.memref_slice %arg3[%add3A_21] : memref<640000xi32, #tpu.memory_space<hbm>> -> memref<10000xi32, #tpu.memory_space<hbm>>
      %dma_start3A_377 = tpu.memref_slice %arg3[%add3A_21] : memref<640000xi32, #tpu.memory_space<hbm>> -> memref<10000xi32, #tpu.memory_space<hbm>>
      tpu.enqueue_dma source(%dma_start3A_377 : memref<10000xi32, #tpu.memory_space<hbm>>) target(%arg9 : memref<10000xi32, #tpu.memory_space<vmem>>) target_semaphore(%run_scoped3A : memref<!tpu.dma_semaphore, #tpu.memory_space<semaphore_mem>>)
      %dma_wait3A_378 = tpu.memref_slice %arg3[%add3A_21] : memref<640000xi32, #tpu.memory_space<hbm>> -> memref<10000xi32, #tpu.memory_space<hbm>>
      %dma_wait3A_379 = tpu.memref_slice %arg3[%add3A_21] : memref<640000xi32, #tpu.memory_space<hbm>> -> memref<10000xi32, #tpu.memory_space<hbm>>
      tpu.wait_dma2 semaphore(%run_scoped3A : memref<!tpu.dma_semaphore, #tpu.memory_space<semaphore_mem>>) src(%dma_wait3A_379 : memref<10000xi32, #tpu.memory_space<hbm>>) dst(%arg9 : memref<10000xi32, #tpu.memory_space<vmem>>)
      tpu.yield
    }) : () -> ()
    %dma_wait3A = arith.constant 0 : i32
    %dma_wait3A_22 = tpu.memref_slice %arg6[%mul3A_11, %dma_wait3A] : memref<10000x16xf32, #tpu.memory_space<vmem_shared>> -> memref<625x16xf32, #tpu.memory_space<vmem_shared>>
    %dma_wait3A_23 = arith.constant 0 : i32
    %dma_wait3A_24 = tpu.memref_slice %arg2[%mul3A_9, %dma_wait3A_23] : memref<10000x16xf32, #tpu.memory_space<hbm>> -> memref<625x16xf32, #tpu.memory_space<hbm>>
    tpu.wait_dma2 semaphore(%arg15 : memref<!tpu.dma_semaphore, #tpu.memory_space<semaphore_mem>>) src(%dma_wait3A_24 : memref<625x16xf32, #tpu.memory_space<hbm>>) dst(%dma_wait3A_22 : memref<625x16xf32, #tpu.memory_space<vmem_shared>>)
    %dma_wait3A_25 = arith.constant 0 : i32
    %dma_wait3A_26 = tpu.memref_slice %arg7[%mul3A_4, %dma_wait3A_25] : memref<10112x16xf32, #tpu.memory_space<vmem_shared>> -> memref<632x16xf32, #tpu.memory_space<vmem_shared>>
    %dma_wait3A_27 = arith.constant 0 : i32
    %dma_wait3A_28 = tpu.memref_slice %arg4[%mul3A_2, %dma_wait3A_27] : memref<10112x16xf32, #tpu.memory_space<hbm>> -> memref<632x16xf32, #tpu.memory_space<hbm>>
    tpu.wait_dma2 semaphore(%arg17 : memref<!tpu.dma_semaphore, #tpu.memory_space<semaphore_mem>>) src(%dma_wait3A_28 : memref<632x16xf32, #tpu.memory_space<hbm>>) dst(%dma_wait3A_26 : memref<632x16xf32, #tpu.memory_space<vmem_shared>>)
    %barrier3A = arith.constant 0 : index
    tpu.barrier barrier_id(%barrier3A)
    %dma_start3A_29 = arith.constant 0 : i32
    %dma_start3A_30 = arith.constant 0 : i32
    %dma_start3A_31 = tpu.memref_slice %arg10[%dma_start3A_29, %dma_start3A_30] : memref<768x16xf32, #tpu.memory_space<vmem>> -> memref<128x16xf32, #tpu.memory_space<vmem>>
    %dma_start3A_32 = arith.constant 0 : i32
    %dma_start3A_33 = tpu.memref_slice %arg8[%dma_start3A_32] : memref<10000xi32, #tpu.memory_space<vmem>> -> memref<128xi32, #tpu.memory_space<vmem>>
    %dma_start3A_34 = arith.constant 0 : i32
    %dma_start3A_35 = arith.constant 0 : i32
    %dma_start3A_36 = tpu.memref_slice %arg6[%dma_start3A_34, %dma_start3A_35] : memref<10000x16xf32, #tpu.memory_space<vmem_shared>> -> memref<10000x16xf32, #tpu.memory_space<vmem_shared>>
    tpu.enqueue_indirect_dma source(%dma_start3A_36 : memref<10000x16xf32, #tpu.memory_space<vmem_shared>>) target(%dma_start3A_31 : memref<128x16xf32, #tpu.memory_space<vmem>>) offsets(%dma_start3A_33 : memref<128xi32, #tpu.memory_space<vmem>>) semaphore(%arg15 : memref<!tpu.dma_semaphore, #tpu.memory_space<semaphore_mem>>)
    %dma_start3A_37 = arith.constant 128 : i32
    %dma_start3A_38 = arith.constant 0 : i32
    %dma_start3A_39 = tpu.memref_slice %arg10[%dma_start3A_37, %dma_start3A_38] : memref<768x16xf32, #tpu.memory_space<vmem>> -> memref<128x16xf32, #tpu.memory_space<vmem>>
    %dma_start3A_40 = arith.constant 128 : i32
    %dma_start3A_41 = tpu.memref_slice %arg8[%dma_start3A_40] : memref<10000xi32, #tpu.memory_space<vmem>> -> memref<128xi32, #tpu.memory_space<vmem>>
    %dma_start3A_42 = arith.constant 0 : i32
    %dma_start3A_43 = arith.constant 0 : i32
    %dma_start3A_44 = tpu.memref_slice %arg6[%dma_start3A_42, %dma_start3A_43] : memref<10000x16xf32, #tpu.memory_space<vmem_shared>> -> memref<10000x16xf32, #tpu.memory_space<vmem_shared>>
    tpu.enqueue_indirect_dma source(%dma_start3A_44 : memref<10000x16xf32, #tpu.memory_space<vmem_shared>>) target(%dma_start3A_39 : memref<128x16xf32, #tpu.memory_space<vmem>>) offsets(%dma_start3A_41 : memref<128xi32, #tpu.memory_space<vmem>>) semaphore(%arg15 : memref<!tpu.dma_semaphore, #tpu.memory_space<semaphore_mem>>)
    %dma_start3A_45 = arith.constant 256 : i32
    %dma_start3A_46 = arith.constant 0 : i32
    %dma_start3A_47 = tpu.memref_slice %arg10[%dma_start3A_45, %dma_start3A_46] : memref<768x16xf32, #tpu.memory_space<vmem>> -> memref<128x16xf32, #tpu.memory_space<vmem>>
    %dma_start3A_48 = arith.constant 256 : i32
    %dma_start3A_49 = tpu.memref_slice %arg8[%dma_start3A_48] : memref<10000xi32, #tpu.memory_space<vmem>> -> memref<128xi32, #tpu.memory_space<vmem>>
    %dma_start3A_50 = arith.constant 0 : i32
    %dma_start3A_51 = arith.constant 0 : i32
    %dma_start3A_52 = tpu.memref_slice %arg6[%dma_start3A_50, %dma_start3A_51] : memref<10000x16xf32, #tpu.memory_space<vmem_shared>> -> memref<10000x16xf32, #tpu.memory_space<vmem_shared>>
    tpu.enqueue_indirect_dma source(%dma_start3A_52 : memref<10000x16xf32, #tpu.memory_space<vmem_shared>>) target(%dma_start3A_47 : memref<128x16xf32, #tpu.memory_space<vmem>>) offsets(%dma_start3A_49 : memref<128xi32, #tpu.memory_space<vmem>>) semaphore(%arg15 : memref<!tpu.dma_semaphore, #tpu.memory_space<semaphore_mem>>)
    %dma_start3A_53 = arith.constant 384 : i32
    %dma_start3A_54 = arith.constant 0 : i32
    %dma_start3A_55 = tpu.memref_slice %arg10[%dma_start3A_53, %dma_start3A_54] : memref<768x16xf32, #tpu.memory_space<vmem>> -> memref<128x16xf32, #tpu.memory_space<vmem>>
    %dma_start3A_56 = arith.constant 384 : i32
    %dma_start3A_57 = tpu.memref_slice %arg8[%dma_start3A_56] : memref<10000xi32, #tpu.memory_space<vmem>> -> memref<128xi32, #tpu.memory_space<vmem>>
    %dma_start3A_58 = arith.constant 0 : i32
    %dma_start3A_59 = arith.constant 0 : i32
    %dma_start3A_60 = tpu.memref_slice %arg6[%dma_start3A_58, %dma_start3A_59] : memref<10000x16xf32, #tpu.memory_space<vmem_shared>> -> memref<10000x16xf32, #tpu.memory_space<vmem_shared>>
    tpu.enqueue_indirect_dma source(%dma_start3A_60 : memref<10000x16xf32, #tpu.memory_space<vmem_shared>>) target(%dma_start3A_55 : memref<128x16xf32, #tpu.memory_space<vmem>>) offsets(%dma_start3A_57 : memref<128xi32, #tpu.memory_space<vmem>>) semaphore(%arg15 : memref<!tpu.dma_semaphore, #tpu.memory_space<semaphore_mem>>)
    %dma_start3A_61 = arith.constant 512 : i32
    %dma_start3A_62 = arith.constant 0 : i32
    %dma_start3A_63 = tpu.memref_slice %arg10[%dma_start3A_61, %dma_start3A_62] : memref<768x16xf32, #tpu.memory_space<vmem>> -> memref<128x16xf32, #tpu.memory_space<vmem>>
    %dma_start3A_64 = arith.constant 512 : i32
    %dma_start3A_65 = tpu.memref_slice %arg8[%dma_start3A_64] : memref<10000xi32, #tpu.memory_space<vmem>> -> memref<128xi32, #tpu.memory_space<vmem>>
    %dma_start3A_66 = arith.constant 0 : i32
    %dma_start3A_67 = arith.constant 0 : i32
    %dma_start3A_68 = tpu.memref_slice %arg6[%dma_start3A_66, %dma_start3A_67] : memref<10000x16xf32, #tpu.memory_space<vmem_shared>> -> memref<10000x16xf32, #tpu.memory_space<vmem_shared>>
    tpu.enqueue_indirect_dma source(%dma_start3A_68 : memref<10000x16xf32, #tpu.memory_space<vmem_shared>>) target(%dma_start3A_63 : memref<128x16xf32, #tpu.memory_space<vmem>>) offsets(%dma_start3A_65 : memref<128xi32, #tpu.memory_space<vmem>>) semaphore(%arg15 : memref<!tpu.dma_semaphore, #tpu.memory_space<semaphore_mem>>)
    %dma_start3A_69 = arith.constant 640 : i32
    %dma_start3A_70 = arith.constant 0 : i32
    %dma_start3A_71 = tpu.memref_slice %arg10[%dma_start3A_69, %dma_start3A_70] : memref<768x16xf32, #tpu.memory_space<vmem>> -> memref<128x16xf32, #tpu.memory_space<vmem>>
    %dma_start3A_72 = arith.constant 640 : i32
    %dma_start3A_73 = tpu.memref_slice %arg8[%dma_start3A_72] : memref<10000xi32, #tpu.memory_space<vmem>> -> memref<128xi32, #tpu.memory_space<vmem>>
    %dma_start3A_74 = arith.constant 0 : i32
    %dma_start3A_75 = arith.constant 0 : i32
    %dma_start3A_76 = tpu.memref_slice %arg6[%dma_start3A_74, %dma_start3A_75] : memref<10000x16xf32, #tpu.memory_space<vmem_shared>> -> memref<10000x16xf32, #tpu.memory_space<vmem_shared>>
    tpu.enqueue_indirect_dma source(%dma_start3A_76 : memref<10000x16xf32, #tpu.memory_space<vmem_shared>>) target(%dma_start3A_71 : memref<128x16xf32, #tpu.memory_space<vmem>>) offsets(%dma_start3A_73 : memref<128xi32, #tpu.memory_space<vmem>>) semaphore(%arg15 : memref<!tpu.dma_semaphore, #tpu.memory_space<semaphore_mem>>)
    %dma_start3A_77 = arith.constant 0 : i32
    %dma_start3A_78 = arith.constant 0 : i32
    %dma_start3A_79 = tpu.memref_slice %arg11[%dma_start3A_77, %dma_start3A_78] : memref<768x16xf32, #tpu.memory_space<vmem>> -> memref<128x16xf32, #tpu.memory_space<vmem>>
    %dma_start3A_80 = arith.constant 768 : i32
    %dma_start3A_81 = tpu.memref_slice %arg8[%dma_start3A_80] : memref<10000xi32, #tpu.memory_space<vmem>> -> memref<128xi32, #tpu.memory_space<vmem>>
    %dma_start3A_82 = arith.constant 0 : i32
    %dma_start3A_83 = arith.constant 0 : i32
    %dma_start3A_84 = tpu.memref_slice %arg6[%dma_start3A_82, %dma_start3A_83] : memref<10000x16xf32, #tpu.memory_space<vmem_shared>> -> memref<10000x16xf32, #tpu.memory_space<vmem_shared>>
    tpu.enqueue_indirect_dma source(%dma_start3A_84 : memref<10000x16xf32, #tpu.memory_space<vmem_shared>>) target(%dma_start3A_79 : memref<128x16xf32, #tpu.memory_space<vmem>>) offsets(%dma_start3A_81 : memref<128xi32, #tpu.memory_space<vmem>>) semaphore(%arg16 : memref<!tpu.dma_semaphore, #tpu.memory_space<semaphore_mem>>)
    %dma_start3A_85 = arith.constant 128 : i32
    %dma_start3A_86 = arith.constant 0 : i32
    %dma_start3A_87 = tpu.memref_slice %arg11[%dma_start3A_85, %dma_start3A_86] : memref<768x16xf32, #tpu.memory_space<vmem>> -> memref<128x16xf32, #tpu.memory_space<vmem>>
    %dma_start3A_88 = arith.constant 896 : i32
    %dma_start3A_89 = tpu.memref_slice %arg8[%dma_start3A_88] : memref<10000xi32, #tpu.memory_space<vmem>> -> memref<128xi32, #tpu.memory_space<vmem>>
    %dma_start3A_90 = arith.constant 0 : i32
    %dma_start3A_91 = arith.constant 0 : i32
    %dma_start3A_92 = tpu.memref_slice %arg6[%dma_start3A_90, %dma_start3A_91] : memref<10000x16xf32, #tpu.memory_space<vmem_shared>> -> memref<10000x16xf32, #tpu.memory_space<vmem_shared>>
    tpu.enqueue_indirect_dma source(%dma_start3A_92 : memref<10000x16xf32, #tpu.memory_space<vmem_shared>>) target(%dma_start3A_87 : memref<128x16xf32, #tpu.memory_space<vmem>>) offsets(%dma_start3A_89 : memref<128xi32, #tpu.memory_space<vmem>>) semaphore(%arg16 : memref<!tpu.dma_semaphore, #tpu.memory_space<semaphore_mem>>)
    %dma_start3A_93 = arith.constant 256 : i32
    %dma_start3A_94 = arith.constant 0 : i32
    %dma_start3A_95 = tpu.memref_slice %arg11[%dma_start3A_93, %dma_start3A_94] : memref<768x16xf32, #tpu.memory_space<vmem>> -> memref<128x16xf32, #tpu.memory_space<vmem>>
    %dma_start3A_96 = arith.constant 1024 : i32
    %dma_start3A_97 = tpu.memref_slice %arg8[%dma_start3A_96] : memref<10000xi32, #tpu.memory_space<vmem>> -> memref<128xi32, #tpu.memory_space<vmem>>
    %dma_start3A_98 = arith.constant 0 : i32
    %dma_start3A_99 = arith.constant 0 : i32
    %dma_start3A_100 = tpu.memref_slice %arg6[%dma_start3A_98, %dma_start3A_99] : memref<10000x16xf32, #tpu.memory_space<vmem_shared>> -> memref<10000x16xf32, #tpu.memory_space<vmem_shared>>
    tpu.enqueue_indirect_dma source(%dma_start3A_100 : memref<10000x16xf32, #tpu.memory_space<vmem_shared>>) target(%dma_start3A_95 : memref<128x16xf32, #tpu.memory_space<vmem>>) offsets(%dma_start3A_97 : memref<128xi32, #tpu.memory_space<vmem>>) semaphore(%arg16 : memref<!tpu.dma_semaphore, #tpu.memory_space<semaphore_mem>>)
    %dma_start3A_101 = arith.constant 384 : i32
    %dma_start3A_102 = arith.constant 0 : i32
    %dma_start3A_103 = tpu.memref_slice %arg11[%dma_start3A_101, %dma_start3A_102] : memref<768x16xf32, #tpu.memory_space<vmem>> -> memref<128x16xf32, #tpu.memory_space<vmem>>
    %dma_start3A_104 = arith.constant 1152 : i32
    %dma_start3A_105 = tpu.memref_slice %arg8[%dma_start3A_104] : memref<10000xi32, #tpu.memory_space<vmem>> -> memref<128xi32, #tpu.memory_space<vmem>>
    %dma_start3A_106 = arith.constant 0 : i32
    %dma_start3A_107 = arith.constant 0 : i32
    %dma_start3A_108 = tpu.memref_slice %arg6[%dma_start3A_106, %dma_start3A_107] : memref<10000x16xf32, #tpu.memory_space<vmem_shared>> -> memref<10000x16xf32, #tpu.memory_space<vmem_shared>>
    tpu.enqueue_indirect_dma source(%dma_start3A_108 : memref<10000x16xf32, #tpu.memory_space<vmem_shared>>) target(%dma_start3A_103 : memref<128x16xf32, #tpu.memory_space<vmem>>) offsets(%dma_start3A_105 : memref<128xi32, #tpu.memory_space<vmem>>) semaphore(%arg16 : memref<!tpu.dma_semaphore, #tpu.memory_space<semaphore_mem>>)
    %dma_start3A_109 = arith.constant 512 : i32
    %dma_start3A_110 = arith.constant 0 : i32
    %dma_start3A_111 = tpu.memref_slice %arg11[%dma_start3A_109, %dma_start3A_110] : memref<768x16xf32, #tpu.memory_space<vmem>> -> memref<128x16xf32, #tpu.memory_space<vmem>>
    %dma_start3A_112 = arith.constant 1280 : i32
    %dma_start3A_113 = tpu.memref_slice %arg8[%dma_start3A_112] : memref<10000xi32, #tpu.memory_space<vmem>> -> memref<128xi32, #tpu.memory_space<vmem>>
    %dma_start3A_114 = arith.constant 0 : i32
    %dma_start3A_115 = arith.constant 0 : i32
    %dma_start3A_116 = tpu.memref_slice %arg6[%dma_start3A_114, %dma_start3A_115] : memref<10000x16xf32, #tpu.memory_space<vmem_shared>> -> memref<10000x16xf32, #tpu.memory_space<vmem_shared>>
    tpu.enqueue_indirect_dma source(%dma_start3A_116 : memref<10000x16xf32, #tpu.memory_space<vmem_shared>>) target(%dma_start3A_111 : memref<128x16xf32, #tpu.memory_space<vmem>>) offsets(%dma_start3A_113 : memref<128xi32, #tpu.memory_space<vmem>>) semaphore(%arg16 : memref<!tpu.dma_semaphore, #tpu.memory_space<semaphore_mem>>)
    %dma_start3A_117 = arith.constant 640 : i32
    %dma_start3A_118 = arith.constant 0 : i32
    %dma_start3A_119 = tpu.memref_slice %arg11[%dma_start3A_117, %dma_start3A_118] : memref<768x16xf32, #tpu.memory_space<vmem>> -> memref<128x16xf32, #tpu.memory_space<vmem>>
    %dma_start3A_120 = arith.constant 1408 : i32
    %dma_start3A_121 = tpu.memref_slice %arg8[%dma_start3A_120] : memref<10000xi32, #tpu.memory_space<vmem>> -> memref<128xi32, #tpu.memory_space<vmem>>
    %dma_start3A_122 = arith.constant 0 : i32
    %dma_start3A_123 = arith.constant 0 : i32
    %dma_start3A_124 = tpu.memref_slice %arg6[%dma_start3A_122, %dma_start3A_123] : memref<10000x16xf32, #tpu.memory_space<vmem_shared>> -> memref<10000x16xf32, #tpu.memory_space<vmem_shared>>
    tpu.enqueue_indirect_dma source(%dma_start3A_124 : memref<10000x16xf32, #tpu.memory_space<vmem_shared>>) target(%dma_start3A_119 : memref<128x16xf32, #tpu.memory_space<vmem>>) offsets(%dma_start3A_121 : memref<128xi32, #tpu.memory_space<vmem>>) semaphore(%arg16 : memref<!tpu.dma_semaphore, #tpu.memory_space<semaphore_mem>>)
    %dma_wait3A_125 = arith.constant 0 : i32
    %dma_wait3A_126 = arith.constant 0 : i32
    %dma_wait3A_127 = tpu.memref_slice %arg4[%dma_wait3A_125, %dma_wait3A_126] : memref<10112x16xf32, #tpu.memory_space<hbm>> -> memref<768x16xf32, #tpu.memory_space<hbm>>
    %dma_wait3A_128 = arith.constant 0 : i32
    %dma_wait3A_129 = arith.constant 0 : i32
    %dma_wait3A_130 = tpu.memref_slice %arg4[%dma_wait3A_128, %dma_wait3A_129] : memref<10112x16xf32, #tpu.memory_space<hbm>> -> memref<768x16xf32, #tpu.memory_space<hbm>>
    tpu.wait_dma2 semaphore(%arg15 : memref<!tpu.dma_semaphore, #tpu.memory_space<semaphore_mem>>) src(%dma_wait3A_130 : memref<768x16xf32, #tpu.memory_space<hbm>>) dst(%arg10 : memref<768x16xf32, #tpu.memory_space<vmem>>)
    %dma_start3A_131 = arith.constant 0 : i32
    %dma_start3A_132 = arith.constant 0 : i32
    %dma_start3A_133 = tpu.memref_slice %arg10[%dma_start3A_131, %dma_start3A_132] : memref<768x16xf32, #tpu.memory_space<vmem>> -> memref<128x16xf32, #tpu.memory_space<vmem>>
    %dma_start3A_134 = arith.constant 0 : i32
    %dma_start3A_135 = tpu.memref_slice %arg9[%dma_start3A_134] : memref<10000xi32, #tpu.memory_space<vmem>> -> memref<128xi32, #tpu.memory_space<vmem>>
    %dma_start3A_136 = arith.constant 0 : i32
    %dma_start3A_137 = arith.constant 0 : i32
    %dma_start3A_138 = tpu.memref_slice %arg7[%dma_start3A_136, %dma_start3A_137] : memref<10112x16xf32, #tpu.memory_space<vmem_shared>> -> memref<10112x16xf32, #tpu.memory_space<vmem_shared>>
    tpu.enqueue_indirect_dma source(%dma_start3A_133 : memref<128x16xf32, #tpu.memory_space<vmem>>) target(%dma_start3A_138 : memref<10112x16xf32, #tpu.memory_space<vmem_shared>>) offsets(%dma_start3A_135 : memref<128xi32, #tpu.memory_space<vmem>>) semaphore(%arg17 : memref<!tpu.dma_semaphore, #tpu.memory_space<semaphore_mem>>) {add = true}
    %dma_start3A_139 = arith.constant 128 : i32
    %dma_start3A_140 = arith.constant 0 : i32
    %dma_start3A_141 = tpu.memref_slice %arg10[%dma_start3A_139, %dma_start3A_140] : memref<768x16xf32, #tpu.memory_space<vmem>> -> memref<128x16xf32, #tpu.memory_space<vmem>>
    %dma_start3A_142 = arith.constant 128 : i32
    %dma_start3A_143 = tpu.memref_slice %arg9[%dma_start3A_142] : memref<10000xi32, #tpu.memory_space<vmem>> -> memref<128xi32, #tpu.memory_space<vmem>>
    %dma_start3A_144 = arith.constant 0 : i32
    %dma_start3A_145 = arith.constant 0 : i32
    %dma_start3A_146 = tpu.memref_slice %arg7[%dma_start3A_144, %dma_start3A_145] : memref<10112x16xf32, #tpu.memory_space<vmem_shared>> -> memref<10112x16xf32, #tpu.memory_space<vmem_shared>>
    tpu.enqueue_indirect_dma source(%dma_start3A_141 : memref<128x16xf32, #tpu.memory_space<vmem>>) target(%dma_start3A_146 : memref<10112x16xf32, #tpu.memory_space<vmem_shared>>) offsets(%dma_start3A_143 : memref<128xi32, #tpu.memory_space<vmem>>) semaphore(%arg17 : memref<!tpu.dma_semaphore, #tpu.memory_space<semaphore_mem>>) {add = true}
    %dma_start3A_147 = arith.constant 256 : i32
    %dma_start3A_148 = arith.constant 0 : i32
    %dma_start3A_149 = tpu.memref_slice %arg10[%dma_start3A_147, %dma_start3A_148] : memref<768x16xf32, #tpu.memory_space<vmem>> -> memref<128x16xf32, #tpu.memory_space<vmem>>
    %dma_start3A_150 = arith.constant 256 : i32
    %dma_start3A_151 = tpu.memref_slice %arg9[%dma_start3A_150] : memref<10000xi32, #tpu.memory_space<vmem>> -> memref<128xi32, #tpu.memory_space<vmem>>
    %dma_start3A_152 = arith.constant 0 : i32
    %dma_start3A_153 = arith.constant 0 : i32
    %dma_start3A_154 = tpu.memref_slice %arg7[%dma_start3A_152, %dma_start3A_153] : memref<10112x16xf32, #tpu.memory_space<vmem_shared>> -> memref<10112x16xf32, #tpu.memory_space<vmem_shared>>
    tpu.enqueue_indirect_dma source(%dma_start3A_149 : memref<128x16xf32, #tpu.memory_space<vmem>>) target(%dma_start3A_154 : memref<10112x16xf32, #tpu.memory_space<vmem_shared>>) offsets(%dma_start3A_151 : memref<128xi32, #tpu.memory_space<vmem>>) semaphore(%arg17 : memref<!tpu.dma_semaphore, #tpu.memory_space<semaphore_mem>>) {add = true}
    %dma_start3A_155 = arith.constant 384 : i32
    %dma_start3A_156 = arith.constant 0 : i32
    %dma_start3A_157 = tpu.memref_slice %arg10[%dma_start3A_155, %dma_start3A_156] : memref<768x16xf32, #tpu.memory_space<vmem>> -> memref<128x16xf32, #tpu.memory_space<vmem>>
    %dma_start3A_158 = arith.constant 384 : i32
    %dma_start3A_159 = tpu.memref_slice %arg9[%dma_start3A_158] : memref<10000xi32, #tpu.memory_space<vmem>> -> memref<128xi32, #tpu.memory_space<vmem>>
    %dma_start3A_160 = arith.constant 0 : i32
    %dma_start3A_161 = arith.constant 0 : i32
    %dma_start3A_162 = tpu.memref_slice %arg7[%dma_start3A_160, %dma_start3A_161] : memref<10112x16xf32, #tpu.memory_space<vmem_shared>> -> memref<10112x16xf32, #tpu.memory_space<vmem_shared>>
    tpu.enqueue_indirect_dma source(%dma_start3A_157 : memref<128x16xf32, #tpu.memory_space<vmem>>) target(%dma_start3A_162 : memref<10112x16xf32, #tpu.memory_space<vmem_shared>>) offsets(%dma_start3A_159 : memref<128xi32, #tpu.memory_space<vmem>>) semaphore(%arg17 : memref<!tpu.dma_semaphore, #tpu.memory_space<semaphore_mem>>) {add = true}
    %dma_start3A_163 = arith.constant 512 : i32
    %dma_start3A_164 = arith.constant 0 : i32
    %dma_start3A_165 = tpu.memref_slice %arg10[%dma_start3A_163, %dma_start3A_164] : memref<768x16xf32, #tpu.memory_space<vmem>> -> memref<128x16xf32, #tpu.memory_space<vmem>>
    %dma_start3A_166 = arith.constant 512 : i32
    %dma_start3A_167 = tpu.memref_slice %arg9[%dma_start3A_166] : memref<10000xi32, #tpu.memory_space<vmem>> -> memref<128xi32, #tpu.memory_space<vmem>>
    %dma_start3A_168 = arith.constant 0 : i32
    %dma_start3A_169 = arith.constant 0 : i32
    %dma_start3A_170 = tpu.memref_slice %arg7[%dma_start3A_168, %dma_start3A_169] : memref<10112x16xf32, #tpu.memory_space<vmem_shared>> -> memref<10112x16xf32, #tpu.memory_space<vmem_shared>>
    tpu.enqueue_indirect_dma source(%dma_start3A_165 : memref<128x16xf32, #tpu.memory_space<vmem>>) target(%dma_start3A_170 : memref<10112x16xf32, #tpu.memory_space<vmem_shared>>) offsets(%dma_start3A_167 : memref<128xi32, #tpu.memory_space<vmem>>) semaphore(%arg17 : memref<!tpu.dma_semaphore, #tpu.memory_space<semaphore_mem>>) {add = true}
    %dma_start3A_171 = arith.constant 640 : i32
    %dma_start3A_172 = arith.constant 0 : i32
    %dma_start3A_173 = tpu.memref_slice %arg10[%dma_start3A_171, %dma_start3A_172] : memref<768x16xf32, #tpu.memory_space<vmem>> -> memref<128x16xf32, #tpu.memory_space<vmem>>
    %dma_start3A_174 = arith.constant 640 : i32
    %dma_start3A_175 = tpu.memref_slice %arg9[%dma_start3A_174] : memref<10000xi32, #tpu.memory_space<vmem>> -> memref<128xi32, #tpu.memory_space<vmem>>
    %dma_start3A_176 = arith.constant 0 : i32
    %dma_start3A_177 = arith.constant 0 : i32
    %dma_start3A_178 = tpu.memref_slice %arg7[%dma_start3A_176, %dma_start3A_177] : memref<10112x16xf32, #tpu.memory_space<vmem_shared>> -> memref<10112x16xf32, #tpu.memory_space<vmem_shared>>
    tpu.enqueue_indirect_dma source(%dma_start3A_173 : memref<128x16xf32, #tpu.memory_space<vmem>>) target(%dma_start3A_178 : memref<10112x16xf32, #tpu.memory_space<vmem_shared>>) offsets(%dma_start3A_175 : memref<128xi32, #tpu.memory_space<vmem>>) semaphore(%arg17 : memref<!tpu.dma_semaphore, #tpu.memory_space<semaphore_mem>>) {add = true}
    %scan3A = arith.constant 0 : i32
    %scan3A_179 = arith.constant 0 : i32
    %scan3A_180 = arith.constant 5 : i32
    %scan3A_181 = arith.addi %scan3A_179, %scan3A_180 : i32
    %scan3A_182 = arith.constant 1 : i32
    scf.for %scan3A_376 = %scan3A_179 to %scan3A_181 step %scan3A_182  : i32 {
      %mul3A_377 = arith.constant 2 : i32
      %mul3A_378 = arith.muli %mul3A_377, %scan3A_376 : i32
      %add3A_379 = arith.constant 1 : i32
      %add3A_380 = arith.addi %mul3A_378, %add3A_379 : i32
      %dma_wait3A_381 = arith.constant 0 : i32
      %dma_wait3A_382 = arith.constant 0 : i32
      %dma_wait3A_383 = tpu.memref_slice %arg4[%dma_wait3A_381, %dma_wait3A_382] : memref<10112x16xf32, #tpu.memory_space<hbm>> -> memref<768x16xf32, #tpu.memory_space<hbm>>
      %dma_wait3A_384 = arith.constant 0 : i32
      %dma_wait3A_385 = arith.constant 0 : i32
      %dma_wait3A_386 = tpu.memref_slice %arg4[%dma_wait3A_384, %dma_wait3A_385] : memref<10112x16xf32, #tpu.memory_space<hbm>> -> memref<768x16xf32, #tpu.memory_space<hbm>>
      tpu.wait_dma2 semaphore(%arg17 : memref<!tpu.dma_semaphore, #tpu.memory_space<semaphore_mem>>) src(%dma_wait3A_386 : memref<768x16xf32, #tpu.memory_space<hbm>>) dst(%arg10 : memref<768x16xf32, #tpu.memory_space<vmem>>)
      %add3A_387 = arith.constant 1 : i32
      %add3A_388 = arith.addi %add3A_380, %add3A_387 : i32
      %mul3A_389 = arith.constant 6 : i32
      %mul3A_390 = arith.muli %add3A_388, %mul3A_389 : i32
      %add3A_391 = arith.constant 0 : i32
      %add3A_392 = arith.addi %mul3A_390, %add3A_391 : i32
      %mul3A_393 = arith.constant 128 : i32
      %mul3A_394 = arith.muli %add3A_392, %mul3A_393 : i32
      %dma_start3A_395 = arith.constant 0 : i32
      %dma_start3A_396 = arith.constant 0 : i32
      %dma_start3A_397 = tpu.memref_slice %arg10[%dma_start3A_395, %dma_start3A_396] : memref<768x16xf32, #tpu.memory_space<vmem>> -> memref<128x16xf32, #tpu.memory_space<vmem>>
      %dma_start3A_398 = tpu.memref_slice %arg8[%mul3A_394] : memref<10000xi32, #tpu.memory_space<vmem>> -> memref<128xi32, #tpu.memory_space<vmem>>
      %dma_start3A_399 = arith.constant 0 : i32
      %dma_start3A_400 = arith.constant 0 : i32
      %dma_start3A_401 = tpu.memref_slice %arg6[%dma_start3A_399, %dma_start3A_400] : memref<10000x16xf32, #tpu.memory_space<vmem_shared>> -> memref<10000x16xf32, #tpu.memory_space<vmem_shared>>
      tpu.enqueue_indirect_dma source(%dma_start3A_401 : memref<10000x16xf32, #tpu.memory_space<vmem_shared>>) target(%dma_start3A_397 : memref<128x16xf32, #tpu.memory_space<vmem>>) offsets(%dma_start3A_398 : memref<128xi32, #tpu.memory_space<vmem>>) semaphore(%arg15 : memref<!tpu.dma_semaphore, #tpu.memory_space<semaphore_mem>>)
      %mul3A_402 = arith.constant 6 : i32
      %mul3A_403 = arith.muli %add3A_388, %mul3A_402 : i32
      %add3A_404 = arith.constant 1 : i32
      %add3A_405 = arith.addi %mul3A_403, %add3A_404 : i32
      %mul3A_406 = arith.constant 128 : i32
      %mul3A_407 = arith.muli %add3A_405, %mul3A_406 : i32
      %dma_start3A_408 = arith.constant 128 : i32
      %dma_start3A_409 = arith.constant 0 : i32
      %dma_start3A_410 = tpu.memref_slice %arg10[%dma_start3A_408, %dma_start3A_409] : memref<768x16xf32, #tpu.memory_space<vmem>> -> memref<128x16xf32, #tpu.memory_space<vmem>>
      %dma_start3A_411 = tpu.memref_slice %arg8[%mul3A_407] : memref<10000xi32, #tpu.memory_space<vmem>> -> memref<128xi32, #tpu.memory_space<vmem>>
      %dma_start3A_412 = arith.constant 0 : i32
      %dma_start3A_413 = arith.constant 0 : i32
      %dma_start3A_414 = tpu.memref_slice %arg6[%dma_start3A_412, %dma_start3A_413] : memref<10000x16xf32, #tpu.memory_space<vmem_shared>> -> memref<10000x16xf32, #tpu.memory_space<vmem_shared>>
      tpu.enqueue_indirect_dma source(%dma_start3A_414 : memref<10000x16xf32, #tpu.memory_space<vmem_shared>>) target(%dma_start3A_410 : memref<128x16xf32, #tpu.memory_space<vmem>>) offsets(%dma_start3A_411 : memref<128xi32, #tpu.memory_space<vmem>>) semaphore(%arg15 : memref<!tpu.dma_semaphore, #tpu.memory_space<semaphore_mem>>)
      %mul3A_415 = arith.constant 6 : i32
      %mul3A_416 = arith.muli %add3A_388, %mul3A_415 : i32
      %add3A_417 = arith.constant 2 : i32
      %add3A_418 = arith.addi %mul3A_416, %add3A_417 : i32
      %mul3A_419 = arith.constant 128 : i32
      %mul3A_420 = arith.muli %add3A_418, %mul3A_419 : i32
      %dma_start3A_421 = arith.constant 256 : i32
      %dma_start3A_422 = arith.constant 0 : i32
      %dma_start3A_423 = tpu.memref_slice %arg10[%dma_start3A_421, %dma_start3A_422] : memref<768x16xf32, #tpu.memory_space<vmem>> -> memref<128x16xf32, #tpu.memory_space<vmem>>
      %dma_start3A_424 = tpu.memref_slice %arg8[%mul3A_420] : memref<10000xi32, #tpu.memory_space<vmem>> -> memref<128xi32, #tpu.memory_space<vmem>>
      %dma_start3A_425 = arith.constant 0 : i32
      %dma_start3A_426 = arith.constant 0 : i32
      %dma_start3A_427 = tpu.memref_slice %arg6[%dma_start3A_425, %dma_start3A_426] : memref<10000x16xf32, #tpu.memory_space<vmem_shared>> -> memref<10000x16xf32, #tpu.memory_space<vmem_shared>>
      tpu.enqueue_indirect_dma source(%dma_start3A_427 : memref<10000x16xf32, #tpu.memory_space<vmem_shared>>) target(%dma_start3A_423 : memref<128x16xf32, #tpu.memory_space<vmem>>) offsets(%dma_start3A_424 : memref<128xi32, #tpu.memory_space<vmem>>) semaphore(%arg15 : memref<!tpu.dma_semaphore, #tpu.memory_space<semaphore_mem>>)
      %mul3A_428 = arith.constant 6 : i32
      %mul3A_429 = arith.muli %add3A_388, %mul3A_428 : i32
      %add3A_430 = arith.constant 3 : i32
      %add3A_431 = arith.addi %mul3A_429, %add3A_430 : i32
      %mul3A_432 = arith.constant 128 : i32
      %mul3A_433 = arith.muli %add3A_431, %mul3A_432 : i32
      %dma_start3A_434 = arith.constant 384 : i32
      %dma_start3A_435 = arith.constant 0 : i32
      %dma_start3A_436 = tpu.memref_slice %arg10[%dma_start3A_434, %dma_start3A_435] : memref<768x16xf32, #tpu.memory_space<vmem>> -> memref<128x16xf32, #tpu.memory_space<vmem>>
      %dma_start3A_437 = tpu.memref_slice %arg8[%mul3A_433] : memref<10000xi32, #tpu.memory_space<vmem>> -> memref<128xi32, #tpu.memory_space<vmem>>
      %dma_start3A_438 = arith.constant 0 : i32
      %dma_start3A_439 = arith.constant 0 : i32
      %dma_start3A_440 = tpu.memref_slice %arg6[%dma_start3A_438, %dma_start3A_439] : memref<10000x16xf32, #tpu.memory_space<vmem_shared>> -> memref<10000x16xf32, #tpu.memory_space<vmem_shared>>
      tpu.enqueue_indirect_dma source(%dma_start3A_440 : memref<10000x16xf32, #tpu.memory_space<vmem_shared>>) target(%dma_start3A_436 : memref<128x16xf32, #tpu.memory_space<vmem>>) offsets(%dma_start3A_437 : memref<128xi32, #tpu.memory_space<vmem>>) semaphore(%arg15 : memref<!tpu.dma_semaphore, #tpu.memory_space<semaphore_mem>>)
      %mul3A_441 = arith.constant 6 : i32
      %mul3A_442 = arith.muli %add3A_388, %mul3A_441 : i32
      %add3A_443 = arith.constant 4 : i32
      %add3A_444 = arith.addi %mul3A_442, %add3A_443 : i32
      %mul3A_445 = arith.constant 128 : i32
      %mul3A_446 = arith.muli %add3A_444, %mul3A_445 : i32
      %dma_start3A_447 = arith.constant 512 : i32
      %dma_start3A_448 = arith.constant 0 : i32
      %dma_start3A_449 = tpu.memref_slice %arg10[%dma_start3A_447, %dma_start3A_448] : memref<768x16xf32, #tpu.memory_space<vmem>> -> memref<128x16xf32, #tpu.memory_space<vmem>>
      %dma_start3A_450 = tpu.memref_slice %arg8[%mul3A_446] : memref<10000xi32, #tpu.memory_space<vmem>> -> memref<128xi32, #tpu.memory_space<vmem>>
      %dma_start3A_451 = arith.constant 0 : i32
      %dma_start3A_452 = arith.constant 0 : i32
      %dma_start3A_453 = tpu.memref_slice %arg6[%dma_start3A_451, %dma_start3A_452] : memref<10000x16xf32, #tpu.memory_space<vmem_shared>> -> memref<10000x16xf32, #tpu.memory_space<vmem_shared>>
      tpu.enqueue_indirect_dma source(%dma_start3A_453 : memref<10000x16xf32, #tpu.memory_space<vmem_shared>>) target(%dma_start3A_449 : memref<128x16xf32, #tpu.memory_space<vmem>>) offsets(%dma_start3A_450 : memref<128xi32, #tpu.memory_space<vmem>>) semaphore(%arg15 : memref<!tpu.dma_semaphore, #tpu.memory_space<semaphore_mem>>)
      %mul3A_454 = arith.constant 6 : i32
      %mul3A_455 = arith.muli %add3A_388, %mul3A_454 : i32
      %add3A_456 = arith.constant 5 : i32
      %add3A_457 = arith.addi %mul3A_455, %add3A_456 : i32
      %mul3A_458 = arith.constant 128 : i32
      %mul3A_459 = arith.muli %add3A_457, %mul3A_458 : i32
      %dma_start3A_460 = arith.constant 640 : i32
      %dma_start3A_461 = arith.constant 0 : i32
      %dma_start3A_462 = tpu.memref_slice %arg10[%dma_start3A_460, %dma_start3A_461] : memref<768x16xf32, #tpu.memory_space<vmem>> -> memref<128x16xf32, #tpu.memory_space<vmem>>
      %dma_start3A_463 = tpu.memref_slice %arg8[%mul3A_459] : memref<10000xi32, #tpu.memory_space<vmem>> -> memref<128xi32, #tpu.memory_space<vmem>>
      %dma_start3A_464 = arith.constant 0 : i32
      %dma_start3A_465 = arith.constant 0 : i32
      %dma_start3A_466 = tpu.memref_slice %arg6[%dma_start3A_464, %dma_start3A_465] : memref<10000x16xf32, #tpu.memory_space<vmem_shared>> -> memref<10000x16xf32, #tpu.memory_space<vmem_shared>>
      tpu.enqueue_indirect_dma source(%dma_start3A_466 : memref<10000x16xf32, #tpu.memory_space<vmem_shared>>) target(%dma_start3A_462 : memref<128x16xf32, #tpu.memory_space<vmem>>) offsets(%dma_start3A_463 : memref<128xi32, #tpu.memory_space<vmem>>) semaphore(%arg15 : memref<!tpu.dma_semaphore, #tpu.memory_space<semaphore_mem>>)
      %dma_wait3A_467 = arith.constant 0 : i32
      %dma_wait3A_468 = arith.constant 0 : i32
      %dma_wait3A_469 = tpu.memref_slice %arg4[%dma_wait3A_467, %dma_wait3A_468] : memref<10112x16xf32, #tpu.memory_space<hbm>> -> memref<768x16xf32, #tpu.memory_space<hbm>>
      %dma_wait3A_470 = arith.constant 0 : i32
      %dma_wait3A_471 = arith.constant 0 : i32
      %dma_wait3A_472 = tpu.memref_slice %arg4[%dma_wait3A_470, %dma_wait3A_471] : memref<10112x16xf32, #tpu.memory_space<hbm>> -> memref<768x16xf32, #tpu.memory_space<hbm>>
      tpu.wait_dma2 semaphore(%arg16 : memref<!tpu.dma_semaphore, #tpu.memory_space<semaphore_mem>>) src(%dma_wait3A_472 : memref<768x16xf32, #tpu.memory_space<hbm>>) dst(%arg11 : memref<768x16xf32, #tpu.memory_space<vmem>>)
      %mul3A_473 = arith.constant 6 : i32
      %mul3A_474 = arith.muli %add3A_380, %mul3A_473 : i32
      %add3A_475 = arith.constant 0 : i32
      %add3A_476 = arith.addi %mul3A_474, %add3A_475 : i32
      %mul3A_477 = arith.constant 128 : i32
      %mul3A_478 = arith.muli %add3A_476, %mul3A_477 : i32
      %dma_start3A_479 = arith.constant 0 : i32
      %dma_start3A_480 = arith.constant 0 : i32
      %dma_start3A_481 = tpu.memref_slice %arg11[%dma_start3A_479, %dma_start3A_480] : memref<768x16xf32, #tpu.memory_space<vmem>> -> memref<128x16xf32, #tpu.memory_space<vmem>>
      %dma_start3A_482 = tpu.memref_slice %arg9[%mul3A_478] : memref<10000xi32, #tpu.memory_space<vmem>> -> memref<128xi32, #tpu.memory_space<vmem>>
      %dma_start3A_483 = arith.constant 0 : i32
      %dma_start3A_484 = arith.constant 0 : i32
      %dma_start3A_485 = tpu.memref_slice %arg7[%dma_start3A_483, %dma_start3A_484] : memref<10112x16xf32, #tpu.memory_space<vmem_shared>> -> memref<10112x16xf32, #tpu.memory_space<vmem_shared>>
      tpu.enqueue_indirect_dma source(%dma_start3A_481 : memref<128x16xf32, #tpu.memory_space<vmem>>) target(%dma_start3A_485 : memref<10112x16xf32, #tpu.memory_space<vmem_shared>>) offsets(%dma_start3A_482 : memref<128xi32, #tpu.memory_space<vmem>>) semaphore(%arg18 : memref<!tpu.dma_semaphore, #tpu.memory_space<semaphore_mem>>) {add = true}
      %mul3A_486 = arith.constant 6 : i32
      %mul3A_487 = arith.muli %add3A_380, %mul3A_486 : i32
      %add3A_488 = arith.constant 1 : i32
      %add3A_489 = arith.addi %mul3A_487, %add3A_488 : i32
      %mul3A_490 = arith.constant 128 : i32
      %mul3A_491 = arith.muli %add3A_489, %mul3A_490 : i32
      %dma_start3A_492 = arith.constant 128 : i32
      %dma_start3A_493 = arith.constant 0 : i32
      %dma_start3A_494 = tpu.memref_slice %arg11[%dma_start3A_492, %dma_start3A_493] : memref<768x16xf32, #tpu.memory_space<vmem>> -> memref<128x16xf32, #tpu.memory_space<vmem>>
      %dma_start3A_495 = tpu.memref_slice %arg9[%mul3A_491] : memref<10000xi32, #tpu.memory_space<vmem>> -> memref<128xi32, #tpu.memory_space<vmem>>
      %dma_start3A_496 = arith.constant 0 : i32
      %dma_start3A_497 = arith.constant 0 : i32
      %dma_start3A_498 = tpu.memref_slice %arg7[%dma_start3A_496, %dma_start3A_497] : memref<10112x16xf32, #tpu.memory_space<vmem_shared>> -> memref<10112x16xf32, #tpu.memory_space<vmem_shared>>
      tpu.enqueue_indirect_dma source(%dma_start3A_494 : memref<128x16xf32, #tpu.memory_space<vmem>>) target(%dma_start3A_498 : memref<10112x16xf32, #tpu.memory_space<vmem_shared>>) offsets(%dma_start3A_495 : memref<128xi32, #tpu.memory_space<vmem>>) semaphore(%arg18 : memref<!tpu.dma_semaphore, #tpu.memory_space<semaphore_mem>>) {add = true}
      %mul3A_499 = arith.constant 6 : i32
      %mul3A_500 = arith.muli %add3A_380, %mul3A_499 : i32
      %add3A_501 = arith.constant 2 : i32
      %add3A_502 = arith.addi %mul3A_500, %add3A_501 : i32
      %mul3A_503 = arith.constant 128 : i32
      %mul3A_504 = arith.muli %add3A_502, %mul3A_503 : i32
      %dma_start3A_505 = arith.constant 256 : i32
      %dma_start3A_506 = arith.constant 0 : i32
      %dma_start3A_507 = tpu.memref_slice %arg11[%dma_start3A_505, %dma_start3A_506] : memref<768x16xf32, #tpu.memory_space<vmem>> -> memref<128x16xf32, #tpu.memory_space<vmem>>
      %dma_start3A_508 = tpu.memref_slice %arg9[%mul3A_504] : memref<10000xi32, #tpu.memory_space<vmem>> -> memref<128xi32, #tpu.memory_space<vmem>>
      %dma_start3A_509 = arith.constant 0 : i32
      %dma_start3A_510 = arith.constant 0 : i32
      %dma_start3A_511 = tpu.memref_slice %arg7[%dma_start3A_509, %dma_start3A_510] : memref<10112x16xf32, #tpu.memory_space<vmem_shared>> -> memref<10112x16xf32, #tpu.memory_space<vmem_shared>>
      tpu.enqueue_indirect_dma source(%dma_start3A_507 : memref<128x16xf32, #tpu.memory_space<vmem>>) target(%dma_start3A_511 : memref<10112x16xf32, #tpu.memory_space<vmem_shared>>) offsets(%dma_start3A_508 : memref<128xi32, #tpu.memory_space<vmem>>) semaphore(%arg18 : memref<!tpu.dma_semaphore, #tpu.memory_space<semaphore_mem>>) {add = true}
      %mul3A_512 = arith.constant 6 : i32
      %mul3A_513 = arith.muli %add3A_380, %mul3A_512 : i32
      %add3A_514 = arith.constant 3 : i32
      %add3A_515 = arith.addi %mul3A_513, %add3A_514 : i32
      %mul3A_516 = arith.constant 128 : i32
      %mul3A_517 = arith.muli %add3A_515, %mul3A_516 : i32
      %dma_start3A_518 = arith.constant 384 : i32
      %dma_start3A_519 = arith.constant 0 : i32
      %dma_start3A_520 = tpu.memref_slice %arg11[%dma_start3A_518, %dma_start3A_519] : memref<768x16xf32, #tpu.memory_space<vmem>> -> memref<128x16xf32, #tpu.memory_space<vmem>>
      %dma_start3A_521 = tpu.memref_slice %arg9[%mul3A_517] : memref<10000xi32, #tpu.memory_space<vmem>> -> memref<128xi32, #tpu.memory_space<vmem>>
      %dma_start3A_522 = arith.constant 0 : i32
      %dma_start3A_523 = arith.constant 0 : i32
      %dma_start3A_524 = tpu.memref_slice %arg7[%dma_start3A_522, %dma_start3A_523] : memref<10112x16xf32, #tpu.memory_space<vmem_shared>> -> memref<10112x16xf32, #tpu.memory_space<vmem_shared>>
      tpu.enqueue_indirect_dma source(%dma_start3A_520 : memref<128x16xf32, #tpu.memory_space<vmem>>) target(%dma_start3A_524 : memref<10112x16xf32, #tpu.memory_space<vmem_shared>>) offsets(%dma_start3A_521 : memref<128xi32, #tpu.memory_space<vmem>>) semaphore(%arg18 : memref<!tpu.dma_semaphore, #tpu.memory_space<semaphore_mem>>) {add = true}
      %mul3A_525 = arith.constant 6 : i32
      %mul3A_526 = arith.muli %add3A_380, %mul3A_525 : i32
      %add3A_527 = arith.constant 4 : i32
      %add3A_528 = arith.addi %mul3A_526, %add3A_527 : i32
      %mul3A_529 = arith.constant 128 : i32
      %mul3A_530 = arith.muli %add3A_528, %mul3A_529 : i32
      %dma_start3A_531 = arith.constant 512 : i32
      %dma_start3A_532 = arith.constant 0 : i32
      %dma_start3A_533 = tpu.memref_slice %arg11[%dma_start3A_531, %dma_start3A_532] : memref<768x16xf32, #tpu.memory_space<vmem>> -> memref<128x16xf32, #tpu.memory_space<vmem>>
      %dma_start3A_534 = tpu.memref_slice %arg9[%mul3A_530] : memref<10000xi32, #tpu.memory_space<vmem>> -> memref<128xi32, #tpu.memory_space<vmem>>
      %dma_start3A_535 = arith.constant 0 : i32
      %dma_start3A_536 = arith.constant 0 : i32
      %dma_start3A_537 = tpu.memref_slice %arg7[%dma_start3A_535, %dma_start3A_536] : memref<10112x16xf32, #tpu.memory_space<vmem_shared>> -> memref<10112x16xf32, #tpu.memory_space<vmem_shared>>
      tpu.enqueue_indirect_dma source(%dma_start3A_533 : memref<128x16xf32, #tpu.memory_space<vmem>>) target(%dma_start3A_537 : memref<10112x16xf32, #tpu.memory_space<vmem_shared>>) offsets(%dma_start3A_534 : memref<128xi32, #tpu.memory_space<vmem>>) semaphore(%arg18 : memref<!tpu.dma_semaphore, #tpu.memory_space<semaphore_mem>>) {add = true}
      %mul3A_538 = arith.constant 6 : i32
      %mul3A_539 = arith.muli %add3A_380, %mul3A_538 : i32
      %add3A_540 = arith.constant 5 : i32
      %add3A_541 = arith.addi %mul3A_539, %add3A_540 : i32
      %mul3A_542 = arith.constant 128 : i32
      %mul3A_543 = arith.muli %add3A_541, %mul3A_542 : i32
      %dma_start3A_544 = arith.constant 640 : i32
      %dma_start3A_545 = arith.constant 0 : i32
      %dma_start3A_546 = tpu.memref_slice %arg11[%dma_start3A_544, %dma_start3A_545] : memref<768x16xf32, #tpu.memory_space<vmem>> -> memref<128x16xf32, #tpu.memory_space<vmem>>
      %dma_start3A_547 = tpu.memref_slice %arg9[%mul3A_543] : memref<10000xi32, #tpu.memory_space<vmem>> -> memref<128xi32, #tpu.memory_space<vmem>>
      %dma_start3A_548 = arith.constant 0 : i32
      %dma_start3A_549 = arith.constant 0 : i32
      %dma_start3A_550 = tpu.memref_slice %arg7[%dma_start3A_548, %dma_start3A_549] : memref<10112x16xf32, #tpu.memory_space<vmem_shared>> -> memref<10112x16xf32, #tpu.memory_space<vmem_shared>>
      tpu.enqueue_indirect_dma source(%dma_start3A_546 : memref<128x16xf32, #tpu.memory_space<vmem>>) target(%dma_start3A_550 : memref<10112x16xf32, #tpu.memory_space<vmem_shared>>) offsets(%dma_start3A_547 : memref<128xi32, #tpu.memory_space<vmem>>) semaphore(%arg18 : memref<!tpu.dma_semaphore, #tpu.memory_space<semaphore_mem>>) {add = true}
      %dma_wait3A_551 = arith.constant 0 : i32
      %dma_wait3A_552 = arith.constant 0 : i32
      %dma_wait3A_553 = tpu.memref_slice %arg4[%dma_wait3A_551, %dma_wait3A_552] : memref<10112x16xf32, #tpu.memory_space<hbm>> -> memref<768x16xf32, #tpu.memory_space<hbm>>
      %dma_wait3A_554 = arith.constant 0 : i32
      %dma_wait3A_555 = arith.constant 0 : i32
      %dma_wait3A_556 = tpu.memref_slice %arg4[%dma_wait3A_554, %dma_wait3A_555] : memref<10112x16xf32, #tpu.memory_space<hbm>> -> memref<768x16xf32, #tpu.memory_space<hbm>>
      tpu.wait_dma2 semaphore(%arg15 : memref<!tpu.dma_semaphore, #tpu.memory_space<semaphore_mem>>) src(%dma_wait3A_556 : memref<768x16xf32, #tpu.memory_space<hbm>>) dst(%arg10 : memref<768x16xf32, #tpu.memory_space<vmem>>)
      %add3A_557 = arith.constant 1 : i32
      %add3A_558 = arith.addi %add3A_380, %add3A_557 : i32
      %mul3A_559 = arith.constant 6 : i32
      %mul3A_560 = arith.muli %add3A_558, %mul3A_559 : i32
      %add3A_561 = arith.constant 0 : i32
      %add3A_562 = arith.addi %mul3A_560, %add3A_561 : i32
      %mul3A_563 = arith.constant 128 : i32
      %mul3A_564 = arith.muli %add3A_562, %mul3A_563 : i32
      %dma_start3A_565 = arith.constant 0 : i32
      %dma_start3A_566 = arith.constant 0 : i32
      %dma_start3A_567 = tpu.memref_slice %arg10[%dma_start3A_565, %dma_start3A_566] : memref<768x16xf32, #tpu.memory_space<vmem>> -> memref<128x16xf32, #tpu.memory_space<vmem>>
      %dma_start3A_568 = tpu.memref_slice %arg9[%mul3A_564] : memref<10000xi32, #tpu.memory_space<vmem>> -> memref<128xi32, #tpu.memory_space<vmem>>
      %dma_start3A_569 = arith.constant 0 : i32
      %dma_start3A_570 = arith.constant 0 : i32
      %dma_start3A_571 = tpu.memref_slice %arg7[%dma_start3A_569, %dma_start3A_570] : memref<10112x16xf32, #tpu.memory_space<vmem_shared>> -> memref<10112x16xf32, #tpu.memory_space<vmem_shared>>
      tpu.enqueue_indirect_dma source(%dma_start3A_567 : memref<128x16xf32, #tpu.memory_space<vmem>>) target(%dma_start3A_571 : memref<10112x16xf32, #tpu.memory_space<vmem_shared>>) offsets(%dma_start3A_568 : memref<128xi32, #tpu.memory_space<vmem>>) semaphore(%arg17 : memref<!tpu.dma_semaphore, #tpu.memory_space<semaphore_mem>>) {add = true}
      %mul3A_572 = arith.constant 6 : i32
      %mul3A_573 = arith.muli %add3A_558, %mul3A_572 : i32
      %add3A_574 = arith.constant 1 : i32
      %add3A_575 = arith.addi %mul3A_573, %add3A_574 : i32
      %mul3A_576 = arith.constant 128 : i32
      %mul3A_577 = arith.muli %add3A_575, %mul3A_576 : i32
      %dma_start3A_578 = arith.constant 128 : i32
      %dma_start3A_579 = arith.constant 0 : i32
      %dma_start3A_580 = tpu.memref_slice %arg10[%dma_start3A_578, %dma_start3A_579] : memref<768x16xf32, #tpu.memory_space<vmem>> -> memref<128x16xf32, #tpu.memory_space<vmem>>
      %dma_start3A_581 = tpu.memref_slice %arg9[%mul3A_577] : memref<10000xi32, #tpu.memory_space<vmem>> -> memref<128xi32, #tpu.memory_space<vmem>>
      %dma_start3A_582 = arith.constant 0 : i32
      %dma_start3A_583 = arith.constant 0 : i32
      %dma_start3A_584 = tpu.memref_slice %arg7[%dma_start3A_582, %dma_start3A_583] : memref<10112x16xf32, #tpu.memory_space<vmem_shared>> -> memref<10112x16xf32, #tpu.memory_space<vmem_shared>>
      tpu.enqueue_indirect_dma source(%dma_start3A_580 : memref<128x16xf32, #tpu.memory_space<vmem>>) target(%dma_start3A_584 : memref<10112x16xf32, #tpu.memory_space<vmem_shared>>) offsets(%dma_start3A_581 : memref<128xi32, #tpu.memory_space<vmem>>) semaphore(%arg17 : memref<!tpu.dma_semaphore, #tpu.memory_space<semaphore_mem>>) {add = true}
      %mul3A_585 = arith.constant 6 : i32
      %mul3A_586 = arith.muli %add3A_558, %mul3A_585 : i32
      %add3A_587 = arith.constant 2 : i32
      %add3A_588 = arith.addi %mul3A_586, %add3A_587 : i32
      %mul3A_589 = arith.constant 128 : i32
      %mul3A_590 = arith.muli %add3A_588, %mul3A_589 : i32
      %dma_start3A_591 = arith.constant 256 : i32
      %dma_start3A_592 = arith.constant 0 : i32
      %dma_start3A_593 = tpu.memref_slice %arg10[%dma_start3A_591, %dma_start3A_592] : memref<768x16xf32, #tpu.memory_space<vmem>> -> memref<128x16xf32, #tpu.memory_space<vmem>>
      %dma_start3A_594 = tpu.memref_slice %arg9[%mul3A_590] : memref<10000xi32, #tpu.memory_space<vmem>> -> memref<128xi32, #tpu.memory_space<vmem>>
      %dma_start3A_595 = arith.constant 0 : i32
      %dma_start3A_596 = arith.constant 0 : i32
      %dma_start3A_597 = tpu.memref_slice %arg7[%dma_start3A_595, %dma_start3A_596] : memref<10112x16xf32, #tpu.memory_space<vmem_shared>> -> memref<10112x16xf32, #tpu.memory_space<vmem_shared>>
      tpu.enqueue_indirect_dma source(%dma_start3A_593 : memref<128x16xf32, #tpu.memory_space<vmem>>) target(%dma_start3A_597 : memref<10112x16xf32, #tpu.memory_space<vmem_shared>>) offsets(%dma_start3A_594 : memref<128xi32, #tpu.memory_space<vmem>>) semaphore(%arg17 : memref<!tpu.dma_semaphore, #tpu.memory_space<semaphore_mem>>) {add = true}
      %mul3A_598 = arith.constant 6 : i32
      %mul3A_599 = arith.muli %add3A_558, %mul3A_598 : i32
      %add3A_600 = arith.constant 3 : i32
      %add3A_601 = arith.addi %mul3A_599, %add3A_600 : i32
      %mul3A_602 = arith.constant 128 : i32
      %mul3A_603 = arith.muli %add3A_601, %mul3A_602 : i32
      %dma_start3A_604 = arith.constant 384 : i32
      %dma_start3A_605 = arith.constant 0 : i32
      %dma_start3A_606 = tpu.memref_slice %arg10[%dma_start3A_604, %dma_start3A_605] : memref<768x16xf32, #tpu.memory_space<vmem>> -> memref<128x16xf32, #tpu.memory_space<vmem>>
      %dma_start3A_607 = tpu.memref_slice %arg9[%mul3A_603] : memref<10000xi32, #tpu.memory_space<vmem>> -> memref<128xi32, #tpu.memory_space<vmem>>
      %dma_start3A_608 = arith.constant 0 : i32
      %dma_start3A_609 = arith.constant 0 : i32
      %dma_start3A_610 = tpu.memref_slice %arg7[%dma_start3A_608, %dma_start3A_609] : memref<10112x16xf32, #tpu.memory_space<vmem_shared>> -> memref<10112x16xf32, #tpu.memory_space<vmem_shared>>
      tpu.enqueue_indirect_dma source(%dma_start3A_606 : memref<128x16xf32, #tpu.memory_space<vmem>>) target(%dma_start3A_610 : memref<10112x16xf32, #tpu.memory_space<vmem_shared>>) offsets(%dma_start3A_607 : memref<128xi32, #tpu.memory_space<vmem>>) semaphore(%arg17 : memref<!tpu.dma_semaphore, #tpu.memory_space<semaphore_mem>>) {add = true}
      %mul3A_611 = arith.constant 6 : i32
      %mul3A_612 = arith.muli %add3A_558, %mul3A_611 : i32
      %add3A_613 = arith.constant 4 : i32
      %add3A_614 = arith.addi %mul3A_612, %add3A_613 : i32
      %mul3A_615 = arith.constant 128 : i32
      %mul3A_616 = arith.muli %add3A_614, %mul3A_615 : i32
      %dma_start3A_617 = arith.constant 512 : i32
      %dma_start3A_618 = arith.constant 0 : i32
      %dma_start3A_619 = tpu.memref_slice %arg10[%dma_start3A_617, %dma_start3A_618] : memref<768x16xf32, #tpu.memory_space<vmem>> -> memref<128x16xf32, #tpu.memory_space<vmem>>
      %dma_start3A_620 = tpu.memref_slice %arg9[%mul3A_616] : memref<10000xi32, #tpu.memory_space<vmem>> -> memref<128xi32, #tpu.memory_space<vmem>>
      %dma_start3A_621 = arith.constant 0 : i32
      %dma_start3A_622 = arith.constant 0 : i32
      %dma_start3A_623 = tpu.memref_slice %arg7[%dma_start3A_621, %dma_start3A_622] : memref<10112x16xf32, #tpu.memory_space<vmem_shared>> -> memref<10112x16xf32, #tpu.memory_space<vmem_shared>>
      tpu.enqueue_indirect_dma source(%dma_start3A_619 : memref<128x16xf32, #tpu.memory_space<vmem>>) target(%dma_start3A_623 : memref<10112x16xf32, #tpu.memory_space<vmem_shared>>) offsets(%dma_start3A_620 : memref<128xi32, #tpu.memory_space<vmem>>) semaphore(%arg17 : memref<!tpu.dma_semaphore, #tpu.memory_space<semaphore_mem>>) {add = true}
      %mul3A_624 = arith.constant 6 : i32
      %mul3A_625 = arith.muli %add3A_558, %mul3A_624 : i32
      %add3A_626 = arith.constant 5 : i32
      %add3A_627 = arith.addi %mul3A_625, %add3A_626 : i32
      %mul3A_628 = arith.constant 128 : i32
      %mul3A_629 = arith.muli %add3A_627, %mul3A_628 : i32
      %dma_start3A_630 = arith.constant 640 : i32
      %dma_start3A_631 = arith.constant 0 : i32
      %dma_start3A_632 = tpu.memref_slice %arg10[%dma_start3A_630, %dma_start3A_631] : memref<768x16xf32, #tpu.memory_space<vmem>> -> memref<128x16xf32, #tpu.memory_space<vmem>>
      %dma_start3A_633 = tpu.memref_slice %arg9[%mul3A_629] : memref<10000xi32, #tpu.memory_space<vmem>> -> memref<128xi32, #tpu.memory_space<vmem>>
      %dma_start3A_634 = arith.constant 0 : i32
      %dma_start3A_635 = arith.constant 0 : i32
      %dma_start3A_636 = tpu.memref_slice %arg7[%dma_start3A_634, %dma_start3A_635] : memref<10112x16xf32, #tpu.memory_space<vmem_shared>> -> memref<10112x16xf32, #tpu.memory_space<vmem_shared>>
      tpu.enqueue_indirect_dma source(%dma_start3A_632 : memref<128x16xf32, #tpu.memory_space<vmem>>) target(%dma_start3A_636 : memref<10112x16xf32, #tpu.memory_space<vmem_shared>>) offsets(%dma_start3A_633 : memref<128xi32, #tpu.memory_space<vmem>>) semaphore(%arg17 : memref<!tpu.dma_semaphore, #tpu.memory_space<semaphore_mem>>) {add = true}
      %dma_wait3A_637 = arith.constant 0 : i32
      %dma_wait3A_638 = arith.constant 0 : i32
      %dma_wait3A_639 = tpu.memref_slice %arg4[%dma_wait3A_637, %dma_wait3A_638] : memref<10112x16xf32, #tpu.memory_space<hbm>> -> memref<768x16xf32, #tpu.memory_space<hbm>>
      %dma_wait3A_640 = arith.constant 0 : i32
      %dma_wait3A_641 = arith.constant 0 : i32
      %dma_wait3A_642 = tpu.memref_slice %arg4[%dma_wait3A_640, %dma_wait3A_641] : memref<10112x16xf32, #tpu.memory_space<hbm>> -> memref<768x16xf32, #tpu.memory_space<hbm>>
      tpu.wait_dma2 semaphore(%arg18 : memref<!tpu.dma_semaphore, #tpu.memory_space<semaphore_mem>>) src(%dma_wait3A_642 : memref<768x16xf32, #tpu.memory_space<hbm>>) dst(%arg11 : memref<768x16xf32, #tpu.memory_space<vmem>>)
      %add3A_643 = arith.constant 2 : i32
      %add3A_644 = arith.addi %add3A_380, %add3A_643 : i32
      %mul3A_645 = arith.constant 6 : i32
      %mul3A_646 = arith.muli %add3A_644, %mul3A_645 : i32
      %add3A_647 = arith.constant 0 : i32
      %add3A_648 = arith.addi %mul3A_646, %add3A_647 : i32
      %mul3A_649 = arith.constant 128 : i32
      %mul3A_650 = arith.muli %add3A_648, %mul3A_649 : i32
      %dma_start3A_651 = arith.constant 0 : i32
      %dma_start3A_652 = arith.constant 0 : i32
      %dma_start3A_653 = tpu.memref_slice %arg11[%dma_start3A_651, %dma_start3A_652] : memref<768x16xf32, #tpu.memory_space<vmem>> -> memref<128x16xf32, #tpu.memory_space<vmem>>
      %dma_start3A_654 = tpu.memref_slice %arg8[%mul3A_650] : memref<10000xi32, #tpu.memory_space<vmem>> -> memref<128xi32, #tpu.memory_space<vmem>>
      %dma_start3A_655 = arith.constant 0 : i32
      %dma_start3A_656 = arith.constant 0 : i32
      %dma_start3A_657 = tpu.memref_slice %arg6[%dma_start3A_655, %dma_start3A_656] : memref<10000x16xf32, #tpu.memory_space<vmem_shared>> -> memref<10000x16xf32, #tpu.memory_space<vmem_shared>>
      tpu.enqueue_indirect_dma source(%dma_start3A_657 : memref<10000x16xf32, #tpu.memory_space<vmem_shared>>) target(%dma_start3A_653 : memref<128x16xf32, #tpu.memory_space<vmem>>) offsets(%dma_start3A_654 : memref<128xi32, #tpu.memory_space<vmem>>) semaphore(%arg16 : memref<!tpu.dma_semaphore, #tpu.memory_space<semaphore_mem>>)
      %mul3A_658 = arith.constant 6 : i32
      %mul3A_659 = arith.muli %add3A_644, %mul3A_658 : i32
      %add3A_660 = arith.constant 1 : i32
      %add3A_661 = arith.addi %mul3A_659, %add3A_660 : i32
      %mul3A_662 = arith.constant 128 : i32
      %mul3A_663 = arith.muli %add3A_661, %mul3A_662 : i32
      %dma_start3A_664 = arith.constant 128 : i32
      %dma_start3A_665 = arith.constant 0 : i32
      %dma_start3A_666 = tpu.memref_slice %arg11[%dma_start3A_664, %dma_start3A_665] : memref<768x16xf32, #tpu.memory_space<vmem>> -> memref<128x16xf32, #tpu.memory_space<vmem>>
      %dma_start3A_667 = tpu.memref_slice %arg8[%mul3A_663] : memref<10000xi32, #tpu.memory_space<vmem>> -> memref<128xi32, #tpu.memory_space<vmem>>
      %dma_start3A_668 = arith.constant 0 : i32
      %dma_start3A_669 = arith.constant 0 : i32
      %dma_start3A_670 = tpu.memref_slice %arg6[%dma_start3A_668, %dma_start3A_669] : memref<10000x16xf32, #tpu.memory_space<vmem_shared>> -> memref<10000x16xf32, #tpu.memory_space<vmem_shared>>
      tpu.enqueue_indirect_dma source(%dma_start3A_670 : memref<10000x16xf32, #tpu.memory_space<vmem_shared>>) target(%dma_start3A_666 : memref<128x16xf32, #tpu.memory_space<vmem>>) offsets(%dma_start3A_667 : memref<128xi32, #tpu.memory_space<vmem>>) semaphore(%arg16 : memref<!tpu.dma_semaphore, #tpu.memory_space<semaphore_mem>>)
      %mul3A_671 = arith.constant 6 : i32
      %mul3A_672 = arith.muli %add3A_644, %mul3A_671 : i32
      %add3A_673 = arith.constant 2 : i32
      %add3A_674 = arith.addi %mul3A_672, %add3A_673 : i32
      %mul3A_675 = arith.constant 128 : i32
      %mul3A_676 = arith.muli %add3A_674, %mul3A_675 : i32
      %dma_start3A_677 = arith.constant 256 : i32
      %dma_start3A_678 = arith.constant 0 : i32
      %dma_start3A_679 = tpu.memref_slice %arg11[%dma_start3A_677, %dma_start3A_678] : memref<768x16xf32, #tpu.memory_space<vmem>> -> memref<128x16xf32, #tpu.memory_space<vmem>>
      %dma_start3A_680 = tpu.memref_slice %arg8[%mul3A_676] : memref<10000xi32, #tpu.memory_space<vmem>> -> memref<128xi32, #tpu.memory_space<vmem>>
      %dma_start3A_681 = arith.constant 0 : i32
      %dma_start3A_682 = arith.constant 0 : i32
      %dma_start3A_683 = tpu.memref_slice %arg6[%dma_start3A_681, %dma_start3A_682] : memref<10000x16xf32, #tpu.memory_space<vmem_shared>> -> memref<10000x16xf32, #tpu.memory_space<vmem_shared>>
      tpu.enqueue_indirect_dma source(%dma_start3A_683 : memref<10000x16xf32, #tpu.memory_space<vmem_shared>>) target(%dma_start3A_679 : memref<128x16xf32, #tpu.memory_space<vmem>>) offsets(%dma_start3A_680 : memref<128xi32, #tpu.memory_space<vmem>>) semaphore(%arg16 : memref<!tpu.dma_semaphore, #tpu.memory_space<semaphore_mem>>)
      %mul3A_684 = arith.constant 6 : i32
      %mul3A_685 = arith.muli %add3A_644, %mul3A_684 : i32
      %add3A_686 = arith.constant 3 : i32
      %add3A_687 = arith.addi %mul3A_685, %add3A_686 : i32
      %mul3A_688 = arith.constant 128 : i32
      %mul3A_689 = arith.muli %add3A_687, %mul3A_688 : i32
      %dma_start3A_690 = arith.constant 384 : i32
      %dma_start3A_691 = arith.constant 0 : i32
      %dma_start3A_692 = tpu.memref_slice %arg11[%dma_start3A_690, %dma_start3A_691] : memref<768x16xf32, #tpu.memory_space<vmem>> -> memref<128x16xf32, #tpu.memory_space<vmem>>
      %dma_start3A_693 = tpu.memref_slice %arg8[%mul3A_689] : memref<10000xi32, #tpu.memory_space<vmem>> -> memref<128xi32, #tpu.memory_space<vmem>>
      %dma_start3A_694 = arith.constant 0 : i32
      %dma_start3A_695 = arith.constant 0 : i32
      %dma_start3A_696 = tpu.memref_slice %arg6[%dma_start3A_694, %dma_start3A_695] : memref<10000x16xf32, #tpu.memory_space<vmem_shared>> -> memref<10000x16xf32, #tpu.memory_space<vmem_shared>>
      tpu.enqueue_indirect_dma source(%dma_start3A_696 : memref<10000x16xf32, #tpu.memory_space<vmem_shared>>) target(%dma_start3A_692 : memref<128x16xf32, #tpu.memory_space<vmem>>) offsets(%dma_start3A_693 : memref<128xi32, #tpu.memory_space<vmem>>) semaphore(%arg16 : memref<!tpu.dma_semaphore, #tpu.memory_space<semaphore_mem>>)
      %mul3A_697 = arith.constant 6 : i32
      %mul3A_698 = arith.muli %add3A_644, %mul3A_697 : i32
      %add3A_699 = arith.constant 4 : i32
      %add3A_700 = arith.addi %mul3A_698, %add3A_699 : i32
      %mul3A_701 = arith.constant 128 : i32
      %mul3A_702 = arith.muli %add3A_700, %mul3A_701 : i32
      %dma_start3A_703 = arith.constant 512 : i32
      %dma_start3A_704 = arith.constant 0 : i32
      %dma_start3A_705 = tpu.memref_slice %arg11[%dma_start3A_703, %dma_start3A_704] : memref<768x16xf32, #tpu.memory_space<vmem>> -> memref<128x16xf32, #tpu.memory_space<vmem>>
      %dma_start3A_706 = tpu.memref_slice %arg8[%mul3A_702] : memref<10000xi32, #tpu.memory_space<vmem>> -> memref<128xi32, #tpu.memory_space<vmem>>
      %dma_start3A_707 = arith.constant 0 : i32
      %dma_start3A_708 = arith.constant 0 : i32
      %dma_start3A_709 = tpu.memref_slice %arg6[%dma_start3A_707, %dma_start3A_708] : memref<10000x16xf32, #tpu.memory_space<vmem_shared>> -> memref<10000x16xf32, #tpu.memory_space<vmem_shared>>
      tpu.enqueue_indirect_dma source(%dma_start3A_709 : memref<10000x16xf32, #tpu.memory_space<vmem_shared>>) target(%dma_start3A_705 : memref<128x16xf32, #tpu.memory_space<vmem>>) offsets(%dma_start3A_706 : memref<128xi32, #tpu.memory_space<vmem>>) semaphore(%arg16 : memref<!tpu.dma_semaphore, #tpu.memory_space<semaphore_mem>>)
      %mul3A_710 = arith.constant 6 : i32
      %mul3A_711 = arith.muli %add3A_644, %mul3A_710 : i32
      %add3A_712 = arith.constant 5 : i32
      %add3A_713 = arith.addi %mul3A_711, %add3A_712 : i32
      %mul3A_714 = arith.constant 128 : i32
      %mul3A_715 = arith.muli %add3A_713, %mul3A_714 : i32
      %dma_start3A_716 = arith.constant 640 : i32
      %dma_start3A_717 = arith.constant 0 : i32
      %dma_start3A_718 = tpu.memref_slice %arg11[%dma_start3A_716, %dma_start3A_717] : memref<768x16xf32, #tpu.memory_space<vmem>> -> memref<128x16xf32, #tpu.memory_space<vmem>>
      %dma_start3A_719 = tpu.memref_slice %arg8[%mul3A_715] : memref<10000xi32, #tpu.memory_space<vmem>> -> memref<128xi32, #tpu.memory_space<vmem>>
      %dma_start3A_720 = arith.constant 0 : i32
      %dma_start3A_721 = arith.constant 0 : i32
      %dma_start3A_722 = tpu.memref_slice %arg6[%dma_start3A_720, %dma_start3A_721] : memref<10000x16xf32, #tpu.memory_space<vmem_shared>> -> memref<10000x16xf32, #tpu.memory_space<vmem_shared>>
      tpu.enqueue_indirect_dma source(%dma_start3A_722 : memref<10000x16xf32, #tpu.memory_space<vmem_shared>>) target(%dma_start3A_718 : memref<128x16xf32, #tpu.memory_space<vmem>>) offsets(%dma_start3A_719 : memref<128xi32, #tpu.memory_space<vmem>>) semaphore(%arg16 : memref<!tpu.dma_semaphore, #tpu.memory_space<semaphore_mem>>)
    }
    %scan3A_183 = arith.constant 5 : i32
    %dma_wait3A_184 = arith.constant 0 : i32
    %dma_wait3A_185 = arith.constant 0 : i32
    %dma_wait3A_186 = tpu.memref_slice %arg4[%dma_wait3A_184, %dma_wait3A_185] : memref<10112x16xf32, #tpu.memory_space<hbm>> -> memref<768x16xf32, #tpu.memory_space<hbm>>
    %dma_wait3A_187 = arith.constant 0 : i32
    %dma_wait3A_188 = arith.constant 0 : i32
    %dma_wait3A_189 = tpu.memref_slice %arg4[%dma_wait3A_187, %dma_wait3A_188] : memref<10112x16xf32, #tpu.memory_space<hbm>> -> memref<768x16xf32, #tpu.memory_space<hbm>>
    tpu.wait_dma2 semaphore(%arg17 : memref<!tpu.dma_semaphore, #tpu.memory_space<semaphore_mem>>) src(%dma_wait3A_189 : memref<768x16xf32, #tpu.memory_space<hbm>>) dst(%arg10 : memref<768x16xf32, #tpu.memory_space<vmem>>)
    %dma_start3A_190 = arith.constant 0 : i32
    %dma_start3A_191 = arith.constant 0 : i32
    %dma_start3A_192 = tpu.memref_slice %arg10[%dma_start3A_190, %dma_start3A_191] : memref<768x16xf32, #tpu.memory_space<vmem>> -> memref<128x16xf32, #tpu.memory_space<vmem>>
    %dma_start3A_193 = arith.constant 9216 : i32
    %dma_start3A_194 = tpu.memref_slice %arg8[%dma_start3A_193] : memref<10000xi32, #tpu.memory_space<vmem>> -> memref<128xi32, #tpu.memory_space<vmem>>
    %dma_start3A_195 = arith.constant 0 : i32
    %dma_start3A_196 = arith.constant 0 : i32
    %dma_start3A_197 = tpu.memref_slice %arg6[%dma_start3A_195, %dma_start3A_196] : memref<10000x16xf32, #tpu.memory_space<vmem_shared>> -> memref<10000x16xf32, #tpu.memory_space<vmem_shared>>
    tpu.enqueue_indirect_dma source(%dma_start3A_197 : memref<10000x16xf32, #tpu.memory_space<vmem_shared>>) target(%dma_start3A_192 : memref<128x16xf32, #tpu.memory_space<vmem>>) offsets(%dma_start3A_194 : memref<128xi32, #tpu.memory_space<vmem>>) semaphore(%arg15 : memref<!tpu.dma_semaphore, #tpu.memory_space<semaphore_mem>>)
    %dma_start3A_198 = arith.constant 128 : i32
    %dma_start3A_199 = arith.constant 0 : i32
    %dma_start3A_200 = tpu.memref_slice %arg10[%dma_start3A_198, %dma_start3A_199] : memref<768x16xf32, #tpu.memory_space<vmem>> -> memref<128x16xf32, #tpu.memory_space<vmem>>
    %dma_start3A_201 = arith.constant 9344 : i32
    %dma_start3A_202 = tpu.memref_slice %arg8[%dma_start3A_201] : memref<10000xi32, #tpu.memory_space<vmem>> -> memref<128xi32, #tpu.memory_space<vmem>>
    %dma_start3A_203 = arith.constant 0 : i32
    %dma_start3A_204 = arith.constant 0 : i32
    %dma_start3A_205 = tpu.memref_slice %arg6[%dma_start3A_203, %dma_start3A_204] : memref<10000x16xf32, #tpu.memory_space<vmem_shared>> -> memref<10000x16xf32, #tpu.memory_space<vmem_shared>>
    tpu.enqueue_indirect_dma source(%dma_start3A_205 : memref<10000x16xf32, #tpu.memory_space<vmem_shared>>) target(%dma_start3A_200 : memref<128x16xf32, #tpu.memory_space<vmem>>) offsets(%dma_start3A_202 : memref<128xi32, #tpu.memory_space<vmem>>) semaphore(%arg15 : memref<!tpu.dma_semaphore, #tpu.memory_space<semaphore_mem>>)
    %dma_start3A_206 = arith.constant 256 : i32
    %dma_start3A_207 = arith.constant 0 : i32
    %dma_start3A_208 = tpu.memref_slice %arg10[%dma_start3A_206, %dma_start3A_207] : memref<768x16xf32, #tpu.memory_space<vmem>> -> memref<128x16xf32, #tpu.memory_space<vmem>>
    %dma_start3A_209 = arith.constant 9472 : i32
    %dma_start3A_210 = tpu.memref_slice %arg8[%dma_start3A_209] : memref<10000xi32, #tpu.memory_space<vmem>> -> memref<128xi32, #tpu.memory_space<vmem>>
    %dma_start3A_211 = arith.constant 0 : i32
    %dma_start3A_212 = arith.constant 0 : i32
    %dma_start3A_213 = tpu.memref_slice %arg6[%dma_start3A_211, %dma_start3A_212] : memref<10000x16xf32, #tpu.memory_space<vmem_shared>> -> memref<10000x16xf32, #tpu.memory_space<vmem_shared>>
    tpu.enqueue_indirect_dma source(%dma_start3A_213 : memref<10000x16xf32, #tpu.memory_space<vmem_shared>>) target(%dma_start3A_208 : memref<128x16xf32, #tpu.memory_space<vmem>>) offsets(%dma_start3A_210 : memref<128xi32, #tpu.memory_space<vmem>>) semaphore(%arg15 : memref<!tpu.dma_semaphore, #tpu.memory_space<semaphore_mem>>)
    %dma_start3A_214 = arith.constant 384 : i32
    %dma_start3A_215 = arith.constant 0 : i32
    %dma_start3A_216 = tpu.memref_slice %arg10[%dma_start3A_214, %dma_start3A_215] : memref<768x16xf32, #tpu.memory_space<vmem>> -> memref<128x16xf32, #tpu.memory_space<vmem>>
    %dma_start3A_217 = arith.constant 9600 : i32
    %dma_start3A_218 = tpu.memref_slice %arg8[%dma_start3A_217] : memref<10000xi32, #tpu.memory_space<vmem>> -> memref<128xi32, #tpu.memory_space<vmem>>
    %dma_start3A_219 = arith.constant 0 : i32
    %dma_start3A_220 = arith.constant 0 : i32
    %dma_start3A_221 = tpu.memref_slice %arg6[%dma_start3A_219, %dma_start3A_220] : memref<10000x16xf32, #tpu.memory_space<vmem_shared>> -> memref<10000x16xf32, #tpu.memory_space<vmem_shared>>
    tpu.enqueue_indirect_dma source(%dma_start3A_221 : memref<10000x16xf32, #tpu.memory_space<vmem_shared>>) target(%dma_start3A_216 : memref<128x16xf32, #tpu.memory_space<vmem>>) offsets(%dma_start3A_218 : memref<128xi32, #tpu.memory_space<vmem>>) semaphore(%arg15 : memref<!tpu.dma_semaphore, #tpu.memory_space<semaphore_mem>>)
    %dma_start3A_222 = arith.constant 512 : i32
    %dma_start3A_223 = arith.constant 0 : i32
    %dma_start3A_224 = tpu.memref_slice %arg10[%dma_start3A_222, %dma_start3A_223] : memref<768x16xf32, #tpu.memory_space<vmem>> -> memref<128x16xf32, #tpu.memory_space<vmem>>
    %dma_start3A_225 = arith.constant 9728 : i32
    %dma_start3A_226 = tpu.memref_slice %arg8[%dma_start3A_225] : memref<10000xi32, #tpu.memory_space<vmem>> -> memref<128xi32, #tpu.memory_space<vmem>>
    %dma_start3A_227 = arith.constant 0 : i32
    %dma_start3A_228 = arith.constant 0 : i32
    %dma_start3A_229 = tpu.memref_slice %arg6[%dma_start3A_227, %dma_start3A_228] : memref<10000x16xf32, #tpu.memory_space<vmem_shared>> -> memref<10000x16xf32, #tpu.memory_space<vmem_shared>>
    tpu.enqueue_indirect_dma source(%dma_start3A_229 : memref<10000x16xf32, #tpu.memory_space<vmem_shared>>) target(%dma_start3A_224 : memref<128x16xf32, #tpu.memory_space<vmem>>) offsets(%dma_start3A_226 : memref<128xi32, #tpu.memory_space<vmem>>) semaphore(%arg15 : memref<!tpu.dma_semaphore, #tpu.memory_space<semaphore_mem>>)
    %dma_start3A_230 = arith.constant 640 : i32
    %dma_start3A_231 = arith.constant 0 : i32
    %dma_start3A_232 = tpu.memref_slice %arg10[%dma_start3A_230, %dma_start3A_231] : memref<768x16xf32, #tpu.memory_space<vmem>> -> memref<128x16xf32, #tpu.memory_space<vmem>>
    %dma_start3A_233 = arith.constant 9856 : i32
    %dma_start3A_234 = tpu.memref_slice %arg8[%dma_start3A_233] : memref<10000xi32, #tpu.memory_space<vmem>> -> memref<128xi32, #tpu.memory_space<vmem>>
    %dma_start3A_235 = arith.constant 0 : i32
    %dma_start3A_236 = arith.constant 0 : i32
    %dma_start3A_237 = tpu.memref_slice %arg6[%dma_start3A_235, %dma_start3A_236] : memref<10000x16xf32, #tpu.memory_space<vmem_shared>> -> memref<10000x16xf32, #tpu.memory_space<vmem_shared>>
    tpu.enqueue_indirect_dma source(%dma_start3A_237 : memref<10000x16xf32, #tpu.memory_space<vmem_shared>>) target(%dma_start3A_232 : memref<128x16xf32, #tpu.memory_space<vmem>>) offsets(%dma_start3A_234 : memref<128xi32, #tpu.memory_space<vmem>>) semaphore(%arg15 : memref<!tpu.dma_semaphore, #tpu.memory_space<semaphore_mem>>)
    %dma_wait3A_238 = arith.constant 0 : i32
    %dma_wait3A_239 = arith.constant 0 : i32
    %dma_wait3A_240 = tpu.memref_slice %arg4[%dma_wait3A_238, %dma_wait3A_239] : memref<10112x16xf32, #tpu.memory_space<hbm>> -> memref<768x16xf32, #tpu.memory_space<hbm>>
    %dma_wait3A_241 = arith.constant 0 : i32
    %dma_wait3A_242 = arith.constant 0 : i32
    %dma_wait3A_243 = tpu.memref_slice %arg4[%dma_wait3A_241, %dma_wait3A_242] : memref<10112x16xf32, #tpu.memory_space<hbm>> -> memref<768x16xf32, #tpu.memory_space<hbm>>
    tpu.wait_dma2 semaphore(%arg16 : memref<!tpu.dma_semaphore, #tpu.memory_space<semaphore_mem>>) src(%dma_wait3A_243 : memref<768x16xf32, #tpu.memory_space<hbm>>) dst(%arg11 : memref<768x16xf32, #tpu.memory_space<vmem>>)
    %dma_start3A_244 = arith.constant 0 : i32
    %dma_start3A_245 = arith.constant 0 : i32
    %dma_start3A_246 = tpu.memref_slice %arg11[%dma_start3A_244, %dma_start3A_245] : memref<768x16xf32, #tpu.memory_space<vmem>> -> memref<128x16xf32, #tpu.memory_space<vmem>>
    %dma_start3A_247 = arith.constant 8448 : i32
    %dma_start3A_248 = tpu.memref_slice %arg9[%dma_start3A_247] : memref<10000xi32, #tpu.memory_space<vmem>> -> memref<128xi32, #tpu.memory_space<vmem>>
    %dma_start3A_249 = arith.constant 0 : i32
    %dma_start3A_250 = arith.constant 0 : i32
    %dma_start3A_251 = tpu.memref_slice %arg7[%dma_start3A_249, %dma_start3A_250] : memref<10112x16xf32, #tpu.memory_space<vmem_shared>> -> memref<10112x16xf32, #tpu.memory_space<vmem_shared>>
    tpu.enqueue_indirect_dma source(%dma_start3A_246 : memref<128x16xf32, #tpu.memory_space<vmem>>) target(%dma_start3A_251 : memref<10112x16xf32, #tpu.memory_space<vmem_shared>>) offsets(%dma_start3A_248 : memref<128xi32, #tpu.memory_space<vmem>>) semaphore(%arg18 : memref<!tpu.dma_semaphore, #tpu.memory_space<semaphore_mem>>) {add = true}
    %dma_start3A_252 = arith.constant 128 : i32
    %dma_start3A_253 = arith.constant 0 : i32
    %dma_start3A_254 = tpu.memref_slice %arg11[%dma_start3A_252, %dma_start3A_253] : memref<768x16xf32, #tpu.memory_space<vmem>> -> memref<128x16xf32, #tpu.memory_space<vmem>>
    %dma_start3A_255 = arith.constant 8576 : i32
    %dma_start3A_256 = tpu.memref_slice %arg9[%dma_start3A_255] : memref<10000xi32, #tpu.memory_space<vmem>> -> memref<128xi32, #tpu.memory_space<vmem>>
    %dma_start3A_257 = arith.constant 0 : i32
    %dma_start3A_258 = arith.constant 0 : i32
    %dma_start3A_259 = tpu.memref_slice %arg7[%dma_start3A_257, %dma_start3A_258] : memref<10112x16xf32, #tpu.memory_space<vmem_shared>> -> memref<10112x16xf32, #tpu.memory_space<vmem_shared>>
    tpu.enqueue_indirect_dma source(%dma_start3A_254 : memref<128x16xf32, #tpu.memory_space<vmem>>) target(%dma_start3A_259 : memref<10112x16xf32, #tpu.memory_space<vmem_shared>>) offsets(%dma_start3A_256 : memref<128xi32, #tpu.memory_space<vmem>>) semaphore(%arg18 : memref<!tpu.dma_semaphore, #tpu.memory_space<semaphore_mem>>) {add = true}
    %dma_start3A_260 = arith.constant 256 : i32
    %dma_start3A_261 = arith.constant 0 : i32
    %dma_start3A_262 = tpu.memref_slice %arg11[%dma_start3A_260, %dma_start3A_261] : memref<768x16xf32, #tpu.memory_space<vmem>> -> memref<128x16xf32, #tpu.memory_space<vmem>>
    %dma_start3A_263 = arith.constant 8704 : i32
    %dma_start3A_264 = tpu.memref_slice %arg9[%dma_start3A_263] : memref<10000xi32, #tpu.memory_space<vmem>> -> memref<128xi32, #tpu.memory_space<vmem>>
    %dma_start3A_265 = arith.constant 0 : i32
    %dma_start3A_266 = arith.constant 0 : i32
    %dma_start3A_267 = tpu.memref_slice %arg7[%dma_start3A_265, %dma_start3A_266] : memref<10112x16xf32, #tpu.memory_space<vmem_shared>> -> memref<10112x16xf32, #tpu.memory_space<vmem_shared>>
    tpu.enqueue_indirect_dma source(%dma_start3A_262 : memref<128x16xf32, #tpu.memory_space<vmem>>) target(%dma_start3A_267 : memref<10112x16xf32, #tpu.memory_space<vmem_shared>>) offsets(%dma_start3A_264 : memref<128xi32, #tpu.memory_space<vmem>>) semaphore(%arg18 : memref<!tpu.dma_semaphore, #tpu.memory_space<semaphore_mem>>) {add = true}
    %dma_start3A_268 = arith.constant 384 : i32
    %dma_start3A_269 = arith.constant 0 : i32
    %dma_start3A_270 = tpu.memref_slice %arg11[%dma_start3A_268, %dma_start3A_269] : memref<768x16xf32, #tpu.memory_space<vmem>> -> memref<128x16xf32, #tpu.memory_space<vmem>>
    %dma_start3A_271 = arith.constant 8832 : i32
    %dma_start3A_272 = tpu.memref_slice %arg9[%dma_start3A_271] : memref<10000xi32, #tpu.memory_space<vmem>> -> memref<128xi32, #tpu.memory_space<vmem>>
    %dma_start3A_273 = arith.constant 0 : i32
    %dma_start3A_274 = arith.constant 0 : i32
    %dma_start3A_275 = tpu.memref_slice %arg7[%dma_start3A_273, %dma_start3A_274] : memref<10112x16xf32, #tpu.memory_space<vmem_shared>> -> memref<10112x16xf32, #tpu.memory_space<vmem_shared>>
    tpu.enqueue_indirect_dma source(%dma_start3A_270 : memref<128x16xf32, #tpu.memory_space<vmem>>) target(%dma_start3A_275 : memref<10112x16xf32, #tpu.memory_space<vmem_shared>>) offsets(%dma_start3A_272 : memref<128xi32, #tpu.memory_space<vmem>>) semaphore(%arg18 : memref<!tpu.dma_semaphore, #tpu.memory_space<semaphore_mem>>) {add = true}
    %dma_start3A_276 = arith.constant 512 : i32
    %dma_start3A_277 = arith.constant 0 : i32
    %dma_start3A_278 = tpu.memref_slice %arg11[%dma_start3A_276, %dma_start3A_277] : memref<768x16xf32, #tpu.memory_space<vmem>> -> memref<128x16xf32, #tpu.memory_space<vmem>>
    %dma_start3A_279 = arith.constant 8960 : i32
    %dma_start3A_280 = tpu.memref_slice %arg9[%dma_start3A_279] : memref<10000xi32, #tpu.memory_space<vmem>> -> memref<128xi32, #tpu.memory_space<vmem>>
    %dma_start3A_281 = arith.constant 0 : i32
    %dma_start3A_282 = arith.constant 0 : i32
    %dma_start3A_283 = tpu.memref_slice %arg7[%dma_start3A_281, %dma_start3A_282] : memref<10112x16xf32, #tpu.memory_space<vmem_shared>> -> memref<10112x16xf32, #tpu.memory_space<vmem_shared>>
    tpu.enqueue_indirect_dma source(%dma_start3A_278 : memref<128x16xf32, #tpu.memory_space<vmem>>) target(%dma_start3A_283 : memref<10112x16xf32, #tpu.memory_space<vmem_shared>>) offsets(%dma_start3A_280 : memref<128xi32, #tpu.memory_space<vmem>>) semaphore(%arg18 : memref<!tpu.dma_semaphore, #tpu.memory_space<semaphore_mem>>) {add = true}
    %dma_start3A_284 = arith.constant 640 : i32
    %dma_start3A_285 = arith.constant 0 : i32
    %dma_start3A_286 = tpu.memref_slice %arg11[%dma_start3A_284, %dma_start3A_285] : memref<768x16xf32, #tpu.memory_space<vmem>> -> memref<128x16xf32, #tpu.memory_space<vmem>>
    %dma_start3A_287 = arith.constant 9088 : i32
    %dma_start3A_288 = tpu.memref_slice %arg9[%dma_start3A_287] : memref<10000xi32, #tpu.memory_space<vmem>> -> memref<128xi32, #tpu.memory_space<vmem>>
    %dma_start3A_289 = arith.constant 0 : i32
    %dma_start3A_290 = arith.constant 0 : i32
    %dma_start3A_291 = tpu.memref_slice %arg7[%dma_start3A_289, %dma_start3A_290] : memref<10112x16xf32, #tpu.memory_space<vmem_shared>> -> memref<10112x16xf32, #tpu.memory_space<vmem_shared>>
    tpu.enqueue_indirect_dma source(%dma_start3A_286 : memref<128x16xf32, #tpu.memory_space<vmem>>) target(%dma_start3A_291 : memref<10112x16xf32, #tpu.memory_space<vmem_shared>>) offsets(%dma_start3A_288 : memref<128xi32, #tpu.memory_space<vmem>>) semaphore(%arg18 : memref<!tpu.dma_semaphore, #tpu.memory_space<semaphore_mem>>) {add = true}
    %dma_wait3A_292 = arith.constant 0 : i32
    %dma_wait3A_293 = arith.constant 0 : i32
    %dma_wait3A_294 = tpu.memref_slice %arg4[%dma_wait3A_292, %dma_wait3A_293] : memref<10112x16xf32, #tpu.memory_space<hbm>> -> memref<768x16xf32, #tpu.memory_space<hbm>>
    %dma_wait3A_295 = arith.constant 0 : i32
    %dma_wait3A_296 = arith.constant 0 : i32
    %dma_wait3A_297 = tpu.memref_slice %arg4[%dma_wait3A_295, %dma_wait3A_296] : memref<10112x16xf32, #tpu.memory_space<hbm>> -> memref<768x16xf32, #tpu.memory_space<hbm>>
    tpu.wait_dma2 semaphore(%arg15 : memref<!tpu.dma_semaphore, #tpu.memory_space<semaphore_mem>>) src(%dma_wait3A_297 : memref<768x16xf32, #tpu.memory_space<hbm>>) dst(%arg10 : memref<768x16xf32, #tpu.memory_space<vmem>>)
    %dma_start3A_298 = arith.constant 0 : i32
    %dma_start3A_299 = arith.constant 0 : i32
    %dma_start3A_300 = tpu.memref_slice %arg10[%dma_start3A_298, %dma_start3A_299] : memref<768x16xf32, #tpu.memory_space<vmem>> -> memref<128x16xf32, #tpu.memory_space<vmem>>
    %dma_start3A_301 = arith.constant 9216 : i32
    %dma_start3A_302 = tpu.memref_slice %arg9[%dma_start3A_301] : memref<10000xi32, #tpu.memory_space<vmem>> -> memref<128xi32, #tpu.memory_space<vmem>>
    %dma_start3A_303 = arith.constant 0 : i32
    %dma_start3A_304 = arith.constant 0 : i32
    %dma_start3A_305 = tpu.memref_slice %arg7[%dma_start3A_303, %dma_start3A_304] : memref<10112x16xf32, #tpu.memory_space<vmem_shared>> -> memref<10112x16xf32, #tpu.memory_space<vmem_shared>>
    tpu.enqueue_indirect_dma source(%dma_start3A_300 : memref<128x16xf32, #tpu.memory_space<vmem>>) target(%dma_start3A_305 : memref<10112x16xf32, #tpu.memory_space<vmem_shared>>) offsets(%dma_start3A_302 : memref<128xi32, #tpu.memory_space<vmem>>) semaphore(%arg17 : memref<!tpu.dma_semaphore, #tpu.memory_space<semaphore_mem>>) {add = true}
    %dma_start3A_306 = arith.constant 128 : i32
    %dma_start3A_307 = arith.constant 0 : i32
    %dma_start3A_308 = tpu.memref_slice %arg10[%dma_start3A_306, %dma_start3A_307] : memref<768x16xf32, #tpu.memory_space<vmem>> -> memref<128x16xf32, #tpu.memory_space<vmem>>
    %dma_start3A_309 = arith.constant 9344 : i32
    %dma_start3A_310 = tpu.memref_slice %arg9[%dma_start3A_309] : memref<10000xi32, #tpu.memory_space<vmem>> -> memref<128xi32, #tpu.memory_space<vmem>>
    %dma_start3A_311 = arith.constant 0 : i32
    %dma_start3A_312 = arith.constant 0 : i32
    %dma_start3A_313 = tpu.memref_slice %arg7[%dma_start3A_311, %dma_start3A_312] : memref<10112x16xf32, #tpu.memory_space<vmem_shared>> -> memref<10112x16xf32, #tpu.memory_space<vmem_shared>>
    tpu.enqueue_indirect_dma source(%dma_start3A_308 : memref<128x16xf32, #tpu.memory_space<vmem>>) target(%dma_start3A_313 : memref<10112x16xf32, #tpu.memory_space<vmem_shared>>) offsets(%dma_start3A_310 : memref<128xi32, #tpu.memory_space<vmem>>) semaphore(%arg17 : memref<!tpu.dma_semaphore, #tpu.memory_space<semaphore_mem>>) {add = true}
    %dma_start3A_314 = arith.constant 256 : i32
    %dma_start3A_315 = arith.constant 0 : i32
    %dma_start3A_316 = tpu.memref_slice %arg10[%dma_start3A_314, %dma_start3A_315] : memref<768x16xf32, #tpu.memory_space<vmem>> -> memref<128x16xf32, #tpu.memory_space<vmem>>
    %dma_start3A_317 = arith.constant 9472 : i32
    %dma_start3A_318 = tpu.memref_slice %arg9[%dma_start3A_317] : memref<10000xi32, #tpu.memory_space<vmem>> -> memref<128xi32, #tpu.memory_space<vmem>>
    %dma_start3A_319 = arith.constant 0 : i32
    %dma_start3A_320 = arith.constant 0 : i32
    %dma_start3A_321 = tpu.memref_slice %arg7[%dma_start3A_319, %dma_start3A_320] : memref<10112x16xf32, #tpu.memory_space<vmem_shared>> -> memref<10112x16xf32, #tpu.memory_space<vmem_shared>>
    tpu.enqueue_indirect_dma source(%dma_start3A_316 : memref<128x16xf32, #tpu.memory_space<vmem>>) target(%dma_start3A_321 : memref<10112x16xf32, #tpu.memory_space<vmem_shared>>) offsets(%dma_start3A_318 : memref<128xi32, #tpu.memory_space<vmem>>) semaphore(%arg17 : memref<!tpu.dma_semaphore, #tpu.memory_space<semaphore_mem>>) {add = true}
    %dma_start3A_322 = arith.constant 384 : i32
    %dma_start3A_323 = arith.constant 0 : i32
    %dma_start3A_324 = tpu.memref_slice %arg10[%dma_start3A_322, %dma_start3A_323] : memref<768x16xf32, #tpu.memory_space<vmem>> -> memref<128x16xf32, #tpu.memory_space<vmem>>
    %dma_start3A_325 = arith.constant 9600 : i32
    %dma_start3A_326 = tpu.memref_slice %arg9[%dma_start3A_325] : memref<10000xi32, #tpu.memory_space<vmem>> -> memref<128xi32, #tpu.memory_space<vmem>>
    %dma_start3A_327 = arith.constant 0 : i32
    %dma_start3A_328 = arith.constant 0 : i32
    %dma_start3A_329 = tpu.memref_slice %arg7[%dma_start3A_327, %dma_start3A_328] : memref<10112x16xf32, #tpu.memory_space<vmem_shared>> -> memref<10112x16xf32, #tpu.memory_space<vmem_shared>>
    tpu.enqueue_indirect_dma source(%dma_start3A_324 : memref<128x16xf32, #tpu.memory_space<vmem>>) target(%dma_start3A_329 : memref<10112x16xf32, #tpu.memory_space<vmem_shared>>) offsets(%dma_start3A_326 : memref<128xi32, #tpu.memory_space<vmem>>) semaphore(%arg17 : memref<!tpu.dma_semaphore, #tpu.memory_space<semaphore_mem>>) {add = true}
    %dma_start3A_330 = arith.constant 512 : i32
    %dma_start3A_331 = arith.constant 0 : i32
    %dma_start3A_332 = tpu.memref_slice %arg10[%dma_start3A_330, %dma_start3A_331] : memref<768x16xf32, #tpu.memory_space<vmem>> -> memref<128x16xf32, #tpu.memory_space<vmem>>
    %dma_start3A_333 = arith.constant 9728 : i32
    %dma_start3A_334 = tpu.memref_slice %arg9[%dma_start3A_333] : memref<10000xi32, #tpu.memory_space<vmem>> -> memref<128xi32, #tpu.memory_space<vmem>>
    %dma_start3A_335 = arith.constant 0 : i32
    %dma_start3A_336 = arith.constant 0 : i32
    %dma_start3A_337 = tpu.memref_slice %arg7[%dma_start3A_335, %dma_start3A_336] : memref<10112x16xf32, #tpu.memory_space<vmem_shared>> -> memref<10112x16xf32, #tpu.memory_space<vmem_shared>>
    tpu.enqueue_indirect_dma source(%dma_start3A_332 : memref<128x16xf32, #tpu.memory_space<vmem>>) target(%dma_start3A_337 : memref<10112x16xf32, #tpu.memory_space<vmem_shared>>) offsets(%dma_start3A_334 : memref<128xi32, #tpu.memory_space<vmem>>) semaphore(%arg17 : memref<!tpu.dma_semaphore, #tpu.memory_space<semaphore_mem>>) {add = true}
    %dma_start3A_338 = arith.constant 640 : i32
    %dma_start3A_339 = arith.constant 0 : i32
    %dma_start3A_340 = tpu.memref_slice %arg10[%dma_start3A_338, %dma_start3A_339] : memref<768x16xf32, #tpu.memory_space<vmem>> -> memref<128x16xf32, #tpu.memory_space<vmem>>
    %dma_start3A_341 = arith.constant 9856 : i32
    %dma_start3A_342 = tpu.memref_slice %arg9[%dma_start3A_341] : memref<10000xi32, #tpu.memory_space<vmem>> -> memref<128xi32, #tpu.memory_space<vmem>>
    %dma_start3A_343 = arith.constant 0 : i32
    %dma_start3A_344 = arith.constant 0 : i32
    %dma_start3A_345 = tpu.memref_slice %arg7[%dma_start3A_343, %dma_start3A_344] : memref<10112x16xf32, #tpu.memory_space<vmem_shared>> -> memref<10112x16xf32, #tpu.memory_space<vmem_shared>>
    tpu.enqueue_indirect_dma source(%dma_start3A_340 : memref<128x16xf32, #tpu.memory_space<vmem>>) target(%dma_start3A_345 : memref<10112x16xf32, #tpu.memory_space<vmem_shared>>) offsets(%dma_start3A_342 : memref<128xi32, #tpu.memory_space<vmem>>) semaphore(%arg17 : memref<!tpu.dma_semaphore, #tpu.memory_space<semaphore_mem>>) {add = true}
    %dma_start3A_346 = arith.constant 9984 : i32
    %dma_start3A_347 = tpu.memref_slice %arg8[%dma_start3A_346] : memref<10000xi32, #tpu.memory_space<vmem>> -> memref<16xi32, #tpu.memory_space<vmem>>
    %dma_start3A_348 = arith.constant 0 : i32
    %dma_start3A_349 = arith.constant 0 : i32
    %dma_start3A_350 = tpu.memref_slice %arg6[%dma_start3A_348, %dma_start3A_349] : memref<10000x16xf32, #tpu.memory_space<vmem_shared>> -> memref<10000x16xf32, #tpu.memory_space<vmem_shared>>
    tpu.enqueue_indirect_dma source(%dma_start3A_350 : memref<10000x16xf32, #tpu.memory_space<vmem_shared>>) target(%arg12 : memref<16x16xf32, #tpu.memory_space<vmem>>) offsets(%dma_start3A_347 : memref<16xi32, #tpu.memory_space<vmem>>) semaphore(%arg16 : memref<!tpu.dma_semaphore, #tpu.memory_space<semaphore_mem>>)
    %dma_wait3A_351 = arith.constant 9984 : i32
    %dma_wait3A_352 = tpu.memref_slice %arg8[%dma_wait3A_351] : memref<10000xi32, #tpu.memory_space<vmem>> -> memref<16xi32, #tpu.memory_space<vmem>>
    %dma_wait3A_353 = arith.constant 0 : i32
    %dma_wait3A_354 = arith.constant 0 : i32
    %dma_wait3A_355 = tpu.memref_slice %arg6[%dma_wait3A_353, %dma_wait3A_354] : memref<10000x16xf32, #tpu.memory_space<vmem_shared>> -> memref<10000x16xf32, #tpu.memory_space<vmem_shared>>
    tpu.wait_indirect_dma semaphore(%arg16 : memref<!tpu.dma_semaphore, #tpu.memory_space<semaphore_mem>>) src(%dma_wait3A_355 : memref<10000x16xf32, #tpu.memory_space<vmem_shared>>) dst(%arg12 : memref<16x16xf32, #tpu.memory_space<vmem>>)
    "tpu.region"() ({
      %run_scoped3A = tpu.sem_alloc : memref<!tpu.dma_semaphore, #tpu.memory_space<semaphore_mem>>
      %dma_start3A_376 = arith.constant 9984 : i32
      %dma_start3A_377 = tpu.memref_slice %arg9[%dma_start3A_376] : memref<10000xi32, #tpu.memory_space<vmem>> -> memref<16xi32, #tpu.memory_space<vmem>>
      %dma_start3A_378 = arith.constant 0 : i32
      %dma_start3A_379 = arith.constant 0 : i32
      %dma_start3A_380 = tpu.memref_slice %arg7[%dma_start3A_378, %dma_start3A_379] : memref<10112x16xf32, #tpu.memory_space<vmem_shared>> -> memref<10112x16xf32, #tpu.memory_space<vmem_shared>>
      tpu.enqueue_indirect_dma source(%arg12 : memref<16x16xf32, #tpu.memory_space<vmem>>) target(%dma_start3A_380 : memref<10112x16xf32, #tpu.memory_space<vmem_shared>>) offsets(%dma_start3A_377 : memref<16xi32, #tpu.memory_space<vmem>>) semaphore(%run_scoped3A : memref<!tpu.dma_semaphore, #tpu.memory_space<semaphore_mem>>) {add = true}
      %dma_wait3A_381 = arith.constant 9984 : i32
      %dma_wait3A_382 = tpu.memref_slice %arg9[%dma_wait3A_381] : memref<10000xi32, #tpu.memory_space<vmem>> -> memref<16xi32, #tpu.memory_space<vmem>>
      %dma_wait3A_383 = arith.constant 0 : i32
      %dma_wait3A_384 = arith.constant 0 : i32
      %dma_wait3A_385 = tpu.memref_slice %arg7[%dma_wait3A_383, %dma_wait3A_384] : memref<10112x16xf32, #tpu.memory_space<vmem_shared>> -> memref<10112x16xf32, #tpu.memory_space<vmem_shared>>
      tpu.wait_indirect_dma semaphore(%run_scoped3A : memref<!tpu.dma_semaphore, #tpu.memory_space<semaphore_mem>>) src(%arg12 : memref<16x16xf32, #tpu.memory_space<vmem>>) dst(%dma_wait3A_385 : memref<10112x16xf32, #tpu.memory_space<vmem_shared>>)
      tpu.yield
    }) : () -> ()
    %dma_wait3A_356 = arith.constant 0 : i32
    %dma_wait3A_357 = arith.constant 0 : i32
    %dma_wait3A_358 = tpu.memref_slice %arg4[%dma_wait3A_356, %dma_wait3A_357] : memref<10112x16xf32, #tpu.memory_space<hbm>> -> memref<768x16xf32, #tpu.memory_space<hbm>>
    %dma_wait3A_359 = arith.constant 0 : i32
    %dma_wait3A_360 = arith.constant 0 : i32
    %dma_wait3A_361 = tpu.memref_slice %arg4[%dma_wait3A_359, %dma_wait3A_360] : memref<10112x16xf32, #tpu.memory_space<hbm>> -> memref<768x16xf32, #tpu.memory_space<hbm>>
    tpu.wait_dma2 semaphore(%arg18 : memref<!tpu.dma_semaphore, #tpu.memory_space<semaphore_mem>>) src(%dma_wait3A_361 : memref<768x16xf32, #tpu.memory_space<hbm>>) dst(%arg11 : memref<768x16xf32, #tpu.memory_space<vmem>>)
    %dma_wait3A_362 = arith.constant 0 : i32
    %dma_wait3A_363 = arith.constant 0 : i32
    %dma_wait3A_364 = tpu.memref_slice %arg4[%dma_wait3A_362, %dma_wait3A_363] : memref<10112x16xf32, #tpu.memory_space<hbm>> -> memref<768x16xf32, #tpu.memory_space<hbm>>
    %dma_wait3A_365 = arith.constant 0 : i32
    %dma_wait3A_366 = arith.constant 0 : i32
    %dma_wait3A_367 = tpu.memref_slice %arg4[%dma_wait3A_365, %dma_wait3A_366] : memref<10112x16xf32, #tpu.memory_space<hbm>> -> memref<768x16xf32, #tpu.memory_space<hbm>>
    tpu.wait_dma2 semaphore(%arg17 : memref<!tpu.dma_semaphore, #tpu.memory_space<semaphore_mem>>) src(%dma_wait3A_367 : memref<768x16xf32, #tpu.memory_space<hbm>>) dst(%arg10 : memref<768x16xf32, #tpu.memory_space<vmem>>)
    %barrier3A_368 = arith.constant 0 : index
    tpu.barrier barrier_id(%barrier3A_368)
    %mul3A_369 = arith.constant 632 : i32
    %mul3A_370 = arith.muli %arg1, %mul3A_369 : i32
    %mul3A_371 = arith.constant 10112 : i32
    %mul3A_372 = arith.muli %arg0, %mul3A_371 : i32
    %mul3A_373 = arith.constant 632 : i32
    %mul3A_374 = arith.muli %arg1, %mul3A_373 : i32
    %add3A_375 = arith.addi %mul3A_372, %mul3A_374 : i32
    "tpu.region"() ({
      %run_scoped3A = tpu.sem_alloc : memref<!tpu.dma_semaphore, #tpu.memory_space<semaphore_mem>>
      %dma_start3A_376 = arith.constant 0 : i32
      %dma_start3A_377 = tpu.memref_slice %arg5[%add3A_375, %dma_start3A_376] : memref<20224x16xf32, #tpu.memory_space<hbm>> -> memref<632x16xf32, #tpu.memory_space<hbm>>
      %dma_start3A_378 = arith.constant 0 : i32
      %dma_start3A_379 = tpu.memref_slice %arg7[%mul3A_370, %dma_start3A_378] : memref<10112x16xf32, #tpu.memory_space<vmem_shared>> -> memref<632x16xf32, #tpu.memory_space<vmem_shared>>
      tpu.enqueue_dma source(%dma_start3A_379 : memref<632x16xf32, #tpu.memory_space<vmem_shared>>) target(%dma_start3A_377 : memref<632x16xf32, #tpu.memory_space<hbm>>) target_semaphore(%run_scoped3A : memref<!tpu.dma_semaphore, #tpu.memory_space<semaphore_mem>>)
      %dma_wait3A_380 = arith.constant 0 : i32
      %dma_wait3A_381 = tpu.memref_slice %arg5[%add3A_375, %dma_wait3A_380] : memref<20224x16xf32, #tpu.memory_space<hbm>> -> memref<632x16xf32, #tpu.memory_space<hbm>>
      %dma_wait3A_382 = arith.constant 0 : i32
      %dma_wait3A_383 = tpu.memref_slice %arg7[%mul3A_370, %dma_wait3A_382] : memref<10112x16xf32, #tpu.memory_space<vmem_shared>> -> memref<632x16xf32, #tpu.memory_space<vmem_shared>>
      tpu.wait_dma2 semaphore(%run_scoped3A : memref<!tpu.dma_semaphore, #tpu.memory_space<semaphore_mem>>) src(%dma_wait3A_383 : memref<632x16xf32, #tpu.memory_space<vmem_shared>>) dst(%dma_wait3A_381 : memref<632x16xf32, #tpu.memory_space<hbm>>)
      tpu.yield
    }) : () -> ()
    return
  }
}

module attributes {stable_mosaic.version = 14 : i64} {
  func.func @body(%arg0: memref<10000x128xf32, #tpu.memory_space<vmem>>, %arg1: memref<16x128xf32, #tpu.memory_space<vmem>>, %arg2: memref<10000x16xf32, #tpu.memory_space<vmem>>) attributes {dimension_semantics = [], scalar_prefetch = 0 : i64, scratch_operands = 0 : i64, tpu.core_type = #tpu.core_type<tc>} {
    %get3A = arith.constant 0 : index
    %get3A_0 = arith.constant 0 : index
    %get3A_1 = vector.load %arg0[%get3A, %get3A_0] : memref<10000x128xf32, #tpu.memory_space<vmem>>, vector<10000x128xf32>
    %get3A_2 = arith.constant 0 : index
    %get3A_3 = arith.constant 0 : index
    %get3A_4 = vector.load %arg1[%get3A_2, %get3A_3] : memref<16x128xf32, #tpu.memory_space<vmem>>, vector<16x128xf32>
    %dot_general3A = arith.constant dense<0.000000e+00> : vector<10000x16xf32>
    %dot_general3A_5 = tpu.matmul %get3A_1, %get3A_4, %dot_general3A {dimension_numbers = #tpu.dot_dimension_numbers<[1], [1], [0], [0], [0, 0, 1, 0], [], []>, transpose_lhs_hint = false} : vector<10000x128xf32>, vector<16x128xf32>, vector<10000x16xf32> -> vector<10000x16xf32>
    %max3A = arith.constant 0.000000e+00 : f32
    %max3A_6 = vector.broadcast %max3A : f32 to vector<10000x16xf32>
    %max3A_7 = arith.maximumf %dot_general3A_5, %max3A_6 : vector<10000x16xf32>
    %swap3A = arith.constant 0 : index
    %swap3A_8 = arith.constant 0 : index
    %swap3A_9 = vector.load %arg2[%swap3A, %swap3A_8] : memref<10000x16xf32, #tpu.memory_space<vmem>>, vector<10000x16xf32>
    tpu.vector_store %arg2[%swap3A, %swap3A_8], %max3A_7 {strides = array<i32>} : memref<10000x16xf32, #tpu.memory_space<vmem>>, vector<10000x16xf32>,
    return
  }
}

module attributes {stable_mosaic.version = 14 : i64} {
  func.func @body(%arg0: memref<2528x128xf32, #tpu.memory_space<vmem>>, %arg1: memref<128x376xf32, #tpu.memory_space<vmem>>, %arg2: memref<1250x376xf32, #tpu.memory_space<vmem>>) attributes {dimension_semantics = [], scalar_prefetch = 0 : i64, scratch_operands = 0 : i64, tpu.core_type = #tpu.core_type<tc>} {
    %get3A = arith.constant 0 : index
    %get3A_0 = arith.constant 0 : index
    %get3A_1 = vector.load %arg0[%get3A, %get3A_0] : memref<2528x128xf32, #tpu.memory_space<vmem>>, vector<1250x128xf32>
    %get3A_2 = arith.constant 1264 : index
    %get3A_3 = arith.constant 0 : index
    %get3A_4 = vector.load %arg0[%get3A_2, %get3A_3] : memref<2528x128xf32, #tpu.memory_space<vmem>>, vector<1250x128xf32>
    %add3A = arith.addf %get3A_1, %get3A_4 : vector<1250x128xf32>
    %get3A_5 = arith.constant 0 : index
    %get3A_6 = arith.constant 0 : index
    %get3A_7 = vector.load %arg1[%get3A_5, %get3A_6] : memref<128x376xf32, #tpu.memory_space<vmem>>, vector<128x376xf32>
    %dot_general3A = arith.constant dense<0.000000e+00> : vector<1250x376xf32>
    %dot_general3A_8 = tpu.matmul %add3A, %get3A_7, %dot_general3A {dimension_numbers = #tpu.dot_dimension_numbers<[1], [0], [0], [1], [0, 0, 1, 1], [], []>, transpose_lhs_hint = false} : vector<1250x128xf32>, vector<128x376xf32>, vector<1250x376xf32> -> vector<1250x376xf32>
    %swap3A = arith.constant 0 : index
    %swap3A_9 = arith.constant 0 : index
    %swap3A_10 = vector.load %arg2[%swap3A, %swap3A_9] : memref<1250x376xf32, #tpu.memory_space<vmem>>, vector<1250x376xf32>
    tpu.vector_store %arg2[%swap3A, %swap3A_9], %dot_general3A_8 {strides = array<i32>} : memref<1250x376xf32, #tpu.memory_space<vmem>>, vector<1250x376xf32>,
    return
  }
}

</mosaic_0001>

<sc_bundles>
// kernel: kernel.6.cloned.1.call-start
scs
__scs_entry_jumppad:
0x0: {  	(pc) =	sbr.rel $0x88, $3  }
0x1: {  	(tag) =	ssettag $0x0;
	lr =	simm.s32 $0x1  }
0x2: {  	[smem:$0x3F9D] =	sst lr;
	_ =	strace $0xD0000000  }
0x3: {  	_ = 	snop  }
0x4: {  	_ = 	snop  }
0x5: {  	_ = 	snop  }
0x6: {  	_ = 	snop  }
0x7: {  	_ = 	snop  }
__scs_overlays_trampoline_lowered:
0x8: {  	[smem:$0x3FAC] =	sst s0  }
0x9: {  	[smem:$0x3FAD] =	sst s1  }
0xa: {  	[smem:$0x3FAE] =	sst s2  }
0xb: {  	[smem:$0x3FAF] =	sst s3  }
0xc: {  	[smem:$0x3FB0] =	sst s4  }
0xd: {  	[smem:$0x3FB1] =	sst s5  }
0xe: {  	[smem:$0x3FB2] =	sst s6  }
0xf: {  	[smem:$0x3FB3] =	sst s7  }
0x10: {  	[smem:$0x3FB4] =	sst s8  }
0x11: {  	[smem:$0x3FB5] =	sst s9;
	s0 =	simm.s32 @!p0 $0x0  }
0x12: {  	s1 =	sld [smem:$0x3F9B];
	s0 =	simm.s32 @p0 $0x1  }
0x13: {  	[smem:$0x3FB6] =	sst s0;
	s0 =	simm.s32 @!p1 $0x0  }
0x14: {  	s2 =	sld [smem:$0x3F9A];
	s0 =	simm.s32 @p1 $0x1  }
0x15: {  	[smem:$0x3FB7] =	sst s0;
	s0 =	simm.s32 @!p2 $0x0  }
0x16: {  	s3 =	sld [smem:$0x3FDB];
	s0 =	simm.s32 @p2 $0x1  }
0x17: {  	s4 =	simm.s32 $0x1BF5;
	[smem:$0x3FB9] =	sst s0  }
0x18: {  	s0 =	sld [smem:$0x3F9C];
	_ =	swait.ge [sflag:s4], $0x0  }
0x19: {  	s7 =	sld [smem:$0x3F9D]  }
0x1a: {  	s8 =	sadd.s32 $0xFFFFE003, lr  }
0x1b: {  	s9 =	sadd.s32 $0xFFFFFEF7, lr;
	s5 =	simm.s32 $0xFFFFFFFF;
	p2 =	slt.u32 s8, $0xFFFFF086  }
0x1c: {  	p1 =	slt.u32 s9, $0xF7A;
	s5 =	simm.s32 @!p2 $0x0  }
0x1d: {  	s5 =	simm.s32 @p1 $0x1;
	p0 =	seq.s32 s7, s2  }
0x1e: {  	s7 =	smul.u32 @!p0 $0xF7A, s2;
	p2 =	seq.s32 @!p0 s5, $0x0  }
0x1f: {  	s9 =	smul.u32 $0xF7A, s1;
	s8 =	simm.s32 @!p0 $0x1BF5;
	p2 =	por !p2, p0  }
0x20: {  	[sflag:s8] =	ssyncset.s32 @!p0 $0xFFFFF086;
	s6 =	sadd.s32 @!p0 s3, s7;
	s7 =	simm.s32 @!p0 $0x108  }
0x21: {  	s3 =	sadd.s32 s3, s9;
	s6 =	sadd.s32 @!p0 $0x88, s6;
	s7 =	simm.s32 @p2 $0x1082  }
0x22: {  	[simem:s7], [sflag:s8] =	dma.local @!p0 [hbm:s6], $0xF7A  }
0x23: {  	s9 =	sor.u32 $0xD0000000, s2;
	s6 =	simm.s32 $0x108;
	_ =	swait.ge @!p0 [sflag:s8], $0x0  }
0x24: {  	s3 =	sadd.s32 $0x88, s3;
	s6 =	simm.s32 @!p1 $0x1082;
	[sflag:s4] =	ssyncset.s32 $0xFFFFF086  }
0x25: {  	[simem:s6], [sflag:s4] =	dma.local [hbm:s3], $0xF7A  }
0x26: {  	[smem:$0x3F9D] =	sst s1;
	(tag) =	ssettag s2;
	_ =	strace s9  }
0x27: {  	s1 =	sld [smem:$0x3FAD]  }
0x28: {  	s2 =	sld [smem:$0x3FAE]  }
0x29: {  	s4 =	sld [smem:$0x3FB0]  }
0x2a: {  	p0 =	seq.s32 s5, $0x0;
	s5 =	sld [smem:$0x3FB1]  }
0x2b: {  	s6 =	sld [smem:$0x3FB2]  }
0x2c: {  	s7 =	sld [smem:$0x3FB3]  }
0x2d: {  	s3 =	simm.s32 $0x108;
	s8 =	sld [smem:$0x3FB4]  }
0x2e: {  	s3 =	simm.s32 @!p0 $0x1082;
	s9 =	sld [smem:$0x3FB5]  }
0x2f: {  	lr =	sadd.s32 s0, s3;
	s0 =	sld [smem:$0x3FAC]  }
0x30: {  	s3 =	sld [smem:$0x3FAF]  }
0x31: {  	[smem:$0x3FB8] =	sst s10  }
0x32: {  	s10 =	sld [smem:$0x3FB6];
	_ =	sdelay $0x3  }
0x33: {  	p0 =	seq.s32 s10, $0x1;
	s10 =	sld [smem:$0x3FB8];
	_ =	sdelay $0x3  }
0x34: {  	[smem:$0x3FB8] =	sst s10  }
0x35: {  	s10 =	sld [smem:$0x3FB7];
	_ =	sdelay $0x3  }
0x36: {  	p1 =	seq.s32 s10, $0x1;
	s10 =	sld [smem:$0x3FB8];
	_ =	sdelay $0x3  }
0x37: {  	[smem:$0x3FB8] =	sst s10  }
0x38: {  	s10 =	sld [smem:$0x3FB9]  }
0x39: {  	_ = 	snop;
	(pc) =	sbr.ind lr, $3  }
0x3a: {  	_ = 	snop  }
0x3b: {  	_ = 	snop  }
0x3c: {  	p2 =	seq.s32 s10, $0x1;
	s10 =	sld [smem:$0x3FB8]  }
0x3d: {  	_ =	shalt  }
0x3e: {  	_ =	shalt  }
0x3f: {  	_ =	shalt  }
0x40: {  	_ =	shalt  }
0x41: {  	_ =	shalt  }
0x42: {  	_ =	shalt  }
0x43: {  	_ =	shalt  }
0x44: {  	_ =	shalt  }
0x45: {  	_ =	shalt  }
0x46: {  	_ =	shalt  }
0x47: {  	_ =	shalt  }
0x48: {  	_ =	shalt  }
0x49: {  	_ =	shalt  }
0x4a: {  	_ =	shalt  }
0x4b: {  	_ =	shalt  }
0x4c: {  	_ =	shalt  }
0x4d: {  	_ =	shalt  }
0x4e: {  	_ =	shalt  }
0x4f: {  	_ =	shalt  }
0x50: {  	_ =	shalt  }
0x51: {  	_ =	shalt  }
0x52: {  	_ =	shalt  }
0x53: {  	_ =	shalt  }
0x54: {  	_ =	shalt  }
0x55: {  	_ =	shalt  }
0x56: {  	_ =	shalt  }
0x57: {  	_ =	shalt  }
0x58: {  	_ =	shalt  }
0x59: {  	_ =	shalt  }
0x5a: {  	_ =	shalt  }
0x5b: {  	_ =	shalt  }
0x5c: {  	_ =	shalt  }
0x5d: {  	_ =	shalt  }
0x5e: {  	_ =	shalt  }
0x5f: {  	_ =	shalt  }
0x60: {  	_ =	shalt  }
0x61: {  	_ =	shalt  }
0x62: {  	_ =	shalt  }
0x63: {  	_ =	shalt  }
0x64: {  	_ =	shalt  }
0x65: {  	_ =	shalt  }
0x66: {  	_ =	shalt  }
0x67: {  	_ =	shalt  }
0x68: {  	_ =	shalt  }
0x69: {  	_ =	shalt  }
0x6a: {  	_ =	shalt  }
0x6b: {  	_ =	shalt  }
0x6c: {  	_ =	shalt  }
0x6d: {  	_ =	shalt  }
0x6e: {  	_ =	shalt  }
0x6f: {  	_ =	shalt  }
0x70: {  	_ =	shalt  }
0x71: {  	_ =	shalt  }
0x72: {  	_ =	shalt  }
0x73: {  	_ =	shalt  }
0x74: {  	_ =	shalt  }
0x75: {  	_ =	shalt  }
0x76: {  	_ =	shalt  }
0x77: {  	_ =	shalt  }
0x78: {  	_ =	shalt  }
0x79: {  	_ =	shalt  }
0x7a: {  	_ =	shalt  }
0x7b: {  	_ =	shalt  }
0x7c: {  	_ =	shalt  }
0x7d: {  	_ =	shalt  }
0x7e: {  	_ =	shalt  }
0x7f: {  	_ =	shalt  }
0x80: {  	_ =	shalt  }
0x81: {  	_ =	shalt  }
0x82: {  	_ =	shalt  }
0x83: {  	_ =	shalt  }
0x84: {  	_ =	shalt  }
0x85: {  	_ =	shalt  }
0x86: {  	_ =	shalt  }
0x87: {  	_ =	shalt  }
.Lfunc_end0:
.L_simem_size_0:
called_computation_lowered:
.L_overlay_start_0:
0x88: {  	s2 =	sld [smem:$0x3FD9]  }
0x89: {  	s3 =	sld [smem:$0x3FFE];
	_ =	sdelay $0x1  }
0x8a: {  	s1 =	srdreg.scid  }
0x8b: {  	s0 =	sand.u32 $0x1, s1  }
0x8c: {  	s17 =	sshll.u32 s0, $0xA;
	s2 =	sadd.s32 s3, s2  }
0x8d: {  	s2 =	sadd.s32 s2, s17  }
0x8e: {  	[smem:$0x3FC4] =	sst s2  }
0x8f: {  	_ = 	snop  }
0x90: {  	s2 =	sld [smem:$0x3FD0];
	(tm) =	ssettm $0x1  }
0x91: {  	s18 =	sld [smem:$0x3FFB];
	_ =	sdelay $0x3  }
0x92: {  	_ =	strace s18  }
0x93: {  	s3 =	sld [smem:$0x3FFC];
	_ =	sdelay $0x3  }
0x94: {  	_ =	strace s3  }
0x95: {  	s3 =	sld [smem:$0x3FFD];
	_ =	sdelay $0x3  }
0x96: {  	_ =	strace s3  }
0x97: {  	_ =	strace $0x8FFFFFFF  }
0x98: {  	s19 =	sld [smem:$0x3FDB];
	_ =	sdelay $0x1  }
0x99: {  	s4 =	simm.s32 $_scs_section_size  }
0x9a: {  	s5 =	simm.s32 $_size__tile_overlayer_lowered;
	s6 =	simm.s32 $_tile_overlayer_lowered  }
0x9b: {  	s22 =	simm.s32 $0x1BFF;
	s21 =	sshll.u32 s6, $0x1;
	s3 =	sadd.s32 s4, s19  }
0x9c: {  	s7 =	simm.s32 $0x0;
	s20 =	sshll.u32 s5, $0x1;
	s5 =	sadd.s32 s21, s3  }
0x9d: {  	[timem:s7], [sflag:s22] =	dma.local [hbm:s5], s20  }
0x9e: {  	_ =	swait.ge [sflag:s22], s20  }
0x9f: {  	s4 =	ssub.s32 $0x0, s20;
	[sflag:s22] =	ssyncset.done $0x0  }
0xa0: {  	[sflag:s22] =	ssyncadd.s32 s4;
	_ =	sdelay $0x1  }
0xa1: {  	s23 =	simm.s32 $0x1B8B  }
0xa2: {  	_ =	swait.ge [sflag:s23], $0x1  }
0xa3: {  	[sflag:s23] =	ssyncset.done $0x0  }
0xa4: {  	s25 =	simm.s32 $0x1B8E;
	s24 =	sld [smem:$0x3FFE];
	[sflag:s23] =	ssyncadd.s32 $0xFFFFFFFF  }
0xa5: {  	s26 =	simm.s32 $execute0_lowered;
	[smem:$0x3FD2] =	sst s25  }
0xa6: {  	s5 =	sshll.u32 s26, $0x1;
	_ =	strace $0x80000046;
	[dreg:$0x1] =	wrdreg $0xFFFFFFFF  }
0xa7: {  	s28 =	simm.s32 $_size_execute0_lowered;
	s3 =	sadd.s32 s3, s5;
	[dreg:$0x0] =	wrdreg $0x0  }
0xa8: {  	s5 =	sshll.u32 s28, $0x1;
	[dreg:$0x2] =	wrdreg s3  }
0xa9: {  	[dreg:$0x3] =	wrdreg s5  }
0xaa: {  	[dreg:$0x4] =	wrdreg $0xC0  }
0xab: {  	_ =	task [dreg:s7], $0x5FFFF  }
0xac: {  	[dreg:$0x1] =	wrdreg $0xFFFFFFFF  }
0xad: {  	[dreg:$0x0] =	wrdreg $0x60  }
0xae: {  	[dreg:$0x2] =	wrdreg s2  }
0xaf: {  	[dreg:$0x3] =	wrdreg s24  }
0xb0: {  	[dreg:$0x4] =	wrdreg $0x27100  }
0xb1: {  	[dreg:$0x5] =	wrdreg $0x0  }
0xb2: {  	[dreg:$0x6] =	wrdreg $0x9  }
0xb3: {  	_ =	task.clear_ibuf [dreg:s7], $0x7FFFF;
	_ =	strace $0x90000046  }
0xb4: {  	s29 =	simm.s32 $0x9;
	_ =	strace $0x80000048  }
0xb5: {  	_ =	swait.ge [sflag:s29], $0x1  }
0xb6: {  	[sflag:s29] =	ssyncadd.s32 $0xFFFFFFFF  }
0xb7: {  	_ =	strace $0x90000048  }
0xb8: {  	_ =	sfence  }
0xb9: {  	s30 =	sld [smem:$0x0];
	_ =	sdelay $0x2  }
0xba: {  	s31 =	sshll.u32 s1, $0xD;
	s1 =	sshrl.u32 s1, $0x2  }
0xbb: {  	s3 =	sand.u32 $0x4000, s31;
	s1 =	sadd.s32 s1, s30  }
0xbc: {  	s0 =	sor.u32 s3, s0;
	s1 =	sshll.u32 s1, $0x11  }
0xbd: {  	s0 =	sor.u32 s1, s0  }
0xbe: {  	s0 =	sadd.s32 $0x8F2B, s0  }
0xbf: {  	[sflag:s0] =	ssyncadd.remote.s32 $0x1  }
0xc0: {  	_ =	sfence.sel $0xFFFF  }
0xc1: {  	[dreg:$0x0] =	wrdreg $0xFFFFFFFF;
	(pc) =	sbr.abs _section_cstart, $3  }
0xc2: {  	[dreg:$0x1] =	wrdreg $0xFFFFFFFF  }
0xc3: {  	_ =	task.clear_ibuf [dreg:s7], $0x2FFFF;
	_ =	strace $0x9FFFFFFF  }
0xc4: {  	(tm) =	ssettm $0x7FFFFFFF  }
0xc5: {  	_ =	shalt  }
tec
execute0_lowered:
.L_overlay_start_1:
0x0: {  	(tag) =	ssettag $0x1  }
0x1: {  	s6 =	rddreg [dreg:$0x0]  }
0x2: {  	s7 =	rddreg [dreg:$0x1]  }
0x3: {  	s2 =	rddreg [dreg:$0x2]  }
0x4: {  	s3 =	rddreg [dreg:$0x3];
	s4 =	simm.s32 $0x0  }
0x5: {  	s0 =	srdreg.scid;
	s23 =	simm.s32 $0x4F10;
	[smem:$0x7FF] =	sst s4  }
0x6: {  	s24 =	simm.s32 $0x4F90;
	_ =	strace $0x80000047;
	[dreg:$0xd] =	wrdreg s23  }
0x7: {  	s1 =	stileid.u32;
	s25 =	simm.s32 $0x5010;
	[dreg:$0xe] =	wrdreg s24  }
0x8: {  	s26 =	simm.s32 $0x5090;
	s29 =	simm.s32 $0x5110;
	[dreg:$0xf] =	wrdreg s25  }
0x9: {  	s30 =	sand.u32 $0x1, s0;
	s13 =	sshll.u32 s1, $0x1;
	[dreg:$0x10] =	wrdreg s26  }
0xa: {  	s5 =	smul.u32 $0x2780, s1;
	[dreg:$0x11] =	wrdreg s29;
	s23 =	simm.s32 $0x78A0  }
0xb: {  	s9 =	smul.u32 $0x4F0, s1;
	s24 =	simm.s32 $0x7920;
	[smem:$0x779] =	sst s23  }
0xc: {  	s15 =	smul.u32 $0x2710, s1;
	s25 =	simm.s32 $0x79A0;
	[smem:$0x77A] =	sst s24  }
0xd: {  	s0 =	sor.u32 s30, s13;
	s26 =	simm.s32 $0x7A20;
	[smem:$0x77B] =	sst s25  }
0xe: {  	s29 =	simm.s32 $0x7AA0;
	s13 =	sshrl.u32 s15, $0x3;
	[smem:$0x77C] =	sst s26  }
0xf: {  	s20 =	sadd.s32 s15, s3;
	s15 =	simm.s32 $0x77A0;
	[smem:$0x77D] =	sst s29  }
0x10: {  	s11 =	smul.u32 $0x4F00, s30;
	s6 =	sadd.s32 s6, s13;
	[dreg:$0x1b] =	wrdreg s15  }
0x11: {  	s8 =	sshrl.u32 s5, $0x3;
	s22 =	sshrl.u32 s20, $0x3;
	[dreg:$0x7] =	wrdreg s6  }
0x12: {  	s14 =	sadd.s32 s8, s7;
	s8 =	simm.s32 $0x5290;
	[dreg:$0xc] =	wrdreg s22  }
0x13: {  	s9 =	sadd.s32 s9, s11;
	s11 =	simm.s32 $0x5410;
	[dreg:$0x14] =	wrdreg s8  }
0x14: {  	s13 =	simm.s32 $0x76A0;
	[dreg:$0x17] =	wrdreg s11  }
0x15: {  	s0 =	smul.u32 $0x2710, s0;
	s20 =	simm.s32 $0x5610;
	[dreg:$0x19] =	wrdreg s13  }
0x16: {  	s15 =	simm.s32 $0x5890;
	[smem:$0x776] =	sst s20  }
0x17: {  	s10 =	sshrl.u32 s0, $0x3;
	s12 =	sadd.s32 $0x14C00, s14;
	[smem:$0x787] =	sst s15  }
0x18: {  	s0 =	sshll.u32 s1, $0x6;
	s1 =	simm.s32 $0x5190;
	[dreg:$0x5] =	wrdreg s12  }
0x19: {  	s14 =	simm.s32 $0x7720;
	[dreg:$0x12] =	wrdreg s1  }
0x1a: {  	s22 =	simm.s32 $0x5710;
	[dreg:$0x1a] =	wrdreg s14  }
0x1b: {  	s8 =	simm.s32 $0x7C20;
	[smem:$0x778] =	sst s22  }
0x1c: {  	s11 =	simm.s32 $0x7DA0;
	[smem:$0x780] =	sst s8  }
0x1d: {  	s13 =	simm.s32 $0x5790;
	[smem:$0x783] =	sst s11  }
0x1e: {  	s20 =	simm.s32 $0x5B10;
	[smem:$0x785] =	sst s13  }
0x1f: {  	s16 =	sor.u32 $0x1C03, s0;
	[smem:$0x78C] =	sst s20  }
0x20: {  	s10 =	sadd.s32 s10, s7;
	s21 =	sor.u32 $0x1C01, s0;
	[dreg:$0x6] =	wrdreg s16  }
0x21: {  	s7 =	sadd.s32 s9, s7;
	s9 =	simm.s32 $0x5310;
	[dreg:$0xb] =	wrdreg s21  }
0x22: {  	s12 =	simm.s32 $0x7620;
	[dreg:$0x15] =	wrdreg s9  }
0x23: {  	s1 =	simm.s32 $0x7B20;
	[dreg:$0x18] =	wrdreg s12  }
0x24: {  	s14 =	simm.s32 $0x5810;
	[smem:$0x77E] =	sst s1  }
0x25: {  	s17 =	sadd.s32 $0x1200, s10;
	[smem:$0x786] =	sst s14  }
0x26: {  	s18 =	sadd.s32 $0xAE40, s10;
	[dreg:$0x8] =	wrdreg s17  }
0x27: {  	s19 =	sadd.s32 $0x19C00, s7;
	[dreg:$0x9] =	wrdreg s18  }
0x28: {  	s7 =	simm.s32 $0x5210;
	[dreg:$0xa] =	wrdreg s19  }
0x29: {  	s10 =	simm.s32 $0x5390;
	[dreg:$0x13] =	wrdreg s7  }
0x2a: {  	s16 =	simm.s32 $0x7820;
	[dreg:$0x16] =	wrdreg s10  }
0x2b: {  	s21 =	simm.s32 $0x5690;
	[dreg:$0x1c] =	wrdreg s16  }
0x2c: {  	s9 =	simm.s32 $0x7CA0;
	[smem:$0x777] =	sst s21  }
0x2d: {  	s12 =	simm.s32 $0x7E20;
	[smem:$0x781] =	sst s9  }
0x2e: {  	s17 =	simm.s32 $0x5490;
	[smem:$0x784] =	sst s12  }
0x2f: {  	s18 =	simm.s32 $0x5510;
	[dreg:$0x1d] =	wrdreg s17  }
0x30: {  	s19 =	simm.s32 $0x5590;
	[dreg:$0x1e] =	wrdreg s18  }
0x31: {  	s7 =	simm.s32 $0x7BA0;
	[dreg:$0x1f] =	wrdreg s19  }
0x32: {  	s10 =	simm.s32 $0x7D20;
	[smem:$0x77F] =	sst s7  }
0x33: {  	s16 =	simm.s32 $0x5910;
	[smem:$0x782] =	sst s10  }
0x34: {  	[smem:$0x788] =	sst s16;
	s17 =	simm.s32 $0x5990  }
0x35: {  	s18 =	simm.s32 $0x5A10;
	[smem:$0x789] =	sst s17  }
0x36: {  	s19 =	simm.s32 $0x5A90;
	[smem:$0x78A] =	sst s18  }
0x37: {  	s21 =	simm.s32 $0x5B90;
	[smem:$0x78B] =	sst s19  }
0x38: {  	s22 =	simm.s32 $0x5C10;
	[smem:$0x78D] =	sst s21  }
0x39: {  	s23 =	simm.s32 $0x5C90;
	[smem:$0x78E] =	sst s22  }
0x3a: {  	s24 =	simm.s32 $0x5D10;
	[smem:$0x78F] =	sst s23  }
0x3b: {  	s25 =	simm.s32 $0x7EA0;
	[smem:$0x790] =	sst s24  }
0x3c: {  	s26 =	simm.s32 $0x7F20;
	[smem:$0x791] =	sst s25  }
0x3d: {  	s29 =	simm.s32 $0x7FA0;
	[smem:$0x792] =	sst s26  }
0x3e: {  	s1 =	simm.s32 $0x8020;
	[smem:$0x793] =	sst s29  }
0x3f: {  	s7 =	simm.s32 $0x80A0;
	[smem:$0x794] =	sst s1  }
0x40: {  	s8 =	simm.s32 $0x8120;
	[smem:$0x795] =	sst s7  }
0x41: {  	s9 =	simm.s32 $0x81A0;
	[smem:$0x796] =	sst s8  }
0x42: {  	s10 =	simm.s32 $0x8220;
	[smem:$0x797] =	sst s9  }
0x43: {  	s11 =	simm.s32 $0x82A0;
	[smem:$0x798] =	sst s10  }
0x44: {  	s12 =	simm.s32 $0x8320;
	[smem:$0x799] =	sst s11  }
0x45: {  	s13 =	simm.s32 $0x83A0;
	[smem:$0x79A] =	sst s12  }
0x46: {  	s14 =	simm.s32 $0x8420;
	[smem:$0x79B] =	sst s13  }
0x47: {  	s15 =	simm.s32 $0x5D90;
	[smem:$0x79C] =	sst s14  }
0x48: {  	s16 =	simm.s32 $0x5E10;
	[smem:$0x79D] =	sst s15  }
0x49: {  	s20 =	simm.s32 $0x6010;
	[smem:$0x79E] =	sst s16  }
0x4a: {  	s17 =	simm.s32 $0x5E90;
	[smem:$0x7A2] =	sst s20  }
0x4b: {  	s18 =	simm.s32 $0x5F10;
	[smem:$0x79F] =	sst s17  }
0x4c: {  	s19 =	simm.s32 $0x5F90;
	[smem:$0x7A0] =	sst s18  }
0x4d: {  	s21 =	simm.s32 $0x6090;
	[smem:$0x7A1] =	sst s19  }
0x4e: {  	s22 =	simm.s32 $0x6110;
	[smem:$0x7A3] =	sst s21  }
0x4f: {  	s23 =	simm.s32 $0x6190;
	[smem:$0x7A4] =	sst s22  }
0x50: {  	s24 =	simm.s32 $0x6210;
	[smem:$0x7A5] =	sst s23  }
0x51: {  	s25 =	simm.s32 $0x6290;
	[smem:$0x7A6] =	sst s24  }
0x52: {  	s26 =	simm.s32 $0x6310;
	[smem:$0x7A7] =	sst s25  }
0x53: {  	s29 =	simm.s32 $0x84A0;
	[smem:$0x7A8] =	sst s26  }
0x54: {  	s1 =	simm.s32 $0x8520;
	[smem:$0x7A9] =	sst s29  }
0x55: {  	s7 =	simm.s32 $0x85A0;
	[smem:$0x7AA] =	sst s1  }
0x56: {  	s8 =	simm.s32 $0x8620;
	[smem:$0x7AB] =	sst s7  }
0x57: {  	s9 =	simm.s32 $0x86A0;
	[smem:$0x7AC] =	sst s8  }
0x58: {  	s10 =	simm.s32 $0x8720;
	[smem:$0x7AD] =	sst s9  }
0x59: {  	s11 =	simm.s32 $0x87A0;
	[smem:$0x7AE] =	sst s10  }
0x5a: {  	s12 =	simm.s32 $0x8820;
	[smem:$0x7AF] =	sst s11  }
0x5b: {  	s13 =	simm.s32 $0x88A0;
	[smem:$0x7B0] =	sst s12  }
0x5c: {  	s14 =	simm.s32 $0x8920;
	[smem:$0x7B1] =	sst s13  }
0x5d: {  	s15 =	simm.s32 $0x89A0;
	[smem:$0x7B2] =	sst s14  }
0x5e: {  	s16 =	simm.s32 $0x8A20;
	[smem:$0x7B3] =	sst s15  }
0x5f: {  	s20 =	simm.s32 $0x6510;
	[smem:$0x7B4] =	sst s16  }
0x60: {  	s17 =	simm.s32 $0x6390;
	[smem:$0x7B8] =	sst s20  }
0x61: {  	s18 =	simm.s32 $0x6410;
	[smem:$0x7B5] =	sst s17  }
0x62: {  	s19 =	simm.s32 $0x6490;
	[smem:$0x7B6] =	sst s18  }
0x63: {  	s21 =	simm.s32 $0x6590;
	[smem:$0x7B7] =	sst s19  }
0x64: {  	s22 =	simm.s32 $0x6610;
	[smem:$0x7B9] =	sst s21  }
0x65: {  	s23 =	simm.s32 $0x6690;
	[smem:$0x7BA] =	sst s22  }
0x66: {  	s24 =	simm.s32 $0x6710;
	[smem:$0x7BB] =	sst s23  }
0x67: {  	s25 =	simm.s32 $0x6790;
	[smem:$0x7BC] =	sst s24  }
0x68: {  	s26 =	simm.s32 $0x6810;
	[smem:$0x7BD] =	sst s25  }
0x69: {  	s29 =	simm.s32 $0x6890;
	[smem:$0x7BE] =	sst s26  }
0x6a: {  	s1 =	simm.s32 $0x6910;
	[smem:$0x7BF] =	sst s29  }
0x6b: {  	s7 =	simm.s32 $0x8AA0;
	[smem:$0x7C0] =	sst s1  }
0x6c: {  	s8 =	simm.s32 $0x8B20;
	[smem:$0x7C1] =	sst s7  }
0x6d: {  	s9 =	simm.s32 $0x8BA0;
	[smem:$0x7C2] =	sst s8  }
0x6e: {  	s10 =	simm.s32 $0x8C20;
	[smem:$0x7C3] =	sst s9  }
0x6f: {  	s11 =	simm.s32 $0x8CA0;
	[smem:$0x7C4] =	sst s10  }
0x70: {  	s12 =	simm.s32 $0x8D20;
	[smem:$0x7C5] =	sst s11  }
0x71: {  	s13 =	simm.s32 $0x8DA0;
	[smem:$0x7C6] =	sst s12  }
0x72: {  	s14 =	simm.s32 $0x8E20;
	[smem:$0x7C7] =	sst s13  }
0x73: {  	s15 =	simm.s32 $0x8EA0;
	[smem:$0x7C8] =	sst s14  }
0x74: {  	s16 =	simm.s32 $0x8F20;
	[smem:$0x7C9] =	sst s15  }
0x75: {  	s20 =	simm.s32 $0x6A10;
	[smem:$0x7CA] =	sst s16  }
0x76: {  	s17 =	simm.s32 $0x8FA0;
	[smem:$0x7CE] =	sst s20  }
0x77: {  	s18 =	simm.s32 $0x9020;
	[smem:$0x7CB] =	sst s17  }
0x78: {  	s19 =	simm.s32 $0x6990;
	[smem:$0x7CC] =	sst s18  }
0x79: {  	s21 =	simm.s32 $0x6A90;
	[smem:$0x7CD] =	sst s19  }
0x7a: {  	s22 =	simm.s32 $0x6B10;
	[smem:$0x7CF] =	sst s21  }
0x7b: {  	s23 =	simm.s32 $0x6B90;
	[smem:$0x7D0] =	sst s22  }
0x7c: {  	s24 =	simm.s32 $0x6C10;
	[smem:$0x7D1] =	sst s23  }
0x7d: {  	s25 =	simm.s32 $0x6C90;
	[smem:$0x7D2] =	sst s24  }
0x7e: {  	s26 =	simm.s32 $0x6D10;
	[smem:$0x7D3] =	sst s25  }
0x7f: {  	s29 =	simm.s32 $0x6D90;
	[smem:$0x7D4] =	sst s26  }
0x80: {  	s1 =	simm.s32 $0x6E10;
	[smem:$0x7D5] =	sst s29  }
0x81: {  	s7 =	simm.s32 $0x6E90;
	[smem:$0x7D6] =	sst s1  }
0x82: {  	s8 =	simm.s32 $0x6F10;
	[smem:$0x7D7] =	sst s7  }
0x83: {  	s9 =	simm.s32 $0x90A0;
	[smem:$0x7D8] =	sst s8  }
0x84: {  	s10 =	simm.s32 $0x9120;
	[smem:$0x7D9] =	sst s9  }
0x85: {  	s11 =	simm.s32 $0x91A0;
	[smem:$0x7DA] =	sst s10  }
0x86: {  	s12 =	simm.s32 $0x9220;
	[smem:$0x7DB] =	sst s11  }
0x87: {  	s13 =	simm.s32 $0x92A0;
	[smem:$0x7DC] =	sst s12  }
0x88: {  	s14 =	simm.s32 $0x9320;
	[smem:$0x7DD] =	sst s13  }
0x89: {  	s15 =	simm.s32 $0x93A0;
	[smem:$0x7DE] =	sst s14  }
0x8a: {  	s16 =	simm.s32 $0x9420;
	[smem:$0x7DF] =	sst s15  }
0x8b: {  	s20 =	simm.s32 $0x9620;
	[smem:$0x7E0] =	sst s16  }
0x8c: {  	s17 =	simm.s32 $0x94A0;
	[smem:$0x7E4] =	sst s20  }
0x8d: {  	s18 =	simm.s32 $0x9520;
	[smem:$0x7E1] =	sst s17  }
0x8e: {  	s19 =	simm.s32 $0x95A0;
	[smem:$0x7E2] =	sst s18  }
0x8f: {  	s21 =	simm.s32 $0x6F90;
	[smem:$0x7E3] =	sst s19  }
0x90: {  	s22 =	simm.s32 $0x7010;
	[smem:$0x7E5] =	sst s21  }
0x91: {  	s23 =	simm.s32 $0x7090;
	[smem:$0x7E6] =	sst s22  }
0x92: {  	s24 =	simm.s32 $0x7110;
	[smem:$0x7E7] =	sst s23  }
0x93: {  	s25 =	simm.s32 $0x7190;
	[smem:$0x7E8] =	sst s24  }
0x94: {  	s26 =	simm.s32 $0x7210;
	[smem:$0x7E9] =	sst s25  }
0x95: {  	s29 =	simm.s32 $0x7290;
	[smem:$0x7EA] =	sst s26  }
0x96: {  	s1 =	simm.s32 $0x7310;
	[smem:$0x7EB] =	sst s29  }
0x97: {  	s7 =	simm.s32 $0x7390;
	[smem:$0x7EC] =	sst s1  }
0x98: {  	s8 =	simm.s32 $0x7410;
	[smem:$0x7ED] =	sst s7  }
0x99: {  	s9 =	simm.s32 $0x7490;
	[smem:$0x7EE] =	sst s8  }
0x9a: {  	s10 =	simm.s32 $0x7510;
	[smem:$0x7EF] =	sst s9  }
0x9b: {  	s11 =	simm.s32 $0x96A0;
	[smem:$0x7F0] =	sst s10  }
0x9c: {  	s12 =	simm.s32 $0x9720;
	[smem:$0x7F1] =	sst s11  }
0x9d: {  	s13 =	simm.s32 $0x97A0;
	[smem:$0x7F2] =	sst s12  }
0x9e: {  	s14 =	simm.s32 $0x9820;
	[smem:$0x7F3] =	sst s13  }
0x9f: {  	s15 =	simm.s32 $0x98A0;
	[smem:$0x7F4] =	sst s14  }
0xa0: {  	s16 =	simm.s32 $0x9920;
	[smem:$0x7F5] =	sst s15  }
0xa1: {  	s20 =	simm.s32 $0x9B20;
	[smem:$0x7F6] =	sst s16  }
0xa2: {  	[smem:$0x7FA] =	sst s20  }
0xa3: {  	s22 =	rddreg [dreg:$0x5]  }
0xa4: {  	s17 =	simm.s32 $0x99A0;
	s24 =	rddreg [dreg:$0x6]  }
0xa5: {  	s18 =	simm.s32 $0x9A20;
	[smem:$0x7F7] =	sst s17  }
0xa6: {  	s19 =	simm.s32 $0x9AA0;
	[smem:$0x7F8] =	sst s18  }
0xa7: {  	s21 =	simm.s32 $0x9BA0;
	[smem:$0x7F9] =	sst s19  }
0xa8: {  	s23 =	simm.s32 $0x9C20;
	[smem:$0x7FB] =	sst s21  }
0xa9: {  	s5 =	sadd.s32 s5, s2;
	s25 =	simm.s32 $0x7590;
	[smem:$0x7FC] =	sst s23  }
0xaa: {  	s5 =	sshrl.u32 s5, $0x3;
	[smem:$0x7FD] =	sst s25  }
0xab: {  	[spmem:s5], [sflag:s24] =	dma.local [hbm:s22], $0x4F0  }
0xac: {  	s6 =	rddreg [dreg:$0xc]  }
0xad: {  	s26 =	rddreg [dreg:$0xb]  }
0xae: {  	s8 =	rddreg [dreg:$0x7]  }
0xaf: {  	[spmem:s6], [sflag:s26] =	dma.local [hbm:s8], $0x4E2  }
0xb0: {  	s7 =	simm.s32 $0x4E90;
	s6 =	simm.s32 $0x5;
	s8 =	rddreg [dreg:$0x8]  }
0xb1: {  	[tilespmem:s7], [sflag:$0x5] =	stream.linear.gather [hbm4b:s8+s4], $0x2710, $0x38;
	[tilespmem:$0xFDB0] =	vst v63  }
0xb2: {  	_ =	swait.ge [sflag:s6], $0x2710  }
0xb3: {  	[sflag:s6] =	ssyncset.done $0x0  }
0xb4: {  	s8 =	simm.s32 $0x75A0;
	s29 =	rddreg [dreg:$0x9];
	[sflag:s6] =	ssyncadd.s32 $0xFFFFD8F0  }
0xb5: {  	[tilespmem:s8], [sflag:$0x5] =	stream.linear.gather [hbm4b:s29+s4], $0x2710, $0x38;
	[tilespmem:$0xFDB0] =	vst v63  }
0xb6: {  	_ =	swait.ge [sflag:s6], $0x2710  }
0xb7: {  	[sflag:s6] =	ssyncset.done $0x0  }
0xb8: {  	s9 =	simm.s32 $0x1;
	[sflag:s6] =	ssyncadd.s32 $0xFFFFD8F0  }
0xb9: {  	_ =	swait.ge [sflag:s9], $0x4E2  }
0xba: {  	[sflag:s9] =	ssyncset.done $0x0  }
0xbb: {  	s10 =	simm.s32 $0x3;
	[sflag:s9] =	ssyncadd.s32 $0xFFFFFB1E  }
0xbc: {  	_ =	swait.ge [sflag:s10], $0x4F0  }
0xbd: {  	[sflag:s10] =	ssyncset.done $0x0  }
0xbe: {  	[sflag:s10] =	ssyncadd.s32 $0xFFFFFB10  }
0xbf: {  	s11 =	simm.s32 $0x80;
	s12 =	simm.s32 $0x9CB0;
	[bflag:$0x0] =	sbarrier.arrive $0xFFFF  }
0xc0: {  	[tilespmem:s12], [sflag:$0x1] =	stream.indirect.gather [spmem:s3], $0x10, s7, s11, $0xb8;
	[tilespmem:$0xFDB0] =	vst v63  }
0xc1: {  	s13 =	simm.s32 $0xA4B0;
	s14 =	rddreg [dreg:$0xd]  }
0xc2: {  	[tilespmem:s13], [sflag:$0x1] =	stream.indirect.gather [spmem:s3], $0x10, s14, s11, $0xb8;
	[tilespmem:$0xFDB0] =	vst v63  }
0xc3: {  	s15 =	rddreg [dreg:$0xe];
	s14 =	simm.s32 $0xACB0  }
0xc4: {  	[tilespmem:s14], [sflag:$0x1] =	stream.indirect.gather [spmem:s3], $0x10, s15, s11, $0xb8;
	[tilespmem:$0xFDB0] =	vst v63  }
0xc5: {  	s16 =	rddreg [dreg:$0xf];
	s15 =	simm.s32 $0xB4B0  }
0xc6: {  	[tilespmem:s15], [sflag:$0x1] =	stream.indirect.gather [spmem:s3], $0x10, s16, s11, $0xb8;
	[tilespmem:$0xFDB0] =	vst v63  }
0xc7: {  	s17 =	rddreg [dreg:$0x10];
	s16 =	simm.s32 $0xBCB0  }
0xc8: {  	[tilespmem:s16], [sflag:$0x1] =	stream.indirect.gather [spmem:s3], $0x10, s17, s11, $0xb8;
	[tilespmem:$0xFDB0] =	vst v63  }
0xc9: {  	s18 =	rddreg [dreg:$0x11];
	s17 =	simm.s32 $0xC4B0  }
0xca: {  	[tilespmem:s17], [sflag:$0x1] =	stream.indirect.gather [spmem:s3], $0x10, s18, s11, $0xb8;
	[tilespmem:$0xFDB0] =	vst v63  }
0xcb: {  	s19 =	rddreg [dreg:$0x12];
	s18 =	simm.s32 $0xCCB0  }
0xcc: {  	[tilespmem:s18], [sflag:$0x2] =	stream.indirect.gather [spmem:s3], $0x10, s19, s11, $0xb8;
	[tilespmem:$0xFDB0] =	vst v63  }
0xcd: {  	s20 =	rddreg [dreg:$0x13];
	s19 =	simm.s32 $0xD4B0  }
0xce: {  	[tilespmem:s19], [sflag:$0x2] =	stream.indirect.gather [spmem:s3], $0x10, s20, s11, $0xb8;
	[tilespmem:$0xFDB0] =	vst v63  }
0xcf: {  	s21 =	rddreg [dreg:$0x14];
	s20 =	simm.s32 $0xDCB0  }
0xd0: {  	[tilespmem:s20], [sflag:$0x2] =	stream.indirect.gather [spmem:s3], $0x10, s21, s11, $0xb8;
	[tilespmem:$0xFDB0] =	vst v63  }
0xd1: {  	s22 =	rddreg [dreg:$0x15];
	s21 =	simm.s32 $0xE4B0  }
0xd2: {  	[tilespmem:s21], [sflag:$0x2] =	stream.indirect.gather [spmem:s3], $0x10, s22, s11, $0xb8;
	[tilespmem:$0xFDB0] =	vst v63  }
0xd3: {  	s23 =	rddreg [dreg:$0x16];
	s22 =	simm.s32 $0xECB0  }
0xd4: {  	[tilespmem:s22], [sflag:$0x2] =	stream.indirect.gather [spmem:s3], $0x10, s23, s11, $0xb8;
	[tilespmem:$0xFDB0] =	vst v63  }
0xd5: {  	s24 =	rddreg [dreg:$0x17];
	s23 =	simm.s32 $0xF4B0  }
0xd6: {  	[tilespmem:s23], [sflag:$0x2] =	stream.indirect.gather [spmem:s3], $0x10, s24, s11, $0xb8;
	[tilespmem:$0xFDB0] =	vst v63  }
0xd7: {  	_ =	swait.ge [sflag:s9], $0x3000  }
0xd8: {  	[sflag:s9] =	ssyncset.done $0x0  }
0xd9: {  	[sflag:s9] =	ssyncadd.s32 $0xFFFFD000  }
0xda: {  	[spmem:s2] =	stream.indirect.scatter.add.f32 [tilespmem:s12], [sflag:$0x3], $0x10, s8, s11, $0xb8;
	[tilespmem:$0xFDB0] =	vst v63  }
0xdb: {  	s1 =	rddreg [dreg:$0x18]  }
0xdc: {  	[spmem:s2] =	stream.indirect.scatter.add.f32 [tilespmem:s13], [sflag:$0x3], $0x10, s1, s11, $0xb8;
	[tilespmem:$0xFDB0] =	vst v63  }
0xdd: {  	s25 =	rddreg [dreg:$0x19]  }
0xde: {  	[spmem:s2] =	stream.indirect.scatter.add.f32 [tilespmem:s14], [sflag:$0x3], $0x10, s25, s11, $0xb8;
	[tilespmem:$0xFDB0] =	vst v63  }
0xdf: {  	s26 =	rddreg [dreg:$0x1a]  }
0xe0: {  	[spmem:s2] =	stream.indirect.scatter.add.f32 [tilespmem:s15], [sflag:$0x3], $0x10, s26, s11, $0xb8;
	[tilespmem:$0xFDB0] =	vst v63  }
0xe1: {  	s29 =	rddreg [dreg:$0x1b]  }
0xe2: {  	[spmem:s2] =	stream.indirect.scatter.add.f32 [tilespmem:s16], [sflag:$0x3], $0x10, s29, s11, $0xb8;
	[tilespmem:$0xFDB0] =	vst v63  }
0xe3: {  	s1 =	rddreg [dreg:$0x1c]  }
0xe4: {  	[spmem:s2] =	stream.indirect.scatter.add.f32 [tilespmem:s17], [sflag:$0x3], $0x10, s1, s11, $0xb8;
	[tilespmem:$0xFDB0] =	vst v63  }
0xe5: {  	_ =	swait.ge [sflag:s10], $0x3000  }
0xe6: {  	s25 =	rddreg [dreg:$0x1d];
	[sflag:s10] =	ssyncset.done $0x0  }
0xe7: {  	s26 =	rddreg [dreg:$0x1e];
	[sflag:s10] =	ssyncadd.s32 $0xFFFFD000  }
0xe8: {  	[tilespmem:s12], [sflag:$0x1] =	stream.indirect.gather [spmem:s3], $0x10, s25, s11, $0xb8;
	[tilespmem:$0xFDB0] =	vst v63  }
0xe9: {  	s29 =	rddreg [dreg:$0x1f]  }
0xea: {  	[tilespmem:s13], [sflag:$0x1] =	stream.indirect.gather [spmem:s3], $0x10, s26, s11, $0xb8;
	[tilespmem:$0xFDB0] =	vst v63  }
0xeb: {  	s1 =	sld [smem:$0x776]  }
0xec: {  	[tilespmem:s14], [sflag:$0x1] =	stream.indirect.gather [spmem:s3], $0x10, s29, s11, $0xb8;
	[tilespmem:$0xFDB0] =	vst v63  }
0xed: {  	s26 =	sld [smem:$0x777]  }
0xee: {  	[tilespmem:s15], [sflag:$0x1] =	stream.indirect.gather [spmem:s3], $0x10, s1, s11, $0xb8;
	[tilespmem:$0xFDB0] =	vst v63  }
0xef: {  	s29 =	sld [smem:$0x778]  }
0xf0: {  	[tilespmem:s16], [sflag:$0x1] =	stream.indirect.gather [spmem:s3], $0x10, s26, s11, $0xb8;
	[tilespmem:$0xFDB0] =	vst v63  }
0xf1: {  	s24 =	simm.s32 $0x2  }
0xf2: {  	[tilespmem:s17], [sflag:$0x1] =	stream.indirect.gather [spmem:s3], $0x10, s29, s11, $0xb8;
	[tilespmem:$0xFDB0] =	vst v63  }
0xf3: {  	_ =	swait.ge [sflag:s24], $0x3000  }
0xf4: {  	s1 =	sld [smem:$0x779]  }
0xf5: {  	[sflag:s24] =	ssyncset.done $0x0  }
0xf6: {  	s26 =	sld [smem:$0x77A];
	[sflag:s24] =	ssyncadd.s32 $0xFFFFD000  }
0xf7: {  	[spmem:s2] =	stream.indirect.scatter.add.f32 [tilespmem:s18], [sflag:$0x4], $0x10, s1, s11, $0xb8;
	[tilespmem:$0xFDB0] =	vst v63  }
0xf8: {  	s29 =	sld [smem:$0x77B]  }
0xf9: {  	[spmem:s2] =	stream.indirect.scatter.add.f32 [tilespmem:s19], [sflag:$0x4], $0x10, s26, s11, $0xb8;
	[tilespmem:$0xFDB0] =	vst v63  }
0xfa: {  	s1 =	sld [smem:$0x77C]  }
0xfb: {  	[spmem:s2] =	stream.indirect.scatter.add.f32 [tilespmem:s20], [sflag:$0x4], $0x10, s29, s11, $0xb8;
	[tilespmem:$0xFDB0] =	vst v63  }
0xfc: {  	s29 =	sld [smem:$0x77D]  }
0xfd: {  	[spmem:s2] =	stream.indirect.scatter.add.f32 [tilespmem:s21], [sflag:$0x4], $0x10, s1, s11, $0xb8;
	[tilespmem:$0xFDB0] =	vst v63  }
0xfe: {  	s1 =	sld [smem:$0x77E]  }
0xff: {  	[spmem:s2] =	stream.indirect.scatter.add.f32 [tilespmem:s22], [sflag:$0x4], $0x10, s29, s11, $0xb8;
	[tilespmem:$0xFDB0] =	vst v63  }
0x100: {  	_ = 	snop  }
0x101: {  	[spmem:s2] =	stream.indirect.scatter.add.f32 [tilespmem:s23], [sflag:$0x4], $0x10, s1, s11, $0xb8;
	[tilespmem:$0xFDB0] =	vst v63  }
0x102: {  	_ =	swait.ge [sflag:s9], $0x3000  }
0x103: {  	s29 =	sld [smem:$0x77F]  }
0x104: {  	[sflag:s9] =	ssyncset.done $0x0  }
0x105: {  	s1 =	sld [smem:$0x780];
	[sflag:s9] =	ssyncadd.s32 $0xFFFFD000  }
0x106: {  	[spmem:s2] =	stream.indirect.scatter.add.f32 [tilespmem:s12], [sflag:$0x3], $0x10, s29, s11, $0xb8;
	[tilespmem:$0xFDB0] =	vst v63  }
0x107: {  	s29 =	sld [smem:$0x781]  }
0x108: {  	[spmem:s2] =	stream.indirect.scatter.add.f32 [tilespmem:s13], [sflag:$0x3], $0x10, s1, s11, $0xb8;
	[tilespmem:$0xFDB0] =	vst v63  }
0x109: {  	s1 =	sld [smem:$0x782]  }
0x10a: {  	[spmem:s2] =	stream.indirect.scatter.add.f32 [tilespmem:s14], [sflag:$0x3], $0x10, s29, s11, $0xb8;
	[tilespmem:$0xFDB0] =	vst v63  }
0x10b: {  	s29 =	sld [smem:$0x783]  }
0x10c: {  	[spmem:s2] =	stream.indirect.scatter.add.f32 [tilespmem:s15], [sflag:$0x3], $0x10, s1, s11, $0xb8;
	[tilespmem:$0xFDB0] =	vst v63  }
0x10d: {  	s1 =	sld [smem:$0x784]  }
0x10e: {  	[spmem:s2] =	stream.indirect.scatter.add.f32 [tilespmem:s16], [sflag:$0x3], $0x10, s29, s11, $0xb8;
	[tilespmem:$0xFDB0] =	vst v63  }
0x10f: {  	s25 =	simm.s32 $0x4  }
0x110: {  	[spmem:s2] =	stream.indirect.scatter.add.f32 [tilespmem:s17], [sflag:$0x3], $0x10, s1, s11, $0xb8;
	[tilespmem:$0xFDB0] =	vst v63  }
0x111: {  	_ =	swait.ge [sflag:s25], $0x3000  }
0x112: {  	s29 =	sld [smem:$0x785]  }
0x113: {  	[sflag:s25] =	ssyncset.done $0x0  }
0x114: {  	s28 =	sld [smem:$0x786];
	[sflag:s25] =	ssyncadd.s32 $0xFFFFD000  }
0x115: {  	[tilespmem:s18], [sflag:$0x2] =	stream.indirect.gather [spmem:s3], $0x10, s29, s11, $0xb8;
	[tilespmem:$0xFDB0] =	vst v63  }
0x116: {  	s1 =	sld [smem:$0x787]  }
0x117: {  	[tilespmem:s19], [sflag:$0x2] =	stream.indirect.gather [spmem:s3], $0x10, s28, s11, $0xb8;
	[tilespmem:$0xFDB0] =	vst v63  }
0x118: {  	s28 =	sld [smem:$0x788]  }
0x119: {  	[tilespmem:s20], [sflag:$0x2] =	stream.indirect.gather [spmem:s3], $0x10, s1, s11, $0xb8;
	[tilespmem:$0xFDB0] =	vst v63  }
0x11a: {  	s29 =	sld [smem:$0x789]  }
0x11b: {  	[tilespmem:s21], [sflag:$0x2] =	stream.indirect.gather [spmem:s3], $0x10, s28, s11, $0xb8;
	[tilespmem:$0xFDB0] =	vst v63  }
0x11c: {  	s28 =	sld [smem:$0x78A]  }
0x11d: {  	[tilespmem:s22], [sflag:$0x2] =	stream.indirect.gather [spmem:s3], $0x10, s29, s11, $0xb8;
	[tilespmem:$0xFDB0] =	vst v63  }
0x11e: {  	_ = 	snop  }
0x11f: {  	[tilespmem:s23], [sflag:$0x2] =	stream.indirect.gather [spmem:s3], $0x10, s28, s11, $0xb8;
	[tilespmem:$0xFDB0] =	vst v63  }
0x120: {  	_ =	swait.ge [sflag:s10], $0x3000  }
0x121: {  	s1 =	sld [smem:$0x78B]  }
0x122: {  	[sflag:s10] =	ssyncset.done $0x0  }
0x123: {  	s28 =	sld [smem:$0x78C];
	[sflag:s10] =	ssyncadd.s32 $0xFFFFD000  }
0x124: {  	[tilespmem:s12], [sflag:$0x1] =	stream.indirect.gather [spmem:s3], $0x10, s1, s11, $0xb8;
	[tilespmem:$0xFDB0] =	vst v63  }
0x125: {  	s29 =	sld [smem:$0x78D]  }
0x126: {  	[tilespmem:s13], [sflag:$0x1] =	stream.indirect.gather [spmem:s3], $0x10, s28, s11, $0xb8;
	[tilespmem:$0xFDB0] =	vst v63  }
0x127: {  	s28 =	sld [smem:$0x78E]  }
0x128: {  	[tilespmem:s14], [sflag:$0x1] =	stream.indirect.gather [spmem:s3], $0x10, s29, s11, $0xb8;
	[tilespmem:$0xFDB0] =	vst v63  }
0x129: {  	s1 =	sld [smem:$0x78F]  }
0x12a: {  	[tilespmem:s15], [sflag:$0x1] =	stream.indirect.gather [spmem:s3], $0x10, s28, s11, $0xb8;
	[tilespmem:$0xFDB0] =	vst v63  }
0x12b: {  	s28 =	sld [smem:$0x790]  }
0x12c: {  	[tilespmem:s16], [sflag:$0x1] =	stream.indirect.gather [spmem:s3], $0x10, s1, s11, $0xb8;
	[tilespmem:$0xFDB0] =	vst v63  }
0x12d: {  	_ = 	snop  }
0x12e: {  	[tilespmem:s17], [sflag:$0x1] =	stream.indirect.gather [spmem:s3], $0x10, s28, s11, $0xb8;
	[tilespmem:$0xFDB0] =	vst v63  }
0x12f: {  	_ =	swait.ge [sflag:s24], $0x3000  }
0x130: {  	s29 =	sld [smem:$0x791]  }
0x131: {  	[sflag:s24] =	ssyncset.done $0x0  }
0x132: {  	s28 =	sld [smem:$0x792];
	[sflag:s24] =	ssyncadd.s32 $0xFFFFD000  }
0x133: {  	[spmem:s2] =	stream.indirect.scatter.add.f32 [tilespmem:s18], [sflag:$0x4], $0x10, s29, s11, $0xb8;
	[tilespmem:$0xFDB0] =	vst v63  }
0x134: {  	s1 =	sld [smem:$0x793]  }
0x135: {  	[spmem:s2] =	stream.indirect.scatter.add.f32 [tilespmem:s19], [sflag:$0x4], $0x10, s28, s11, $0xb8;
	[tilespmem:$0xFDB0] =	vst v63  }
0x136: {  	s28 =	sld [smem:$0x794]  }
0x137: {  	[spmem:s2] =	stream.indirect.scatter.add.f32 [tilespmem:s20], [sflag:$0x4], $0x10, s1, s11, $0xb8;
	[tilespmem:$0xFDB0] =	vst v63  }
0x138: {  	s29 =	sld [smem:$0x795]  }
0x139: {  	[spmem:s2] =	stream.indirect.scatter.add.f32 [tilespmem:s21], [sflag:$0x4], $0x10, s28, s11, $0xb8;
	[tilespmem:$0xFDB0] =	vst v63  }
0x13a: {  	s28 =	sld [smem:$0x796]  }
0x13b: {  	[spmem:s2] =	stream.indirect.scatter.add.f32 [tilespmem:s22], [sflag:$0x4], $0x10, s29, s11, $0xb8;
	[tilespmem:$0xFDB0] =	vst v63  }
0x13c: {  	_ = 	snop  }
0x13d: {  	[spmem:s2] =	stream.indirect.scatter.add.f32 [tilespmem:s23], [sflag:$0x4], $0x10, s28, s11, $0xb8;
	[tilespmem:$0xFDB0] =	vst v63  }
0x13e: {  	_ =	swait.ge [sflag:s9], $0x3000  }
0x13f: {  	s1 =	sld [smem:$0x797]  }
0x140: {  	[sflag:s9] =	ssyncset.done $0x0  }
0x141: {  	s28 =	sld [smem:$0x798];
	[sflag:s9] =	ssyncadd.s32 $0xFFFFD000  }
0x142: {  	[spmem:s2] =	stream.indirect.scatter.add.f32 [tilespmem:s12], [sflag:$0x3], $0x10, s1, s11, $0xb8;
	[tilespmem:$0xFDB0] =	vst v63  }
0x143: {  	s29 =	sld [smem:$0x799]  }
0x144: {  	[spmem:s2] =	stream.indirect.scatter.add.f32 [tilespmem:s13], [sflag:$0x3], $0x10, s28, s11, $0xb8;
	[tilespmem:$0xFDB0] =	vst v63  }
0x145: {  	s28 =	sld [smem:$0x79A]  }
0x146: {  	[spmem:s2] =	stream.indirect.scatter.add.f32 [tilespmem:s14], [sflag:$0x3], $0x10, s29, s11, $0xb8;
	[tilespmem:$0xFDB0] =	vst v63  }
0x147: {  	s1 =	sld [smem:$0x79B]  }
0x148: {  	[spmem:s2] =	stream.indirect.scatter.add.f32 [tilespmem:s15], [sflag:$0x3], $0x10, s28, s11, $0xb8;
	[tilespmem:$0xFDB0] =	vst v63  }
0x149: {  	s28 =	sld [smem:$0x79C]  }
0x14a: {  	[spmem:s2] =	stream.indirect.scatter.add.f32 [tilespmem:s16], [sflag:$0x3], $0x10, s1, s11, $0xb8;
	[tilespmem:$0xFDB0] =	vst v63  }
0x14b: {  	_ = 	snop  }
0x14c: {  	[spmem:s2] =	stream.indirect.scatter.add.f32 [tilespmem:s17], [sflag:$0x3], $0x10, s28, s11, $0xb8;
	[tilespmem:$0xFDB0] =	vst v63  }
0x14d: {  	_ =	swait.ge [sflag:s25], $0x3000  }
0x14e: {  	s29 =	sld [smem:$0x79D]  }
0x14f: {  	[sflag:s25] =	ssyncset.done $0x0  }
0x150: {  	s28 =	sld [smem:$0x79E];
	[sflag:s25] =	ssyncadd.s32 $0xFFFFD000  }
0x151: {  	[tilespmem:s18], [sflag:$0x2] =	stream.indirect.gather [spmem:s3], $0x10, s29, s11, $0xb8;
	[tilespmem:$0xFDB0] =	vst v63  }
0x152: {  	s1 =	sld [smem:$0x79F]  }
0x153: {  	[tilespmem:s19], [sflag:$0x2] =	stream.indirect.gather [spmem:s3], $0x10, s28, s11, $0xb8;
	[tilespmem:$0xFDB0] =	vst v63  }
0x154: {  	s28 =	sld [smem:$0x7A0]  }
0x155: {  	[tilespmem:s20], [sflag:$0x2] =	stream.indirect.gather [spmem:s3], $0x10, s1, s11, $0xb8;
	[tilespmem:$0xFDB0] =	vst v63  }
0x156: {  	s29 =	sld [smem:$0x7A1]  }
0x157: {  	[tilespmem:s21], [sflag:$0x2] =	stream.indirect.gather [spmem:s3], $0x10, s28, s11, $0xb8;
	[tilespmem:$0xFDB0] =	vst v63  }
0x158: {  	s28 =	sld [smem:$0x7A2]  }
0x159: {  	[tilespmem:s22], [sflag:$0x2] =	stream.indirect.gather [spmem:s3], $0x10, s29, s11, $0xb8;
	[tilespmem:$0xFDB0] =	vst v63  }
0x15a: {  	_ = 	snop  }
0x15b: {  	[tilespmem:s23], [sflag:$0x2] =	stream.indirect.gather [spmem:s3], $0x10, s28, s11, $0xb8;
	[tilespmem:$0xFDB0] =	vst v63  }
0x15c: {  	_ =	swait.ge [sflag:s10], $0x3000  }
0x15d: {  	s1 =	sld [smem:$0x7A3]  }
0x15e: {  	[sflag:s10] =	ssyncset.done $0x0  }
0x15f: {  	s28 =	sld [smem:$0x7A4];
	[sflag:s10] =	ssyncadd.s32 $0xFFFFD000  }
0x160: {  	[tilespmem:s12], [sflag:$0x1] =	stream.indirect.gather [spmem:s3], $0x10, s1, s11, $0xb8;
	[tilespmem:$0xFDB0] =	vst v63  }
0x161: {  	s29 =	sld [smem:$0x7A5]  }
0x162: {  	[tilespmem:s13], [sflag:$0x1] =	stream.indirect.gather [spmem:s3], $0x10, s28, s11, $0xb8;
	[tilespmem:$0xFDB0] =	vst v63  }
0x163: {  	s28 =	sld [smem:$0x7A6]  }
0x164: {  	[tilespmem:s14], [sflag:$0x1] =	stream.indirect.gather [spmem:s3], $0x10, s29, s11, $0xb8;
	[tilespmem:$0xFDB0] =	vst v63  }
0x165: {  	s1 =	sld [smem:$0x7A7]  }
0x166: {  	[tilespmem:s15], [sflag:$0x1] =	stream.indirect.gather [spmem:s3], $0x10, s28, s11, $0xb8;
	[tilespmem:$0xFDB0] =	vst v63  }
0x167: {  	s28 =	sld [smem:$0x7A8]  }
0x168: {  	[tilespmem:s16], [sflag:$0x1] =	stream.indirect.gather [spmem:s3], $0x10, s1, s11, $0xb8;
	[tilespmem:$0xFDB0] =	vst v63  }
0x169: {  	_ = 	snop  }
0x16a: {  	[tilespmem:s17], [sflag:$0x1] =	stream.indirect.gather [spmem:s3], $0x10, s28, s11, $0xb8;
	[tilespmem:$0xFDB0] =	vst v63  }
0x16b: {  	_ =	swait.ge [sflag:s24], $0x3000  }
0x16c: {  	s29 =	sld [smem:$0x7A9]  }
0x16d: {  	[sflag:s24] =	ssyncset.done $0x0  }
0x16e: {  	s28 =	sld [smem:$0x7AA];
	[sflag:s24] =	ssyncadd.s32 $0xFFFFD000  }
0x16f: {  	[spmem:s2] =	stream.indirect.scatter.add.f32 [tilespmem:s18], [sflag:$0x4], $0x10, s29, s11, $0xb8;
	[tilespmem:$0xFDB0] =	vst v63  }
0x170: {  	s1 =	sld [smem:$0x7AB]  }
0x171: {  	[spmem:s2] =	stream.indirect.scatter.add.f32 [tilespmem:s19], [sflag:$0x4], $0x10, s28, s11, $0xb8;
	[tilespmem:$0xFDB0] =	vst v63  }
0x172: {  	s28 =	sld [smem:$0x7AC]  }
0x173: {  	[spmem:s2] =	stream.indirect.scatter.add.f32 [tilespmem:s20], [sflag:$0x4], $0x10, s1, s11, $0xb8;
	[tilespmem:$0xFDB0] =	vst v63  }
0x174: {  	s29 =	sld [smem:$0x7AD]  }
0x175: {  	[spmem:s2] =	stream.indirect.scatter.add.f32 [tilespmem:s21], [sflag:$0x4], $0x10, s28, s11, $0xb8;
	[tilespmem:$0xFDB0] =	vst v63  }
0x176: {  	s28 =	sld [smem:$0x7AE]  }
0x177: {  	[spmem:s2] =	stream.indirect.scatter.add.f32 [tilespmem:s22], [sflag:$0x4], $0x10, s29, s11, $0xb8;
	[tilespmem:$0xFDB0] =	vst v63  }
0x178: {  	_ = 	snop  }
0x179: {  	[spmem:s2] =	stream.indirect.scatter.add.f32 [tilespmem:s23], [sflag:$0x4], $0x10, s28, s11, $0xb8;
	[tilespmem:$0xFDB0] =	vst v63  }
0x17a: {  	_ =	swait.ge [sflag:s9], $0x3000  }
0x17b: {  	s1 =	sld [smem:$0x7AF]  }
0x17c: {  	[sflag:s9] =	ssyncset.done $0x0  }
0x17d: {  	s28 =	sld [smem:$0x7B0];
	[sflag:s9] =	ssyncadd.s32 $0xFFFFD000  }
0x17e: {  	[spmem:s2] =	stream.indirect.scatter.add.f32 [tilespmem:s12], [sflag:$0x3], $0x10, s1, s11, $0xb8;
	[tilespmem:$0xFDB0] =	vst v63  }
0x17f: {  	s29 =	sld [smem:$0x7B1]  }
0x180: {  	[spmem:s2] =	stream.indirect.scatter.add.f32 [tilespmem:s13], [sflag:$0x3], $0x10, s28, s11, $0xb8;
	[tilespmem:$0xFDB0] =	vst v63  }
0x181: {  	s28 =	sld [smem:$0x7B2]  }
0x182: {  	[spmem:s2] =	stream.indirect.scatter.add.f32 [tilespmem:s14], [sflag:$0x3], $0x10, s29, s11, $0xb8;
	[tilespmem:$0xFDB0] =	vst v63  }
0x183: {  	s1 =	sld [smem:$0x7B3]  }
0x184: {  	[spmem:s2] =	stream.indirect.scatter.add.f32 [tilespmem:s15], [sflag:$0x3], $0x10, s28, s11, $0xb8;
	[tilespmem:$0xFDB0] =	vst v63  }
0x185: {  	s28 =	sld [smem:$0x7B4]  }
0x186: {  	[spmem:s2] =	stream.indirect.scatter.add.f32 [tilespmem:s16], [sflag:$0x3], $0x10, s1, s11, $0xb8;
	[tilespmem:$0xFDB0] =	vst v63  }
0x187: {  	_ = 	snop  }
0x188: {  	[spmem:s2] =	stream.indirect.scatter.add.f32 [tilespmem:s17], [sflag:$0x3], $0x10, s28, s11, $0xb8;
	[tilespmem:$0xFDB0] =	vst v63  }
0x189: {  	_ =	swait.ge [sflag:s25], $0x3000  }
0x18a: {  	s29 =	sld [smem:$0x7B5]  }
0x18b: {  	[sflag:s25] =	ssyncset.done $0x0  }
0x18c: {  	s28 =	sld [smem:$0x7B6];
	[sflag:s25] =	ssyncadd.s32 $0xFFFFD000  }
0x18d: {  	[tilespmem:s18], [sflag:$0x2] =	stream.indirect.gather [spmem:s3], $0x10, s29, s11, $0xb8;
	[tilespmem:$0xFDB0] =	vst v63  }
0x18e: {  	s1 =	sld [smem:$0x7B7]  }
0x18f: {  	[tilespmem:s19], [sflag:$0x2] =	stream.indirect.gather [spmem:s3], $0x10, s28, s11, $0xb8;
	[tilespmem:$0xFDB0] =	vst v63  }
0x190: {  	s28 =	sld [smem:$0x7B8]  }
0x191: {  	[tilespmem:s20], [sflag:$0x2] =	stream.indirect.gather [spmem:s3], $0x10, s1, s11, $0xb8;
	[tilespmem:$0xFDB0] =	vst v63  }
0x192: {  	s29 =	sld [smem:$0x7B9]  }
0x193: {  	[tilespmem:s21], [sflag:$0x2] =	stream.indirect.gather [spmem:s3], $0x10, s28, s11, $0xb8;
	[tilespmem:$0xFDB0] =	vst v63  }
0x194: {  	s28 =	sld [smem:$0x7BA]  }
0x195: {  	[tilespmem:s22], [sflag:$0x2] =	stream.indirect.gather [spmem:s3], $0x10, s29, s11, $0xb8;
	[tilespmem:$0xFDB0] =	vst v63  }
0x196: {  	_ = 	snop  }
0x197: {  	[tilespmem:s23], [sflag:$0x2] =	stream.indirect.gather [spmem:s3], $0x10, s28, s11, $0xb8;
	[tilespmem:$0xFDB0] =	vst v63  }
0x198: {  	_ =	swait.ge [sflag:s10], $0x3000  }
0x199: {  	s1 =	sld [smem:$0x7BB]  }
0x19a: {  	[sflag:s10] =	ssyncset.done $0x0  }
0x19b: {  	s28 =	sld [smem:$0x7BC];
	[sflag:s10] =	ssyncadd.s32 $0xFFFFD000  }
0x19c: {  	[tilespmem:s12], [sflag:$0x1] =	stream.indirect.gather [spmem:s3], $0x10, s1, s11, $0xb8;
	[tilespmem:$0xFDB0] =	vst v63  }
0x19d: {  	s29 =	sld [smem:$0x7BD]  }
0x19e: {  	[tilespmem:s13], [sflag:$0x1] =	stream.indirect.gather [spmem:s3], $0x10, s28, s11, $0xb8;
	[tilespmem:$0xFDB0] =	vst v63  }
0x19f: {  	s28 =	sld [smem:$0x7BE]  }
0x1a0: {  	[tilespmem:s14], [sflag:$0x1] =	stream.indirect.gather [spmem:s3], $0x10, s29, s11, $0xb8;
	[tilespmem:$0xFDB0] =	vst v63  }
0x1a1: {  	s1 =	sld [smem:$0x7BF]  }
0x1a2: {  	[tilespmem:s15], [sflag:$0x1] =	stream.indirect.gather [spmem:s3], $0x10, s28, s11, $0xb8;
	[tilespmem:$0xFDB0] =	vst v63  }
0x1a3: {  	s28 =	sld [smem:$0x7C0]  }
0x1a4: {  	[tilespmem:s16], [sflag:$0x1] =	stream.indirect.gather [spmem:s3], $0x10, s1, s11, $0xb8;
	[tilespmem:$0xFDB0] =	vst v63  }
0x1a5: {  	_ = 	snop  }
0x1a6: {  	[tilespmem:s17], [sflag:$0x1] =	stream.indirect.gather [spmem:s3], $0x10, s28, s11, $0xb8;
	[tilespmem:$0xFDB0] =	vst v63  }
0x1a7: {  	_ =	swait.ge [sflag:s24], $0x3000  }
0x1a8: {  	s29 =	sld [smem:$0x7C1]  }
0x1a9: {  	[sflag:s24] =	ssyncset.done $0x0  }
0x1aa: {  	s28 =	sld [smem:$0x7C2];
	[sflag:s24] =	ssyncadd.s32 $0xFFFFD000  }
0x1ab: {  	[spmem:s2] =	stream.indirect.scatter.add.f32 [tilespmem:s18], [sflag:$0x4], $0x10, s29, s11, $0xb8;
	[tilespmem:$0xFDB0] =	vst v63  }
0x1ac: {  	s1 =	sld [smem:$0x7C3]  }
0x1ad: {  	[spmem:s2] =	stream.indirect.scatter.add.f32 [tilespmem:s19], [sflag:$0x4], $0x10, s28, s11, $0xb8;
	[tilespmem:$0xFDB0] =	vst v63  }
0x1ae: {  	s28 =	sld [smem:$0x7C4]  }
0x1af: {  	[spmem:s2] =	stream.indirect.scatter.add.f32 [tilespmem:s20], [sflag:$0x4], $0x10, s1, s11, $0xb8;
	[tilespmem:$0xFDB0] =	vst v63  }
0x1b0: {  	s29 =	sld [smem:$0x7C5]  }
0x1b1: {  	[spmem:s2] =	stream.indirect.scatter.add.f32 [tilespmem:s21], [sflag:$0x4], $0x10, s28, s11, $0xb8;
	[tilespmem:$0xFDB0] =	vst v63  }
0x1b2: {  	s28 =	sld [smem:$0x7C6]  }
0x1b3: {  	[spmem:s2] =	stream.indirect.scatter.add.f32 [tilespmem:s22], [sflag:$0x4], $0x10, s29, s11, $0xb8;
	[tilespmem:$0xFDB0] =	vst v63  }
0x1b4: {  	_ = 	snop  }
0x1b5: {  	[spmem:s2] =	stream.indirect.scatter.add.f32 [tilespmem:s23], [sflag:$0x4], $0x10, s28, s11, $0xb8;
	[tilespmem:$0xFDB0] =	vst v63  }
0x1b6: {  	_ =	swait.ge [sflag:s9], $0x3000  }
0x1b7: {  	s1 =	sld [smem:$0x7C7]  }
0x1b8: {  	[sflag:s9] =	ssyncset.done $0x0  }
0x1b9: {  	s28 =	sld [smem:$0x7C8];
	[sflag:s9] =	ssyncadd.s32 $0xFFFFD000  }
0x1ba: {  	[spmem:s2] =	stream.indirect.scatter.add.f32 [tilespmem:s12], [sflag:$0x3], $0x10, s1, s11, $0xb8;
	[tilespmem:$0xFDB0] =	vst v63  }
0x1bb: {  	s29 =	sld [smem:$0x7C9]  }
0x1bc: {  	[spmem:s2] =	stream.indirect.scatter.add.f32 [tilespmem:s13], [sflag:$0x3], $0x10, s28, s11, $0xb8;
	[tilespmem:$0xFDB0] =	vst v63  }
0x1bd: {  	s28 =	sld [smem:$0x7CA]  }
0x1be: {  	[spmem:s2] =	stream.indirect.scatter.add.f32 [tilespmem:s14], [sflag:$0x3], $0x10, s29, s11, $0xb8;
	[tilespmem:$0xFDB0] =	vst v63  }
0x1bf: {  	s1 =	sld [smem:$0x7CB]  }
0x1c0: {  	[spmem:s2] =	stream.indirect.scatter.add.f32 [tilespmem:s15], [sflag:$0x3], $0x10, s28, s11, $0xb8;
	[tilespmem:$0xFDB0] =	vst v63  }
0x1c1: {  	s28 =	sld [smem:$0x7CC]  }
0x1c2: {  	[spmem:s2] =	stream.indirect.scatter.add.f32 [tilespmem:s16], [sflag:$0x3], $0x10, s1, s11, $0xb8;
	[tilespmem:$0xFDB0] =	vst v63  }
0x1c3: {  	_ = 	snop  }
0x1c4: {  	[spmem:s2] =	stream.indirect.scatter.add.f32 [tilespmem:s17], [sflag:$0x3], $0x10, s28, s11, $0xb8;
	[tilespmem:$0xFDB0] =	vst v63  }
0x1c5: {  	_ =	swait.ge [sflag:s25], $0x3000  }
0x1c6: {  	s29 =	sld [smem:$0x7CD]  }
0x1c7: {  	[sflag:s25] =	ssyncset.done $0x0  }
0x1c8: {  	s28 =	sld [smem:$0x7CE];
	[sflag:s25] =	ssyncadd.s32 $0xFFFFD000  }
0x1c9: {  	[tilespmem:s18], [sflag:$0x2] =	stream.indirect.gather [spmem:s3], $0x10, s29, s11, $0xb8;
	[tilespmem:$0xFDB0] =	vst v63  }
0x1ca: {  	s1 =	sld [smem:$0x7CF]  }
0x1cb: {  	[tilespmem:s19], [sflag:$0x2] =	stream.indirect.gather [spmem:s3], $0x10, s28, s11, $0xb8;
	[tilespmem:$0xFDB0] =	vst v63  }
0x1cc: {  	s28 =	sld [smem:$0x7D0]  }
0x1cd: {  	[tilespmem:s20], [sflag:$0x2] =	stream.indirect.gather [spmem:s3], $0x10, s1, s11, $0xb8;
	[tilespmem:$0xFDB0] =	vst v63  }
0x1ce: {  	s29 =	sld [smem:$0x7D1]  }
0x1cf: {  	[tilespmem:s21], [sflag:$0x2] =	stream.indirect.gather [spmem:s3], $0x10, s28, s11, $0xb8;
	[tilespmem:$0xFDB0] =	vst v63  }
0x1d0: {  	s28 =	sld [smem:$0x7D2]  }
0x1d1: {  	[tilespmem:s22], [sflag:$0x2] =	stream.indirect.gather [spmem:s3], $0x10, s29, s11, $0xb8;
	[tilespmem:$0xFDB0] =	vst v63  }
0x1d2: {  	_ = 	snop  }
0x1d3: {  	[tilespmem:s23], [sflag:$0x2] =	stream.indirect.gather [spmem:s3], $0x10, s28, s11, $0xb8;
	[tilespmem:$0xFDB0] =	vst v63  }
0x1d4: {  	_ =	swait.ge [sflag:s10], $0x3000  }
0x1d5: {  	s1 =	sld [smem:$0x7D3]  }
0x1d6: {  	[sflag:s10] =	ssyncset.done $0x0  }
0x1d7: {  	s28 =	sld [smem:$0x7D4];
	[sflag:s10] =	ssyncadd.s32 $0xFFFFD000  }
0x1d8: {  	[tilespmem:s12], [sflag:$0x1] =	stream.indirect.gather [spmem:s3], $0x10, s1, s11, $0xb8;
	[tilespmem:$0xFDB0] =	vst v63  }
0x1d9: {  	s29 =	sld [smem:$0x7D5]  }
0x1da: {  	[tilespmem:s13], [sflag:$0x1] =	stream.indirect.gather [spmem:s3], $0x10, s28, s11, $0xb8;
	[tilespmem:$0xFDB0] =	vst v63  }
0x1db: {  	s28 =	sld [smem:$0x7D6]  }
0x1dc: {  	[tilespmem:s14], [sflag:$0x1] =	stream.indirect.gather [spmem:s3], $0x10, s29, s11, $0xb8;
	[tilespmem:$0xFDB0] =	vst v63  }
0x1dd: {  	s1 =	sld [smem:$0x7D7]  }
0x1de: {  	[tilespmem:s15], [sflag:$0x1] =	stream.indirect.gather [spmem:s3], $0x10, s28, s11, $0xb8;
	[tilespmem:$0xFDB0] =	vst v63  }
0x1df: {  	s28 =	sld [smem:$0x7D8]  }
0x1e0: {  	[tilespmem:s16], [sflag:$0x1] =	stream.indirect.gather [spmem:s3], $0x10, s1, s11, $0xb8;
	[tilespmem:$0xFDB0] =	vst v63  }
0x1e1: {  	_ = 	snop  }
0x1e2: {  	[tilespmem:s17], [sflag:$0x1] =	stream.indirect.gather [spmem:s3], $0x10, s28, s11, $0xb8;
	[tilespmem:$0xFDB0] =	vst v63  }
0x1e3: {  	_ =	swait.ge [sflag:s24], $0x3000  }
0x1e4: {  	s29 =	sld [smem:$0x7D9]  }
0x1e5: {  	[sflag:s24] =	ssyncset.done $0x0  }
0x1e6: {  	s28 =	sld [smem:$0x7DA];
	[sflag:s24] =	ssyncadd.s32 $0xFFFFD000  }
0x1e7: {  	[spmem:s2] =	stream.indirect.scatter.add.f32 [tilespmem:s18], [sflag:$0x4], $0x10, s29, s11, $0xb8;
	[tilespmem:$0xFDB0] =	vst v63  }
0x1e8: {  	s1 =	sld [smem:$0x7DB]  }
0x1e9: {  	[spmem:s2] =	stream.indirect.scatter.add.f32 [tilespmem:s19], [sflag:$0x4], $0x10, s28, s11, $0xb8;
	[tilespmem:$0xFDB0] =	vst v63  }
0x1ea: {  	s28 =	sld [smem:$0x7DC]  }
0x1eb: {  	[spmem:s2] =	stream.indirect.scatter.add.f32 [tilespmem:s20], [sflag:$0x4], $0x10, s1, s11, $0xb8;
	[tilespmem:$0xFDB0] =	vst v63  }
0x1ec: {  	s29 =	sld [smem:$0x7DD]  }
0x1ed: {  	[spmem:s2] =	stream.indirect.scatter.add.f32 [tilespmem:s21], [sflag:$0x4], $0x10, s28, s11, $0xb8;
	[tilespmem:$0xFDB0] =	vst v63  }
0x1ee: {  	s28 =	sld [smem:$0x7DE]  }
0x1ef: {  	[spmem:s2] =	stream.indirect.scatter.add.f32 [tilespmem:s22], [sflag:$0x4], $0x10, s29, s11, $0xb8;
	[tilespmem:$0xFDB0] =	vst v63  }
0x1f0: {  	_ = 	snop  }
0x1f1: {  	[spmem:s2] =	stream.indirect.scatter.add.f32 [tilespmem:s23], [sflag:$0x4], $0x10, s28, s11, $0xb8;
	[tilespmem:$0xFDB0] =	vst v63  }
0x1f2: {  	_ =	swait.ge [sflag:s9], $0x3000  }
0x1f3: {  	s1 =	sld [smem:$0x7DF]  }
0x1f4: {  	[sflag:s9] =	ssyncset.done $0x0  }
0x1f5: {  	s28 =	sld [smem:$0x7E0];
	[sflag:s9] =	ssyncadd.s32 $0xFFFFD000  }
0x1f6: {  	[spmem:s2] =	stream.indirect.scatter.add.f32 [tilespmem:s12], [sflag:$0x3], $0x10, s1, s11, $0xb8;
	[tilespmem:$0xFDB0] =	vst v63  }
0x1f7: {  	s29 =	sld [smem:$0x7E1]  }
0x1f8: {  	[spmem:s2] =	stream.indirect.scatter.add.f32 [tilespmem:s13], [sflag:$0x3], $0x10, s28, s11, $0xb8;
	[tilespmem:$0xFDB0] =	vst v63  }
0x1f9: {  	s28 =	sld [smem:$0x7E2]  }
0x1fa: {  	[spmem:s2] =	stream.indirect.scatter.add.f32 [tilespmem:s14], [sflag:$0x3], $0x10, s29, s11, $0xb8;
	[tilespmem:$0xFDB0] =	vst v63  }
0x1fb: {  	s1 =	sld [smem:$0x7E3]  }
0x1fc: {  	[spmem:s2] =	stream.indirect.scatter.add.f32 [tilespmem:s15], [sflag:$0x3], $0x10, s28, s11, $0xb8;
	[tilespmem:$0xFDB0] =	vst v63  }
0x1fd: {  	s28 =	sld [smem:$0x7E4]  }
0x1fe: {  	[spmem:s2] =	stream.indirect.scatter.add.f32 [tilespmem:s16], [sflag:$0x3], $0x10, s1, s11, $0xb8;
	[tilespmem:$0xFDB0] =	vst v63  }
0x1ff: {  	_ = 	snop  }
0x200: {  	[spmem:s2] =	stream.indirect.scatter.add.f32 [tilespmem:s17], [sflag:$0x3], $0x10, s28, s11, $0xb8;
	[tilespmem:$0xFDB0] =	vst v63  }
0x201: {  	_ =	swait.ge [sflag:s25], $0x3000  }
0x202: {  	s29 =	sld [smem:$0x7E5]  }
0x203: {  	[sflag:s25] =	ssyncset.done $0x0  }
0x204: {  	s28 =	sld [smem:$0x7E6];
	[sflag:s25] =	ssyncadd.s32 $0xFFFFD000  }
0x205: {  	[tilespmem:s18], [sflag:$0x2] =	stream.indirect.gather [spmem:s3], $0x10, s29, s11, $0xb8;
	[tilespmem:$0xFDB0] =	vst v63  }
0x206: {  	s1 =	sld [smem:$0x7E7]  }
0x207: {  	[tilespmem:s19], [sflag:$0x2] =	stream.indirect.gather [spmem:s3], $0x10, s28, s11, $0xb8;
	[tilespmem:$0xFDB0] =	vst v63  }
0x208: {  	s28 =	sld [smem:$0x7E8]  }
0x209: {  	[tilespmem:s20], [sflag:$0x2] =	stream.indirect.gather [spmem:s3], $0x10, s1, s11, $0xb8;
	[tilespmem:$0xFDB0] =	vst v63  }
0x20a: {  	s29 =	sld [smem:$0x7E9]  }
0x20b: {  	[tilespmem:s21], [sflag:$0x2] =	stream.indirect.gather [spmem:s3], $0x10, s28, s11, $0xb8;
	[tilespmem:$0xFDB0] =	vst v63  }
0x20c: {  	s28 =	sld [smem:$0x7EA]  }
0x20d: {  	[tilespmem:s22], [sflag:$0x2] =	stream.indirect.gather [spmem:s3], $0x10, s29, s11, $0xb8;
	[tilespmem:$0xFDB0] =	vst v63  }
0x20e: {  	_ = 	snop  }
0x20f: {  	[tilespmem:s23], [sflag:$0x2] =	stream.indirect.gather [spmem:s3], $0x10, s28, s11, $0xb8;
	[tilespmem:$0xFDB0] =	vst v63  }
0x210: {  	_ =	swait.ge [sflag:s10], $0x3000  }
0x211: {  	s1 =	sld [smem:$0x7EB]  }
0x212: {  	[sflag:s10] =	ssyncset.done $0x0  }
0x213: {  	s28 =	sld [smem:$0x7EC];
	[sflag:s10] =	ssyncadd.s32 $0xFFFFD000  }
0x214: {  	[tilespmem:s12], [sflag:$0x1] =	stream.indirect.gather [spmem:s3], $0x10, s1, s11, $0xb8;
	[tilespmem:$0xFDB0] =	vst v63  }
0x215: {  	s29 =	sld [smem:$0x7ED]  }
0x216: {  	[tilespmem:s13], [sflag:$0x1] =	stream.indirect.gather [spmem:s3], $0x10, s28, s11, $0xb8;
	[tilespmem:$0xFDB0] =	vst v63  }
0x217: {  	s28 =	sld [smem:$0x7EE]  }
0x218: {  	[tilespmem:s14], [sflag:$0x1] =	stream.indirect.gather [spmem:s3], $0x10, s29, s11, $0xb8;
	[tilespmem:$0xFDB0] =	vst v63  }
0x219: {  	s1 =	sld [smem:$0x7EF]  }
0x21a: {  	[tilespmem:s15], [sflag:$0x1] =	stream.indirect.gather [spmem:s3], $0x10, s28, s11, $0xb8;
	[tilespmem:$0xFDB0] =	vst v63  }
0x21b: {  	s28 =	sld [smem:$0x7F0]  }
0x21c: {  	[tilespmem:s16], [sflag:$0x1] =	stream.indirect.gather [spmem:s3], $0x10, s1, s11, $0xb8;
	[tilespmem:$0xFDB0] =	vst v63  }
0x21d: {  	_ = 	snop  }
0x21e: {  	[tilespmem:s17], [sflag:$0x1] =	stream.indirect.gather [spmem:s3], $0x10, s28, s11, $0xb8;
	[tilespmem:$0xFDB0] =	vst v63  }
0x21f: {  	_ =	swait.ge [sflag:s24], $0x3000  }
0x220: {  	s29 =	sld [smem:$0x7F1]  }
0x221: {  	[sflag:s24] =	ssyncset.done $0x0  }
0x222: {  	s28 =	sld [smem:$0x7F2];
	[sflag:s24] =	ssyncadd.s32 $0xFFFFD000  }
0x223: {  	[spmem:s2] =	stream.indirect.scatter.add.f32 [tilespmem:s18], [sflag:$0x4], $0x10, s29, s11, $0xb8;
	[tilespmem:$0xFDB0] =	vst v63  }
0x224: {  	s1 =	sld [smem:$0x7F3]  }
0x225: {  	[spmem:s2] =	stream.indirect.scatter.add.f32 [tilespmem:s19], [sflag:$0x4], $0x10, s28, s11, $0xb8;
	[tilespmem:$0xFDB0] =	vst v63  }
0x226: {  	s28 =	sld [smem:$0x7F4]  }
0x227: {  	[spmem:s2] =	stream.indirect.scatter.add.f32 [tilespmem:s20], [sflag:$0x4], $0x10, s1, s11, $0xb8;
	[tilespmem:$0xFDB0] =	vst v63  }
0x228: {  	s29 =	sld [smem:$0x7F5]  }
0x229: {  	[spmem:s2] =	stream.indirect.scatter.add.f32 [tilespmem:s21], [sflag:$0x4], $0x10, s28, s11, $0xb8;
	[tilespmem:$0xFDB0] =	vst v63  }
0x22a: {  	s28 =	sld [smem:$0x7F6]  }
0x22b: {  	[spmem:s2] =	stream.indirect.scatter.add.f32 [tilespmem:s22], [sflag:$0x4], $0x10, s29, s11, $0xb8;
	[tilespmem:$0xFDB0] =	vst v63  }
0x22c: {  	_ = 	snop  }
0x22d: {  	[spmem:s2] =	stream.indirect.scatter.add.f32 [tilespmem:s23], [sflag:$0x4], $0x10, s28, s11, $0xb8;
	[tilespmem:$0xFDB0] =	vst v63  }
0x22e: {  	_ =	swait.ge [sflag:s9], $0x3000  }
0x22f: {  	s1 =	sld [smem:$0x7F7]  }
0x230: {  	[sflag:s9] =	ssyncset.done $0x0  }
0x231: {  	s28 =	sld [smem:$0x7F8];
	[sflag:s9] =	ssyncadd.s32 $0xFFFFD000  }
0x232: {  	[spmem:s2] =	stream.indirect.scatter.add.f32 [tilespmem:s12], [sflag:$0x3], $0x10, s1, s11, $0xb8;
	[tilespmem:$0xFDB0] =	vst v63  }
0x233: {  	s29 =	sld [smem:$0x7F9]  }
0x234: {  	[spmem:s2] =	stream.indirect.scatter.add.f32 [tilespmem:s13], [sflag:$0x3], $0x10, s28, s11, $0xb8;
	[tilespmem:$0xFDB0] =	vst v63  }
0x235: {  	s28 =	sld [smem:$0x7FA]  }
0x236: {  	[spmem:s2] =	stream.indirect.scatter.add.f32 [tilespmem:s14], [sflag:$0x3], $0x10, s29, s11, $0xb8;
	[tilespmem:$0xFDB0] =	vst v63  }
0x237: {  	s1 =	sld [smem:$0x7FB]  }
0x238: {  	[spmem:s2] =	stream.indirect.scatter.add.f32 [tilespmem:s15], [sflag:$0x3], $0x10, s28, s11, $0xb8;
	[tilespmem:$0xFDB0] =	vst v63  }
0x239: {  	s28 =	sld [smem:$0x7FC]  }
0x23a: {  	[spmem:s2] =	stream.indirect.scatter.add.f32 [tilespmem:s16], [sflag:$0x3], $0x10, s1, s11, $0xb8;
	[tilespmem:$0xFDB0] =	vst v63  }
0x23b: {  	s29 =	sld [smem:$0x7FD]  }
0x23c: {  	[spmem:s2] =	stream.indirect.scatter.add.f32 [tilespmem:s17], [sflag:$0x3], $0x10, s28, s11, $0xb8;
	[tilespmem:$0xFDB0] =	vst v63  }
0x23d: {  	s26 =	simm.s32 $0x10;
	s28 =	simm.s32 $0xFCB0  }
0x23e: {  	[tilespmem:s28], [sflag:$0x2] =	stream.indirect.gather [spmem:s3], $0x10, s29, s26, $0xb8;
	[tilespmem:$0xFDB0] =	vst v63  }
0x23f: {  	_ =	swait.ge [sflag:s24], $0x100  }
0x240: {  	[sflag:s24] =	ssyncset.done $0x0  }
0x241: {  	s29 =	simm.s32 $0x9CA0;
	[sflag:s24] =	ssyncadd.s32 $0xFFFFFF00  }
0x242: {  	[spmem:s2] =	stream.indirect.scatter.add.f32 [tilespmem:s28], [sflag:$0x5], $0x10, s29, s26, $0xb8;
	[tilespmem:$0xFDB0] =	vst v63  }
0x243: {  	_ =	swait.ge [sflag:s6], $0x100  }
0x244: {  	s30 =	ssub.s32 $0x2, s30;
	[sflag:s6] =	ssyncset.done $0x0  }
0x245: {  	s31 =	sshrl.u32 s30, $0x1;
	[sflag:s6] =	ssyncadd.s32 $0xFFFFFF00  }
0x246: {  	s30 =	ssub.s32 s30, s31;
	_ =	swait.ge [sflag:s25], $0x3000  }
0x247: {  	s30 =	smax.u32 s30, $0x1;
	[sflag:s25] =	ssyncset.done $0x0  }
0x248: {  	p0 =	sne.s32 s30, $0x1;
	[sflag:s25] =	ssyncadd.s32 $0xFFFFD000  }
.Ltmp0:
0x249: {  	_ =	swait.ge [sflag:s10], $0x3000;
	(pc) =	sbr.rel @!p0 .LBB2_2-.Ltmp0, $4  }
0x24a: {  	[sflag:s10] =	ssyncset.done $0x0  }
0x24b: {  	[sflag:s10] =	ssyncadd.s32 $0xFFFFD000  }
0x24c: {  	[bflag:$0x0] =	sbarrier.arrive $0xFFFF  }
0x24d: {  	s31 =	sadd.s32 $0xFFFFFFFF, s30;
	s30 =	sor.u32 $0x1C05, s0;
	s0 =	rddreg [dreg:$0xa]  }
.LBB2_1:
0x24e: {  	[hbm:s0], [sflag:s30] =	dma.local [spmem:s5], $0x4F0  }
0x24f: {  	_ =	swait.ge [sflag:s6], $0x4F0  }
0x250: {  	s29 =	rddreg [dreg:$0x5];
	[sflag:s6] =	ssyncset.done $0x0  }
0x251: {  	s1 =	rddreg [dreg:$0x6];
	[sflag:s6] =	ssyncadd.s32 $0xFFFFFB10  }
0x252: {  	[spmem:s5], [sflag:s1] =	dma.local [hbm:s29], $0x4F0  }
0x253: {  	s0 =	rddreg [dreg:$0xc]  }
0x254: {  	s1 =	rddreg [dreg:$0xb]  }
0x255: {  	s29 =	rddreg [dreg:$0x7]  }
0x256: {  	[spmem:s0], [sflag:s1] =	dma.local [hbm:s29], $0x4E2  }
0x257: {  	s0 =	rddreg [dreg:$0x8]  }
0x258: {  	[tilespmem:s7], [sflag:$0x5] =	stream.linear.gather [hbm4b:s0+s4], $0x2710, $0x38;
	[tilespmem:$0xFDB0] =	vst v63  }
0x259: {  	_ =	swait.ge [sflag:s6], $0x2710  }
0x25a: {  	[sflag:s6] =	ssyncset.done $0x0  }
0x25b: {  	s1 =	rddreg [dreg:$0x9];
	[sflag:s6] =	ssyncadd.s32 $0xFFFFD8F0  }
0x25c: {  	[tilespmem:s8], [sflag:$0x5] =	stream.linear.gather [hbm4b:s1+s4], $0x2710, $0x38;
	[tilespmem:$0xFDB0] =	vst v63  }
0x25d: {  	_ =	swait.ge [sflag:s6], $0x2710  }
0x25e: {  	[sflag:s6] =	ssyncset.done $0x0  }
0x25f: {  	[sflag:s6] =	ssyncadd.s32 $0xFFFFD8F0  }
0x260: {  	_ =	swait.ge [sflag:s9], $0x4E2  }
0x261: {  	[sflag:s9] =	ssyncset.done $0x0  }
0x262: {  	[sflag:s9] =	ssyncadd.s32 $0xFFFFFB1E  }
0x263: {  	_ =	swait.ge [sflag:s10], $0x4F0  }
0x264: {  	[sflag:s10] =	ssyncset.done $0x0  }
0x265: {  	[sflag:s10] =	ssyncadd.s32 $0xFFFFFB10  }
0x266: {  	[bflag:$0x0] =	sbarrier.arrive $0xFFFF  }
0x267: {  	[tilespmem:s12], [sflag:$0x1] =	stream.indirect.gather [spmem:s3], $0x10, s7, s11, $0xb8;
	[tilespmem:$0xFDB0] =	vst v63  }
0x268: {  	s0 =	rddreg [dreg:$0xd]  }
0x269: {  	[tilespmem:s13], [sflag:$0x1] =	stream.indirect.gather [spmem:s3], $0x10, s0, s11, $0xb8;
	[tilespmem:$0xFDB0] =	vst v63  }
0x26a: {  	s29 =	rddreg [dreg:$0xe]  }
0x26b: {  	[tilespmem:s14], [sflag:$0x1] =	stream.indirect.gather [spmem:s3], $0x10, s29, s11, $0xb8;
	[tilespmem:$0xFDB0] =	vst v63  }
0x26c: {  	s1 =	rddreg [dreg:$0xf]  }
0x26d: {  	[tilespmem:s15], [sflag:$0x1] =	stream.indirect.gather [spmem:s3], $0x10, s1, s11, $0xb8;
	[tilespmem:$0xFDB0] =	vst v63  }
0x26e: {  	s0 =	rddreg [dreg:$0x10]  }
0x26f: {  	[tilespmem:s16], [sflag:$0x1] =	stream.indirect.gather [spmem:s3], $0x10, s0, s11, $0xb8;
	[tilespmem:$0xFDB0] =	vst v63  }
0x270: {  	s29 =	rddreg [dreg:$0x11]  }
0x271: {  	[tilespmem:s17], [sflag:$0x1] =	stream.indirect.gather [spmem:s3], $0x10, s29, s11, $0xb8;
	[tilespmem:$0xFDB0] =	vst v63  }
0x272: {  	s1 =	rddreg [dreg:$0x12]  }
0x273: {  	[tilespmem:s18], [sflag:$0x2] =	stream.indirect.gather [spmem:s3], $0x10, s1, s11, $0xb8;
	[tilespmem:$0xFDB0] =	vst v63  }
0x274: {  	s0 =	rddreg [dreg:$0x13]  }
0x275: {  	[tilespmem:s19], [sflag:$0x2] =	stream.indirect.gather [spmem:s3], $0x10, s0, s11, $0xb8;
	[tilespmem:$0xFDB0] =	vst v63  }
0x276: {  	s29 =	rddreg [dreg:$0x14]  }
0x277: {  	[tilespmem:s20], [sflag:$0x2] =	stream.indirect.gather [spmem:s3], $0x10, s29, s11, $0xb8;
	[tilespmem:$0xFDB0] =	vst v63  }
0x278: {  	s1 =	rddreg [dreg:$0x15]  }
0x279: {  	[tilespmem:s21], [sflag:$0x2] =	stream.indirect.gather [spmem:s3], $0x10, s1, s11, $0xb8;
	[tilespmem:$0xFDB0] =	vst v63  }
0x27a: {  	s0 =	rddreg [dreg:$0x16]  }
0x27b: {  	[tilespmem:s22], [sflag:$0x2] =	stream.indirect.gather [spmem:s3], $0x10, s0, s11, $0xb8;
	[tilespmem:$0xFDB0] =	vst v63  }
0x27c: {  	s29 =	rddreg [dreg:$0x17]  }
0x27d: {  	[tilespmem:s23], [sflag:$0x2] =	stream.indirect.gather [spmem:s3], $0x10, s29, s11, $0xb8;
	[tilespmem:$0xFDB0] =	vst v63  }
0x27e: {  	_ =	swait.ge [sflag:s9], $0x3000  }
0x27f: {  	[sflag:s9] =	ssyncset.done $0x0  }
0x280: {  	[sflag:s9] =	ssyncadd.s32 $0xFFFFD000  }
0x281: {  	[spmem:s2] =	stream.indirect.scatter.add.f32 [tilespmem:s12], [sflag:$0x3], $0x10, s8, s11, $0xb8;
	[tilespmem:$0xFDB0] =	vst v63  }
0x282: {  	s0 =	rddreg [dreg:$0x18]  }
0x283: {  	[spmem:s2] =	stream.indirect.scatter.add.f32 [tilespmem:s13], [sflag:$0x3], $0x10, s0, s11, $0xb8;
	[tilespmem:$0xFDB0] =	vst v63  }
0x284: {  	s1 =	rddreg [dreg:$0x19]  }
0x285: {  	[spmem:s2] =	stream.indirect.scatter.add.f32 [tilespmem:s14], [sflag:$0x3], $0x10, s1, s11, $0xb8;
	[tilespmem:$0xFDB0] =	vst v63  }
0x286: {  	s29 =	rddreg [dreg:$0x1a]  }
0x287: {  	[spmem:s2] =	stream.indirect.scatter.add.f32 [tilespmem:s15], [sflag:$0x3], $0x10, s29, s11, $0xb8;
	[tilespmem:$0xFDB0] =	vst v63  }
0x288: {  	s0 =	rddreg [dreg:$0x1b]  }
0x289: {  	[spmem:s2] =	stream.indirect.scatter.add.f32 [tilespmem:s16], [sflag:$0x3], $0x10, s0, s11, $0xb8;
	[tilespmem:$0xFDB0] =	vst v63  }
0x28a: {  	s1 =	rddreg [dreg:$0x1c]  }
0x28b: {  	[spmem:s2] =	stream.indirect.scatter.add.f32 [tilespmem:s17], [sflag:$0x3], $0x10, s1, s11, $0xb8;
	[tilespmem:$0xFDB0] =	vst v63  }
0x28c: {  	_ =	swait.ge [sflag:s10], $0x3000  }
0x28d: {  	[sflag:s10] =	ssyncset.done $0x0;
	s0 =	rddreg [dreg:$0x1d]  }
0x28e: {  	s1 =	rddreg [dreg:$0x1e];
	[sflag:s10] =	ssyncadd.s32 $0xFFFFD000  }
0x28f: {  	[tilespmem:s12], [sflag:$0x1] =	stream.indirect.gather [spmem:s3], $0x10, s0, s11, $0xb8;
	[tilespmem:$0xFDB0] =	vst v63  }
0x290: {  	s29 =	rddreg [dreg:$0x1f]  }
0x291: {  	[tilespmem:s13], [sflag:$0x1] =	stream.indirect.gather [spmem:s3], $0x10, s1, s11, $0xb8;
	[tilespmem:$0xFDB0] =	vst v63  }
0x292: {  	s0 =	sld [smem:$0x776]  }
0x293: {  	[tilespmem:s14], [sflag:$0x1] =	stream.indirect.gather [spmem:s3], $0x10, s29, s11, $0xb8;
	[tilespmem:$0xFDB0] =	vst v63  }
0x294: {  	s1 =	sld [smem:$0x777]  }
0x295: {  	[tilespmem:s15], [sflag:$0x1] =	stream.indirect.gather [spmem:s3], $0x10, s0, s11, $0xb8;
	[tilespmem:$0xFDB0] =	vst v63  }
0x296: {  	s29 =	sld [smem:$0x778]  }
0x297: {  	[tilespmem:s16], [sflag:$0x1] =	stream.indirect.gather [spmem:s3], $0x10, s1, s11, $0xb8;
	[tilespmem:$0xFDB0] =	vst v63  }
0x298: {  	_ = 	snop  }
0x299: {  	[tilespmem:s17], [sflag:$0x1] =	stream.indirect.gather [spmem:s3], $0x10, s29, s11, $0xb8;
	[tilespmem:$0xFDB0] =	vst v63  }
0x29a: {  	_ =	swait.ge [sflag:s24], $0x3000  }
0x29b: {  	s0 =	sld [smem:$0x779]  }
0x29c: {  	[sflag:s24] =	ssyncset.done $0x0  }
0x29d: {  	s1 =	sld [smem:$0x77A];
	[sflag:s24] =	ssyncadd.s32 $0xFFFFD000  }
0x29e: {  	[spmem:s2] =	stream.indirect.scatter.add.f32 [tilespmem:s18], [sflag:$0x4], $0x10, s0, s11, $0xb8;
	[tilespmem:$0xFDB0] =	vst v63  }
0x29f: {  	s29 =	sld [smem:$0x77B]  }
0x2a0: {  	[spmem:s2] =	stream.indirect.scatter.add.f32 [tilespmem:s19], [sflag:$0x4], $0x10, s1, s11, $0xb8;
	[tilespmem:$0xFDB0] =	vst v63  }
0x2a1: {  	s0 =	sld [smem:$0x77C]  }
0x2a2: {  	[spmem:s2] =	stream.indirect.scatter.add.f32 [tilespmem:s20], [sflag:$0x4], $0x10, s29, s11, $0xb8;
	[tilespmem:$0xFDB0] =	vst v63  }
0x2a3: {  	s1 =	sld [smem:$0x77D]  }
0x2a4: {  	[spmem:s2] =	stream.indirect.scatter.add.f32 [tilespmem:s21], [sflag:$0x4], $0x10, s0, s11, $0xb8;
	[tilespmem:$0xFDB0] =	vst v63  }
0x2a5: {  	s29 =	sld [smem:$0x77E]  }
0x2a6: {  	[spmem:s2] =	stream.indirect.scatter.add.f32 [tilespmem:s22], [sflag:$0x4], $0x10, s1, s11, $0xb8;
	[tilespmem:$0xFDB0] =	vst v63  }
0x2a7: {  	_ = 	snop  }
0x2a8: {  	[spmem:s2] =	stream.indirect.scatter.add.f32 [tilespmem:s23], [sflag:$0x4], $0x10, s29, s11, $0xb8;
	[tilespmem:$0xFDB0] =	vst v63  }
0x2a9: {  	_ =	swait.ge [sflag:s9], $0x3000  }
0x2aa: {  	s0 =	sld [smem:$0x77F]  }
0x2ab: {  	[sflag:s9] =	ssyncset.done $0x0  }
0x2ac: {  	s1 =	sld [smem:$0x780];
	[sflag:s9] =	ssyncadd.s32 $0xFFFFD000  }
0x2ad: {  	[spmem:s2] =	stream.indirect.scatter.add.f32 [tilespmem:s12], [sflag:$0x3], $0x10, s0, s11, $0xb8;
	[tilespmem:$0xFDB0] =	vst v63  }
0x2ae: {  	s29 =	sld [smem:$0x781]  }
0x2af: {  	[spmem:s2] =	stream.indirect.scatter.add.f32 [tilespmem:s13], [sflag:$0x3], $0x10, s1, s11, $0xb8;
	[tilespmem:$0xFDB0] =	vst v63  }
0x2b0: {  	s0 =	sld [smem:$0x782]  }
0x2b1: {  	[spmem:s2] =	stream.indirect.scatter.add.f32 [tilespmem:s14], [sflag:$0x3], $0x10, s29, s11, $0xb8;
	[tilespmem:$0xFDB0] =	vst v63  }
0x2b2: {  	s1 =	sld [smem:$0x783]  }
0x2b3: {  	[spmem:s2] =	stream.indirect.scatter.add.f32 [tilespmem:s15], [sflag:$0x3], $0x10, s0, s11, $0xb8;
	[tilespmem:$0xFDB0] =	vst v63  }
0x2b4: {  	s29 =	sld [smem:$0x784]  }
0x2b5: {  	[spmem:s2] =	stream.indirect.scatter.add.f32 [tilespmem:s16], [sflag:$0x3], $0x10, s1, s11, $0xb8;
	[tilespmem:$0xFDB0] =	vst v63  }
0x2b6: {  	_ = 	snop  }
0x2b7: {  	[spmem:s2] =	stream.indirect.scatter.add.f32 [tilespmem:s17], [sflag:$0x3], $0x10, s29, s11, $0xb8;
	[tilespmem:$0xFDB0] =	vst v63  }
0x2b8: {  	_ =	swait.ge [sflag:s25], $0x3000  }
0x2b9: {  	s0 =	sld [smem:$0x785]  }
0x2ba: {  	[sflag:s25] =	ssyncset.done $0x0  }
0x2bb: {  	s1 =	sld [smem:$0x786];
	[sflag:s25] =	ssyncadd.s32 $0xFFFFD000  }
0x2bc: {  	[tilespmem:s18], [sflag:$0x2] =	stream.indirect.gather [spmem:s3], $0x10, s0, s11, $0xb8;
	[tilespmem:$0xFDB0] =	vst v63  }
0x2bd: {  	s29 =	sld [smem:$0x787]  }
0x2be: {  	[tilespmem:s19], [sflag:$0x2] =	stream.indirect.gather [spmem:s3], $0x10, s1, s11, $0xb8;
	[tilespmem:$0xFDB0] =	vst v63  }
0x2bf: {  	s0 =	sld [smem:$0x788]  }
0x2c0: {  	[tilespmem:s20], [sflag:$0x2] =	stream.indirect.gather [spmem:s3], $0x10, s29, s11, $0xb8;
	[tilespmem:$0xFDB0] =	vst v63  }
0x2c1: {  	s1 =	sld [smem:$0x789]  }
0x2c2: {  	[tilespmem:s21], [sflag:$0x2] =	stream.indirect.gather [spmem:s3], $0x10, s0, s11, $0xb8;
	[tilespmem:$0xFDB0] =	vst v63  }
0x2c3: {  	s29 =	sld [smem:$0x78A]  }
0x2c4: {  	[tilespmem:s22], [sflag:$0x2] =	stream.indirect.gather [spmem:s3], $0x10, s1, s11, $0xb8;
	[tilespmem:$0xFDB0] =	vst v63  }
0x2c5: {  	_ = 	snop  }
0x2c6: {  	[tilespmem:s23], [sflag:$0x2] =	stream.indirect.gather [spmem:s3], $0x10, s29, s11, $0xb8;
	[tilespmem:$0xFDB0] =	vst v63  }
0x2c7: {  	_ =	swait.ge [sflag:s10], $0x3000  }
0x2c8: {  	s0 =	sld [smem:$0x78B]  }
0x2c9: {  	[sflag:s10] =	ssyncset.done $0x0  }
0x2ca: {  	s1 =	sld [smem:$0x78C];
	[sflag:s10] =	ssyncadd.s32 $0xFFFFD000  }
0x2cb: {  	[tilespmem:s12], [sflag:$0x1] =	stream.indirect.gather [spmem:s3], $0x10, s0, s11, $0xb8;
	[tilespmem:$0xFDB0] =	vst v63  }
0x2cc: {  	s29 =	sld [smem:$0x78D]  }
0x2cd: {  	[tilespmem:s13], [sflag:$0x1] =	stream.indirect.gather [spmem:s3], $0x10, s1, s11, $0xb8;
	[tilespmem:$0xFDB0] =	vst v63  }
0x2ce: {  	s0 =	sld [smem:$0x78E]  }
0x2cf: {  	[tilespmem:s14], [sflag:$0x1] =	stream.indirect.gather [spmem:s3], $0x10, s29, s11, $0xb8;
	[tilespmem:$0xFDB0] =	vst v63  }
0x2d0: {  	s1 =	sld [smem:$0x78F]  }
0x2d1: {  	[tilespmem:s15], [sflag:$0x1] =	stream.indirect.gather [spmem:s3], $0x10, s0, s11, $0xb8;
	[tilespmem:$0xFDB0] =	vst v63  }
0x2d2: {  	s29 =	sld [smem:$0x790]  }
0x2d3: {  	[tilespmem:s16], [sflag:$0x1] =	stream.indirect.gather [spmem:s3], $0x10, s1, s11, $0xb8;
	[tilespmem:$0xFDB0] =	vst v63  }
0x2d4: {  	_ = 	snop  }
0x2d5: {  	[tilespmem:s17], [sflag:$0x1] =	stream.indirect.gather [spmem:s3], $0x10, s29, s11, $0xb8;
	[tilespmem:$0xFDB0] =	vst v63  }
0x2d6: {  	_ =	swait.ge [sflag:s24], $0x3000  }
0x2d7: {  	s0 =	sld [smem:$0x791]  }
0x2d8: {  	[sflag:s24] =	ssyncset.done $0x0  }
0x2d9: {  	s1 =	sld [smem:$0x792];
	[sflag:s24] =	ssyncadd.s32 $0xFFFFD000  }
0x2da: {  	[spmem:s2] =	stream.indirect.scatter.add.f32 [tilespmem:s18], [sflag:$0x4], $0x10, s0, s11, $0xb8;
	[tilespmem:$0xFDB0] =	vst v63  }
0x2db: {  	s29 =	sld [smem:$0x793]  }
0x2dc: {  	[spmem:s2] =	stream.indirect.scatter.add.f32 [tilespmem:s19], [sflag:$0x4], $0x10, s1, s11, $0xb8;
	[tilespmem:$0xFDB0] =	vst v63  }
0x2dd: {  	s0 =	sld [smem:$0x794]  }
0x2de: {  	[spmem:s2] =	stream.indirect.scatter.add.f32 [tilespmem:s20], [sflag:$0x4], $0x10, s29, s11, $0xb8;
	[tilespmem:$0xFDB0] =	vst v63  }
0x2df: {  	s1 =	sld [smem:$0x795]  }
0x2e0: {  	[spmem:s2] =	stream.indirect.scatter.add.f32 [tilespmem:s21], [sflag:$0x4], $0x10, s0, s11, $0xb8;
	[tilespmem:$0xFDB0] =	vst v63  }
0x2e1: {  	s29 =	sld [smem:$0x796]  }
0x2e2: {  	[spmem:s2] =	stream.indirect.scatter.add.f32 [tilespmem:s22], [sflag:$0x4], $0x10, s1, s11, $0xb8;
	[tilespmem:$0xFDB0] =	vst v63  }
0x2e3: {  	_ = 	snop  }
0x2e4: {  	[spmem:s2] =	stream.indirect.scatter.add.f32 [tilespmem:s23], [sflag:$0x4], $0x10, s29, s11, $0xb8;
	[tilespmem:$0xFDB0] =	vst v63  }
0x2e5: {  	_ =	swait.ge [sflag:s9], $0x3000  }
0x2e6: {  	s0 =	sld [smem:$0x797]  }
0x2e7: {  	[sflag:s9] =	ssyncset.done $0x0  }
0x2e8: {  	s1 =	sld [smem:$0x798];
	[sflag:s9] =	ssyncadd.s32 $0xFFFFD000  }
0x2e9: {  	[spmem:s2] =	stream.indirect.scatter.add.f32 [tilespmem:s12], [sflag:$0x3], $0x10, s0, s11, $0xb8;
	[tilespmem:$0xFDB0] =	vst v63  }
0x2ea: {  	s29 =	sld [smem:$0x799]  }
0x2eb: {  	[spmem:s2] =	stream.indirect.scatter.add.f32 [tilespmem:s13], [sflag:$0x3], $0x10, s1, s11, $0xb8;
	[tilespmem:$0xFDB0] =	vst v63  }
0x2ec: {  	s0 =	sld [smem:$0x79A]  }
0x2ed: {  	[spmem:s2] =	stream.indirect.scatter.add.f32 [tilespmem:s14], [sflag:$0x3], $0x10, s29, s11, $0xb8;
	[tilespmem:$0xFDB0] =	vst v63  }
0x2ee: {  	s1 =	sld [smem:$0x79B]  }
0x2ef: {  	[spmem:s2] =	stream.indirect.scatter.add.f32 [tilespmem:s15], [sflag:$0x3], $0x10, s0, s11, $0xb8;
	[tilespmem:$0xFDB0] =	vst v63  }
0x2f0: {  	s29 =	sld [smem:$0x79C]  }
0x2f1: {  	[spmem:s2] =	stream.indirect.scatter.add.f32 [tilespmem:s16], [sflag:$0x3], $0x10, s1, s11, $0xb8;
	[tilespmem:$0xFDB0] =	vst v63  }
0x2f2: {  	_ = 	snop  }
0x2f3: {  	[spmem:s2] =	stream.indirect.scatter.add.f32 [tilespmem:s17], [sflag:$0x3], $0x10, s29, s11, $0xb8;
	[tilespmem:$0xFDB0] =	vst v63  }
0x2f4: {  	_ =	swait.ge [sflag:s25], $0x3000  }
0x2f5: {  	s0 =	sld [smem:$0x79D]  }
0x2f6: {  	[sflag:s25] =	ssyncset.done $0x0  }
0x2f7: {  	s1 =	sld [smem:$0x79E];
	[sflag:s25] =	ssyncadd.s32 $0xFFFFD000  }
0x2f8: {  	[tilespmem:s18], [sflag:$0x2] =	stream.indirect.gather [spmem:s3], $0x10, s0, s11, $0xb8;
	[tilespmem:$0xFDB0] =	vst v63  }
0x2f9: {  	s29 =	sld [smem:$0x79F]  }
0x2fa: {  	[tilespmem:s19], [sflag:$0x2] =	stream.indirect.gather [spmem:s3], $0x10, s1, s11, $0xb8;
	[tilespmem:$0xFDB0] =	vst v63  }
0x2fb: {  	s0 =	sld [smem:$0x7A0]  }
0x2fc: {  	[tilespmem:s20], [sflag:$0x2] =	stream.indirect.gather [spmem:s3], $0x10, s29, s11, $0xb8;
	[tilespmem:$0xFDB0] =	vst v63  }
0x2fd: {  	s1 =	sld [smem:$0x7A1]  }
0x2fe: {  	[tilespmem:s21], [sflag:$0x2] =	stream.indirect.gather [spmem:s3], $0x10, s0, s11, $0xb8;
	[tilespmem:$0xFDB0] =	vst v63  }
0x2ff: {  	s29 =	sld [smem:$0x7A2]  }
0x300: {  	[tilespmem:s22], [sflag:$0x2] =	stream.indirect.gather [spmem:s3], $0x10, s1, s11, $0xb8;
	[tilespmem:$0xFDB0] =	vst v63  }
0x301: {  	_ = 	snop  }
0x302: {  	[tilespmem:s23], [sflag:$0x2] =	stream.indirect.gather [spmem:s3], $0x10, s29, s11, $0xb8;
	[tilespmem:$0xFDB0] =	vst v63  }
0x303: {  	_ =	swait.ge [sflag:s10], $0x3000  }
0x304: {  	s0 =	sld [smem:$0x7A3]  }
0x305: {  	[sflag:s10] =	ssyncset.done $0x0  }
0x306: {  	s1 =	sld [smem:$0x7A4];
	[sflag:s10] =	ssyncadd.s32 $0xFFFFD000  }
0x307: {  	[tilespmem:s12], [sflag:$0x1] =	stream.indirect.gather [spmem:s3], $0x10, s0, s11, $0xb8;
	[tilespmem:$0xFDB0] =	vst v63  }
0x308: {  	s29 =	sld [smem:$0x7A5]  }
0x309: {  	[tilespmem:s13], [sflag:$0x1] =	stream.indirect.gather [spmem:s3], $0x10, s1, s11, $0xb8;
	[tilespmem:$0xFDB0] =	vst v63  }
0x30a: {  	s0 =	sld [smem:$0x7A6]  }
0x30b: {  	[tilespmem:s14], [sflag:$0x1] =	stream.indirect.gather [spmem:s3], $0x10, s29, s11, $0xb8;
	[tilespmem:$0xFDB0] =	vst v63  }
0x30c: {  	s1 =	sld [smem:$0x7A7]  }
0x30d: {  	[tilespmem:s15], [sflag:$0x1] =	stream.indirect.gather [spmem:s3], $0x10, s0, s11, $0xb8;
	[tilespmem:$0xFDB0] =	vst v63  }
0x30e: {  	s29 =	sld [smem:$0x7A8]  }
0x30f: {  	[tilespmem:s16], [sflag:$0x1] =	stream.indirect.gather [spmem:s3], $0x10, s1, s11, $0xb8;
	[tilespmem:$0xFDB0] =	vst v63  }
0x310: {  	_ = 	snop  }
0x311: {  	[tilespmem:s17], [sflag:$0x1] =	stream.indirect.gather [spmem:s3], $0x10, s29, s11, $0xb8;
	[tilespmem:$0xFDB0] =	vst v63  }
0x312: {  	_ =	swait.ge [sflag:s24], $0x3000  }
0x313: {  	s0 =	sld [smem:$0x7A9]  }
0x314: {  	[sflag:s24] =	ssyncset.done $0x0  }
0x315: {  	s1 =	sld [smem:$0x7AA];
	[sflag:s24] =	ssyncadd.s32 $0xFFFFD000  }
0x316: {  	[spmem:s2] =	stream.indirect.scatter.add.f32 [tilespmem:s18], [sflag:$0x4], $0x10, s0, s11, $0xb8;
	[tilespmem:$0xFDB0] =	vst v63  }
0x317: {  	s29 =	sld [smem:$0x7AB]  }
0x318: {  	[spmem:s2] =	stream.indirect.scatter.add.f32 [tilespmem:s19], [sflag:$0x4], $0x10, s1, s11, $0xb8;
	[tilespmem:$0xFDB0] =	vst v63  }
0x319: {  	s0 =	sld [smem:$0x7AC]  }
0x31a: {  	[spmem:s2] =	stream.indirect.scatter.add.f32 [tilespmem:s20], [sflag:$0x4], $0x10, s29, s11, $0xb8;
	[tilespmem:$0xFDB0] =	vst v63  }
0x31b: {  	s1 =	sld [smem:$0x7AD]  }
0x31c: {  	[spmem:s2] =	stream.indirect.scatter.add.f32 [tilespmem:s21], [sflag:$0x4], $0x10, s0, s11, $0xb8;
	[tilespmem:$0xFDB0] =	vst v63  }
0x31d: {  	s29 =	sld [smem:$0x7AE]  }
0x31e: {  	[spmem:s2] =	stream.indirect.scatter.add.f32 [tilespmem:s22], [sflag:$0x4], $0x10, s1, s11, $0xb8;
	[tilespmem:$0xFDB0] =	vst v63  }
0x31f: {  	_ = 	snop  }
0x320: {  	[spmem:s2] =	stream.indirect.scatter.add.f32 [tilespmem:s23], [sflag:$0x4], $0x10, s29, s11, $0xb8;
	[tilespmem:$0xFDB0] =	vst v63  }
0x321: {  	_ =	swait.ge [sflag:s9], $0x3000  }
0x322: {  	s0 =	sld [smem:$0x7AF]  }
0x323: {  	[sflag:s9] =	ssyncset.done $0x0  }
0x324: {  	s1 =	sld [smem:$0x7B0];
	[sflag:s9] =	ssyncadd.s32 $0xFFFFD000  }
0x325: {  	[spmem:s2] =	stream.indirect.scatter.add.f32 [tilespmem:s12], [sflag:$0x3], $0x10, s0, s11, $0xb8;
	[tilespmem:$0xFDB0] =	vst v63  }
0x326: {  	s29 =	sld [smem:$0x7B1]  }
0x327: {  	[spmem:s2] =	stream.indirect.scatter.add.f32 [tilespmem:s13], [sflag:$0x3], $0x10, s1, s11, $0xb8;
	[tilespmem:$0xFDB0] =	vst v63  }
0x328: {  	s0 =	sld [smem:$0x7B2]  }
0x329: {  	[spmem:s2] =	stream.indirect.scatter.add.f32 [tilespmem:s14], [sflag:$0x3], $0x10, s29, s11, $0xb8;
	[tilespmem:$0xFDB0] =	vst v63  }
0x32a: {  	s1 =	sld [smem:$0x7B3]  }
0x32b: {  	[spmem:s2] =	stream.indirect.scatter.add.f32 [tilespmem:s15], [sflag:$0x3], $0x10, s0, s11, $0xb8;
	[tilespmem:$0xFDB0] =	vst v63  }
0x32c: {  	s29 =	sld [smem:$0x7B4]  }
0x32d: {  	[spmem:s2] =	stream.indirect.scatter.add.f32 [tilespmem:s16], [sflag:$0x3], $0x10, s1, s11, $0xb8;
	[tilespmem:$0xFDB0] =	vst v63  }
0x32e: {  	_ = 	snop  }
0x32f: {  	[spmem:s2] =	stream.indirect.scatter.add.f32 [tilespmem:s17], [sflag:$0x3], $0x10, s29, s11, $0xb8;
	[tilespmem:$0xFDB0] =	vst v63  }
0x330: {  	_ =	swait.ge [sflag:s25], $0x3000  }
0x331: {  	s0 =	sld [smem:$0x7B5]  }
0x332: {  	[sflag:s25] =	ssyncset.done $0x0  }
0x333: {  	s1 =	sld [smem:$0x7B6];
	[sflag:s25] =	ssyncadd.s32 $0xFFFFD000  }
0x334: {  	[tilespmem:s18], [sflag:$0x2] =	stream.indirect.gather [spmem:s3], $0x10, s0, s11, $0xb8;
	[tilespmem:$0xFDB0] =	vst v63  }
0x335: {  	s29 =	sld [smem:$0x7B7]  }
0x336: {  	[tilespmem:s19], [sflag:$0x2] =	stream.indirect.gather [spmem:s3], $0x10, s1, s11, $0xb8;
	[tilespmem:$0xFDB0] =	vst v63  }
0x337: {  	s0 =	sld [smem:$0x7B8]  }
0x338: {  	[tilespmem:s20], [sflag:$0x2] =	stream.indirect.gather [spmem:s3], $0x10, s29, s11, $0xb8;
	[tilespmem:$0xFDB0] =	vst v63  }
0x339: {  	s1 =	sld [smem:$0x7B9]  }
0x33a: {  	[tilespmem:s21], [sflag:$0x2] =	stream.indirect.gather [spmem:s3], $0x10, s0, s11, $0xb8;
	[tilespmem:$0xFDB0] =	vst v63  }
0x33b: {  	s29 =	sld [smem:$0x7BA]  }
0x33c: {  	[tilespmem:s22], [sflag:$0x2] =	stream.indirect.gather [spmem:s3], $0x10, s1, s11, $0xb8;
	[tilespmem:$0xFDB0] =	vst v63  }
0x33d: {  	_ = 	snop  }
0x33e: {  	[tilespmem:s23], [sflag:$0x2] =	stream.indirect.gather [spmem:s3], $0x10, s29, s11, $0xb8;
	[tilespmem:$0xFDB0] =	vst v63  }
0x33f: {  	_ =	swait.ge [sflag:s10], $0x3000  }
0x340: {  	s0 =	sld [smem:$0x7BB]  }
0x341: {  	[sflag:s10] =	ssyncset.done $0x0  }
0x342: {  	s1 =	sld [smem:$0x7BC];
	[sflag:s10] =	ssyncadd.s32 $0xFFFFD000  }
0x343: {  	[tilespmem:s12], [sflag:$0x1] =	stream.indirect.gather [spmem:s3], $0x10, s0, s11, $0xb8;
	[tilespmem:$0xFDB0] =	vst v63  }
0x344: {  	s29 =	sld [smem:$0x7BD]  }
0x345: {  	[tilespmem:s13], [sflag:$0x1] =	stream.indirect.gather [spmem:s3], $0x10, s1, s11, $0xb8;
	[tilespmem:$0xFDB0] =	vst v63  }
0x346: {  	s0 =	sld [smem:$0x7BE]  }
0x347: {  	[tilespmem:s14], [sflag:$0x1] =	stream.indirect.gather [spmem:s3], $0x10, s29, s11, $0xb8;
	[tilespmem:$0xFDB0] =	vst v63  }
0x348: {  	s1 =	sld [smem:$0x7BF]  }
0x349: {  	[tilespmem:s15], [sflag:$0x1] =	stream.indirect.gather [spmem:s3], $0x10, s0, s11, $0xb8;
	[tilespmem:$0xFDB0] =	vst v63  }
0x34a: {  	s29 =	sld [smem:$0x7C0]  }
0x34b: {  	[tilespmem:s16], [sflag:$0x1] =	stream.indirect.gather [spmem:s3], $0x10, s1, s11, $0xb8;
	[tilespmem:$0xFDB0] =	vst v63  }
0x34c: {  	_ = 	snop  }
0x34d: {  	[tilespmem:s17], [sflag:$0x1] =	stream.indirect.gather [spmem:s3], $0x10, s29, s11, $0xb8;
	[tilespmem:$0xFDB0] =	vst v63  }
0x34e: {  	_ =	swait.ge [sflag:s24], $0x3000  }
0x34f: {  	s0 =	sld [smem:$0x7C1]  }
0x350: {  	[sflag:s24] =	ssyncset.done $0x0  }
0x351: {  	s1 =	sld [smem:$0x7C2];
	[sflag:s24] =	ssyncadd.s32 $0xFFFFD000  }
0x352: {  	[spmem:s2] =	stream.indirect.scatter.add.f32 [tilespmem:s18], [sflag:$0x4], $0x10, s0, s11, $0xb8;
	[tilespmem:$0xFDB0] =	vst v63  }
0x353: {  	s29 =	sld [smem:$0x7C3]  }
0x354: {  	[spmem:s2] =	stream.indirect.scatter.add.f32 [tilespmem:s19], [sflag:$0x4], $0x10, s1, s11, $0xb8;
	[tilespmem:$0xFDB0] =	vst v63  }
0x355: {  	s0 =	sld [smem:$0x7C4]  }
0x356: {  	[spmem:s2] =	stream.indirect.scatter.add.f32 [tilespmem:s20], [sflag:$0x4], $0x10, s29, s11, $0xb8;
	[tilespmem:$0xFDB0] =	vst v63  }
0x357: {  	s1 =	sld [smem:$0x7C5]  }
0x358: {  	[spmem:s2] =	stream.indirect.scatter.add.f32 [tilespmem:s21], [sflag:$0x4], $0x10, s0, s11, $0xb8;
	[tilespmem:$0xFDB0] =	vst v63  }
0x359: {  	s29 =	sld [smem:$0x7C6]  }
0x35a: {  	[spmem:s2] =	stream.indirect.scatter.add.f32 [tilespmem:s22], [sflag:$0x4], $0x10, s1, s11, $0xb8;
	[tilespmem:$0xFDB0] =	vst v63  }
0x35b: {  	_ = 	snop  }
0x35c: {  	[spmem:s2] =	stream.indirect.scatter.add.f32 [tilespmem:s23], [sflag:$0x4], $0x10, s29, s11, $0xb8;
	[tilespmem:$0xFDB0] =	vst v63  }
0x35d: {  	_ =	swait.ge [sflag:s9], $0x3000  }
0x35e: {  	s0 =	sld [smem:$0x7C7]  }
0x35f: {  	[sflag:s9] =	ssyncset.done $0x0  }
0x360: {  	s1 =	sld [smem:$0x7C8];
	[sflag:s9] =	ssyncadd.s32 $0xFFFFD000  }
0x361: {  	[spmem:s2] =	stream.indirect.scatter.add.f32 [tilespmem:s12], [sflag:$0x3], $0x10, s0, s11, $0xb8;
	[tilespmem:$0xFDB0] =	vst v63  }
0x362: {  	s29 =	sld [smem:$0x7C9]  }
0x363: {  	[spmem:s2] =	stream.indirect.scatter.add.f32 [tilespmem:s13], [sflag:$0x3], $0x10, s1, s11, $0xb8;
	[tilespmem:$0xFDB0] =	vst v63  }
0x364: {  	s0 =	sld [smem:$0x7CA]  }
0x365: {  	[spmem:s2] =	stream.indirect.scatter.add.f32 [tilespmem:s14], [sflag:$0x3], $0x10, s29, s11, $0xb8;
	[tilespmem:$0xFDB0] =	vst v63  }
0x366: {  	s1 =	sld [smem:$0x7CB]  }
0x367: {  	[spmem:s2] =	stream.indirect.scatter.add.f32 [tilespmem:s15], [sflag:$0x3], $0x10, s0, s11, $0xb8;
	[tilespmem:$0xFDB0] =	vst v63  }
0x368: {  	s29 =	sld [smem:$0x7CC]  }
0x369: {  	[spmem:s2] =	stream.indirect.scatter.add.f32 [tilespmem:s16], [sflag:$0x3], $0x10, s1, s11, $0xb8;
	[tilespmem:$0xFDB0] =	vst v63  }
0x36a: {  	_ = 	snop  }
0x36b: {  	[spmem:s2] =	stream.indirect.scatter.add.f32 [tilespmem:s17], [sflag:$0x3], $0x10, s29, s11, $0xb8;
	[tilespmem:$0xFDB0] =	vst v63  }
0x36c: {  	_ =	swait.ge [sflag:s25], $0x3000  }
0x36d: {  	s0 =	sld [smem:$0x7CD]  }
0x36e: {  	[sflag:s25] =	ssyncset.done $0x0  }
0x36f: {  	s1 =	sld [smem:$0x7CE];
	[sflag:s25] =	ssyncadd.s32 $0xFFFFD000  }
0x370: {  	[tilespmem:s18], [sflag:$0x2] =	stream.indirect.gather [spmem:s3], $0x10, s0, s11, $0xb8;
	[tilespmem:$0xFDB0] =	vst v63  }
0x371: {  	s29 =	sld [smem:$0x7CF]  }
0x372: {  	[tilespmem:s19], [sflag:$0x2] =	stream.indirect.gather [spmem:s3], $0x10, s1, s11, $0xb8;
	[tilespmem:$0xFDB0] =	vst v63  }
0x373: {  	s0 =	sld [smem:$0x7D0]  }
0x374: {  	[tilespmem:s20], [sflag:$0x2] =	stream.indirect.gather [spmem:s3], $0x10, s29, s11, $0xb8;
	[tilespmem:$0xFDB0] =	vst v63  }
0x375: {  	s1 =	sld [smem:$0x7D1]  }
0x376: {  	[tilespmem:s21], [sflag:$0x2] =	stream.indirect.gather [spmem:s3], $0x10, s0, s11, $0xb8;
	[tilespmem:$0xFDB0] =	vst v63  }
0x377: {  	s29 =	sld [smem:$0x7D2]  }
0x378: {  	[tilespmem:s22], [sflag:$0x2] =	stream.indirect.gather [spmem:s3], $0x10, s1, s11, $0xb8;
	[tilespmem:$0xFDB0] =	vst v63  }
0x379: {  	_ = 	snop  }
0x37a: {  	[tilespmem:s23], [sflag:$0x2] =	stream.indirect.gather [spmem:s3], $0x10, s29, s11, $0xb8;
	[tilespmem:$0xFDB0] =	vst v63  }
0x37b: {  	_ =	swait.ge [sflag:s10], $0x3000  }
0x37c: {  	s0 =	sld [smem:$0x7D3]  }
0x37d: {  	[sflag:s10] =	ssyncset.done $0x0  }
0x37e: {  	s1 =	sld [smem:$0x7D4];
	[sflag:s10] =	ssyncadd.s32 $0xFFFFD000  }
0x37f: {  	[tilespmem:s12], [sflag:$0x1] =	stream.indirect.gather [spmem:s3], $0x10, s0, s11, $0xb8;
	[tilespmem:$0xFDB0] =	vst v63  }
0x380: {  	s29 =	sld [smem:$0x7D5]  }
0x381: {  	[tilespmem:s13], [sflag:$0x1] =	stream.indirect.gather [spmem:s3], $0x10, s1, s11, $0xb8;
	[tilespmem:$0xFDB0] =	vst v63  }
0x382: {  	s0 =	sld [smem:$0x7D6]  }
0x383: {  	[tilespmem:s14], [sflag:$0x1] =	stream.indirect.gather [spmem:s3], $0x10, s29, s11, $0xb8;
	[tilespmem:$0xFDB0] =	vst v63  }
0x384: {  	s1 =	sld [smem:$0x7D7]  }
0x385: {  	[tilespmem:s15], [sflag:$0x1] =	stream.indirect.gather [spmem:s3], $0x10, s0, s11, $0xb8;
	[tilespmem:$0xFDB0] =	vst v63  }
0x386: {  	s29 =	sld [smem:$0x7D8]  }
0x387: {  	[tilespmem:s16], [sflag:$0x1] =	stream.indirect.gather [spmem:s3], $0x10, s1, s11, $0xb8;
	[tilespmem:$0xFDB0] =	vst v63  }
0x388: {  	_ = 	snop  }
0x389: {  	[tilespmem:s17], [sflag:$0x1] =	stream.indirect.gather [spmem:s3], $0x10, s29, s11, $0xb8;
	[tilespmem:$0xFDB0] =	vst v63  }
0x38a: {  	_ =	swait.ge [sflag:s24], $0x3000  }
0x38b: {  	s0 =	sld [smem:$0x7D9]  }
0x38c: {  	[sflag:s24] =	ssyncset.done $0x0  }
0x38d: {  	s1 =	sld [smem:$0x7DA];
	[sflag:s24] =	ssyncadd.s32 $0xFFFFD000  }
0x38e: {  	[spmem:s2] =	stream.indirect.scatter.add.f32 [tilespmem:s18], [sflag:$0x4], $0x10, s0, s11, $0xb8;
	[tilespmem:$0xFDB0] =	vst v63  }
0x38f: {  	s29 =	sld [smem:$0x7DB]  }
0x390: {  	[spmem:s2] =	stream.indirect.scatter.add.f32 [tilespmem:s19], [sflag:$0x4], $0x10, s1, s11, $0xb8;
	[tilespmem:$0xFDB0] =	vst v63  }
0x391: {  	s0 =	sld [smem:$0x7DC]  }
0x392: {  	[spmem:s2] =	stream.indirect.scatter.add.f32 [tilespmem:s20], [sflag:$0x4], $0x10, s29, s11, $0xb8;
	[tilespmem:$0xFDB0] =	vst v63  }
0x393: {  	s1 =	sld [smem:$0x7DD]  }
0x394: {  	[spmem:s2] =	stream.indirect.scatter.add.f32 [tilespmem:s21], [sflag:$0x4], $0x10, s0, s11, $0xb8;
	[tilespmem:$0xFDB0] =	vst v63  }
0x395: {  	s29 =	sld [smem:$0x7DE]  }
0x396: {  	[spmem:s2] =	stream.indirect.scatter.add.f32 [tilespmem:s22], [sflag:$0x4], $0x10, s1, s11, $0xb8;
	[tilespmem:$0xFDB0] =	vst v63  }
0x397: {  	_ = 	snop  }
0x398: {  	[spmem:s2] =	stream.indirect.scatter.add.f32 [tilespmem:s23], [sflag:$0x4], $0x10, s29, s11, $0xb8;
	[tilespmem:$0xFDB0] =	vst v63  }
0x399: {  	_ =	swait.ge [sflag:s9], $0x3000  }
0x39a: {  	s0 =	sld [smem:$0x7DF]  }
0x39b: {  	[sflag:s9] =	ssyncset.done $0x0  }
0x39c: {  	s1 =	sld [smem:$0x7E0];
	[sflag:s9] =	ssyncadd.s32 $0xFFFFD000  }
0x39d: {  	[spmem:s2] =	stream.indirect.scatter.add.f32 [tilespmem:s12], [sflag:$0x3], $0x10, s0, s11, $0xb8;
	[tilespmem:$0xFDB0] =	vst v63  }
0x39e: {  	s29 =	sld [smem:$0x7E1]  }
0x39f: {  	[spmem:s2] =	stream.indirect.scatter.add.f32 [tilespmem:s13], [sflag:$0x3], $0x10, s1, s11, $0xb8;
	[tilespmem:$0xFDB0] =	vst v63  }
0x3a0: {  	s0 =	sld [smem:$0x7E2]  }
0x3a1: {  	[spmem:s2] =	stream.indirect.scatter.add.f32 [tilespmem:s14], [sflag:$0x3], $0x10, s29, s11, $0xb8;
	[tilespmem:$0xFDB0] =	vst v63  }
0x3a2: {  	s1 =	sld [smem:$0x7E3]  }
0x3a3: {  	[spmem:s2] =	stream.indirect.scatter.add.f32 [tilespmem:s15], [sflag:$0x3], $0x10, s0, s11, $0xb8;
	[tilespmem:$0xFDB0] =	vst v63  }
0x3a4: {  	s29 =	sld [smem:$0x7E4]  }
0x3a5: {  	[spmem:s2] =	stream.indirect.scatter.add.f32 [tilespmem:s16], [sflag:$0x3], $0x10, s1, s11, $0xb8;
	[tilespmem:$0xFDB0] =	vst v63  }
0x3a6: {  	_ = 	snop  }
0x3a7: {  	[spmem:s2] =	stream.indirect.scatter.add.f32 [tilespmem:s17], [sflag:$0x3], $0x10, s29, s11, $0xb8;
	[tilespmem:$0xFDB0] =	vst v63  }
0x3a8: {  	_ =	swait.ge [sflag:s25], $0x3000  }
0x3a9: {  	s0 =	sld [smem:$0x7E5]  }
0x3aa: {  	[sflag:s25] =	ssyncset.done $0x0  }
0x3ab: {  	s1 =	sld [smem:$0x7E6];
	[sflag:s25] =	ssyncadd.s32 $0xFFFFD000  }
0x3ac: {  	[tilespmem:s18], [sflag:$0x2] =	stream.indirect.gather [spmem:s3], $0x10, s0, s11, $0xb8;
	[tilespmem:$0xFDB0] =	vst v63  }
0x3ad: {  	s29 =	sld [smem:$0x7E7]  }
0x3ae: {  	[tilespmem:s19], [sflag:$0x2] =	stream.indirect.gather [spmem:s3], $0x10, s1, s11, $0xb8;
	[tilespmem:$0xFDB0] =	vst v63  }
0x3af: {  	s0 =	sld [smem:$0x7E8]  }
0x3b0: {  	[tilespmem:s20], [sflag:$0x2] =	stream.indirect.gather [spmem:s3], $0x10, s29, s11, $0xb8;
	[tilespmem:$0xFDB0] =	vst v63  }
0x3b1: {  	s1 =	sld [smem:$0x7E9]  }
0x3b2: {  	[tilespmem:s21], [sflag:$0x2] =	stream.indirect.gather [spmem:s3], $0x10, s0, s11, $0xb8;
	[tilespmem:$0xFDB0] =	vst v63  }
0x3b3: {  	s29 =	sld [smem:$0x7EA]  }
0x3b4: {  	[tilespmem:s22], [sflag:$0x2] =	stream.indirect.gather [spmem:s3], $0x10, s1, s11, $0xb8;
	[tilespmem:$0xFDB0] =	vst v63  }
0x3b5: {  	_ = 	snop  }
0x3b6: {  	[tilespmem:s23], [sflag:$0x2] =	stream.indirect.gather [spmem:s3], $0x10, s29, s11, $0xb8;
	[tilespmem:$0xFDB0] =	vst v63  }
0x3b7: {  	_ =	swait.ge [sflag:s10], $0x3000  }
0x3b8: {  	s0 =	sld [smem:$0x7EB]  }
0x3b9: {  	[sflag:s10] =	ssyncset.done $0x0  }
0x3ba: {  	s1 =	sld [smem:$0x7EC];
	[sflag:s10] =	ssyncadd.s32 $0xFFFFD000  }
0x3bb: {  	[tilespmem:s12], [sflag:$0x1] =	stream.indirect.gather [spmem:s3], $0x10, s0, s11, $0xb8;
	[tilespmem:$0xFDB0] =	vst v63  }
0x3bc: {  	s29 =	sld [smem:$0x7ED]  }
0x3bd: {  	[tilespmem:s13], [sflag:$0x1] =	stream.indirect.gather [spmem:s3], $0x10, s1, s11, $0xb8;
	[tilespmem:$0xFDB0] =	vst v63  }
0x3be: {  	s0 =	sld [smem:$0x7EE]  }
0x3bf: {  	[tilespmem:s14], [sflag:$0x1] =	stream.indirect.gather [spmem:s3], $0x10, s29, s11, $0xb8;
	[tilespmem:$0xFDB0] =	vst v63  }
0x3c0: {  	s1 =	sld [smem:$0x7EF]  }
0x3c1: {  	[tilespmem:s15], [sflag:$0x1] =	stream.indirect.gather [spmem:s3], $0x10, s0, s11, $0xb8;
	[tilespmem:$0xFDB0] =	vst v63  }
0x3c2: {  	s29 =	sld [smem:$0x7F0]  }
0x3c3: {  	[tilespmem:s16], [sflag:$0x1] =	stream.indirect.gather [spmem:s3], $0x10, s1, s11, $0xb8;
	[tilespmem:$0xFDB0] =	vst v63  }
0x3c4: {  	_ = 	snop  }
0x3c5: {  	[tilespmem:s17], [sflag:$0x1] =	stream.indirect.gather [spmem:s3], $0x10, s29, s11, $0xb8;
	[tilespmem:$0xFDB0] =	vst v63  }
0x3c6: {  	_ =	swait.ge [sflag:s24], $0x3000  }
0x3c7: {  	s0 =	sld [smem:$0x7F1]  }
0x3c8: {  	[sflag:s24] =	ssyncset.done $0x0  }
0x3c9: {  	s1 =	sld [smem:$0x7F2];
	[sflag:s24] =	ssyncadd.s32 $0xFFFFD000  }
0x3ca: {  	[spmem:s2] =	stream.indirect.scatter.add.f32 [tilespmem:s18], [sflag:$0x4], $0x10, s0, s11, $0xb8;
	[tilespmem:$0xFDB0] =	vst v63  }
0x3cb: {  	s29 =	sld [smem:$0x7F3]  }
0x3cc: {  	[spmem:s2] =	stream.indirect.scatter.add.f32 [tilespmem:s19], [sflag:$0x4], $0x10, s1, s11, $0xb8;
	[tilespmem:$0xFDB0] =	vst v63  }
0x3cd: {  	s0 =	sld [smem:$0x7F4]  }
0x3ce: {  	[spmem:s2] =	stream.indirect.scatter.add.f32 [tilespmem:s20], [sflag:$0x4], $0x10, s29, s11, $0xb8;
	[tilespmem:$0xFDB0] =	vst v63  }
0x3cf: {  	s1 =	sld [smem:$0x7F5]  }
0x3d0: {  	[spmem:s2] =	stream.indirect.scatter.add.f32 [tilespmem:s21], [sflag:$0x4], $0x10, s0, s11, $0xb8;
	[tilespmem:$0xFDB0] =	vst v63  }
0x3d1: {  	s29 =	sld [smem:$0x7F6]  }
0x3d2: {  	[spmem:s2] =	stream.indirect.scatter.add.f32 [tilespmem:s22], [sflag:$0x4], $0x10, s1, s11, $0xb8;
	[tilespmem:$0xFDB0] =	vst v63  }
0x3d3: {  	_ = 	snop  }
0x3d4: {  	[spmem:s2] =	stream.indirect.scatter.add.f32 [tilespmem:s23], [sflag:$0x4], $0x10, s29, s11, $0xb8;
	[tilespmem:$0xFDB0] =	vst v63  }
0x3d5: {  	_ =	swait.ge [sflag:s9], $0x3000  }
0x3d6: {  	s0 =	sld [smem:$0x7F7]  }
0x3d7: {  	[sflag:s9] =	ssyncset.done $0x0  }
0x3d8: {  	s1 =	sld [smem:$0x7F8];
	[sflag:s9] =	ssyncadd.s32 $0xFFFFD000  }
0x3d9: {  	[spmem:s2] =	stream.indirect.scatter.add.f32 [tilespmem:s12], [sflag:$0x3], $0x10, s0, s11, $0xb8;
	[tilespmem:$0xFDB0] =	vst v63  }
0x3da: {  	s29 =	sld [smem:$0x7F9]  }
0x3db: {  	[spmem:s2] =	stream.indirect.scatter.add.f32 [tilespmem:s13], [sflag:$0x3], $0x10, s1, s11, $0xb8;
	[tilespmem:$0xFDB0] =	vst v63  }
0x3dc: {  	s0 =	sld [smem:$0x7FA]  }
0x3dd: {  	[spmem:s2] =	stream.indirect.scatter.add.f32 [tilespmem:s14], [sflag:$0x3], $0x10, s29, s11, $0xb8;
	[tilespmem:$0xFDB0] =	vst v63  }
0x3de: {  	s1 =	sld [smem:$0x7FB]  }
0x3df: {  	[spmem:s2] =	stream.indirect.scatter.add.f32 [tilespmem:s15], [sflag:$0x3], $0x10, s0, s11, $0xb8;
	[tilespmem:$0xFDB0] =	vst v63  }
0x3e0: {  	s29 =	sld [smem:$0x7FC]  }
0x3e1: {  	[spmem:s2] =	stream.indirect.scatter.add.f32 [tilespmem:s16], [sflag:$0x3], $0x10, s1, s11, $0xb8;
	[tilespmem:$0xFDB0] =	vst v63  }
0x3e2: {  	s0 =	sld [smem:$0x7FD]  }
0x3e3: {  	[spmem:s2] =	stream.indirect.scatter.add.f32 [tilespmem:s17], [sflag:$0x3], $0x10, s29, s11, $0xb8;
	[tilespmem:$0xFDB0] =	vst v63  }
0x3e4: {  	_ = 	snop  }
0x3e5: {  	[tilespmem:s28], [sflag:$0x2] =	stream.indirect.gather [spmem:s3], $0x10, s0, s26, $0xb8;
	[tilespmem:$0xFDB0] =	vst v63  }
0x3e6: {  	_ =	swait.ge [sflag:s24], $0x100  }
0x3e7: {  	[sflag:s24] =	ssyncset.done $0x0  }
0x3e8: {  	s29 =	simm.s32 $0x9CA0;
	[sflag:s24] =	ssyncadd.s32 $0xFFFFFF00  }
0x3e9: {  	[spmem:s2] =	stream.indirect.scatter.add.f32 [tilespmem:s28], [sflag:$0x5], $0x10, s29, s26, $0xb8;
	[tilespmem:$0xFDB0] =	vst v63  }
0x3ea: {  	_ =	swait.ge [sflag:s6], $0x100  }
0x3eb: {  	[sflag:s6] =	ssyncset.done $0x0  }
0x3ec: {  	[sflag:s6] =	ssyncadd.s32 $0xFFFFFF00  }
0x3ed: {  	_ =	swait.ge [sflag:s25], $0x3000  }
0x3ee: {  	[sflag:s25] =	ssyncset.done $0x0  }
0x3ef: {  	p0 =	sne.s32 s31, $0x1;
	[sflag:s25] =	ssyncadd.s32 $0xFFFFD000  }
.Ltmp1:
0x3f0: {  	_ =	swait.ge [sflag:s10], $0x3000;
	(pc) =	sbr.rel @p0 .LBB2_1-.Ltmp1, $4  }
0x3f1: {  	[sflag:s10] =	ssyncset.done $0x0  }
0x3f2: {  	[sflag:s10] =	ssyncadd.s32 $0xFFFFD000  }
0x3f3: {  	[bflag:$0x0] =	sbarrier.arrive $0xFFFF  }
0x3f4: {  	s31 =	sadd.s32 $0xFFFFFFFF, s31;
	s0 =	rddreg [dreg:$0xa]  }
.LBB2_2:
0x3f5: {  	[hbm:s0], [sflag:s30] =	dma.local [spmem:s5], $0x4F0  }
0x3f6: {  	_ =	swait.ge [sflag:s6], $0x4F0  }
0x3f7: {  	[sflag:s6] =	ssyncset.done $0x0  }
0x3f8: {  	[sflag:s6] =	ssyncadd.s32 $0xFFFFFB10  }
0x3f9: {  	_ =	sfence.sel $0x180000  }
0x3fa: {  	[bflag:$0x0] =	sbarrier.arrive $0xFFFF  }
0x3fb: {  	_ =	strace $0x90000047  }
0x3fc: {  	s31 =	stileid.u32;
	[bflag:$0x2] =	sbarrier.arrive $0xFFFF  }
0x3fd: {  	p0 =	sne.s32 s31, $0x0;
	s0 =	rddreg [dreg:$0x4]  }
0x3fe: {  	s0 =	sadd.s32 @!p0 $0x100000, s0  }
0x3ff: {  	[sflag:s0] =	ssyncadd.tile.s32 @!p0 $0x1;
	_ =	shalt  }
.Lfunc_end2:
_tile_overlayer_lowered:
.L_overlay_start_2:
0x400: {  	(tag) =	ssettag $0x2  }
0x401: {  	s0 =	rddreg [dreg:$0x0];
	s2 =	stileid.u32  }
0x402: {  	s1 =	rddreg [dreg:$0x1];
	p0 =	sne.s32 s2, $0x0  }
0x403: {  	s3 =	rddreg [dreg:$0x2];
	[bflag:$0x3] =	sbarrier.arrive $0xFFFF;
	s2 =	simm.s32 @!p0 $0x1C05  }
0x404: {  	[timem:s3], [sflag:s2] =	dma.local @!p0 [hbm:s0], s1  }
0x405: {  	s0 =	simm.s32 @!p0 $0x5  }
0x406: {  	_ =	swait.ge @!p0 [sflag:s0], s1  }
0x407: {  	s1 =	ssub.s32 @!p0 $0x0, s1;
	[sflag:s0] =	ssyncset.done @!p0 $0x0  }
0x408: {  	[sflag:s0] =	ssyncadd.s32 @!p0 s1  }
0x409: {  	[bflag:$0x3] =	sbarrier.arrive $0xFFFF  }
0x40a: {  	_ =	shalt  }

// kernel: kernel.9.cloned.1.call-start
scs
__scs_entry_jumppad:
0x0: {  	(pc) =	sbr.rel $0x88, $3  }
0x1: {  	(tag) =	ssettag $0x0;
	lr =	simm.s32 $0x1  }
0x2: {  	[smem:$0x3F9D] =	sst lr;
	_ =	strace $0xD0000000  }
0x3: {  	_ = 	snop  }
0x4: {  	_ = 	snop  }
0x5: {  	_ = 	snop  }
0x6: {  	_ = 	snop  }
0x7: {  	_ = 	snop  }
__scs_overlays_trampoline_lowered:
0x8: {  	[smem:$0x3FAC] =	sst s0  }
0x9: {  	[smem:$0x3FAD] =	sst s1  }
0xa: {  	[smem:$0x3FAE] =	sst s2  }
0xb: {  	[smem:$0x3FAF] =	sst s3  }
0xc: {  	[smem:$0x3FB0] =	sst s4  }
0xd: {  	[smem:$0x3FB1] =	sst s5  }
0xe: {  	[smem:$0x3FB2] =	sst s6  }
0xf: {  	[smem:$0x3FB3] =	sst s7  }
0x10: {  	[smem:$0x3FB4] =	sst s8  }
0x11: {  	[smem:$0x3FB5] =	sst s9;
	s0 =	simm.s32 @!p0 $0x0  }
0x12: {  	s1 =	sld [smem:$0x3F9B];
	s0 =	simm.s32 @p0 $0x1  }
0x13: {  	[smem:$0x3FB6] =	sst s0;
	s0 =	simm.s32 @!p1 $0x0  }
0x14: {  	s2 =	sld [smem:$0x3F9A];
	s0 =	simm.s32 @p1 $0x1  }
0x15: {  	[smem:$0x3FB7] =	sst s0;
	s0 =	simm.s32 @!p2 $0x0  }
0x16: {  	s3 =	sld [smem:$0x3FDB];
	s0 =	simm.s32 @p2 $0x1  }
0x17: {  	s4 =	simm.s32 $0x1BF5;
	[smem:$0x3FB9] =	sst s0  }
0x18: {  	s0 =	sld [smem:$0x3F9C];
	_ =	swait.ge [sflag:s4], $0x0  }
0x19: {  	s7 =	sld [smem:$0x3F9D]  }
0x1a: {  	s8 =	sadd.s32 $0xFFFFE003, lr  }
0x1b: {  	s9 =	sadd.s32 $0xFFFFFEF7, lr;
	s5 =	simm.s32 $0xFFFFFFFF;
	p2 =	slt.u32 s8, $0xFFFFF086  }
0x1c: {  	p1 =	slt.u32 s9, $0xF7A;
	s5 =	simm.s32 @!p2 $0x0  }
0x1d: {  	s5 =	simm.s32 @p1 $0x1;
	p0 =	seq.s32 s7, s2  }
0x1e: {  	s7 =	smul.u32 @!p0 $0xF7A, s2;
	p2 =	seq.s32 @!p0 s5, $0x0  }
0x1f: {  	s9 =	smul.u32 $0xF7A, s1;
	s8 =	simm.s32 @!p0 $0x1BF5;
	p2 =	por !p2, p0  }
0x20: {  	[sflag:s8] =	ssyncset.s32 @!p0 $0xFFFFF086;
	s6 =	sadd.s32 @!p0 s3, s7;
	s7 =	simm.s32 @!p0 $0x108  }
0x21: {  	s3 =	sadd.s32 s3, s9;
	s6 =	sadd.s32 @!p0 $0x88, s6;
	s7 =	simm.s32 @p2 $0x1082  }
0x22: {  	[simem:s7], [sflag:s8] =	dma.local @!p0 [hbm:s6], $0xF7A  }
0x23: {  	s9 =	sor.u32 $0xD0000000, s2;
	s6 =	simm.s32 $0x108;
	_ =	swait.ge @!p0 [sflag:s8], $0x0  }
0x24: {  	s3 =	sadd.s32 $0x88, s3;
	s6 =	simm.s32 @!p1 $0x1082;
	[sflag:s4] =	ssyncset.s32 $0xFFFFF086  }
0x25: {  	[simem:s6], [sflag:s4] =	dma.local [hbm:s3], $0xF7A  }
0x26: {  	[smem:$0x3F9D] =	sst s1;
	(tag) =	ssettag s2;
	_ =	strace s9  }
0x27: {  	s1 =	sld [smem:$0x3FAD]  }
0x28: {  	s2 =	sld [smem:$0x3FAE]  }
0x29: {  	s4 =	sld [smem:$0x3FB0]  }
0x2a: {  	p0 =	seq.s32 s5, $0x0;
	s5 =	sld [smem:$0x3FB1]  }
0x2b: {  	s6 =	sld [smem:$0x3FB2]  }
0x2c: {  	s7 =	sld [smem:$0x3FB3]  }
0x2d: {  	s3 =	simm.s32 $0x108;
	s8 =	sld [smem:$0x3FB4]  }
0x2e: {  	s3 =	simm.s32 @!p0 $0x1082;
	s9 =	sld [smem:$0x3FB5]  }
0x2f: {  	lr =	sadd.s32 s0, s3;
	s0 =	sld [smem:$0x3FAC]  }
0x30: {  	s3 =	sld [smem:$0x3FAF]  }
0x31: {  	[smem:$0x3FB8] =	sst s10  }
0x32: {  	s10 =	sld [smem:$0x3FB6];
	_ =	sdelay $0x3  }
0x33: {  	p0 =	seq.s32 s10, $0x1;
	s10 =	sld [smem:$0x3FB8];
	_ =	sdelay $0x3  }
0x34: {  	[smem:$0x3FB8] =	sst s10  }
0x35: {  	s10 =	sld [smem:$0x3FB7];
	_ =	sdelay $0x3  }
0x36: {  	p1 =	seq.s32 s10, $0x1;
	s10 =	sld [smem:$0x3FB8];
	_ =	sdelay $0x3  }
0x37: {  	[smem:$0x3FB8] =	sst s10  }
0x38: {  	s10 =	sld [smem:$0x3FB9]  }
0x39: {  	_ = 	snop;
	(pc) =	sbr.ind lr, $3  }
0x3a: {  	_ = 	snop  }
0x3b: {  	_ = 	snop  }
0x3c: {  	p2 =	seq.s32 s10, $0x1;
	s10 =	sld [smem:$0x3FB8]  }
0x3d: {  	_ =	shalt  }
0x3e: {  	_ =	shalt  }
0x3f: {  	_ =	shalt  }
0x40: {  	_ =	shalt  }
0x41: {  	_ =	shalt  }
0x42: {  	_ =	shalt  }
0x43: {  	_ =	shalt  }
0x44: {  	_ =	shalt  }
0x45: {  	_ =	shalt  }
0x46: {  	_ =	shalt  }
0x47: {  	_ =	shalt  }
0x48: {  	_ =	shalt  }
0x49: {  	_ =	shalt  }
0x4a: {  	_ =	shalt  }
0x4b: {  	_ =	shalt  }
0x4c: {  	_ =	shalt  }
0x4d: {  	_ =	shalt  }
0x4e: {  	_ =	shalt  }
0x4f: {  	_ =	shalt  }
0x50: {  	_ =	shalt  }
0x51: {  	_ =	shalt  }
0x52: {  	_ =	shalt  }
0x53: {  	_ =	shalt  }
0x54: {  	_ =	shalt  }
0x55: {  	_ =	shalt  }
0x56: {  	_ =	shalt  }
0x57: {  	_ =	shalt  }
0x58: {  	_ =	shalt  }
0x59: {  	_ =	shalt  }
0x5a: {  	_ =	shalt  }
0x5b: {  	_ =	shalt  }
0x5c: {  	_ =	shalt  }
0x5d: {  	_ =	shalt  }
0x5e: {  	_ =	shalt  }
0x5f: {  	_ =	shalt  }
0x60: {  	_ =	shalt  }
0x61: {  	_ =	shalt  }
0x62: {  	_ =	shalt  }
0x63: {  	_ =	shalt  }
0x64: {  	_ =	shalt  }
0x65: {  	_ =	shalt  }
0x66: {  	_ =	shalt  }
0x67: {  	_ =	shalt  }
0x68: {  	_ =	shalt  }
0x69: {  	_ =	shalt  }
0x6a: {  	_ =	shalt  }
0x6b: {  	_ =	shalt  }
0x6c: {  	_ =	shalt  }
0x6d: {  	_ =	shalt  }
0x6e: {  	_ =	shalt  }
0x6f: {  	_ =	shalt  }
0x70: {  	_ =	shalt  }
0x71: {  	_ =	shalt  }
0x72: {  	_ =	shalt  }
0x73: {  	_ =	shalt  }
0x74: {  	_ =	shalt  }
0x75: {  	_ =	shalt  }
0x76: {  	_ =	shalt  }
0x77: {  	_ =	shalt  }
0x78: {  	_ =	shalt  }
0x79: {  	_ =	shalt  }
0x7a: {  	_ =	shalt  }
0x7b: {  	_ =	shalt  }
0x7c: {  	_ =	shalt  }
0x7d: {  	_ =	shalt  }
0x7e: {  	_ =	shalt  }
0x7f: {  	_ =	shalt  }
0x80: {  	_ =	shalt  }
0x81: {  	_ =	shalt  }
0x82: {  	_ =	shalt  }
0x83: {  	_ =	shalt  }
0x84: {  	_ =	shalt  }
0x85: {  	_ =	shalt  }
0x86: {  	_ =	shalt  }
0x87: {  	_ =	shalt  }
.Lfunc_end0:
.L_simem_size_0:
called_computation.1_lowered:
.L_overlay_start_0:
0x88: {  	s2 =	sld [smem:$0x3FD9]  }
0x89: {  	s3 =	sld [smem:$0x3FFE];
	_ =	sdelay $0x1  }
0x8a: {  	s1 =	srdreg.scid  }
0x8b: {  	s0 =	sand.u32 $0x1, s1  }
0x8c: {  	s17 =	sshll.u32 s0, $0xA;
	s2 =	sadd.s32 s3, s2  }
0x8d: {  	s2 =	sadd.s32 s2, s17  }
0x8e: {  	[smem:$0x3FC4] =	sst s2  }
0x8f: {  	_ = 	snop  }
0x90: {  	s2 =	sld [smem:$0x3FD0];
	(tm) =	ssettm $0x1  }
0x91: {  	s18 =	sld [smem:$0x3FFB];
	_ =	sdelay $0x3  }
0x92: {  	_ =	strace s18  }
0x93: {  	s3 =	sld [smem:$0x3FFC];
	_ =	sdelay $0x3  }
0x94: {  	_ =	strace s3  }
0x95: {  	s3 =	sld [smem:$0x3FFD];
	_ =	sdelay $0x3  }
0x96: {  	_ =	strace s3  }
0x97: {  	_ =	strace $0x8FFFFFFF  }
0x98: {  	s19 =	sld [smem:$0x3FDB];
	_ =	sdelay $0x1  }
0x99: {  	s4 =	simm.s32 $_scs_section_size  }
0x9a: {  	s5 =	simm.s32 $_size__tile_overlayer_lowered;
	s6 =	simm.s32 $_tile_overlayer_lowered  }
0x9b: {  	s22 =	simm.s32 $0x1BFF;
	s21 =	sshll.u32 s6, $0x1;
	s3 =	sadd.s32 s4, s19  }
0x9c: {  	s7 =	simm.s32 $0x0;
	s20 =	sshll.u32 s5, $0x1;
	s5 =	sadd.s32 s21, s3  }
0x9d: {  	[timem:s7], [sflag:s22] =	dma.local [hbm:s5], s20  }
0x9e: {  	_ =	swait.ge [sflag:s22], s20  }
0x9f: {  	s4 =	ssub.s32 $0x0, s20;
	[sflag:s22] =	ssyncset.done $0x0  }
0xa0: {  	[sflag:s22] =	ssyncadd.s32 s4;
	_ =	sdelay $0x1  }
0xa1: {  	s23 =	simm.s32 $0x1B8B  }
0xa2: {  	_ =	swait.ge [sflag:s23], $0x1  }
0xa3: {  	[sflag:s23] =	ssyncset.done $0x0  }
0xa4: {  	s25 =	simm.s32 $0x1B8E;
	s24 =	sld [smem:$0x3FFE];
	[sflag:s23] =	ssyncadd.s32 $0xFFFFFFFF  }
0xa5: {  	s26 =	simm.s32 $execute0_lowered;
	[smem:$0x3FD2] =	sst s25  }
0xa6: {  	s5 =	sshll.u32 s26, $0x1;
	_ =	strace $0x80000049;
	[dreg:$0x1] =	wrdreg $0xFFFFFFFF  }
0xa7: {  	s28 =	simm.s32 $_size_execute0_lowered;
	s3 =	sadd.s32 s3, s5;
	[dreg:$0x0] =	wrdreg $0x0  }
0xa8: {  	s5 =	sshll.u32 s28, $0x1;
	[dreg:$0x2] =	wrdreg s3  }
0xa9: {  	[dreg:$0x3] =	wrdreg s5  }
0xaa: {  	[dreg:$0x4] =	wrdreg $0xC0  }
0xab: {  	_ =	task [dreg:s7], $0x5FFFF  }
0xac: {  	[dreg:$0x1] =	wrdreg $0xFFFFFFFF  }
0xad: {  	[dreg:$0x0] =	wrdreg $0x60  }
0xae: {  	[dreg:$0x2] =	wrdreg s24  }
0xaf: {  	[dreg:$0x3] =	wrdreg s2  }
0xb0: {  	[dreg:$0x4] =	wrdreg $0x27800  }
0xb1: {  	[dreg:$0x5] =	wrdreg $0x0  }
0xb2: {  	[dreg:$0x6] =	wrdreg $0x9  }
0xb3: {  	_ =	task.clear_ibuf [dreg:s7], $0x7FFFF;
	_ =	strace $0x90000049  }
0xb4: {  	s29 =	simm.s32 $0x9;
	_ =	strace $0x8000004B  }
0xb5: {  	_ =	swait.ge [sflag:s29], $0x1  }
0xb6: {  	[sflag:s29] =	ssyncadd.s32 $0xFFFFFFFF  }
0xb7: {  	_ =	strace $0x9000004B  }
0xb8: {  	_ =	sfence  }
0xb9: {  	s30 =	sld [smem:$0x0];
	_ =	sdelay $0x2  }
0xba: {  	s31 =	sshll.u32 s1, $0xD;
	s1 =	sshrl.u32 s1, $0x2  }
0xbb: {  	s3 =	sand.u32 $0x4000, s31;
	s1 =	sadd.s32 s1, s30  }
0xbc: {  	s0 =	sor.u32 s3, s0;
	s1 =	sshll.u32 s1, $0x11  }
0xbd: {  	s0 =	sor.u32 s1, s0  }
0xbe: {  	s0 =	sadd.s32 $0x8F2B, s0  }
0xbf: {  	[sflag:s0] =	ssyncadd.remote.s32 $0x1  }
0xc0: {  	_ =	sfence.sel $0xFFFF  }
0xc1: {  	[dreg:$0x0] =	wrdreg $0xFFFFFFFF;
	(pc) =	sbr.abs _section_cstart, $3  }
0xc2: {  	[dreg:$0x1] =	wrdreg $0xFFFFFFFF  }
0xc3: {  	_ =	task.clear_ibuf [dreg:s7], $0x2FFFF;
	_ =	strace $0x9FFFFFFF  }
0xc4: {  	(tm) =	ssettm $0x7FFFFFFF  }
0xc5: {  	_ =	shalt  }
tec
execute0_lowered:
.L_overlay_start_1:
0x0: {  	(tag) =	ssettag $0x1  }
0x1: {  	s0 =	rddreg [dreg:$0x0]  }
0x2: {  	s1 =	rddreg [dreg:$0x1]  }
0x3: {  	s2 =	rddreg [dreg:$0x2]  }
0x4: {  	s3 =	rddreg [dreg:$0x3]  }
0x5: {  	s12 =	stileid.u32;
	s4 =	srdreg.scid  }
0x6: {  	s19 =	simm.s32 $0x5;
	s28 =	simm.s32 $0xA520;
	s30 =	simm.s32 $0xAD20  }
0x7: {  	s17 =	simm.s32 $0xBD20;
	s29 =	simm.s32 $0xC520;
	s31 =	simm.s32 $0xD520  }
0x8: {  	s16 =	simm.s32 $0x4;
	s6 =	sand.u32 $0x1, s4;
	s7 =	smul.u32 $0x2780, s12  }
0x9: {  	s5 =	sshll.u32 s12, $0x1;
	s4 =	simm.s32 $0x0;
	s20 =	smul.u32 $0x4F0, s12  }
0xa: {  	s5 =	sor.u32 s6, s5;
	s9 =	ssub.s32 $0x2, s6;
	s6 =	smul.u32 $0x4F00, s6  }
0xb: {  	s18 =	simm.s32 $0x0;
	[smem:$0x7FF] =	sst s4;
	s5 =	smul.u32 $0x2710, s5  }
0xc: {  	_ =	strace $0x8000004A;
	s8 =	sshrl.u32 s7, $0x3;
	s10 =	sshrl.u32 s9, $0x1  }
0xd: {  	s11 =	sadd.s32 s7, s2;
	s25 =	sadd.s32 s7, s3;
	s7 =	simm.s32 $0xED20  }
0xe: {  	s8 =	sadd.s32 s8, s0;
	s9 =	ssub.s32 s9, s10;
	s6 =	sadd.s32 s20, s6  }
0xf: {  	[dreg:$0xb] =	wrdreg s25;
	s15 =	sshrl.u32 s11, $0x3;
	s20 =	simm.s32 $0xFE20  }
0x10: {  	s25 =	simm.s32 $0x9D20;
	s10 =	simm.s32 $0xFD20;
	s5 =	sshrl.u32 s5, $0x3  }
0x11: {  	s21 =	sadd.s32 $0x14C00, s8;
	s23 =	sadd.s32 $0x19C00, s8;
	s8 =	sadd.s32 $0x1EB00, s8  }
0x12: {  	s26 =	sadd.s32 s1, s6;
	s14 =	smax.u32 s9, $0x1;
	[dreg:$0x5] =	wrdreg s21  }
0x13: {  	s1 =	simm.s32 $0xCD20;
	s6 =	simm.s32 $0xE520;
	[dreg:$0x7] =	wrdreg s23  }
0x14: {  	s0 =	sadd.s32 s5, s0;
	s5 =	sshll.u32 s12, $0x6;
	[dreg:$0x8] =	wrdreg s8  }
0x15: {  	s9 =	simm.s32 $0x10;
	[dreg:$0xc] =	wrdreg s26;
	s22 =	sor.u32 $0x1C03, s5  }
0x16: {  	s21 =	simm.s32 $0x1;
	s24 =	sadd.s32 $0x1200, s0;
	[dreg:$0x6] =	wrdreg s22  }
0x17: {  	s23 =	simm.s32 $0x3;
	s0 =	sadd.s32 $0xAE40, s0;
	[dreg:$0x9] =	wrdreg s24  }
0x18: {  	s26 =	simm.s32 $0xDD20;
	s8 =	simm.s32 $0xF520;
	[dreg:$0xa] =	wrdreg s0  }
0x19: {  	s22 =	simm.s32 $0x2;
	s24 =	simm.s32 $0x80;
	s0 =	simm.s32 $0xB520  }
.LBB2_1:
0x1a: {  	s11 =	rddreg [dreg:$0x5]  }
0x1b: {  	s12 =	rddreg [dreg:$0x6]  }
0x1c: {  	[spmem:s15], [sflag:s12] =	dma.local [hbm:s11], $0x4F0  }
0x1d: {  	s11 =	rddreg [dreg:$0x7]  }
0x1e: {  	[tilespmem:s20], [sflag:$0x1] =	stream.linear.gather [hbm4b:s11+s4], $0x2780, $0x38;
	[tilespmem:$0x14D20] =	vst v63  }
0x1f: {  	s12 =	rddreg [dreg:$0x8];
	s20 =	simm.s32 $0x125A0  }
0x20: {  	[tilespmem:s20], [sflag:$0x2] =	stream.linear.gather [hbm4b:s12+s4], $0x2780, $0x38;
	[tilespmem:$0x14D20] =	vst v63  }
0x21: {  	s13 =	simm.s32 $0x4F00;
	s12 =	rddreg [dreg:$0x9]  }
0x22: {  	[tilespmem:s13], [sflag:$0x5] =	stream.linear.gather [hbm4b:s12+s4], $0x2710, $0x38;
	[tilespmem:$0x14D20] =	vst v63  }
0x23: {  	_ =	swait.ge [sflag:s19], $0x2710  }
0x24: {  	[sflag:s19] =	ssyncset.done $0x0  }
0x25: {  	s13 =	simm.s32 $0x7610;
	s20 =	rddreg [dreg:$0xa];
	[sflag:s19] =	ssyncadd.s32 $0xFFFFD8F0  }
0x26: {  	[tilespmem:s13], [sflag:$0x5] =	stream.linear.gather [hbm4b:s20+s4], $0x2710, $0x38;
	[tilespmem:$0x14D20] =	vst v63  }
0x27: {  	_ =	swait.ge [sflag:s19], $0x2710  }
0x28: {  	[sflag:s19] =	ssyncset.done $0x0  }
0x29: {  	[sflag:s19] =	ssyncadd.s32 $0xFFFFD8F0  }
0x2a: {  	_ =	swait.ge [sflag:s21], $0x2780  }
0x2b: {  	[sflag:s21] =	ssyncset.done $0x0  }
0x2c: {  	[sflag:s21] =	ssyncadd.s32 $0xFFFFD880  }
0x2d: {  	_ =	swait.ge [sflag:s22], $0x2780  }
0x2e: {  	[sflag:s22] =	ssyncset.done $0x0  }
0x2f: {  	s11 =	simm.s32 $0x0;
	[sflag:s22] =	ssyncadd.s32 $0xFFFFD880  }
0x30: {  	v5 =	vld [tilespmem:s11+$0x125A0]  }
0x31: {  	v6 =	vld [tilespmem:s11+$0x125B0]  }
0x32: {  	v1 =	vld [tilespmem:s11+$0x125C0]  }
0x33: {  	v0 =	vld [tilespmem:s11+$0x125D0]  }
0x34: {  	v2 =	vld [tilespmem:s11+$0xFE20]  }
0x35: {  	v4 =	vld [tilespmem:s11+$0xFE30]  }
0x36: {  	s20 =	simm.s32 $0x100;
	v3 =	vld [tilespmem:s11+$0xFE40]  }
.LBB2_2:
0x37: {  	s12 =	sshra.s32 s20, $0x2;
	p0 =	sne.s32 s20, $0x9D00;
	v7 =	vld [tilespmem:s11+$0xFE50];
	v8 =	vmov v1  }
0x38: {  	v9 =	vld [tilespmem:s12+$0x125A0];
	v10 =	vmov v0  }
0x39: {  	v11 =	vld [tilespmem:s12+$0x125B0];
	v2 =	vadd.f32 v5, v2  }
.Ltmp0:
0x3a: {  	v1 =	vld [tilespmem:s12+$0x125C0];
	v4 =	vadd.f32 v6, v4;
	(pc) =	sbr.rel @p0 .LBB2_2-.Ltmp0, $4  }
0x3b: {  	v0 =	vld [tilespmem:s12+$0x125D0];
	[tilespmem:s11+$0xFE20] =	vst v2;
	v3 =	vadd.f32 v8, v3  }
0x3c: {  	v2 =	vld [tilespmem:s12+$0xFE20];
	[tilespmem:s11+$0xFE30] =	vst v4;
	v7 =	vadd.f32 v10, v7  }
0x3d: {  	v4 =	vld [tilespmem:s12+$0xFE30];
	[tilespmem:s11+$0xFE40] =	vst v3;
	v5 =	vmov v9  }
0x3e: {  	s20 =	sadd.s32 $0x100, s20;
	v3 =	vld [tilespmem:s12+$0xFE40];
	[tilespmem:s11+$0xFE50] =	vst v7;
	v6 =	vmov v11;
	s11 =	smov.u32 s12  }
0x3f: {  	v7 =	vld [tilespmem:s11+$0xFE50];
	_ =	sdelay $0x1  }
0x40: {  	v2 =	vadd.f32 v5, v2  }
0x41: {  	v4 =	vadd.f32 v6, v4  }
0x42: {  	[tilespmem:s11+$0xFE20] =	vst v2;
	v1 =	vadd.f32 v1, v3  }
0x43: {  	[tilespmem:s11+$0xFE30] =	vst v4;
	v0 =	vadd.f32 v0, v7  }
0x44: {  	[tilespmem:s11+$0xFE40] =	vst v1  }
0x45: {  	s12 =	rddreg [dreg:$0xb];
	s20 =	simm.s32 $0xFE20;
	[tilespmem:s11+$0xFE50] =	vst v0  }
0x46: {  	[spmem:s12] =	stream.linear.scatter [tilespmem:s20], [sflag:$0x5], $0x2780, $0x38;
	[tilespmem:$0x14D20] =	vst v63  }
0x47: {  	_ =	swait.ge [sflag:s19], $0x2780  }
0x48: {  	[sflag:s19] =	ssyncset.done $0x0  }
0x49: {  	[sflag:s19] =	ssyncadd.s32 $0xFFFFD880  }
0x4a: {  	_ =	swait.ge [sflag:s23], $0x4F0  }
0x4b: {  	[sflag:s23] =	ssyncset.done $0x0  }
0x4c: {  	[sflag:s23] =	ssyncadd.s32 $0xFFFFFB10  }
0x4d: {  	s12 =	simm.s32 $0x4F00;
	[bflag:$0x0] =	sbarrier.arrive $0xFFFF  }
0x4e: {  	[tilespmem:s25], [sflag:$0x1] =	stream.indirect.gather [spmem:s3], $0x10, s12, s24, $0xb8;
	[tilespmem:$0x14D20] =	vst v63  }
0x4f: {  	s12 =	simm.s32 $0x4F80  }
0x50: {  	[tilespmem:s28], [sflag:$0x1] =	stream.indirect.gather [spmem:s3], $0x10, s12, s24, $0xb8;
	[tilespmem:$0x14D20] =	vst v63  }
0x51: {  	s12 =	simm.s32 $0x5000  }
0x52: {  	[tilespmem:s30], [sflag:$0x1] =	stream.indirect.gather [spmem:s3], $0x10, s12, s24, $0xb8;
	[tilespmem:$0x14D20] =	vst v63  }
0x53: {  	s12 =	simm.s32 $0x5080  }
0x54: {  	[tilespmem:s0], [sflag:$0x1] =	stream.indirect.gather [spmem:s3], $0x10, s12, s24, $0xb8;
	[tilespmem:$0x14D20] =	vst v63  }
0x55: {  	s12 =	simm.s32 $0x5100  }
0x56: {  	[tilespmem:s17], [sflag:$0x1] =	stream.indirect.gather [spmem:s3], $0x10, s12, s24, $0xb8;
	[tilespmem:$0x14D20] =	vst v63  }
0x57: {  	s12 =	simm.s32 $0x5180  }
0x58: {  	[tilespmem:s29], [sflag:$0x1] =	stream.indirect.gather [spmem:s3], $0x10, s12, s24, $0xb8;
	[tilespmem:$0x14D20] =	vst v63  }
0x59: {  	s12 =	simm.s32 $0x5200  }
0x5a: {  	[tilespmem:s1], [sflag:$0x2] =	stream.indirect.gather [spmem:s3], $0x10, s12, s24, $0xb8;
	[tilespmem:$0x14D20] =	vst v63  }
0x5b: {  	s12 =	simm.s32 $0x5280  }
0x5c: {  	[tilespmem:s31], [sflag:$0x2] =	stream.indirect.gather [spmem:s3], $0x10, s12, s24, $0xb8;
	[tilespmem:$0x14D20] =	vst v63  }
0x5d: {  	s12 =	simm.s32 $0x5300  }
0x5e: {  	[tilespmem:s26], [sflag:$0x2] =	stream.indirect.gather [spmem:s3], $0x10, s12, s24, $0xb8;
	[tilespmem:$0x14D20] =	vst v63  }
0x5f: {  	s12 =	simm.s32 $0x5380  }
0x60: {  	[tilespmem:s6], [sflag:$0x2] =	stream.indirect.gather [spmem:s3], $0x10, s12, s24, $0xb8;
	[tilespmem:$0x14D20] =	vst v63  }
0x61: {  	s12 =	simm.s32 $0x5400  }
0x62: {  	[tilespmem:s7], [sflag:$0x2] =	stream.indirect.gather [spmem:s3], $0x10, s12, s24, $0xb8;
	[tilespmem:$0x14D20] =	vst v63  }
0x63: {  	s12 =	simm.s32 $0x5480  }
0x64: {  	[tilespmem:s8], [sflag:$0x2] =	stream.indirect.gather [spmem:s3], $0x10, s12, s24, $0xb8;
	[tilespmem:$0x14D20] =	vst v63  }
0x65: {  	_ =	swait.ge [sflag:s21], $0x3000  }
0x66: {  	[sflag:s21] =	ssyncset.done $0x0  }
0x67: {  	[sflag:s21] =	ssyncadd.s32 $0xFFFFD000  }
0x68: {  	[spmem:s2] =	stream.indirect.scatter.add.f32 [tilespmem:s25], [sflag:$0x3], $0x10, s13, s24, $0xb8;
	[tilespmem:$0x14D20] =	vst v63  }
0x69: {  	s12 =	simm.s32 $0x7690  }
0x6a: {  	[spmem:s2] =	stream.indirect.scatter.add.f32 [tilespmem:s28], [sflag:$0x3], $0x10, s12, s24, $0xb8;
	[tilespmem:$0x14D20] =	vst v63  }
0x6b: {  	s13 =	simm.s32 $0x7710  }
0x6c: {  	[spmem:s2] =	stream.indirect.scatter.add.f32 [tilespmem:s30], [sflag:$0x3], $0x10, s13, s24, $0xb8;
	[tilespmem:$0x14D20] =	vst v63  }
0x6d: {  	s12 =	simm.s32 $0x7790  }
0x6e: {  	[spmem:s2] =	stream.indirect.scatter.add.f32 [tilespmem:s0], [sflag:$0x3], $0x10, s12, s24, $0xb8;
	[tilespmem:$0x14D20] =	vst v63  }
0x6f: {  	s13 =	simm.s32 $0x7810  }
0x70: {  	[spmem:s2] =	stream.indirect.scatter.add.f32 [tilespmem:s17], [sflag:$0x3], $0x10, s13, s24, $0xb8;
	[tilespmem:$0x14D20] =	vst v63  }
0x71: {  	s12 =	simm.s32 $0x7890  }
0x72: {  	[spmem:s2] =	stream.indirect.scatter.add.f32 [tilespmem:s29], [sflag:$0x3], $0x10, s12, s24, $0xb8;
	[tilespmem:$0x14D20] =	vst v63  }
0x73: {  	_ =	swait.ge [sflag:s23], $0x3000  }
0x74: {  	[sflag:s23] =	ssyncset.done $0x0  }
0x75: {  	s13 =	simm.s32 $0x5500;
	[sflag:s23] =	ssyncadd.s32 $0xFFFFD000  }
0x76: {  	[tilespmem:s25], [sflag:$0x1] =	stream.indirect.gather [spmem:s3], $0x10, s13, s24, $0xb8;
	[tilespmem:$0x14D20] =	vst v63  }
0x77: {  	s12 =	simm.s32 $0x5580  }
0x78: {  	[tilespmem:s28], [sflag:$0x1] =	stream.indirect.gather [spmem:s3], $0x10, s12, s24, $0xb8;
	[tilespmem:$0x14D20] =	vst v63  }
0x79: {  	s13 =	simm.s32 $0x5600  }
0x7a: {  	[tilespmem:s30], [sflag:$0x1] =	stream.indirect.gather [spmem:s3], $0x10, s13, s24, $0xb8;
	[tilespmem:$0x14D20] =	vst v63  }
0x7b: {  	s12 =	simm.s32 $0x5680  }
0x7c: {  	[tilespmem:s0], [sflag:$0x1] =	stream.indirect.gather [spmem:s3], $0x10, s12, s24, $0xb8;
	[tilespmem:$0x14D20] =	vst v63  }
0x7d: {  	s13 =	simm.s32 $0x5700  }
0x7e: {  	[tilespmem:s17], [sflag:$0x1] =	stream.indirect.gather [spmem:s3], $0x10, s13, s24, $0xb8;
	[tilespmem:$0x14D20] =	vst v63  }
0x7f: {  	s12 =	simm.s32 $0x5780  }
0x80: {  	[tilespmem:s29], [sflag:$0x1] =	stream.indirect.gather [spmem:s3], $0x10, s12, s24, $0xb8;
	[tilespmem:$0x14D20] =	vst v63  }
0x81: {  	_ =	swait.ge [sflag:s22], $0x3000  }
0x82: {  	[sflag:s22] =	ssyncset.done $0x0  }
0x83: {  	s13 =	simm.s32 $0x7910;
	[sflag:s22] =	ssyncadd.s32 $0xFFFFD000  }
0x84: {  	[spmem:s2] =	stream.indirect.scatter.add.f32 [tilespmem:s1], [sflag:$0x4], $0x10, s13, s24, $0xb8;
	[tilespmem:$0x14D20] =	vst v63  }
0x85: {  	s12 =	simm.s32 $0x7990  }
0x86: {  	[spmem:s2] =	stream.indirect.scatter.add.f32 [tilespmem:s31], [sflag:$0x4], $0x10, s12, s24, $0xb8;
	[tilespmem:$0x14D20] =	vst v63  }
0x87: {  	s13 =	simm.s32 $0x7A10  }
0x88: {  	[spmem:s2] =	stream.indirect.scatter.add.f32 [tilespmem:s26], [sflag:$0x4], $0x10, s13, s24, $0xb8;
	[tilespmem:$0x14D20] =	vst v63  }
0x89: {  	s12 =	simm.s32 $0x7A90  }
0x8a: {  	[spmem:s2] =	stream.indirect.scatter.add.f32 [tilespmem:s6], [sflag:$0x4], $0x10, s12, s24, $0xb8;
	[tilespmem:$0x14D20] =	vst v63  }
0x8b: {  	s13 =	simm.s32 $0x7B10  }
0x8c: {  	[spmem:s2] =	stream.indirect.scatter.add.f32 [tilespmem:s7], [sflag:$0x4], $0x10, s13, s24, $0xb8;
	[tilespmem:$0x14D20] =	vst v63  }
0x8d: {  	s12 =	simm.s32 $0x7B90  }
0x8e: {  	[spmem:s2] =	stream.indirect.scatter.add.f32 [tilespmem:s8], [sflag:$0x4], $0x10, s12, s24, $0xb8;
	[tilespmem:$0x14D20] =	vst v63  }
0x8f: {  	_ =	swait.ge [sflag:s21], $0x3000  }
0x90: {  	[sflag:s21] =	ssyncset.done $0x0  }
0x91: {  	s13 =	simm.s32 $0x7C10;
	[sflag:s21] =	ssyncadd.s32 $0xFFFFD000  }
0x92: {  	[spmem:s2] =	stream.indirect.scatter.add.f32 [tilespmem:s25], [sflag:$0x3], $0x10, s13, s24, $0xb8;
	[tilespmem:$0x14D20] =	vst v63  }
0x93: {  	s12 =	simm.s32 $0x7C90  }
0x94: {  	[spmem:s2] =	stream.indirect.scatter.add.f32 [tilespmem:s28], [sflag:$0x3], $0x10, s12, s24, $0xb8;
	[tilespmem:$0x14D20] =	vst v63  }
0x95: {  	s13 =	simm.s32 $0x7D10  }
0x96: {  	[spmem:s2] =	stream.indirect.scatter.add.f32 [tilespmem:s30], [sflag:$0x3], $0x10, s13, s24, $0xb8;
	[tilespmem:$0x14D20] =	vst v63  }
0x97: {  	s12 =	simm.s32 $0x7D90  }
0x98: {  	[spmem:s2] =	stream.indirect.scatter.add.f32 [tilespmem:s0], [sflag:$0x3], $0x10, s12, s24, $0xb8;
	[tilespmem:$0x14D20] =	vst v63  }
0x99: {  	s13 =	simm.s32 $0x7E10  }
0x9a: {  	[spmem:s2] =	stream.indirect.scatter.add.f32 [tilespmem:s17], [sflag:$0x3], $0x10, s13, s24, $0xb8;
	[tilespmem:$0x14D20] =	vst v63  }
0x9b: {  	s12 =	simm.s32 $0x7E90  }
0x9c: {  	[spmem:s2] =	stream.indirect.scatter.add.f32 [tilespmem:s29], [sflag:$0x3], $0x10, s12, s24, $0xb8;
	[tilespmem:$0x14D20] =	vst v63  }
0x9d: {  	_ =	swait.ge [sflag:s16], $0x3000  }
0x9e: {  	[sflag:s16] =	ssyncset.done $0x0  }
0x9f: {  	s13 =	simm.s32 $0x5800;
	[sflag:s16] =	ssyncadd.s32 $0xFFFFD000  }
0xa0: {  	[tilespmem:s1], [sflag:$0x2] =	stream.indirect.gather [spmem:s3], $0x10, s13, s24, $0xb8;
	[tilespmem:$0x14D20] =	vst v63  }
0xa1: {  	s12 =	simm.s32 $0x5880  }
0xa2: {  	[tilespmem:s31], [sflag:$0x2] =	stream.indirect.gather [spmem:s3], $0x10, s12, s24, $0xb8;
	[tilespmem:$0x14D20] =	vst v63  }
0xa3: {  	s13 =	simm.s32 $0x5900  }
0xa4: {  	[tilespmem:s26], [sflag:$0x2] =	stream.indirect.gather [spmem:s3], $0x10, s13, s24, $0xb8;
	[tilespmem:$0x14D20] =	vst v63  }
0xa5: {  	s12 =	simm.s32 $0x5980  }
0xa6: {  	[tilespmem:s6], [sflag:$0x2] =	stream.indirect.gather [spmem:s3], $0x10, s12, s24, $0xb8;
	[tilespmem:$0x14D20] =	vst v63  }
0xa7: {  	s13 =	simm.s32 $0x5A00  }
0xa8: {  	[tilespmem:s7], [sflag:$0x2] =	stream.indirect.gather [spmem:s3], $0x10, s13, s24, $0xb8;
	[tilespmem:$0x14D20] =	vst v63  }
0xa9: {  	s12 =	simm.s32 $0x5A80  }
0xaa: {  	[tilespmem:s8], [sflag:$0x2] =	stream.indirect.gather [spmem:s3], $0x10, s12, s24, $0xb8;
	[tilespmem:$0x14D20] =	vst v63  }
0xab: {  	_ =	swait.ge [sflag:s23], $0x3000  }
0xac: {  	[sflag:s23] =	ssyncset.done $0x0  }
0xad: {  	s13 =	simm.s32 $0x5B00;
	[sflag:s23] =	ssyncadd.s32 $0xFFFFD000  }
0xae: {  	[tilespmem:s25], [sflag:$0x1] =	stream.indirect.gather [spmem:s3], $0x10, s13, s24, $0xb8;
	[tilespmem:$0x14D20] =	vst v63  }
0xaf: {  	s12 =	simm.s32 $0x5B80  }
0xb0: {  	[tilespmem:s28], [sflag:$0x1] =	stream.indirect.gather [spmem:s3], $0x10, s12, s24, $0xb8;
	[tilespmem:$0x14D20] =	vst v63  }
0xb1: {  	s13 =	simm.s32 $0x5C00  }
0xb2: {  	[tilespmem:s30], [sflag:$0x1] =	stream.indirect.gather [spmem:s3], $0x10, s13, s24, $0xb8;
	[tilespmem:$0x14D20] =	vst v63  }
0xb3: {  	s12 =	simm.s32 $0x5C80  }
0xb4: {  	[tilespmem:s0], [sflag:$0x1] =	stream.indirect.gather [spmem:s3], $0x10, s12, s24, $0xb8;
	[tilespmem:$0x14D20] =	vst v63  }
0xb5: {  	s13 =	simm.s32 $0x5D00  }
0xb6: {  	[tilespmem:s17], [sflag:$0x1] =	stream.indirect.gather [spmem:s3], $0x10, s13, s24, $0xb8;
	[tilespmem:$0x14D20] =	vst v63  }
0xb7: {  	s12 =	simm.s32 $0x5D80  }
0xb8: {  	[tilespmem:s29], [sflag:$0x1] =	stream.indirect.gather [spmem:s3], $0x10, s12, s24, $0xb8;
	[tilespmem:$0x14D20] =	vst v63  }
0xb9: {  	_ =	swait.ge [sflag:s22], $0x3000  }
0xba: {  	[sflag:s22] =	ssyncset.done $0x0  }
0xbb: {  	s13 =	simm.s32 $0x7F10;
	[sflag:s22] =	ssyncadd.s32 $0xFFFFD000  }
0xbc: {  	[spmem:s2] =	stream.indirect.scatter.add.f32 [tilespmem:s1], [sflag:$0x4], $0x10, s13, s24, $0xb8;
	[tilespmem:$0x14D20] =	vst v63  }
0xbd: {  	s12 =	simm.s32 $0x7F90  }
0xbe: {  	[spmem:s2] =	stream.indirect.scatter.add.f32 [tilespmem:s31], [sflag:$0x4], $0x10, s12, s24, $0xb8;
	[tilespmem:$0x14D20] =	vst v63  }
0xbf: {  	s13 =	simm.s32 $0x8010  }
0xc0: {  	[spmem:s2] =	stream.indirect.scatter.add.f32 [tilespmem:s26], [sflag:$0x4], $0x10, s13, s24, $0xb8;
	[tilespmem:$0x14D20] =	vst v63  }
0xc1: {  	s12 =	simm.s32 $0x8090  }
0xc2: {  	[spmem:s2] =	stream.indirect.scatter.add.f32 [tilespmem:s6], [sflag:$0x4], $0x10, s12, s24, $0xb8;
	[tilespmem:$0x14D20] =	vst v63  }
0xc3: {  	s13 =	simm.s32 $0x8110  }
0xc4: {  	[spmem:s2] =	stream.indirect.scatter.add.f32 [tilespmem:s7], [sflag:$0x4], $0x10, s13, s24, $0xb8;
	[tilespmem:$0x14D20] =	vst v63  }
0xc5: {  	s12 =	simm.s32 $0x8190  }
0xc6: {  	[spmem:s2] =	stream.indirect.scatter.add.f32 [tilespmem:s8], [sflag:$0x4], $0x10, s12, s24, $0xb8;
	[tilespmem:$0x14D20] =	vst v63  }
0xc7: {  	_ =	swait.ge [sflag:s21], $0x3000  }
0xc8: {  	[sflag:s21] =	ssyncset.done $0x0  }
0xc9: {  	s13 =	simm.s32 $0x8210;
	[sflag:s21] =	ssyncadd.s32 $0xFFFFD000  }
0xca: {  	[spmem:s2] =	stream.indirect.scatter.add.f32 [tilespmem:s25], [sflag:$0x3], $0x10, s13, s24, $0xb8;
	[tilespmem:$0x14D20] =	vst v63  }
0xcb: {  	s12 =	simm.s32 $0x8290  }
0xcc: {  	[spmem:s2] =	stream.indirect.scatter.add.f32 [tilespmem:s28], [sflag:$0x3], $0x10, s12, s24, $0xb8;
	[tilespmem:$0x14D20] =	vst v63  }
0xcd: {  	s13 =	simm.s32 $0x8310  }
0xce: {  	[spmem:s2] =	stream.indirect.scatter.add.f32 [tilespmem:s30], [sflag:$0x3], $0x10, s13, s24, $0xb8;
	[tilespmem:$0x14D20] =	vst v63  }
0xcf: {  	s12 =	simm.s32 $0x8390  }
0xd0: {  	[spmem:s2] =	stream.indirect.scatter.add.f32 [tilespmem:s0], [sflag:$0x3], $0x10, s12, s24, $0xb8;
	[tilespmem:$0x14D20] =	vst v63  }
0xd1: {  	s13 =	simm.s32 $0x8410  }
0xd2: {  	[spmem:s2] =	stream.indirect.scatter.add.f32 [tilespmem:s17], [sflag:$0x3], $0x10, s13, s24, $0xb8;
	[tilespmem:$0x14D20] =	vst v63  }
0xd3: {  	s12 =	simm.s32 $0x8490  }
0xd4: {  	[spmem:s2] =	stream.indirect.scatter.add.f32 [tilespmem:s29], [sflag:$0x3], $0x10, s12, s24, $0xb8;
	[tilespmem:$0x14D20] =	vst v63  }
0xd5: {  	_ =	swait.ge [sflag:s16], $0x3000  }
0xd6: {  	[sflag:s16] =	ssyncset.done $0x0  }
0xd7: {  	s13 =	simm.s32 $0x5E00;
	[sflag:s16] =	ssyncadd.s32 $0xFFFFD000  }
0xd8: {  	[tilespmem:s1], [sflag:$0x2] =	stream.indirect.gather [spmem:s3], $0x10, s13, s24, $0xb8;
	[tilespmem:$0x14D20] =	vst v63  }
0xd9: {  	s12 =	simm.s32 $0x5E80  }
0xda: {  	[tilespmem:s31], [sflag:$0x2] =	stream.indirect.gather [spmem:s3], $0x10, s12, s24, $0xb8;
	[tilespmem:$0x14D20] =	vst v63  }
0xdb: {  	s13 =	simm.s32 $0x5F00  }
0xdc: {  	[tilespmem:s26], [sflag:$0x2] =	stream.indirect.gather [spmem:s3], $0x10, s13, s24, $0xb8;
	[tilespmem:$0x14D20] =	vst v63  }
0xdd: {  	s12 =	simm.s32 $0x5F80  }
0xde: {  	[tilespmem:s6], [sflag:$0x2] =	stream.indirect.gather [spmem:s3], $0x10, s12, s24, $0xb8;
	[tilespmem:$0x14D20] =	vst v63  }
0xdf: {  	s13 =	simm.s32 $0x6000  }
0xe0: {  	[tilespmem:s7], [sflag:$0x2] =	stream.indirect.gather [spmem:s3], $0x10, s13, s24, $0xb8;
	[tilespmem:$0x14D20] =	vst v63  }
0xe1: {  	s12 =	simm.s32 $0x6080  }
0xe2: {  	[tilespmem:s8], [sflag:$0x2] =	stream.indirect.gather [spmem:s3], $0x10, s12, s24, $0xb8;
	[tilespmem:$0x14D20] =	vst v63  }
0xe3: {  	_ =	swait.ge [sflag:s23], $0x3000  }
0xe4: {  	[sflag:s23] =	ssyncset.done $0x0  }
0xe5: {  	s13 =	simm.s32 $0x6100;
	[sflag:s23] =	ssyncadd.s32 $0xFFFFD000  }
0xe6: {  	[tilespmem:s25], [sflag:$0x1] =	stream.indirect.gather [spmem:s3], $0x10, s13, s24, $0xb8;
	[tilespmem:$0x14D20] =	vst v63  }
0xe7: {  	s12 =	simm.s32 $0x6180  }
0xe8: {  	[tilespmem:s28], [sflag:$0x1] =	stream.indirect.gather [spmem:s3], $0x10, s12, s24, $0xb8;
	[tilespmem:$0x14D20] =	vst v63  }
0xe9: {  	s13 =	simm.s32 $0x6200  }
0xea: {  	[tilespmem:s30], [sflag:$0x1] =	stream.indirect.gather [spmem:s3], $0x10, s13, s24, $0xb8;
	[tilespmem:$0x14D20] =	vst v63  }
0xeb: {  	s12 =	simm.s32 $0x6280  }
0xec: {  	[tilespmem:s0], [sflag:$0x1] =	stream.indirect.gather [spmem:s3], $0x10, s12, s24, $0xb8;
	[tilespmem:$0x14D20] =	vst v63  }
0xed: {  	s13 =	simm.s32 $0x6300  }
0xee: {  	[tilespmem:s17], [sflag:$0x1] =	stream.indirect.gather [spmem:s3], $0x10, s13, s24, $0xb8;
	[tilespmem:$0x14D20] =	vst v63  }
0xef: {  	s12 =	simm.s32 $0x6380  }
0xf0: {  	[tilespmem:s29], [sflag:$0x1] =	stream.indirect.gather [spmem:s3], $0x10, s12, s24, $0xb8;
	[tilespmem:$0x14D20] =	vst v63  }
0xf1: {  	_ =	swait.ge [sflag:s22], $0x3000  }
0xf2: {  	[sflag:s22] =	ssyncset.done $0x0  }
0xf3: {  	s13 =	simm.s32 $0x8510;
	[sflag:s22] =	ssyncadd.s32 $0xFFFFD000  }
0xf4: {  	[spmem:s2] =	stream.indirect.scatter.add.f32 [tilespmem:s1], [sflag:$0x4], $0x10, s13, s24, $0xb8;
	[tilespmem:$0x14D20] =	vst v63  }
0xf5: {  	s12 =	simm.s32 $0x8590  }
0xf6: {  	[spmem:s2] =	stream.indirect.scatter.add.f32 [tilespmem:s31], [sflag:$0x4], $0x10, s12, s24, $0xb8;
	[tilespmem:$0x14D20] =	vst v63  }
0xf7: {  	s13 =	simm.s32 $0x8610  }
0xf8: {  	[spmem:s2] =	stream.indirect.scatter.add.f32 [tilespmem:s26], [sflag:$0x4], $0x10, s13, s24, $0xb8;
	[tilespmem:$0x14D20] =	vst v63  }
0xf9: {  	s12 =	simm.s32 $0x8690  }
0xfa: {  	[spmem:s2] =	stream.indirect.scatter.add.f32 [tilespmem:s6], [sflag:$0x4], $0x10, s12, s24, $0xb8;
	[tilespmem:$0x14D20] =	vst v63  }
0xfb: {  	s13 =	simm.s32 $0x8710  }
0xfc: {  	[spmem:s2] =	stream.indirect.scatter.add.f32 [tilespmem:s7], [sflag:$0x4], $0x10, s13, s24, $0xb8;
	[tilespmem:$0x14D20] =	vst v63  }
0xfd: {  	s12 =	simm.s32 $0x8790  }
0xfe: {  	[spmem:s2] =	stream.indirect.scatter.add.f32 [tilespmem:s8], [sflag:$0x4], $0x10, s12, s24, $0xb8;
	[tilespmem:$0x14D20] =	vst v63  }
0xff: {  	_ =	swait.ge [sflag:s21], $0x3000  }
0x100: {  	[sflag:s21] =	ssyncset.done $0x0  }
0x101: {  	s13 =	simm.s32 $0x8810;
	[sflag:s21] =	ssyncadd.s32 $0xFFFFD000  }
0x102: {  	[spmem:s2] =	stream.indirect.scatter.add.f32 [tilespmem:s25], [sflag:$0x3], $0x10, s13, s24, $0xb8;
	[tilespmem:$0x14D20] =	vst v63  }
0x103: {  	s12 =	simm.s32 $0x8890  }
0x104: {  	[spmem:s2] =	stream.indirect.scatter.add.f32 [tilespmem:s28], [sflag:$0x3], $0x10, s12, s24, $0xb8;
	[tilespmem:$0x14D20] =	vst v63  }
0x105: {  	s13 =	simm.s32 $0x8910  }
0x106: {  	[spmem:s2] =	stream.indirect.scatter.add.f32 [tilespmem:s30], [sflag:$0x3], $0x10, s13, s24, $0xb8;
	[tilespmem:$0x14D20] =	vst v63  }
0x107: {  	s12 =	simm.s32 $0x8990  }
0x108: {  	[spmem:s2] =	stream.indirect.scatter.add.f32 [tilespmem:s0], [sflag:$0x3], $0x10, s12, s24, $0xb8;
	[tilespmem:$0x14D20] =	vst v63  }
0x109: {  	s13 =	simm.s32 $0x8A10  }
0x10a: {  	[spmem:s2] =	stream.indirect.scatter.add.f32 [tilespmem:s17], [sflag:$0x3], $0x10, s13, s24, $0xb8;
	[tilespmem:$0x14D20] =	vst v63  }
0x10b: {  	s12 =	simm.s32 $0x8A90  }
0x10c: {  	[spmem:s2] =	stream.indirect.scatter.add.f32 [tilespmem:s29], [sflag:$0x3], $0x10, s12, s24, $0xb8;
	[tilespmem:$0x14D20] =	vst v63  }
0x10d: {  	_ =	swait.ge [sflag:s16], $0x3000  }
0x10e: {  	[sflag:s16] =	ssyncset.done $0x0  }
0x10f: {  	s13 =	simm.s32 $0x6400;
	[sflag:s16] =	ssyncadd.s32 $0xFFFFD000  }
0x110: {  	[tilespmem:s1], [sflag:$0x2] =	stream.indirect.gather [spmem:s3], $0x10, s13, s24, $0xb8;
	[tilespmem:$0x14D20] =	vst v63  }
0x111: {  	s12 =	simm.s32 $0x6480  }
0x112: {  	[tilespmem:s31], [sflag:$0x2] =	stream.indirect.gather [spmem:s3], $0x10, s12, s24, $0xb8;
	[tilespmem:$0x14D20] =	vst v63  }
0x113: {  	s13 =	simm.s32 $0x6500  }
0x114: {  	[tilespmem:s26], [sflag:$0x2] =	stream.indirect.gather [spmem:s3], $0x10, s13, s24, $0xb8;
	[tilespmem:$0x14D20] =	vst v63  }
0x115: {  	s12 =	simm.s32 $0x6580  }
0x116: {  	[tilespmem:s6], [sflag:$0x2] =	stream.indirect.gather [spmem:s3], $0x10, s12, s24, $0xb8;
	[tilespmem:$0x14D20] =	vst v63  }
0x117: {  	s13 =	simm.s32 $0x6600  }
0x118: {  	[tilespmem:s7], [sflag:$0x2] =	stream.indirect.gather [spmem:s3], $0x10, s13, s24, $0xb8;
	[tilespmem:$0x14D20] =	vst v63  }
0x119: {  	s12 =	simm.s32 $0x6680  }
0x11a: {  	[tilespmem:s8], [sflag:$0x2] =	stream.indirect.gather [spmem:s3], $0x10, s12, s24, $0xb8;
	[tilespmem:$0x14D20] =	vst v63  }
0x11b: {  	_ =	swait.ge [sflag:s23], $0x3000  }
0x11c: {  	[sflag:s23] =	ssyncset.done $0x0  }
0x11d: {  	s13 =	simm.s32 $0x6700;
	[sflag:s23] =	ssyncadd.s32 $0xFFFFD000  }
0x11e: {  	[tilespmem:s25], [sflag:$0x1] =	stream.indirect.gather [spmem:s3], $0x10, s13, s24, $0xb8;
	[tilespmem:$0x14D20] =	vst v63  }
0x11f: {  	s12 =	simm.s32 $0x6780  }
0x120: {  	[tilespmem:s28], [sflag:$0x1] =	stream.indirect.gather [spmem:s3], $0x10, s12, s24, $0xb8;
	[tilespmem:$0x14D20] =	vst v63  }
0x121: {  	s13 =	simm.s32 $0x6800  }
0x122: {  	[tilespmem:s30], [sflag:$0x1] =	stream.indirect.gather [spmem:s3], $0x10, s13, s24, $0xb8;
	[tilespmem:$0x14D20] =	vst v63  }
0x123: {  	s12 =	simm.s32 $0x6880  }
0x124: {  	[tilespmem:s0], [sflag:$0x1] =	stream.indirect.gather [spmem:s3], $0x10, s12, s24, $0xb8;
	[tilespmem:$0x14D20] =	vst v63  }
0x125: {  	s13 =	simm.s32 $0x6900  }
0x126: {  	[tilespmem:s17], [sflag:$0x1] =	stream.indirect.gather [spmem:s3], $0x10, s13, s24, $0xb8;
	[tilespmem:$0x14D20] =	vst v63  }
0x127: {  	s12 =	simm.s32 $0x6980  }
0x128: {  	[tilespmem:s29], [sflag:$0x1] =	stream.indirect.gather [spmem:s3], $0x10, s12, s24, $0xb8;
	[tilespmem:$0x14D20] =	vst v63  }
0x129: {  	_ =	swait.ge [sflag:s22], $0x3000  }
0x12a: {  	[sflag:s22] =	ssyncset.done $0x0  }
0x12b: {  	s13 =	simm.s32 $0x8B10;
	[sflag:s22] =	ssyncadd.s32 $0xFFFFD000  }
0x12c: {  	[spmem:s2] =	stream.indirect.scatter.add.f32 [tilespmem:s1], [sflag:$0x4], $0x10, s13, s24, $0xb8;
	[tilespmem:$0x14D20] =	vst v63  }
0x12d: {  	s12 =	simm.s32 $0x8B90  }
0x12e: {  	[spmem:s2] =	stream.indirect.scatter.add.f32 [tilespmem:s31], [sflag:$0x4], $0x10, s12, s24, $0xb8;
	[tilespmem:$0x14D20] =	vst v63  }
0x12f: {  	s13 =	simm.s32 $0x8C10  }
0x130: {  	[spmem:s2] =	stream.indirect.scatter.add.f32 [tilespmem:s26], [sflag:$0x4], $0x10, s13, s24, $0xb8;
	[tilespmem:$0x14D20] =	vst v63  }
0x131: {  	s12 =	simm.s32 $0x8C90  }
0x132: {  	[spmem:s2] =	stream.indirect.scatter.add.f32 [tilespmem:s6], [sflag:$0x4], $0x10, s12, s24, $0xb8;
	[tilespmem:$0x14D20] =	vst v63  }
0x133: {  	s13 =	simm.s32 $0x8D10  }
0x134: {  	[spmem:s2] =	stream.indirect.scatter.add.f32 [tilespmem:s7], [sflag:$0x4], $0x10, s13, s24, $0xb8;
	[tilespmem:$0x14D20] =	vst v63  }
0x135: {  	s12 =	simm.s32 $0x8D90  }
0x136: {  	[spmem:s2] =	stream.indirect.scatter.add.f32 [tilespmem:s8], [sflag:$0x4], $0x10, s12, s24, $0xb8;
	[tilespmem:$0x14D20] =	vst v63  }
0x137: {  	_ =	swait.ge [sflag:s21], $0x3000  }
0x138: {  	[sflag:s21] =	ssyncset.done $0x0  }
0x139: {  	s13 =	simm.s32 $0x8E10;
	[sflag:s21] =	ssyncadd.s32 $0xFFFFD000  }
0x13a: {  	[spmem:s2] =	stream.indirect.scatter.add.f32 [tilespmem:s25], [sflag:$0x3], $0x10, s13, s24, $0xb8;
	[tilespmem:$0x14D20] =	vst v63  }
0x13b: {  	s12 =	simm.s32 $0x8E90  }
0x13c: {  	[spmem:s2] =	stream.indirect.scatter.add.f32 [tilespmem:s28], [sflag:$0x3], $0x10, s12, s24, $0xb8;
	[tilespmem:$0x14D20] =	vst v63  }
0x13d: {  	s13 =	simm.s32 $0x8F10  }
0x13e: {  	[spmem:s2] =	stream.indirect.scatter.add.f32 [tilespmem:s30], [sflag:$0x3], $0x10, s13, s24, $0xb8;
	[tilespmem:$0x14D20] =	vst v63  }
0x13f: {  	s12 =	simm.s32 $0x8F90  }
0x140: {  	[spmem:s2] =	stream.indirect.scatter.add.f32 [tilespmem:s0], [sflag:$0x3], $0x10, s12, s24, $0xb8;
	[tilespmem:$0x14D20] =	vst v63  }
0x141: {  	s13 =	simm.s32 $0x9010  }
0x142: {  	[spmem:s2] =	stream.indirect.scatter.add.f32 [tilespmem:s17], [sflag:$0x3], $0x10, s13, s24, $0xb8;
	[tilespmem:$0x14D20] =	vst v63  }
0x143: {  	s12 =	simm.s32 $0x9090  }
0x144: {  	[spmem:s2] =	stream.indirect.scatter.add.f32 [tilespmem:s29], [sflag:$0x3], $0x10, s12, s24, $0xb8;
	[tilespmem:$0x14D20] =	vst v63  }
0x145: {  	_ =	swait.ge [sflag:s16], $0x3000  }
0x146: {  	[sflag:s16] =	ssyncset.done $0x0  }
0x147: {  	s13 =	simm.s32 $0x6A00;
	[sflag:s16] =	ssyncadd.s32 $0xFFFFD000  }
0x148: {  	[tilespmem:s1], [sflag:$0x2] =	stream.indirect.gather [spmem:s3], $0x10, s13, s24, $0xb8;
	[tilespmem:$0x14D20] =	vst v63  }
0x149: {  	s12 =	simm.s32 $0x6A80  }
0x14a: {  	[tilespmem:s31], [sflag:$0x2] =	stream.indirect.gather [spmem:s3], $0x10, s12, s24, $0xb8;
	[tilespmem:$0x14D20] =	vst v63  }
0x14b: {  	s13 =	simm.s32 $0x6B00  }
0x14c: {  	[tilespmem:s26], [sflag:$0x2] =	stream.indirect.gather [spmem:s3], $0x10, s13, s24, $0xb8;
	[tilespmem:$0x14D20] =	vst v63  }
0x14d: {  	s12 =	simm.s32 $0x6B80  }
0x14e: {  	[tilespmem:s6], [sflag:$0x2] =	stream.indirect.gather [spmem:s3], $0x10, s12, s24, $0xb8;
	[tilespmem:$0x14D20] =	vst v63  }
0x14f: {  	s13 =	simm.s32 $0x6C00  }
0x150: {  	[tilespmem:s7], [sflag:$0x2] =	stream.indirect.gather [spmem:s3], $0x10, s13, s24, $0xb8;
	[tilespmem:$0x14D20] =	vst v63  }
0x151: {  	s12 =	simm.s32 $0x6C80  }
0x152: {  	[tilespmem:s8], [sflag:$0x2] =	stream.indirect.gather [spmem:s3], $0x10, s12, s24, $0xb8;
	[tilespmem:$0x14D20] =	vst v63  }
0x153: {  	_ =	swait.ge [sflag:s23], $0x3000  }
0x154: {  	[sflag:s23] =	ssyncset.done $0x0  }
0x155: {  	s13 =	simm.s32 $0x6D00;
	[sflag:s23] =	ssyncadd.s32 $0xFFFFD000  }
0x156: {  	[tilespmem:s25], [sflag:$0x1] =	stream.indirect.gather [spmem:s3], $0x10, s13, s24, $0xb8;
	[tilespmem:$0x14D20] =	vst v63  }
0x157: {  	s12 =	simm.s32 $0x6D80  }
0x158: {  	[tilespmem:s28], [sflag:$0x1] =	stream.indirect.gather [spmem:s3], $0x10, s12, s24, $0xb8;
	[tilespmem:$0x14D20] =	vst v63  }
0x159: {  	s13 =	simm.s32 $0x6E00  }
0x15a: {  	[tilespmem:s30], [sflag:$0x1] =	stream.indirect.gather [spmem:s3], $0x10, s13, s24, $0xb8;
	[tilespmem:$0x14D20] =	vst v63  }
0x15b: {  	s12 =	simm.s32 $0x6E80  }
0x15c: {  	[tilespmem:s0], [sflag:$0x1] =	stream.indirect.gather [spmem:s3], $0x10, s12, s24, $0xb8;
	[tilespmem:$0x14D20] =	vst v63  }
0x15d: {  	s13 =	simm.s32 $0x6F00  }
0x15e: {  	[tilespmem:s17], [sflag:$0x1] =	stream.indirect.gather [spmem:s3], $0x10, s13, s24, $0xb8;
	[tilespmem:$0x14D20] =	vst v63  }
0x15f: {  	s12 =	simm.s32 $0x6F80  }
0x160: {  	[tilespmem:s29], [sflag:$0x1] =	stream.indirect.gather [spmem:s3], $0x10, s12, s24, $0xb8;
	[tilespmem:$0x14D20] =	vst v63  }
0x161: {  	_ =	swait.ge [sflag:s22], $0x3000  }
0x162: {  	[sflag:s22] =	ssyncset.done $0x0  }
0x163: {  	s13 =	simm.s32 $0x9110;
	[sflag:s22] =	ssyncadd.s32 $0xFFFFD000  }
0x164: {  	[spmem:s2] =	stream.indirect.scatter.add.f32 [tilespmem:s1], [sflag:$0x4], $0x10, s13, s24, $0xb8;
	[tilespmem:$0x14D20] =	vst v63  }
0x165: {  	s12 =	simm.s32 $0x9190  }
0x166: {  	[spmem:s2] =	stream.indirect.scatter.add.f32 [tilespmem:s31], [sflag:$0x4], $0x10, s12, s24, $0xb8;
	[tilespmem:$0x14D20] =	vst v63  }
0x167: {  	s13 =	simm.s32 $0x9210  }
0x168: {  	[spmem:s2] =	stream.indirect.scatter.add.f32 [tilespmem:s26], [sflag:$0x4], $0x10, s13, s24, $0xb8;
	[tilespmem:$0x14D20] =	vst v63  }
0x169: {  	s12 =	simm.s32 $0x9290  }
0x16a: {  	[spmem:s2] =	stream.indirect.scatter.add.f32 [tilespmem:s6], [sflag:$0x4], $0x10, s12, s24, $0xb8;
	[tilespmem:$0x14D20] =	vst v63  }
0x16b: {  	s13 =	simm.s32 $0x9310  }
0x16c: {  	[spmem:s2] =	stream.indirect.scatter.add.f32 [tilespmem:s7], [sflag:$0x4], $0x10, s13, s24, $0xb8;
	[tilespmem:$0x14D20] =	vst v63  }
0x16d: {  	s12 =	simm.s32 $0x9390  }
0x16e: {  	[spmem:s2] =	stream.indirect.scatter.add.f32 [tilespmem:s8], [sflag:$0x4], $0x10, s12, s24, $0xb8;
	[tilespmem:$0x14D20] =	vst v63  }
0x16f: {  	_ =	swait.ge [sflag:s21], $0x3000  }
0x170: {  	[sflag:s21] =	ssyncset.done $0x0  }
0x171: {  	s13 =	simm.s32 $0x9410;
	[sflag:s21] =	ssyncadd.s32 $0xFFFFD000  }
0x172: {  	[spmem:s2] =	stream.indirect.scatter.add.f32 [tilespmem:s25], [sflag:$0x3], $0x10, s13, s24, $0xb8;
	[tilespmem:$0x14D20] =	vst v63  }
0x173: {  	s12 =	simm.s32 $0x9490  }
0x174: {  	[spmem:s2] =	stream.indirect.scatter.add.f32 [tilespmem:s28], [sflag:$0x3], $0x10, s12, s24, $0xb8;
	[tilespmem:$0x14D20] =	vst v63  }
0x175: {  	s13 =	simm.s32 $0x9510  }
0x176: {  	[spmem:s2] =	stream.indirect.scatter.add.f32 [tilespmem:s30], [sflag:$0x3], $0x10, s13, s24, $0xb8;
	[tilespmem:$0x14D20] =	vst v63  }
0x177: {  	s12 =	simm.s32 $0x9590  }
0x178: {  	[spmem:s2] =	stream.indirect.scatter.add.f32 [tilespmem:s0], [sflag:$0x3], $0x10, s12, s24, $0xb8;
	[tilespmem:$0x14D20] =	vst v63  }
0x179: {  	s13 =	simm.s32 $0x9610  }
0x17a: {  	[spmem:s2] =	stream.indirect.scatter.add.f32 [tilespmem:s17], [sflag:$0x3], $0x10, s13, s24, $0xb8;
	[tilespmem:$0x14D20] =	vst v63  }
0x17b: {  	s12 =	simm.s32 $0x9690  }
0x17c: {  	[spmem:s2] =	stream.indirect.scatter.add.f32 [tilespmem:s29], [sflag:$0x3], $0x10, s12, s24, $0xb8;
	[tilespmem:$0x14D20] =	vst v63  }
0x17d: {  	_ =	swait.ge [sflag:s16], $0x3000  }
0x17e: {  	[sflag:s16] =	ssyncset.done $0x0  }
0x17f: {  	s13 =	simm.s32 $0x7000;
	[sflag:s16] =	ssyncadd.s32 $0xFFFFD000  }
0x180: {  	[tilespmem:s1], [sflag:$0x2] =	stream.indirect.gather [spmem:s3], $0x10, s13, s24, $0xb8;
	[tilespmem:$0x14D20] =	vst v63  }
0x181: {  	s12 =	simm.s32 $0x7080  }
0x182: {  	[tilespmem:s31], [sflag:$0x2] =	stream.indirect.gather [spmem:s3], $0x10, s12, s24, $0xb8;
	[tilespmem:$0x14D20] =	vst v63  }
0x183: {  	s13 =	simm.s32 $0x7100  }
0x184: {  	[tilespmem:s26], [sflag:$0x2] =	stream.indirect.gather [spmem:s3], $0x10, s13, s24, $0xb8;
	[tilespmem:$0x14D20] =	vst v63  }
0x185: {  	s12 =	simm.s32 $0x7180  }
0x186: {  	[tilespmem:s6], [sflag:$0x2] =	stream.indirect.gather [spmem:s3], $0x10, s12, s24, $0xb8;
	[tilespmem:$0x14D20] =	vst v63  }
0x187: {  	s13 =	simm.s32 $0x7200  }
0x188: {  	[tilespmem:s7], [sflag:$0x2] =	stream.indirect.gather [spmem:s3], $0x10, s13, s24, $0xb8;
	[tilespmem:$0x14D20] =	vst v63  }
0x189: {  	s12 =	simm.s32 $0x7280  }
0x18a: {  	[tilespmem:s8], [sflag:$0x2] =	stream.indirect.gather [spmem:s3], $0x10, s12, s24, $0xb8;
	[tilespmem:$0x14D20] =	vst v63  }
0x18b: {  	_ =	swait.ge [sflag:s23], $0x3000  }
0x18c: {  	[sflag:s23] =	ssyncset.done $0x0  }
0x18d: {  	s13 =	simm.s32 $0x7300;
	[sflag:s23] =	ssyncadd.s32 $0xFFFFD000  }
0x18e: {  	[tilespmem:s25], [sflag:$0x1] =	stream.indirect.gather [spmem:s3], $0x10, s13, s24, $0xb8;
	[tilespmem:$0x14D20] =	vst v63  }
0x18f: {  	s12 =	simm.s32 $0x7380  }
0x190: {  	[tilespmem:s28], [sflag:$0x1] =	stream.indirect.gather [spmem:s3], $0x10, s12, s24, $0xb8;
	[tilespmem:$0x14D20] =	vst v63  }
0x191: {  	s13 =	simm.s32 $0x7400  }
0x192: {  	[tilespmem:s30], [sflag:$0x1] =	stream.indirect.gather [spmem:s3], $0x10, s13, s24, $0xb8;
	[tilespmem:$0x14D20] =	vst v63  }
0x193: {  	s12 =	simm.s32 $0x7480  }
0x194: {  	[tilespmem:s0], [sflag:$0x1] =	stream.indirect.gather [spmem:s3], $0x10, s12, s24, $0xb8;
	[tilespmem:$0x14D20] =	vst v63  }
0x195: {  	s13 =	simm.s32 $0x7500  }
0x196: {  	[tilespmem:s17], [sflag:$0x1] =	stream.indirect.gather [spmem:s3], $0x10, s13, s24, $0xb8;
	[tilespmem:$0x14D20] =	vst v63  }
0x197: {  	s12 =	simm.s32 $0x7580  }
0x198: {  	[tilespmem:s29], [sflag:$0x1] =	stream.indirect.gather [spmem:s3], $0x10, s12, s24, $0xb8;
	[tilespmem:$0x14D20] =	vst v63  }
0x199: {  	_ =	swait.ge [sflag:s22], $0x3000  }
0x19a: {  	[sflag:s22] =	ssyncset.done $0x0  }
0x19b: {  	s13 =	simm.s32 $0x9710;
	[sflag:s22] =	ssyncadd.s32 $0xFFFFD000  }
0x19c: {  	[spmem:s2] =	stream.indirect.scatter.add.f32 [tilespmem:s1], [sflag:$0x4], $0x10, s13, s24, $0xb8;
	[tilespmem:$0x14D20] =	vst v63  }
0x19d: {  	s12 =	simm.s32 $0x9790  }
0x19e: {  	[spmem:s2] =	stream.indirect.scatter.add.f32 [tilespmem:s31], [sflag:$0x4], $0x10, s12, s24, $0xb8;
	[tilespmem:$0x14D20] =	vst v63  }
0x19f: {  	s13 =	simm.s32 $0x9810  }
0x1a0: {  	[spmem:s2] =	stream.indirect.scatter.add.f32 [tilespmem:s26], [sflag:$0x4], $0x10, s13, s24, $0xb8;
	[tilespmem:$0x14D20] =	vst v63  }
0x1a1: {  	s12 =	simm.s32 $0x9890  }
0x1a2: {  	[spmem:s2] =	stream.indirect.scatter.add.f32 [tilespmem:s6], [sflag:$0x4], $0x10, s12, s24, $0xb8;
	[tilespmem:$0x14D20] =	vst v63  }
0x1a3: {  	s13 =	simm.s32 $0x9910  }
0x1a4: {  	[spmem:s2] =	stream.indirect.scatter.add.f32 [tilespmem:s7], [sflag:$0x4], $0x10, s13, s24, $0xb8;
	[tilespmem:$0x14D20] =	vst v63  }
0x1a5: {  	s12 =	simm.s32 $0x9990  }
0x1a6: {  	[spmem:s2] =	stream.indirect.scatter.add.f32 [tilespmem:s8], [sflag:$0x4], $0x10, s12, s24, $0xb8;
	[tilespmem:$0x14D20] =	vst v63  }
0x1a7: {  	_ =	swait.ge [sflag:s21], $0x3000  }
0x1a8: {  	[sflag:s21] =	ssyncset.done $0x0  }
0x1a9: {  	s13 =	simm.s32 $0x9A10;
	[sflag:s21] =	ssyncadd.s32 $0xFFFFD000  }
0x1aa: {  	[spmem:s2] =	stream.indirect.scatter.add.f32 [tilespmem:s25], [sflag:$0x3], $0x10, s13, s24, $0xb8;
	[tilespmem:$0x14D20] =	vst v63  }
0x1ab: {  	s12 =	simm.s32 $0x9A90  }
0x1ac: {  	[spmem:s2] =	stream.indirect.scatter.add.f32 [tilespmem:s28], [sflag:$0x3], $0x10, s12, s24, $0xb8;
	[tilespmem:$0x14D20] =	vst v63  }
0x1ad: {  	s13 =	simm.s32 $0x9B10  }
0x1ae: {  	[spmem:s2] =	stream.indirect.scatter.add.f32 [tilespmem:s30], [sflag:$0x3], $0x10, s13, s24, $0xb8;
	[tilespmem:$0x14D20] =	vst v63  }
0x1af: {  	s12 =	simm.s32 $0x9B90  }
0x1b0: {  	[spmem:s2] =	stream.indirect.scatter.add.f32 [tilespmem:s0], [sflag:$0x3], $0x10, s12, s24, $0xb8;
	[tilespmem:$0x14D20] =	vst v63  }
0x1b1: {  	s13 =	simm.s32 $0x9C10  }
0x1b2: {  	[spmem:s2] =	stream.indirect.scatter.add.f32 [tilespmem:s17], [sflag:$0x3], $0x10, s13, s24, $0xb8;
	[tilespmem:$0x14D20] =	vst v63  }
0x1b3: {  	s12 =	simm.s32 $0x9C90  }
0x1b4: {  	[spmem:s2] =	stream.indirect.scatter.add.f32 [tilespmem:s29], [sflag:$0x3], $0x10, s12, s24, $0xb8;
	[tilespmem:$0x14D20] =	vst v63  }
0x1b5: {  	s13 =	simm.s32 $0x7600  }
0x1b6: {  	[tilespmem:s10], [sflag:$0x2] =	stream.indirect.gather [spmem:s3], $0x10, s13, s9, $0xb8;
	[tilespmem:$0x14D20] =	vst v63  }
0x1b7: {  	_ =	swait.ge [sflag:s22], $0x100  }
0x1b8: {  	[sflag:s22] =	ssyncset.done $0x0  }
0x1b9: {  	s12 =	simm.s32 $0x9D10;
	[sflag:s22] =	ssyncadd.s32 $0xFFFFFF00  }
0x1ba: {  	[spmem:s2] =	stream.indirect.scatter.add.f32 [tilespmem:s10], [sflag:$0x5], $0x10, s12, s9, $0xb8;
	[tilespmem:$0x14D20] =	vst v63  }
0x1bb: {  	_ =	swait.ge [sflag:s19], $0x100  }
0x1bc: {  	[sflag:s19] =	ssyncset.done $0x0  }
0x1bd: {  	[sflag:s19] =	ssyncadd.s32 $0xFFFFFF00  }
0x1be: {  	_ =	swait.ge [sflag:s16], $0x3000  }
0x1bf: {  	[sflag:s16] =	ssyncset.done $0x0  }
0x1c0: {  	[sflag:s16] =	ssyncadd.s32 $0xFFFFD000  }
0x1c1: {  	_ =	swait.ge [sflag:s23], $0x3000  }
0x1c2: {  	[sflag:s23] =	ssyncset.done $0x0  }
0x1c3: {  	s18 =	sadd.s32 $0x1, s18;
	[sflag:s23] =	ssyncadd.s32 $0xFFFFD000  }
0x1c4: {  	p0 =	sne.s32 s18, s14;
	[bflag:$0x0] =	sbarrier.arrive $0xFFFF  }
.Ltmp1:
0x1c5: {  	s13 =	sor.u32 $0x1C05, s5;
	s12 =	rddreg [dreg:$0xc];
	(pc) =	sbr.rel @p0 .LBB2_1-.Ltmp1, $4  }
0x1c6: {  	[hbm:s12], [sflag:s13] =	dma.local [spmem:s15], $0x4F0  }
0x1c7: {  	_ =	swait.ge [sflag:s19], $0x4F0  }
0x1c8: {  	[sflag:s19] =	ssyncset.done $0x0  }
0x1c9: {  	[sflag:s19] =	ssyncadd.s32 $0xFFFFFB10  }
0x1ca: {  	_ =	sfence.sel $0x180000  }
0x1cb: {  	[bflag:$0x0] =	sbarrier.arrive $0xFFFF  }
0x1cc: {  	_ =	strace $0x9000004A  }
0x1cd: {  	s0 =	stileid.u32;
	[bflag:$0x2] =	sbarrier.arrive $0xFFFF  }
0x1ce: {  	p0 =	sne.s32 s0, $0x0;
	s0 =	rddreg [dreg:$0x4]  }
0x1cf: {  	s0 =	sadd.s32 @!p0 $0x100000, s0  }
0x1d0: {  	[sflag:s0] =	ssyncadd.tile.s32 @!p0 $0x1;
	_ =	shalt  }
.Lfunc_end2:
_tile_overlayer_lowered:
.L_overlay_start_2:
0x1d1: {  	(tag) =	ssettag $0x2  }
0x1d2: {  	s0 =	rddreg [dreg:$0x0];
	s2 =	stileid.u32  }
0x1d3: {  	s1 =	rddreg [dreg:$0x1];
	p0 =	sne.s32 s2, $0x0  }
0x1d4: {  	s3 =	rddreg [dreg:$0x2];
	[bflag:$0x3] =	sbarrier.arrive $0xFFFF;
	s2 =	simm.s32 @!p0 $0x1C05  }
0x1d5: {  	[timem:s3], [sflag:s2] =	dma.local @!p0 [hbm:s0], s1  }
0x1d6: {  	s0 =	simm.s32 @!p0 $0x5  }
0x1d7: {  	_ =	swait.ge @!p0 [sflag:s0], s1  }
0x1d8: {  	s1 =	ssub.s32 @!p0 $0x0, s1;
	[sflag:s0] =	ssyncset.done @!p0 $0x0  }
0x1d9: {  	[sflag:s0] =	ssyncadd.s32 @!p0 s1  }
0x1da: {  	[bflag:$0x3] =	sbarrier.arrive $0xFFFF  }
0x1db: {  	_ =	shalt  }

</sc_bundles>
